<compile_context>
chip_gen: v7x
topology: tpu7x:2x2x1
jax: 0.10.2.dev20260603
libtpu: 0.0.44.dev20260713+nightly
codegen_flags: <defaults>
</compile_context>

<pallas_src>
import functools

import jax
import jax.numpy as jnp
from jax import lax
from jax.experimental import pallas as pl
from jax.experimental.pallas import tpu as pltpu
from jax.experimental.pallas import tpu_sc as plsc

N_NODES = 10000
E = 160000
NSLAB = 2
ESLAB = E // NSLAB
H = 1024
NCH = 4
CW = 128
TE = 1600
TN = 1000

NRANGE = 32
RANGE = 320
N_PAD = NRANGE * RANGE
SUBN = 10
NSUB = RANGE // SUBN
CAP = 3072
GCAP = 160
GP = 80
DSTCHUNK = 4000


def _edge_mlp(ea, w1, b1, w2, b2):
    def body(ea_ref, w1_ref, b1_ref, w2_ref, b2_ref, o_ref):
        x = ea_ref[...].astype(jnp.bfloat16)
        h = jnp.dot(x, w1_ref[...], preferred_element_type=jnp.float32)
        h = jnp.maximum(h + b1_ref[...], 0.0).astype(jnp.bfloat16)
        v = jnp.dot(h, w2_ref[...], preferred_element_type=jnp.float32)
        v = (v + b2_ref[...]).astype(jnp.bfloat16)
        lo = lax.bitcast_convert_type(v[:, :H // 2], jnp.uint16)
        hi = lax.bitcast_convert_type(v[:, H // 2:], jnp.uint16)
        packed = lo.astype(jnp.uint32) | (hi.astype(jnp.uint32) << 16)
        packed = lax.bitcast_convert_type(packed, jnp.int32)
        for c in range(NCH):
            o_ref[c] = packed[:, c * CW:(c + 1) * CW]

    return pl.pallas_call(
        body,
        grid=(ESLAB // TE,),
        in_specs=[
            pl.BlockSpec((TE, 16), lambda i: (i, 0)),
            pl.BlockSpec((16, H), lambda i: (0, 0)),
            pl.BlockSpec((1, H), lambda i: (0, 0)),
            pl.BlockSpec((H, H), lambda i: (0, 0)),
            pl.BlockSpec((1, H), lambda i: (0, 0)),
        ],
        out_specs=pl.BlockSpec((NCH, TE, CW), lambda i: (0, i, 0)),
        out_shape=jax.ShapeDtypeStruct((NCH, ESLAB, CW), jnp.int32),
    )(ea, w1, b1, w2, b2)


def _sc_segment_max(vecflat, dst):
    mesh = plsc.VectorSubcoreMesh(core_axis_name="c", subcore_axis_name="s")

    @functools.partial(
        pl.kernel,
        out_type=jax.ShapeDtypeStruct((N_PAD, NCH * CW), jnp.int32),
        mesh=mesh,
        compiler_params=pltpu.CompilerParams(needs_layout_passes=False),
        scratch_types=[
            pltpu.VMEM((DSTCHUNK,), jnp.int32),
            pltpu.VMEM((CAP + 16,), jnp.int32),
            pltpu.VMEM((CAP + 16,), jnp.int32),
            pltpu.VMEM((CAP + GCAP + 128,), jnp.int32),
            pltpu.VMEM((GCAP,), jnp.int32),
            pltpu.VMEM((GCAP,), jnp.int32),
            pltpu.VMEM((RANGE + 16,), jnp.int32),
            pltpu.VMEM((RANGE + 16,), jnp.int32),
            pltpu.VMEM((RANGE + 16,), jnp.int32),
            pltpu.VMEM((RANGE, CW), jnp.int32),
            pltpu.VMEM((GCAP, CW), jnp.int32),
            pltpu.VMEM((GCAP, CW), jnp.int32),
            pltpu.SemaphoreType.DMA,
            pltpu.SemaphoreType.DMA,
        ],
    )
    def k(vec_hbm, dst_hbm, out_hbm, dstchunk, idbuf, lnbuf, idbuf2,
          idxga, idxgb, counts, offs, cur, acc, rowbufa, rowbufb,
          sema, semb):
        wid = lax.axis_index("s") * 2 + lax.axis_index("c")
        lo = wid * RANGE
        hi = lo + RANGE
        iota = lax.iota(jnp.int32, 16)
        zi16 = jnp.zeros((16,), jnp.int32)
        lane0 = iota == 0

        def sget(ref, i):
            return ref[pl.ds(i, 16)][0]

        def sput(ref, i, v):
            plsc.store_scatter(ref, [jnp.full((16,), i, jnp.int32)],
                               jnp.full((16,), v, jnp.int32), mask=lane0)

        def z1(t, _):
            idbuf2[pl.ds(16 * t, 16)] = zi16
            return 0
        lax.fori_loop(0, (CAP + GCAP + 128) // 16, z1, 0)

        def z2(t, _):
            counts[pl.ds(16 * t, 16)] = zi16
            return 0
        lax.fori_loop(0, RANGE // 16, z2, 0)

        def fchunk(kc, off):
            pltpu.sync_copy(dst_hbm.at[pl.ds(kc * DSTCHUNK, DSTCHUNK)],
                            dstchunk)

            def fvec(t, off):
                d = dstchunk[pl.ds(16 * t, 16)]
                ids = kc * DSTCHUNK + 16 * t + iota
                m = (d >= lo) & (d < hi)
                csum = plsc.cumsum(jnp.where(m, 1, 0))
                posn = off + csum - 1
                plsc.store_scatter(lnbuf, [posn], d - lo, mask=m)
                plsc.store_scatter(idbuf, [posn], ids, mask=m)
                return jnp.minimum(off + csum[15], CAP)

            return plsc.parallel_loop(0, DSTCHUNK // 16, unroll=2,
                                      carry=off)(fvec)

        off = lax.fori_loop(0, ESLAB // DSTCHUNK, fchunk, jnp.int32(0))
        nvec = (off + 15) // 16

        ones16 = jnp.ones((16,), jnp.int32)

        def hist(t, _):
            ln = lnbuf[pl.ds(16 * t, 16)]
            m = (16 * t + iota) < off
            plsc.addupdate_scatter(counts, [ln], ones16, mask=m)
            return 0
        lax.fori_loop(0, nvec, hist, 0)

        def pfx(t, carry):
            v = counts[pl.ds(16 * t, 16)]
            inc = plsc.cumsum(v)
            exc = inc - v + carry
            offs[pl.ds(16 * t, 16)] = exc
            cur[pl.ds(16 * t, 16)] = exc
            return carry + jnp.max(inc)
        lax.fori_loop(0, RANGE // 16, pfx, jnp.int32(0))
        sput(offs, jnp.int32(RANGE), off)

        SENT = jnp.int32(0x7FFFFFF)

        def scat(t, _):
            base = 16 * t
            valid = (base + iota) < off
            lns = jnp.where(valid, lnbuf[pl.ds(base, 16)], SENT)
            idv = idbuf[pl.ds(base, 16)]
            sk, sv = plsc.sort_key_val(lns, iota)
            prev = sk.at[jnp.maximum(iota - 1, 0)].get(
                mode="promise_in_bounds")
            runstart = (sk != prev) | (iota == 0)
            firstpos = plsc.cummax(jnp.where(runstart, iota, 0))
            rank = iota - firstpos
            skc = jnp.minimum(sk, RANGE - 1)
            pos = plsc.load_gather(cur, [skc]) + rank
            ids_sorted = idv.at[sv].get(mode="promise_in_bounds")
            validm = sk != SENT
            plsc.store_scatter(idbuf2, [pos], ids_sorted, mask=validm)
            plsc.addupdate_scatter(cur, [skc], ones16, mask=validm)
            return 0
        lax.fori_loop(0, nvec, scat, 0)

        NEG = jnp.full((32,), -jnp.inf, jnp.bfloat16)

        def npieces(s):
            g0 = sget(offs, s * SUBN)
            nrows = sget(offs, s * SUBN + SUBN) - g0
            return g0, (jnp.minimum(nrows, GCAP) + GP - 1) // GP

        def chunk_body(c, _):
            coff = c * ESLAB

            def issue(s, idxg, rowbuf, sem):
                g0, npc = npieces(s)

                def bidx(t, _):
                    idxg[pl.ds(16 * t, 16)] = (
                        idbuf2[pl.ds(g0 + 16 * t, 16)] + coff)
                    return 0
                lax.fori_loop(0, GCAP // 16, bidx, 0)

                def ip(p_, _):
                    pltpu.async_copy(
                        vec_hbm.at[idxg.at[pl.ds(GP * p_, GP)]],
                        rowbuf.at[pl.ds(GP * p_, GP), :], sem)
                    return 0
                lax.fori_loop(0, npc, ip, 0)

            def drain(s, rowbuf, sem):
                _, npc = npieces(s)

                def dp(p_, _):
                    pltpu.make_async_copy(
                        vec_hbm.at[pl.ds(0, GP), :],
                        rowbuf.at[pl.ds(0, GP), :], sem).wait()
                    return 0
                lax.fori_loop(0, npc, dp, 0)

            def reduce(s, rowbuf):
                g0 = sget(offs, s * SUBN)

                def node_body(jn):
                    ln = s * SUBN + jn
                    cnt = sget(counts, ln)
                    p = sget(offs, ln) - g0
                    pc = jnp.minimum(p, GCAP - 1)
                    ec = jnp.minimum(p + cnt, GCAP)

                    def rmax(j, ms):
                        return tuple(
                            jnp.maximum(
                                ms[q],
                                plsc.bitcast(rowbuf[j, pl.ds(16 * q, 16)],
                                             jnp.bfloat16))
                            for q in range(CW // 16))
                    ms = plsc.parallel_loop(
                        pc, ec, unroll=2,
                        carry=tuple(NEG for _ in range(CW // 16)))(rmax)
                    for q in range(CW // 16):
                        acc[ln, pl.ds(16 * q, 16)] = plsc.bitcast(
                            ms[q], jnp.int32)
                    return None
                plsc.parallel_loop(0, SUBN)(node_body)

            issue(0, idxga, rowbufa, sema)

            def pair_body(sp, _):
                s0 = 2 * sp
                issue(s0 + 1, idxgb, rowbufb, semb)
                drain(s0, rowbufa, sema)
                reduce(s0, rowbufa)

                @pl.when(s0 + 2 < NSUB)
                def _():
                    issue(s0 + 2, idxga, rowbufa, sema)
                drain(s0 + 1, rowbufb, semb)
                reduce(s0 + 1, rowbufb)
                return 0
            lax.fori_loop(0, NSUB // 2, pair_body, 0)

            pltpu.sync_copy(acc,
                            out_hbm.at[pl.ds(lo, RANGE), pl.ds(c * CW, CW)])
            return 0
        lax.fori_loop(0, NCH, chunk_body, 0)

    return k(vecflat, dst)


def _node_mlps(nvs, action, wa1, ba1, wa2, ba2, wf1, bf1, wf2row):
    def body(nva_ref, nvb_ref, act_ref, wa1_ref, ba1_ref,
             wa2_ref, ba2_ref, wf1_ref, bf1_ref, wf2_ref, o_ref):
        a = act_ref[...]
        t = jnp.dot(a, wa1_ref[...], preferred_element_type=jnp.float32)
        t = jnp.maximum(t + ba1_ref[...], 0.0)
        emb = jnp.dot(t, wa2_ref[...], preferred_element_type=jnp.float32)
        emb = emb + ba2_ref[...]

        def unpack(ref):
            u = lax.bitcast_convert_type(ref[...], jnp.uint32)
            nvlo = lax.bitcast_convert_type(
                (u & 0xFFFF).astype(jnp.uint16), jnp.bfloat16)
            nvhi = lax.bitcast_convert_type(
                (u >> 16).astype(jnp.uint16), jnp.bfloat16)
            return jnp.concatenate([nvlo, nvhi], axis=1)

        nvv = jnp.maximum(unpack(nva_ref), unpack(nvb_ref))
        nvv = jnp.where(nvv == -jnp.inf, jnp.bfloat16(0), nvv)
        feat = nvv.astype(jnp.float32) + emb
        h = jnp.dot(feat, wf1_ref[...], preferred_element_type=jnp.float32)
        h = jnp.maximum(h + bf1_ref[...], 0.0)
        fld = jnp.sum(h * wf2_ref[...], axis=1)
        o_ref[pl.program_id(0), :] = fld

    return pl.pallas_call(
        body,
        grid=(N_NODES // TN,),
        in_specs=[
            pl.BlockSpec((TN, H // 2), lambda i: (i, 0)),
            pl.BlockSpec((TN, H // 2), lambda i: (i, 0)),
            pl.BlockSpec((TN, 16), lambda i: (i, 0)),
            pl.BlockSpec((16, H), lambda i: (0, 0)),
            pl.BlockSpec((1, H), lambda i: (0, 0)),
            pl.BlockSpec((H, H), lambda i: (0, 0)),
            pl.BlockSpec((1, H), lambda i: (0, 0)),
            pl.BlockSpec((H, H), lambda i: (0, 0)),
            pl.BlockSpec((1, H), lambda i: (0, 0)),
            pl.BlockSpec((1, H), lambda i: (0, 0)),
        ],
        out_specs=pl.BlockSpec((N_NODES // TN, TN), lambda i: (0, 0)),
        out_shape=jax.ShapeDtypeStruct((N_NODES // TN, TN), jnp.float32),
    )(*nvs, action, wa1, ba1, wa2, ba2, wf1, bf1, wf2row)


def kernel(edge_attr, edge_index, action, Wv1, bv1, Wv2, bv2, Wa1, ba1,
           Wa2, ba2, Wf1, bf1, Wf2, bf2):
    dst = edge_index[1].astype(jnp.int32)
    bf16 = jnp.bfloat16
    w1, b1 = Wv1.astype(bf16), bv1.reshape(1, H)
    w2, b2 = Wv2.astype(bf16), bv2.reshape(1, H)
    nvs = []
    for sl in range(NSLAB):
        vecc = _edge_mlp(edge_attr[sl * ESLAB:(sl + 1) * ESLAB], w1, b1,
                         w2, b2)
        nvs.append(_sc_segment_max(
            vecc.reshape(NCH * ESLAB, CW),
            dst[sl * ESLAB:(sl + 1) * ESLAB]))
    fld = _node_mlps(nvs, action, Wa1, ba1.reshape(1, H), Wa2,
                     ba2.reshape(1, H), Wf1, bf1.reshape(1, H),
                     Wf2.reshape(1, H))
    return fld.reshape(N_NODES) + bf2[0]

# --- scband reference (transcript-rebuilt; emitter-appended) ---
"""Pipeline reference for scband-ur5-net-6468220748399 (READ-ONLY COPY).

The authoritative reference and input builder live on the scoring server;
editing this copy changes nothing except your own understanding.
"""

import jax, jax.numpy as jnp
import numpy as np

N_NODES = 10000
E = 160000
D_EDGE = 16
D_ACT = 16
H = 1024

def _mlp2(x, W1, b1, W2, b2):
    return jnp.maximum(x @ W1 + b1, 0.0) @ W2 + b2

def setup_inputs(seed: int = 0) -> dict:
    key = jax.random.key(seed)
    ks = jax.random.split(key, 16)
    def lin(k, fin, fout):
        bound = 1.0 / np.sqrt(fin)
        kw, kb = jax.random.split(k)
        W = jax.random.uniform(kw, (fin, fout), jnp.float32, -bound, bound)
        b = jax.random.uniform(kb, (fout,), jnp.float32, -bound, bound)
        return W, b
    edge_attr = jax.random.normal(ks[0], (E, D_EDGE), jnp.float32)
    edge_index = jax.random.randint(ks[1], (2, E), 0, N_NODES, jnp.int64)
    action = jax.random.normal(ks[2], (N_NODES, D_ACT), jnp.float32)
    Wv1, bv1 = lin(ks[3], D_EDGE, H)
    Wv2, bv2 = lin(ks[4], H, H)
    Wa1, ba1 = lin(ks[5], D_ACT, H)
    Wa2, ba2 = lin(ks[6], H, H)
    Wf1, bf1 = lin(ks[7], H, H)
    Wf2, bf2 = lin(ks[8], H, 1)
    return {"edge_attr": edge_attr, "edge_index": edge_index, "action": action,
            "Wv1": Wv1, "bv1": bv1, "Wv2": Wv2, "bv2": bv2,
            "Wa1": Wa1, "ba1": ba1, "Wa2": Wa2, "ba2": ba2,
            "Wf1": Wf1, "bf1": bf1, "Wf2": Wf2, "bf2": bf2}

def reference(edge_attr, edge_index, action, Wv1, bv1, Wv2, bv2, Wa1, ba1, Wa2, ba2, Wf1, bf1, Wf2, bf2):
    # vec = self.vec(edge_attr)
    vec = _mlp2(edge_attr, Wv1, bv1, Wv2, bv2)  # [E, H]
    dst = edge_index[1, :]
    # scatter_max(vec, dst, dim_size=edge_index.max()+1): num_segments static = N_NODES
    new_vec = jax.ops.segment_max(vec, dst, num_segments=N_NODES)  # [N, H]
    # torch_scatter scatter_max leaves empty segments at the out init (zeros)
    new_vec = jnp.where(jnp.isneginf(new_vec), 0.0, new_vec)
    # feature = vec + self.action_embed(action)
    feature = new_vec + _mlp2(action, Wa1, ba1, Wa2, ba2)  # [N, H]
    # field = self.field(feature).squeeze(-1)
    field = _mlp2(feature, Wf1, bf1, Wf2, bf2).squeeze(-1)  # [N]
    return field

if __name__ == "__main__":
    import jax
    _d = setup_inputs()
    print(jax.jit(kernel)(*tuple(_d.values())))

</pallas_src>

<mosaic_0001>
#map = affine_map<(d0, d1) -> (0, 0)>
#map1 = affine_map<(d0, d1) -> (0)>
module attributes {stable_mosaic.version = 14 : i64} {
  func.func @k(%arg0: i32, %arg1: i32, %arg2: memref<320000x128xi32, #tpu.memory_space<hbm>>, %arg3: memref<80000xi32, #tpu.memory_space<hbm>>, %arg4: memref<10240x512xi32, #tpu.memory_space<hbm>>, %arg5: memref<4000xi32, #tpu.memory_space<vmem>>, %arg6: memref<3088xi32, #tpu.memory_space<vmem>>, %arg7: memref<3088xi32, #tpu.memory_space<vmem>>, %arg8: memref<3360xi32, #tpu.memory_space<vmem>>, %arg9: memref<160xi32, #tpu.memory_space<vmem>>, %arg10: memref<160xi32, #tpu.memory_space<vmem>>, %arg11: memref<336xi32, #tpu.memory_space<vmem>>, %arg12: memref<336xi32, #tpu.memory_space<vmem>>, %arg13: memref<336xi32, #tpu.memory_space<vmem>>, %arg14: memref<320x128xi32, #tpu.memory_space<vmem>>, %arg15: memref<160x128xi32, #tpu.memory_space<vmem>>, %arg16: memref<160x128xi32, #tpu.memory_space<vmem>>, %arg17: memref<!tpu.dma_semaphore, #tpu.memory_space<semaphore_mem>>, %arg18: memref<!tpu.dma_semaphore, #tpu.memory_space<semaphore_mem>>) attributes {dimension_semantics = [#tpu.dimension_semantics<core_parallel>, #tpu.dimension_semantics<subcore_parallel>], iteration_bounds = array<i64: 2, 16>, scalar_prefetch = 0 : i64, scratch_operands = 14 : i64, tpu.core_type = #tpu.core_type<sc_vector_subcore>, window_params = [{transform_indices = #map}, {transform_indices = #map1}, {transform_indices = #map}]} {
    %mul3A = arith.constant 2 : i32
    %mul3A_0 = arith.muli %arg1, %mul3A : i32
    %add3A = arith.addi %mul3A_0, %arg0 : i32
    %mul3A_1 = arith.constant 320 : i32
    %mul3A_2 = arith.muli %add3A, %mul3A_1 : i32
    %add3A_3 = arith.constant 320 : i32
    %add3A_4 = arith.addi %mul3A_2, %add3A_3 : i32
    %iota3A = tpu.iota {dimensions = array<i32: 0>} : vector<16xi32>
    %broadcast_in_dim3A = arith.constant 0 : i32
    %broadcast_in_dim3A_5 = vector.broadcast %broadcast_in_dim3A : i32 to vector<16xi32>
    %eq3A = arith.constant 0 : i32
    %eq3A_6 = vector.broadcast %eq3A : i32 to vector<16xi32>
    %eq3A_7 = arith.cmpi eq, %iota3A, %eq3A_6 : vector<16xi32>
    %scan3A = arith.constant 0 : i32
    %scan3A_8 = arith.constant 0 : i32
    %scan3A_9 = arith.constant 210 : i32
    %scan3A_10 = arith.addi %scan3A_8, %scan3A_9 : i32
    %scan3A_11 = arith.constant 1 : i32
    %scan3A_12 = scf.for %scan3A_91 = %scan3A_8 to %scan3A_10 step %scan3A_11 iter_args(%scan3A_92 = %scan3A) -> (i32)  : i32 {
      %mul3A_93 = arith.constant 16 : i32
      %mul3A_94 = arith.muli %mul3A_93, %scan3A_91 : i32
      %swap3A = arith.index_cast %mul3A_94 : i32 to index
      %swap3A_95 = tpu.vector_load %arg8[%swap3A] {strides = array<i32>} : memref<3360xi32, #tpu.memory_space<vmem>>, vector<16xi32>,
      tpu.vector_store %arg8[%swap3A], %broadcast_in_dim3A_5 {strides = array<i32>} : memref<3360xi32, #tpu.memory_space<vmem>>, vector<16xi32>,
      %scan3A_96 = arith.constant 0 : i32
      scf.yield %scan3A_96 : i32
    }
    %scan3A_13 = arith.constant 210 : i32
    %scan3A_14 = arith.constant 0 : i32
    %scan3A_15 = arith.constant 0 : i32
    %scan3A_16 = arith.constant 20 : i32
    %scan3A_17 = arith.addi %scan3A_15, %scan3A_16 : i32
    %scan3A_18 = arith.constant 1 : i32
    %scan3A_19 = scf.for %scan3A_91 = %scan3A_15 to %scan3A_17 step %scan3A_18 iter_args(%scan3A_92 = %scan3A_14) -> (i32)  : i32 {
      %mul3A_93 = arith.constant 16 : i32
      %mul3A_94 = arith.muli %mul3A_93, %scan3A_91 : i32
      %swap3A = arith.index_cast %mul3A_94 : i32 to index
      %swap3A_95 = tpu.vector_load %arg11[%swap3A] {strides = array<i32>} : memref<336xi32, #tpu.memory_space<vmem>>, vector<16xi32>,
      tpu.vector_store %arg11[%swap3A], %broadcast_in_dim3A_5 {strides = array<i32>} : memref<336xi32, #tpu.memory_space<vmem>>, vector<16xi32>,
      %scan3A_96 = arith.constant 0 : i32
      scf.yield %scan3A_96 : i32
    }
    %scan3A_20 = arith.constant 20 : i32
    %scan3A_21 = arith.constant 0 : i32
    %scan3A_22 = arith.constant 0 : i32
    %scan3A_23 = arith.constant 20 : i32
    %scan3A_24 = arith.addi %scan3A_22, %scan3A_23 : i32
    %scan3A_25 = arith.constant 1 : i32
    %scan3A_26 = scf.for %scan3A_91 = %scan3A_22 to %scan3A_24 step %scan3A_25 iter_args(%scan3A_92 = %scan3A_21) -> (i32)  : i32 {
      %mul3A_93 = arith.constant 4000 : i32
      %mul3A_94 = arith.muli %scan3A_91, %mul3A_93 : i32
      "tpu.region"() ({
        %run_scoped3A = tpu.sem_alloc : memref<!tpu.dma_semaphore, #tpu.memory_space<semaphore_mem>>
        %dma_start3A = tpu.memref_slice %arg3[%mul3A_94] : memref<80000xi32, #tpu.memory_space<hbm>> -> memref<4000xi32, #tpu.memory_space<hbm>>
        %dma_start3A_98 = tpu.memref_slice %arg3[%mul3A_94] : memref<80000xi32, #tpu.memory_space<hbm>> -> memref<4000xi32, #tpu.memory_space<hbm>>
        tpu.enqueue_dma source(%dma_start3A_98 : memref<4000xi32, #tpu.memory_space<hbm>>) target(%arg5 : memref<4000xi32, #tpu.memory_space<vmem>>) target_semaphore(%run_scoped3A : memref<!tpu.dma_semaphore, #tpu.memory_space<semaphore_mem>>)
        %dma_wait3A = tpu.memref_slice %arg3[%mul3A_94] : memref<80000xi32, #tpu.memory_space<hbm>> -> memref<4000xi32, #tpu.memory_space<hbm>>
        %dma_wait3A_99 = tpu.memref_slice %arg3[%mul3A_94] : memref<80000xi32, #tpu.memory_space<hbm>> -> memref<4000xi32, #tpu.memory_space<hbm>>
        tpu.wait_dma2 semaphore(%run_scoped3A : memref<!tpu.dma_semaphore, #tpu.memory_space<semaphore_mem>>) src(%dma_wait3A_99 : memref<4000xi32, #tpu.memory_space<hbm>>) dst(%arg5 : memref<4000xi32, #tpu.memory_space<vmem>>)
        tpu.yield
      }) : () -> ()
      %parallel_loop3A = arith.constant 0 : i32
      %parallel_loop3A_95 = arith.constant 250 : i32
      %parallel_loop3A_96 = arith.constant 1 : i32
      %parallel_loop3A_97 = scf.for %parallel_loop3A_98 = %parallel_loop3A to %parallel_loop3A_95 step %parallel_loop3A_96 iter_args(%parallel_loop3A_99 = %scan3A_92) -> (i32)  : i32 {
        %parallel_loop3A_100 = arith.constant 16 : i32
        %parallel_loop3A_101 = arith.muli %parallel_loop3A_100, %parallel_loop3A_98 : i32
        %parallel_loop3A_102 = arith.index_cast %parallel_loop3A_101 : i32 to index
        %parallel_loop3A_103 = tpu.vector_load %arg5[%parallel_loop3A_102] {strides = array<i32>} : memref<4000xi32, #tpu.memory_space<vmem>>, vector<16xi32>,
        %parallel_loop3A_104 = arith.constant 4000 : i32
        %parallel_loop3A_105 = arith.muli %scan3A_91, %parallel_loop3A_104 : i32
        %parallel_loop3A_106 = arith.constant 16 : i32
        %parallel_loop3A_107 = arith.muli %parallel_loop3A_106, %parallel_loop3A_98 : i32
        %parallel_loop3A_108 = arith.addi %parallel_loop3A_105, %parallel_loop3A_107 : i32
        %parallel_loop3A_109 = vector.broadcast %parallel_loop3A_108 : i32 to vector<16xi32>
        %parallel_loop3A_110 = arith.addi %parallel_loop3A_109, %iota3A : vector<16xi32>
        %parallel_loop3A_111 = vector.broadcast %mul3A_2 : i32 to vector<16xi32>
        %parallel_loop3A_112 = arith.cmpi sge, %parallel_loop3A_103, %parallel_loop3A_111 : vector<16xi32>
        %parallel_loop3A_113 = vector.broadcast %add3A_4 : i32 to vector<16xi32>
        %parallel_loop3A_114 = arith.cmpi slt, %parallel_loop3A_103, %parallel_loop3A_113 : vector<16xi32>
        %parallel_loop3A_115 = arith.andi %parallel_loop3A_112, %parallel_loop3A_114 : vector<16xi1>
        %parallel_loop3A_116 = arith.constant 1 : i32
        %parallel_loop3A_117 = arith.constant 0 : i32
        %parallel_loop3A_118 = vector.broadcast %parallel_loop3A_116 : i32 to vector<16xi32>
        %parallel_loop3A_119 = vector.broadcast %parallel_loop3A_117 : i32 to vector<16xi32>
        %parallel_loop3A_120 = arith.select %parallel_loop3A_115, %parallel_loop3A_118, %parallel_loop3A_119 : vector<16xi1>, vector<16xi32>
        %parallel_loop3A_121 = arith.constant true
        %parallel_loop3A_122 = vector.broadcast %parallel_loop3A_121 : i1 to vector<16xi1>
        %parallel_loop3A_123 = tpu.scan <sum>, %parallel_loop3A_120 masked %parallel_loop3A_122 : vector<16xi32>, vector<16xi1> -> vector<16xi32>
        %parallel_loop3A_124 = vector.broadcast %parallel_loop3A_99 : i32 to vector<16xi32>
        %parallel_loop3A_125 = arith.addi %parallel_loop3A_124, %parallel_loop3A_123 : vector<16xi32>
        %parallel_loop3A_126 = arith.constant 1 : i32
        %parallel_loop3A_127 = vector.broadcast %parallel_loop3A_126 : i32 to vector<16xi32>
        %parallel_loop3A_128 = arith.subi %parallel_loop3A_125, %parallel_loop3A_127 : vector<16xi32>
        %parallel_loop3A_129 = vector.broadcast %mul3A_2 : i32 to vector<16xi32>
        %parallel_loop3A_130 = arith.subi %parallel_loop3A_103, %parallel_loop3A_129 : vector<16xi32>
        tpu.vector_store_idx %arg7[%parallel_loop3A_128], %parallel_loop3A_130 masked %parallel_loop3A_115 : memref<3088xi32, #tpu.memory_space<vmem>>[vector<16xi32>], vector<16xi32>, vector<16xi1>
        tpu.vector_store_idx %arg6[%parallel_loop3A_128], %parallel_loop3A_110 masked %parallel_loop3A_115 : memref<3088xi32, #tpu.memory_space<vmem>>[vector<16xi32>], vector<16xi32>, vector<16xi1>
        %parallel_loop3A_131 = vector.extract_strided_slice %parallel_loop3A_123 {offsets = [15], sizes = [1], strides = [1]} : vector<16xi32> to vector<1xi32>
        %parallel_loop3A_132 = vector.extract %parallel_loop3A_131[0] : i32 from vector<1xi32>
        %parallel_loop3A_133 = arith.addi %parallel_loop3A_99, %parallel_loop3A_132 : i32
        %parallel_loop3A_134 = arith.constant 3072 : i32
        %parallel_loop3A_135 = arith.minsi %parallel_loop3A_133, %parallel_loop3A_134 : i32
        scf.yield %parallel_loop3A_135 : i32
      } {sc.loop_unroll_factor = 2 : i64, sc.parallel_access}
      scf.yield %parallel_loop3A_97 : i32
    }
    %scan3A_27 = arith.constant 20 : i32
    %add3A_28 = arith.constant 15 : i32
    %add3A_29 = arith.addi %scan3A_26, %add3A_28 : i32
    %jit3A = arith.constant 16 : i32
    %div3A = arith.divsi %add3A_29, %jit3A : i32
    %sign3A = arith.constant 0 : i32
    %sign3A_30 = arith.cmpi sgt, %add3A_29, %sign3A : i32
    %sign3A_31 = arith.extui %sign3A_30 : i1 to i32
    %sign3A_32 = arith.constant 0 : i32
    %sign3A_33 = arith.cmpi slt, %add3A_29, %sign3A_32 : i32
    %sign3A_34 = arith.extui %sign3A_33 : i1 to i32
    %sign3A_35 = arith.subi %sign3A_31, %sign3A_34 : i32
    %sign3A_36 = arith.constant 0 : i32
    %sign3A_37 = arith.cmpi sgt, %jit3A, %sign3A_36 : i32
    %sign3A_38 = arith.extui %sign3A_37 : i1 to i32
    %sign3A_39 = arith.constant 0 : i32
    %sign3A_40 = arith.cmpi slt, %jit3A, %sign3A_39 : i32
    %sign3A_41 = arith.extui %sign3A_40 : i1 to i32
    %sign3A_42 = arith.subi %sign3A_38, %sign3A_41 : i32
    %ne3A = arith.cmpi ne, %sign3A_35, %sign3A_42 : i32
    %rem3A = arith.remsi %add3A_29, %jit3A : i32
    %ne3A_43 = arith.constant 0 : i32
    %ne3A_44 = arith.cmpi ne, %rem3A, %ne3A_43 : i32
    %and3A = arith.andi %ne3A, %ne3A_44 : i1
    %sub3A = arith.constant 1 : i32
    %sub3A_45 = arith.subi %div3A, %sub3A : i32
    %select_n3A = arith.select %and3A, %sub3A_45, %div3A : i32
    %broadcast_in_dim3A_46 = arith.constant 1 : i32
    %broadcast_in_dim3A_47 = vector.broadcast %broadcast_in_dim3A_46 : i32 to vector<16xi32>
    %while3A = arith.constant 0 : i32
    %while3A_48 = arith.constant 0 : i32
    %while3A_49 = arith.subi %select_n3A, %while3A : i32
    %while3A_50 = arith.addi %while3A, %while3A_49 : i32
    %while3A_51 = arith.constant 1 : i32
    %while3A_52 = arith.divsi %while3A_49, %while3A_51 : i32
    %while3A_53 = arith.muli %while3A_52, %while3A_51 : i32
    %while3A_54 = arith.addi %while3A, %while3A_53 : i32
    %while3A_55 = arith.constant 1 : i32
    %while3A_56 = scf.for %while3A_91 = %while3A to %while3A_54 step %while3A_55 iter_args(%while3A_92 = %while3A_48) -> (i32)  : i32 {
      %mul3A_93 = arith.constant 16 : i32
      %mul3A_94 = arith.muli %mul3A_93, %while3A_91 : i32
      %get3A = arith.index_cast %mul3A_94 : i32 to index
      %get3A_95 = tpu.vector_load %arg7[%get3A] {strides = array<i32>} : memref<3088xi32, #tpu.memory_space<vmem>>, vector<16xi32>,
      %mul3A_96 = arith.constant 16 : i32
      %mul3A_97 = arith.muli %mul3A_96, %while3A_91 : i32
      %add3A_98 = vector.broadcast %mul3A_97 : i32 to vector<16xi32>
      %add3A_99 = arith.addi %add3A_98, %iota3A : vector<16xi32>
      %lt3A = vector.broadcast %scan3A_26 : i32 to vector<16xi32>
      %lt3A_100 = arith.cmpi slt, %add3A_99, %lt3A : vector<16xi32>
      tpu.vector_store_idx %arg11[%get3A_95], %broadcast_in_dim3A_47 masked %lt3A_100 {add = true} : memref<336xi32, #tpu.memory_space<vmem>>[vector<16xi32>], vector<16xi32>, vector<16xi1>
      %while3A_101 = arith.constant 0 : i32
      scf.yield %while3A_101 : i32
    }
    %while3A_57 = arith.constant 1 : i32
    %while3A_58 = scf.for %while3A_91 = %while3A_54 to %while3A_50 step %while3A_57 iter_args(%while3A_92 = %while3A_56) -> (i32)  : i32 {
      %mul3A_93 = arith.constant 16 : i32
      %mul3A_94 = arith.muli %mul3A_93, %while3A_91 : i32
      %get3A = arith.index_cast %mul3A_94 : i32 to index
      %get3A_95 = tpu.vector_load %arg7[%get3A] {strides = array<i32>} : memref<3088xi32, #tpu.memory_space<vmem>>, vector<16xi32>,
      %mul3A_96 = arith.constant 16 : i32
      %mul3A_97 = arith.muli %mul3A_96, %while3A_91 : i32
      %add3A_98 = vector.broadcast %mul3A_97 : i32 to vector<16xi32>
      %add3A_99 = arith.addi %add3A_98, %iota3A : vector<16xi32>
      %lt3A = vector.broadcast %scan3A_26 : i32 to vector<16xi32>
      %lt3A_100 = arith.cmpi slt, %add3A_99, %lt3A : vector<16xi32>
      tpu.vector_store_idx %arg11[%get3A_95], %broadcast_in_dim3A_47 masked %lt3A_100 {add = true} : memref<336xi32, #tpu.memory_space<vmem>>[vector<16xi32>], vector<16xi32>, vector<16xi1>
      %while3A_101 = arith.constant 0 : i32
      scf.yield %while3A_101 : i32
    }
    %scan3A_59 = arith.constant 0 : i32
    %scan3A_60 = arith.constant 0 : i32
    %scan3A_61 = arith.constant 20 : i32
    %scan3A_62 = arith.addi %scan3A_60, %scan3A_61 : i32
    %scan3A_63 = arith.constant 1 : i32
    %scan3A_64 = scf.for %scan3A_91 = %scan3A_60 to %scan3A_62 step %scan3A_63 iter_args(%scan3A_92 = %scan3A_59) -> (i32)  : i32 {
      %mul3A_93 = arith.constant 16 : i32
      %mul3A_94 = arith.muli %mul3A_93, %scan3A_91 : i32
      %get3A = arith.index_cast %mul3A_94 : i32 to index
      %get3A_95 = tpu.vector_load %arg11[%get3A] {strides = array<i32>} : memref<336xi32, #tpu.memory_space<vmem>>, vector<16xi32>,
      %broadcast_in_dim3A_96 = arith.constant true
      %broadcast_in_dim3A_97 = vector.broadcast %broadcast_in_dim3A_96 : i1 to vector<16xi1>
      %masked_cumsum3A = tpu.scan <sum>, %get3A_95 masked %broadcast_in_dim3A_97 : vector<16xi32>, vector<16xi1> -> vector<16xi32>
      %sub3A_98 = arith.subi %masked_cumsum3A, %get3A_95 : vector<16xi32>
      %add3A_99 = vector.broadcast %scan3A_92 : i32 to vector<16xi32>
      %add3A_100 = arith.addi %sub3A_98, %add3A_99 : vector<16xi32>
      %mul3A_101 = arith.constant 16 : i32
      %mul3A_102 = arith.muli %mul3A_101, %scan3A_91 : i32
      %swap3A = arith.index_cast %mul3A_102 : i32 to index
      %swap3A_103 = tpu.vector_load %arg12[%swap3A] {strides = array<i32>} : memref<336xi32, #tpu.memory_space<vmem>>, vector<16xi32>,
      tpu.vector_store %arg12[%swap3A], %add3A_100 {strides = array<i32>} : memref<336xi32, #tpu.memory_space<vmem>>, vector<16xi32>,
      %mul3A_104 = arith.constant 16 : i32
      %mul3A_105 = arith.muli %mul3A_104, %scan3A_91 : i32
      %swap3A_106 = arith.index_cast %mul3A_105 : i32 to index
      %swap3A_107 = tpu.vector_load %arg13[%swap3A_106] {strides = array<i32>} : memref<336xi32, #tpu.memory_space<vmem>>, vector<16xi32>,
      tpu.vector_store %arg13[%swap3A_106], %add3A_100 {strides = array<i32>} : memref<336xi32, #tpu.memory_space<vmem>>, vector<16xi32>,
      %reduce_max3A = arith.constant true
      %reduce_max3A_108 = vector.broadcast %reduce_max3A : i1 to vector<16xi1>
      %reduce_max3A_109 = arith.constant -2147483648 : i32
      %reduce_max3A_110 = vector.broadcast %reduce_max3A_109 : i32 to vector<16xi32>
      %reduce_max3A_111 = arith.xori %masked_cumsum3A, %reduce_max3A_110 : vector<16xi32>
      %reduce_max3A_112 = tpu.scan <max>, %reduce_max3A_111 masked %reduce_max3A_108 : vector<16xi32>, vector<16xi1> -> vector<16xi32>
      %reduce_max3A_113 = arith.xori %reduce_max3A_112, %reduce_max3A_110 : vector<16xi32>
      %reduce_max3A_114 = vector.extract %reduce_max3A_113[15] : i32 from vector<16xi32>
      %add3A_115 = arith.addi %scan3A_92, %reduce_max3A_114 : i32
      scf.yield %add3A_115 : i32
    }
    %scan3A_65 = arith.constant 20 : i32
    %broadcast_in_dim3A_66 = arith.constant 320 : i32
    %broadcast_in_dim3A_67 = vector.broadcast %broadcast_in_dim3A_66 : i32 to vector<16xi32>
    %broadcast_in_dim3A_68 = vector.broadcast %scan3A_26 : i32 to vector<16xi32>
    tpu.vector_store_idx %arg12[%broadcast_in_dim3A_67], %broadcast_in_dim3A_68 masked %eq3A_7 : memref<336xi32, #tpu.memory_space<vmem>>[vector<16xi32>], vector<16xi32>, vector<16xi1>
    %while3A_69 = arith.constant 134217727 : i32
    %while3A_70 = arith.constant 0 : i32
    %while3A_71 = arith.constant 0 : i32
    %while3A_72 = arith.subi %select_n3A, %while3A_70 : i32
    %while3A_73 = arith.addi %while3A_70, %while3A_72 : i32
    %while3A_74 = arith.constant 1 : i32
    %while3A_75 = arith.divsi %while3A_72, %while3A_74 : i32
    %while3A_76 = arith.muli %while3A_75, %while3A_74 : i32
    %while3A_77 = arith.addi %while3A_70, %while3A_76 : i32
    %while3A_78 = arith.constant 1 : i32
    %while3A_79 = scf.for %while3A_91 = %while3A_70 to %while3A_77 step %while3A_78 iter_args(%while3A_92 = %while3A_71) -> (i32)  : i32 {
      %mul3A_93 = arith.constant 16 : i32
      %mul3A_94 = arith.muli %mul3A_93, %while3A_91 : i32
      %add3A_95 = vector.broadcast %mul3A_94 : i32 to vector<16xi32>
      %add3A_96 = arith.addi %add3A_95, %iota3A : vector<16xi32>
      %lt3A = vector.broadcast %scan3A_26 : i32 to vector<16xi32>
      %lt3A_97 = arith.cmpi slt, %add3A_96, %lt3A : vector<16xi32>
      %get3A = arith.index_cast %mul3A_94 : i32 to index
      %get3A_98 = tpu.vector_load %arg7[%get3A] {strides = array<i32>} : memref<3088xi32, #tpu.memory_space<vmem>>, vector<16xi32>,
      %broadcast_in_dim3A_99 = vector.broadcast %while3A_69 : i32 to vector<16xi32>
      %select_n3A_100 = arith.select %lt3A_97, %get3A_98, %broadcast_in_dim3A_99 : vector<16xi1>, vector<16xi32>
      %get3A_101 = arith.index_cast %mul3A_94 : i32 to index
      %get3A_102 = tpu.vector_load %arg6[%get3A_101] {strides = array<i32>} : memref<3088xi32, #tpu.memory_space<vmem>>, vector<16xi32>,
      %masked_sort3A = arith.constant dense<true> : vector<16xi1>
      %masked_sort3A_103 = arith.constant -2147483648 : i32
      %masked_sort3A_104 = vector.broadcast %masked_sort3A_103 : i32 to vector<16xi32>
      %masked_sort3A_105 = arith.xori %select_n3A_100, %masked_sort3A_104 : vector<16xi32>
      %masked_sort3A_106, %masked_sort3A_107, %masked_sort3A_108 = tpu.sort %masked_sort3A_105, %iota3A masked %masked_sort3A : (vector<16xi32>, vector<16xi32>, vector<16xi1>) -> (vector<16xi1>, vector<16xi32>, vector<16xi32>)
      %masked_sort3A_109 = arith.xori %masked_sort3A_107, %masked_sort3A_104 : vector<16xi32>
      %sub3A_110 = arith.constant 1 : i32
      %sub3A_111 = vector.broadcast %sub3A_110 : i32 to vector<16xi32>
      %sub3A_112 = arith.subi %iota3A, %sub3A_111 : vector<16xi32>
      %max3A = arith.constant 0 : i32
      %max3A_113 = vector.broadcast %max3A : i32 to vector<16xi32>
      %max3A_114 = arith.maxsi %sub3A_112, %max3A_113 : vector<16xi32>
      %lt3A_115 = arith.constant 0 : i32
      %lt3A_116 = vector.broadcast %lt3A_115 : i32 to vector<16xi32>
      %lt3A_117 = arith.cmpi slt, %max3A_114, %lt3A_116 : vector<16xi32>
      %add3A_118 = arith.constant 16 : i32
      %add3A_119 = vector.broadcast %add3A_118 : i32 to vector<16xi32>
      %add3A_120 = arith.addi %max3A_114, %add3A_119 : vector<16xi32>
      %select_n3A_121 = arith.select %lt3A_117, %add3A_120, %max3A_114 : vector<16xi1>, vector<16xi32>
      %broadcast_in_dim3A_122 = vector.shape_cast %select_n3A_121 : vector<16xi32> to vector<16x1xi32>
      %gather3A = vector.shape_cast %broadcast_in_dim3A_122 : vector<16x1xi32> to vector<16xi32>
      %gather3A_123 = tpu.dynamic_gather %masked_sort3A_109[%gather3A] in [0] : vector<16xi32>, vector<16xi32> -> vector<16xi32>
      %ne3A_124 = arith.cmpi ne, %masked_sort3A_109, %gather3A_123 : vector<16xi32>
      %eq3A_125 = arith.constant 0 : i32
      %eq3A_126 = vector.broadcast %eq3A_125 : i32 to vector<16xi32>
      %eq3A_127 = arith.cmpi eq, %iota3A, %eq3A_126 : vector<16xi32>
      %or3A = arith.ori %ne3A_124, %eq3A_127 : vector<16xi1>
      %jit3A_128 = arith.constant 0 : i32
      %broadcast_in_dim3A_129 = vector.broadcast %jit3A_128 : i32 to vector<16xi32>
      %select_n3A_130 = arith.select %or3A, %iota3A, %broadcast_in_dim3A_129 : vector<16xi1>, vector<16xi32>
      %broadcast_in_dim3A_131 = arith.constant true
      %broadcast_in_dim3A_132 = vector.broadcast %broadcast_in_dim3A_131 : i1 to vector<16xi1>
      %masked_cummax3A = arith.constant -2147483648 : i32
      %masked_cummax3A_133 = vector.broadcast %masked_cummax3A : i32 to vector<16xi32>
      %masked_cummax3A_134 = arith.xori %select_n3A_130, %masked_cummax3A_133 : vector<16xi32>
      %masked_cummax3A_135 = tpu.scan <max>, %masked_cummax3A_134 masked %broadcast_in_dim3A_132 : vector<16xi32>, vector<16xi1> -> vector<16xi32>
      %masked_cummax3A_136 = arith.xori %masked_cummax3A_135, %masked_cummax3A_133 : vector<16xi32>
      %sub3A_137 = arith.subi %iota3A, %masked_cummax3A_136 : vector<16xi32>
      %min3A = arith.constant 319 : i32
      %min3A_138 = vector.broadcast %min3A : i32 to vector<16xi32>
      %min3A_139 = arith.minsi %masked_sort3A_109, %min3A_138 : vector<16xi32>
      %gather3A_140 = tpu.vector_load_idx %arg13[%min3A_139] : memref<336xi32, #tpu.memory_space<vmem>>[vector<16xi32>], vector<16xi32>,
      %add3A_141 = arith.addi %gather3A_140, %sub3A_137 : vector<16xi32>
      %lt3A_142 = arith.constant 0 : i32
      %lt3A_143 = vector.broadcast %lt3A_142 : i32 to vector<16xi32>
      %lt3A_144 = arith.cmpi slt, %masked_sort3A_108, %lt3A_143 : vector<16xi32>
      %add3A_145 = arith.constant 16 : i32
      %add3A_146 = vector.broadcast %add3A_145 : i32 to vector<16xi32>
      %add3A_147 = arith.addi %masked_sort3A_108, %add3A_146 : vector<16xi32>
      %select_n3A_148 = arith.select %lt3A_144, %add3A_147, %masked_sort3A_108 : vector<16xi1>, vector<16xi32>
      %broadcast_in_dim3A_149 = vector.shape_cast %select_n3A_148 : vector<16xi32> to vector<16x1xi32>
      %gather3A_150 = vector.shape_cast %broadcast_in_dim3A_149 : vector<16x1xi32> to vector<16xi32>
      %gather3A_151 = tpu.dynamic_gather %get3A_102[%gather3A_150] in [0] : vector<16xi32>, vector<16xi32> -> vector<16xi32>
      %ne3A_152 = vector.broadcast %while3A_69 : i32 to vector<16xi32>
      %ne3A_153 = arith.cmpi ne, %masked_sort3A_109, %ne3A_152 : vector<16xi32>
      tpu.vector_store_idx %arg8[%add3A_141], %gather3A_151 masked %ne3A_153 : memref<3360xi32, #tpu.memory_space<vmem>>[vector<16xi32>], vector<16xi32>, vector<16xi1>
      tpu.vector_store_idx %arg13[%min3A_139], %broadcast_in_dim3A_47 masked %ne3A_153 {add = true} : memref<336xi32, #tpu.memory_space<vmem>>[vector<16xi32>], vector<16xi32>, vector<16xi1>
      %while3A_154 = arith.constant 0 : i32
      scf.yield %while3A_154 : i32
    }
    %while3A_80 = arith.constant 1 : i32
    %while3A_81 = scf.for %while3A_91 = %while3A_77 to %while3A_73 step %while3A_80 iter_args(%while3A_92 = %while3A_79) -> (i32)  : i32 {
      %mul3A_93 = arith.constant 16 : i32
      %mul3A_94 = arith.muli %mul3A_93, %while3A_91 : i32
      %add3A_95 = vector.broadcast %mul3A_94 : i32 to vector<16xi32>
      %add3A_96 = arith.addi %add3A_95, %iota3A : vector<16xi32>
      %lt3A = vector.broadcast %scan3A_26 : i32 to vector<16xi32>
      %lt3A_97 = arith.cmpi slt, %add3A_96, %lt3A : vector<16xi32>
      %get3A = arith.index_cast %mul3A_94 : i32 to index
      %get3A_98 = tpu.vector_load %arg7[%get3A] {strides = array<i32>} : memref<3088xi32, #tpu.memory_space<vmem>>, vector<16xi32>,
      %broadcast_in_dim3A_99 = vector.broadcast %while3A_69 : i32 to vector<16xi32>
      %select_n3A_100 = arith.select %lt3A_97, %get3A_98, %broadcast_in_dim3A_99 : vector<16xi1>, vector<16xi32>
      %get3A_101 = arith.index_cast %mul3A_94 : i32 to index
      %get3A_102 = tpu.vector_load %arg6[%get3A_101] {strides = array<i32>} : memref<3088xi32, #tpu.memory_space<vmem>>, vector<16xi32>,
      %masked_sort3A = arith.constant dense<true> : vector<16xi1>
      %masked_sort3A_103 = arith.constant -2147483648 : i32
      %masked_sort3A_104 = vector.broadcast %masked_sort3A_103 : i32 to vector<16xi32>
      %masked_sort3A_105 = arith.xori %select_n3A_100, %masked_sort3A_104 : vector<16xi32>
      %masked_sort3A_106, %masked_sort3A_107, %masked_sort3A_108 = tpu.sort %masked_sort3A_105, %iota3A masked %masked_sort3A : (vector<16xi32>, vector<16xi32>, vector<16xi1>) -> (vector<16xi1>, vector<16xi32>, vector<16xi32>)
      %masked_sort3A_109 = arith.xori %masked_sort3A_107, %masked_sort3A_104 : vector<16xi32>
      %sub3A_110 = arith.constant 1 : i32
      %sub3A_111 = vector.broadcast %sub3A_110 : i32 to vector<16xi32>
      %sub3A_112 = arith.subi %iota3A, %sub3A_111 : vector<16xi32>
      %max3A = arith.constant 0 : i32
      %max3A_113 = vector.broadcast %max3A : i32 to vector<16xi32>
      %max3A_114 = arith.maxsi %sub3A_112, %max3A_113 : vector<16xi32>
      %lt3A_115 = arith.constant 0 : i32
      %lt3A_116 = vector.broadcast %lt3A_115 : i32 to vector<16xi32>
      %lt3A_117 = arith.cmpi slt, %max3A_114, %lt3A_116 : vector<16xi32>
      %add3A_118 = arith.constant 16 : i32
      %add3A_119 = vector.broadcast %add3A_118 : i32 to vector<16xi32>
      %add3A_120 = arith.addi %max3A_114, %add3A_119 : vector<16xi32>
      %select_n3A_121 = arith.select %lt3A_117, %add3A_120, %max3A_114 : vector<16xi1>, vector<16xi32>
      %broadcast_in_dim3A_122 = vector.shape_cast %select_n3A_121 : vector<16xi32> to vector<16x1xi32>
      %gather3A = vector.shape_cast %broadcast_in_dim3A_122 : vector<16x1xi32> to vector<16xi32>
      %gather3A_123 = tpu.dynamic_gather %masked_sort3A_109[%gather3A] in [0] : vector<16xi32>, vector<16xi32> -> vector<16xi32>
      %ne3A_124 = arith.cmpi ne, %masked_sort3A_109, %gather3A_123 : vector<16xi32>
      %eq3A_125 = arith.constant 0 : i32
      %eq3A_126 = vector.broadcast %eq3A_125 : i32 to vector<16xi32>
      %eq3A_127 = arith.cmpi eq, %iota3A, %eq3A_126 : vector<16xi32>
      %or3A = arith.ori %ne3A_124, %eq3A_127 : vector<16xi1>
      %jit3A_128 = arith.constant 0 : i32
      %broadcast_in_dim3A_129 = vector.broadcast %jit3A_128 : i32 to vector<16xi32>
      %select_n3A_130 = arith.select %or3A, %iota3A, %broadcast_in_dim3A_129 : vector<16xi1>, vector<16xi32>
      %broadcast_in_dim3A_131 = arith.constant true
      %broadcast_in_dim3A_132 = vector.broadcast %broadcast_in_dim3A_131 : i1 to vector<16xi1>
      %masked_cummax3A = arith.constant -2147483648 : i32
      %masked_cummax3A_133 = vector.broadcast %masked_cummax3A : i32 to vector<16xi32>
      %masked_cummax3A_134 = arith.xori %select_n3A_130, %masked_cummax3A_133 : vector<16xi32>
      %masked_cummax3A_135 = tpu.scan <max>, %masked_cummax3A_134 masked %broadcast_in_dim3A_132 : vector<16xi32>, vector<16xi1> -> vector<16xi32>
      %masked_cummax3A_136 = arith.xori %masked_cummax3A_135, %masked_cummax3A_133 : vector<16xi32>
      %sub3A_137 = arith.subi %iota3A, %masked_cummax3A_136 : vector<16xi32>
      %min3A = arith.constant 319 : i32
      %min3A_138 = vector.broadcast %min3A : i32 to vector<16xi32>
      %min3A_139 = arith.minsi %masked_sort3A_109, %min3A_138 : vector<16xi32>
      %gather3A_140 = tpu.vector_load_idx %arg13[%min3A_139] : memref<336xi32, #tpu.memory_space<vmem>>[vector<16xi32>], vector<16xi32>,
      %add3A_141 = arith.addi %gather3A_140, %sub3A_137 : vector<16xi32>
      %lt3A_142 = arith.constant 0 : i32
      %lt3A_143 = vector.broadcast %lt3A_142 : i32 to vector<16xi32>
      %lt3A_144 = arith.cmpi slt, %masked_sort3A_108, %lt3A_143 : vector<16xi32>
      %add3A_145 = arith.constant 16 : i32
      %add3A_146 = vector.broadcast %add3A_145 : i32 to vector<16xi32>
      %add3A_147 = arith.addi %masked_sort3A_108, %add3A_146 : vector<16xi32>
      %select_n3A_148 = arith.select %lt3A_144, %add3A_147, %masked_sort3A_108 : vector<16xi1>, vector<16xi32>
      %broadcast_in_dim3A_149 = vector.shape_cast %select_n3A_148 : vector<16xi32> to vector<16x1xi32>
      %gather3A_150 = vector.shape_cast %broadcast_in_dim3A_149 : vector<16x1xi32> to vector<16xi32>
      %gather3A_151 = tpu.dynamic_gather %get3A_102[%gather3A_150] in [0] : vector<16xi32>, vector<16xi32> -> vector<16xi32>
      %ne3A_152 = vector.broadcast %while3A_69 : i32 to vector<16xi32>
      %ne3A_153 = arith.cmpi ne, %masked_sort3A_109, %ne3A_152 : vector<16xi32>
      tpu.vector_store_idx %arg8[%add3A_141], %gather3A_151 masked %ne3A_153 : memref<3360xi32, #tpu.memory_space<vmem>>[vector<16xi32>], vector<16xi32>, vector<16xi1>
      tpu.vector_store_idx %arg13[%min3A_139], %broadcast_in_dim3A_47 masked %ne3A_153 {add = true} : memref<336xi32, #tpu.memory_space<vmem>>[vector<16xi32>], vector<16xi32>, vector<16xi1>
      %while3A_154 = arith.constant 0 : i32
      scf.yield %while3A_154 : i32
    }
    %broadcast_in_dim3A_82 = arith.constant 0xFF80 : bf16
    %broadcast_in_dim3A_83 = vector.broadcast %broadcast_in_dim3A_82 : bf16 to vector<32xbf16>
    %scan3A_84 = arith.constant 0 : i32
    %scan3A_85 = arith.constant 0 : i32
    %scan3A_86 = arith.constant 4 : i32
    %scan3A_87 = arith.addi %scan3A_85, %scan3A_86 : i32
    %scan3A_88 = arith.constant 1 : i32
    %scan3A_89 = scf.for %scan3A_91 = %scan3A_85 to %scan3A_87 step %scan3A_88 iter_args(%scan3A_92 = %scan3A_84) -> (i32)  : i32 {
      %mul3A_93 = arith.constant 80000 : i32
      %mul3A_94 = arith.muli %scan3A_91, %mul3A_93 : i32
      %get3A = arith.constant 0 : index
      %get3A_95 = tpu.vector_load %arg12[%get3A] {strides = array<i32>} : memref<336xi32, #tpu.memory_space<vmem>>, vector<16xi32>,
      %slice3A = vector.extract_strided_slice %get3A_95 {offsets = [0], sizes = [1], strides = [1]} : vector<16xi32> to vector<1xi32>
      %squeeze3A = vector.extract %slice3A[0] : i32 from vector<1xi32>
      %get3A_96 = arith.constant 10 : index
      %get3A_97 = tpu.vector_load %arg12[%get3A_96] {strides = array<i32>} : memref<336xi32, #tpu.memory_space<vmem>>, vector<16xi32>,
      %slice3A_98 = vector.extract_strided_slice %get3A_97 {offsets = [0], sizes = [1], strides = [1]} : vector<16xi32> to vector<1xi32>
      %squeeze3A_99 = vector.extract %slice3A_98[0] : i32 from vector<1xi32>
      %sub3A_100 = arith.subi %squeeze3A_99, %squeeze3A : i32
      %min3A = arith.constant 160 : i32
      %min3A_101 = arith.minsi %sub3A_100, %min3A : i32
      %add3A_102 = arith.constant 80 : i32
      %add3A_103 = arith.addi %min3A_101, %add3A_102 : i32
      %sub3A_104 = arith.constant 1 : i32
      %sub3A_105 = arith.subi %add3A_103, %sub3A_104 : i32
      %jit3A_106 = arith.constant 80 : i32
      %div3A_107 = arith.divsi %sub3A_105, %jit3A_106 : i32
      %sign3A_108 = arith.constant 0 : i32
      %sign3A_109 = arith.cmpi sgt, %sub3A_105, %sign3A_108 : i32
      %sign3A_110 = arith.extui %sign3A_109 : i1 to i32
      %sign3A_111 = arith.constant 0 : i32
      %sign3A_112 = arith.cmpi slt, %sub3A_105, %sign3A_111 : i32
      %sign3A_113 = arith.extui %sign3A_112 : i1 to i32
      %sign3A_114 = arith.subi %sign3A_110, %sign3A_113 : i32
      %sign3A_115 = arith.constant 0 : i32
      %sign3A_116 = arith.cmpi sgt, %jit3A_106, %sign3A_115 : i32
      %sign3A_117 = arith.extui %sign3A_116 : i1 to i32
      %sign3A_118 = arith.constant 0 : i32
      %sign3A_119 = arith.cmpi slt, %jit3A_106, %sign3A_118 : i32
      %sign3A_120 = arith.extui %sign3A_119 : i1 to i32
      %sign3A_121 = arith.subi %sign3A_117, %sign3A_120 : i32
      %ne3A_122 = arith.cmpi ne, %sign3A_114, %sign3A_121 : i32
      %rem3A_123 = arith.remsi %sub3A_105, %jit3A_106 : i32
      %ne3A_124 = arith.constant 0 : i32
      %ne3A_125 = arith.cmpi ne, %rem3A_123, %ne3A_124 : i32
      %and3A_126 = arith.andi %ne3A_122, %ne3A_125 : i1
      %sub3A_127 = arith.constant 1 : i32
      %sub3A_128 = arith.subi %div3A_107, %sub3A_127 : i32
      %select_n3A_129 = arith.select %and3A_126, %sub3A_128, %div3A_107 : i32
      %scan3A_130 = arith.constant 0 : i32
      %scan3A_131 = arith.constant 0 : i32
      %scan3A_132 = arith.constant 10 : i32
      %scan3A_133 = arith.addi %scan3A_131, %scan3A_132 : i32
      %scan3A_134 = arith.constant 1 : i32
      %scan3A_135 = scf.for %scan3A_159 = %scan3A_131 to %scan3A_133 step %scan3A_134 iter_args(%scan3A_160 = %scan3A_130) -> (i32)  : i32 {
        %mul3A_161 = arith.constant 16 : i32
        %mul3A_162 = arith.muli %mul3A_161, %scan3A_159 : i32
        %add3A_163 = arith.addi %squeeze3A, %mul3A_162 : i32
        %get3A_164 = arith.index_cast %add3A_163 : i32 to index
        %get3A_165 = tpu.vector_load %arg8[%get3A_164] {strides = array<i32>} : memref<3360xi32, #tpu.memory_space<vmem>>, vector<16xi32>,
        %add3A_166 = vector.broadcast %mul3A_94 : i32 to vector<16xi32>
        %add3A_167 = arith.addi %get3A_165, %add3A_166 : vector<16xi32>
        %mul3A_168 = arith.constant 16 : i32
        %mul3A_169 = arith.muli %mul3A_168, %scan3A_159 : i32
        %swap3A = arith.index_cast %mul3A_169 : i32 to index
        %swap3A_170 = tpu.vector_load %arg9[%swap3A] {strides = array<i32>} : memref<160xi32, #tpu.memory_space<vmem>>, vector<16xi32>,
        tpu.vector_store %arg9[%swap3A], %add3A_167 {strides = array<i32>} : memref<160xi32, #tpu.memory_space<vmem>>, vector<16xi32>,
        %scan3A_171 = arith.constant 0 : i32
        scf.yield %scan3A_171 : i32
      }
      %scan3A_136 = arith.constant 10 : i32
      %while3A_137 = arith.constant 0 : i32
      %while3A_138 = arith.constant 0 : i32
      %while3A_139 = arith.subi %select_n3A_129, %while3A_137 : i32
      %while3A_140 = arith.addi %while3A_137, %while3A_139 : i32
      %while3A_141 = arith.constant 1 : i32
      %while3A_142 = arith.divsi %while3A_139, %while3A_141 : i32
      %while3A_143 = arith.muli %while3A_142, %while3A_141 : i32
      %while3A_144 = arith.addi %while3A_137, %while3A_143 : i32
      %while3A_145 = arith.constant 1 : i32
      %while3A_146 = scf.for %while3A_159 = %while3A_137 to %while3A_144 step %while3A_145 iter_args(%while3A_160 = %while3A_138) -> (i32)  : i32 {
        %mul3A_161 = arith.constant 80 : i32
        %mul3A_162 = arith.muli %mul3A_161, %while3A_159 : i32
        %mul3A_163 = arith.constant 80 : i32
        %mul3A_164 = arith.muli %mul3A_163, %while3A_159 : i32
        %dma_start3A = arith.constant 0 : i32
        %dma_start3A_165 = tpu.memref_slice %arg15[%mul3A_164, %dma_start3A] : memref<160x128xi32, #tpu.memory_space<vmem>> -> memref<80x128xi32, #tpu.memory_space<vmem>>
        %dma_start3A_166 = tpu.memref_slice %arg9[%mul3A_162] : memref<160xi32, #tpu.memory_space<vmem>> -> memref<80xi32, #tpu.memory_space<vmem>>
        %dma_start3A_167 = arith.constant 0 : i32
        %dma_start3A_168 = arith.constant 0 : i32
        %dma_start3A_169 = tpu.memref_slice %arg2[%dma_start3A_167, %dma_start3A_168] : memref<320000x128xi32, #tpu.memory_space<hbm>> -> memref<320000x128xi32, #tpu.memory_space<hbm>>
        tpu.enqueue_indirect_dma source(%dma_start3A_169 : memref<320000x128xi32, #tpu.memory_space<hbm>>) target(%dma_start3A_165 : memref<80x128xi32, #tpu.memory_space<vmem>>) offsets(%dma_start3A_166 : memref<80xi32, #tpu.memory_space<vmem>>) semaphore(%arg17 : memref<!tpu.dma_semaphore, #tpu.memory_space<semaphore_mem>>)
        %while3A_170 = arith.constant 0 : i32
        scf.yield %while3A_170 : i32
      }
      %while3A_147 = arith.constant 1 : i32
      %while3A_148 = scf.for %while3A_159 = %while3A_144 to %while3A_140 step %while3A_147 iter_args(%while3A_160 = %while3A_146) -> (i32)  : i32 {
        %mul3A_161 = arith.constant 80 : i32
        %mul3A_162 = arith.muli %mul3A_161, %while3A_159 : i32
        %mul3A_163 = arith.constant 80 : i32
        %mul3A_164 = arith.muli %mul3A_163, %while3A_159 : i32
        %dma_start3A = arith.constant 0 : i32
        %dma_start3A_165 = tpu.memref_slice %arg15[%mul3A_164, %dma_start3A] : memref<160x128xi32, #tpu.memory_space<vmem>> -> memref<80x128xi32, #tpu.memory_space<vmem>>
        %dma_start3A_166 = tpu.memref_slice %arg9[%mul3A_162] : memref<160xi32, #tpu.memory_space<vmem>> -> memref<80xi32, #tpu.memory_space<vmem>>
        %dma_start3A_167 = arith.constant 0 : i32
        %dma_start3A_168 = arith.constant 0 : i32
        %dma_start3A_169 = tpu.memref_slice %arg2[%dma_start3A_167, %dma_start3A_168] : memref<320000x128xi32, #tpu.memory_space<hbm>> -> memref<320000x128xi32, #tpu.memory_space<hbm>>
        tpu.enqueue_indirect_dma source(%dma_start3A_169 : memref<320000x128xi32, #tpu.memory_space<hbm>>) target(%dma_start3A_165 : memref<80x128xi32, #tpu.memory_space<vmem>>) offsets(%dma_start3A_166 : memref<80xi32, #tpu.memory_space<vmem>>) semaphore(%arg17 : memref<!tpu.dma_semaphore, #tpu.memory_space<semaphore_mem>>)
        %while3A_170 = arith.constant 0 : i32
        scf.yield %while3A_170 : i32
      }
      %scan3A_149 = arith.constant 0 : i32
      %scan3A_150 = arith.constant 0 : i32
      %scan3A_151 = arith.constant 16 : i32
      %scan3A_152 = arith.addi %scan3A_150, %scan3A_151 : i32
      %scan3A_153 = arith.constant 1 : i32
      %scan3A_154 = scf.for %scan3A_159 = %scan3A_150 to %scan3A_152 step %scan3A_153 iter_args(%scan3A_160 = %scan3A_149) -> (i32)  : i32 {
        %mul3A_161 = arith.constant 2 : i32
        %mul3A_162 = arith.muli %mul3A_161, %scan3A_159 : i32
        %add3A_163 = arith.constant 1 : i32
        %add3A_164 = arith.addi %mul3A_162, %add3A_163 : i32
        %mul3A_165 = arith.constant 10 : i32
        %mul3A_166 = arith.muli %add3A_164, %mul3A_165 : i32
        %get3A_167 = arith.index_cast %mul3A_166 : i32 to index
        %get3A_168 = tpu.vector_load %arg12[%get3A_167] {strides = array<i32>} : memref<336xi32, #tpu.memory_space<vmem>>, vector<16xi32>,
        %slice3A_169 = vector.extract_strided_slice %get3A_168 {offsets = [0], sizes = [1], strides = [1]} : vector<16xi32> to vector<1xi32>
        %squeeze3A_170 = vector.extract %slice3A_169[0] : i32 from vector<1xi32>
        %mul3A_171 = arith.constant 10 : i32
        %mul3A_172 = arith.muli %add3A_164, %mul3A_171 : i32
        %add3A_173 = arith.constant 10 : i32
        %add3A_174 = arith.addi %mul3A_172, %add3A_173 : i32
        %get3A_175 = arith.index_cast %add3A_174 : i32 to index
        %get3A_176 = tpu.vector_load %arg12[%get3A_175] {strides = array<i32>} : memref<336xi32, #tpu.memory_space<vmem>>, vector<16xi32>,
        %slice3A_177 = vector.extract_strided_slice %get3A_176 {offsets = [0], sizes = [1], strides = [1]} : vector<16xi32> to vector<1xi32>
        %squeeze3A_178 = vector.extract %slice3A_177[0] : i32 from vector<1xi32>
        %sub3A_179 = arith.subi %squeeze3A_178, %squeeze3A_170 : i32
        %min3A_180 = arith.constant 160 : i32
        %min3A_181 = arith.minsi %sub3A_179, %min3A_180 : i32
        %add3A_182 = arith.constant 80 : i32
        %add3A_183 = arith.addi %min3A_181, %add3A_182 : i32
        %sub3A_184 = arith.constant 1 : i32
        %sub3A_185 = arith.subi %add3A_183, %sub3A_184 : i32
        %jit3A_186 = arith.constant 80 : i32
        %div3A_187 = arith.divsi %sub3A_185, %jit3A_186 : i32
        %sign3A_188 = arith.constant 0 : i32
        %sign3A_189 = arith.cmpi sgt, %sub3A_185, %sign3A_188 : i32
        %sign3A_190 = arith.extui %sign3A_189 : i1 to i32
        %sign3A_191 = arith.constant 0 : i32
        %sign3A_192 = arith.cmpi slt, %sub3A_185, %sign3A_191 : i32
        %sign3A_193 = arith.extui %sign3A_192 : i1 to i32
        %sign3A_194 = arith.subi %sign3A_190, %sign3A_193 : i32
        %sign3A_195 = arith.constant 0 : i32
        %sign3A_196 = arith.cmpi sgt, %jit3A_186, %sign3A_195 : i32
        %sign3A_197 = arith.extui %sign3A_196 : i1 to i32
        %sign3A_198 = arith.constant 0 : i32
        %sign3A_199 = arith.cmpi slt, %jit3A_186, %sign3A_198 : i32
        %sign3A_200 = arith.extui %sign3A_199 : i1 to i32
        %sign3A_201 = arith.subi %sign3A_197, %sign3A_200 : i32
        %ne3A_202 = arith.cmpi ne, %sign3A_194, %sign3A_201 : i32
        %rem3A_203 = arith.remsi %sub3A_185, %jit3A_186 : i32
        %ne3A_204 = arith.constant 0 : i32
        %ne3A_205 = arith.cmpi ne, %rem3A_203, %ne3A_204 : i32
        %and3A_206 = arith.andi %ne3A_202, %ne3A_205 : i1
        %sub3A_207 = arith.constant 1 : i32
        %sub3A_208 = arith.subi %div3A_187, %sub3A_207 : i32
        %select_n3A_209 = arith.select %and3A_206, %sub3A_208, %div3A_187 : i32
        %scan3A_210 = arith.constant 0 : i32
        %scan3A_211 = arith.constant 0 : i32
        %scan3A_212 = arith.constant 10 : i32
        %scan3A_213 = arith.addi %scan3A_211, %scan3A_212 : i32
        %scan3A_214 = arith.constant 1 : i32
        %scan3A_215 = scf.for %scan3A_369 = %scan3A_211 to %scan3A_213 step %scan3A_214 iter_args(%scan3A_370 = %scan3A_210) -> (i32)  : i32 {
          %mul3A_371 = arith.constant 16 : i32
          %mul3A_372 = arith.muli %mul3A_371, %scan3A_369 : i32
          %add3A_373 = arith.addi %squeeze3A_170, %mul3A_372 : i32
          %get3A_374 = arith.index_cast %add3A_373 : i32 to index
          %get3A_375 = tpu.vector_load %arg8[%get3A_374] {strides = array<i32>} : memref<3360xi32, #tpu.memory_space<vmem>>, vector<16xi32>,
          %add3A_376 = vector.broadcast %mul3A_94 : i32 to vector<16xi32>
          %add3A_377 = arith.addi %get3A_375, %add3A_376 : vector<16xi32>
          %mul3A_378 = arith.constant 16 : i32
          %mul3A_379 = arith.muli %mul3A_378, %scan3A_369 : i32
          %swap3A = arith.index_cast %mul3A_379 : i32 to index
          %swap3A_380 = tpu.vector_load %arg10[%swap3A] {strides = array<i32>} : memref<160xi32, #tpu.memory_space<vmem>>, vector<16xi32>,
          tpu.vector_store %arg10[%swap3A], %add3A_377 {strides = array<i32>} : memref<160xi32, #tpu.memory_space<vmem>>, vector<16xi32>,
          %scan3A_381 = arith.constant 0 : i32
          scf.yield %scan3A_381 : i32
        }
        %scan3A_216 = arith.constant 10 : i32
        %while3A_217 = arith.constant 0 : i32
        %while3A_218 = arith.constant 0 : i32
        %while3A_219 = arith.subi %select_n3A_209, %while3A_217 : i32
        %while3A_220 = arith.addi %while3A_217, %while3A_219 : i32
        %while3A_221 = arith.constant 1 : i32
        %while3A_222 = arith.divsi %while3A_219, %while3A_221 : i32
        %while3A_223 = arith.muli %while3A_222, %while3A_221 : i32
        %while3A_224 = arith.addi %while3A_217, %while3A_223 : i32
        %while3A_225 = arith.constant 1 : i32
        %while3A_226 = scf.for %while3A_369 = %while3A_217 to %while3A_224 step %while3A_225 iter_args(%while3A_370 = %while3A_218) -> (i32)  : i32 {
          %mul3A_371 = arith.constant 80 : i32
          %mul3A_372 = arith.muli %mul3A_371, %while3A_369 : i32
          %mul3A_373 = arith.constant 80 : i32
          %mul3A_374 = arith.muli %mul3A_373, %while3A_369 : i32
          %dma_start3A = arith.constant 0 : i32
          %dma_start3A_375 = tpu.memref_slice %arg16[%mul3A_374, %dma_start3A] : memref<160x128xi32, #tpu.memory_space<vmem>> -> memref<80x128xi32, #tpu.memory_space<vmem>>
          %dma_start3A_376 = tpu.memref_slice %arg10[%mul3A_372] : memref<160xi32, #tpu.memory_space<vmem>> -> memref<80xi32, #tpu.memory_space<vmem>>
          %dma_start3A_377 = arith.constant 0 : i32
          %dma_start3A_378 = arith.constant 0 : i32
          %dma_start3A_379 = tpu.memref_slice %arg2[%dma_start3A_377, %dma_start3A_378] : memref<320000x128xi32, #tpu.memory_space<hbm>> -> memref<320000x128xi32, #tpu.memory_space<hbm>>
          tpu.enqueue_indirect_dma source(%dma_start3A_379 : memref<320000x128xi32, #tpu.memory_space<hbm>>) target(%dma_start3A_375 : memref<80x128xi32, #tpu.memory_space<vmem>>) offsets(%dma_start3A_376 : memref<80xi32, #tpu.memory_space<vmem>>) semaphore(%arg18 : memref<!tpu.dma_semaphore, #tpu.memory_space<semaphore_mem>>)
          %while3A_380 = arith.constant 0 : i32
          scf.yield %while3A_380 : i32
        }
        %while3A_227 = arith.constant 1 : i32
        %while3A_228 = scf.for %while3A_369 = %while3A_224 to %while3A_220 step %while3A_227 iter_args(%while3A_370 = %while3A_226) -> (i32)  : i32 {
          %mul3A_371 = arith.constant 80 : i32
          %mul3A_372 = arith.muli %mul3A_371, %while3A_369 : i32
          %mul3A_373 = arith.constant 80 : i32
          %mul3A_374 = arith.muli %mul3A_373, %while3A_369 : i32
          %dma_start3A = arith.constant 0 : i32
          %dma_start3A_375 = tpu.memref_slice %arg16[%mul3A_374, %dma_start3A] : memref<160x128xi32, #tpu.memory_space<vmem>> -> memref<80x128xi32, #tpu.memory_space<vmem>>
          %dma_start3A_376 = tpu.memref_slice %arg10[%mul3A_372] : memref<160xi32, #tpu.memory_space<vmem>> -> memref<80xi32, #tpu.memory_space<vmem>>
          %dma_start3A_377 = arith.constant 0 : i32
          %dma_start3A_378 = arith.constant 0 : i32
          %dma_start3A_379 = tpu.memref_slice %arg2[%dma_start3A_377, %dma_start3A_378] : memref<320000x128xi32, #tpu.memory_space<hbm>> -> memref<320000x128xi32, #tpu.memory_space<hbm>>
          tpu.enqueue_indirect_dma source(%dma_start3A_379 : memref<320000x128xi32, #tpu.memory_space<hbm>>) target(%dma_start3A_375 : memref<80x128xi32, #tpu.memory_space<vmem>>) offsets(%dma_start3A_376 : memref<80xi32, #tpu.memory_space<vmem>>) semaphore(%arg18 : memref<!tpu.dma_semaphore, #tpu.memory_space<semaphore_mem>>)
          %while3A_380 = arith.constant 0 : i32
          scf.yield %while3A_380 : i32
        }
        %mul3A_229 = arith.constant 10 : i32
        %mul3A_230 = arith.muli %mul3A_162, %mul3A_229 : i32
        %get3A_231 = arith.index_cast %mul3A_230 : i32 to index
        %get3A_232 = tpu.vector_load %arg12[%get3A_231] {strides = array<i32>} : memref<336xi32, #tpu.memory_space<vmem>>, vector<16xi32>,
        %slice3A_233 = vector.extract_strided_slice %get3A_232 {offsets = [0], sizes = [1], strides = [1]} : vector<16xi32> to vector<1xi32>
        %squeeze3A_234 = vector.extract %slice3A_233[0] : i32 from vector<1xi32>
        %mul3A_235 = arith.constant 10 : i32
        %mul3A_236 = arith.muli %mul3A_162, %mul3A_235 : i32
        %add3A_237 = arith.constant 10 : i32
        %add3A_238 = arith.addi %mul3A_236, %add3A_237 : i32
        %get3A_239 = arith.index_cast %add3A_238 : i32 to index
        %get3A_240 = tpu.vector_load %arg12[%get3A_239] {strides = array<i32>} : memref<336xi32, #tpu.memory_space<vmem>>, vector<16xi32>,
        %slice3A_241 = vector.extract_strided_slice %get3A_240 {offsets = [0], sizes = [1], strides = [1]} : vector<16xi32> to vector<1xi32>
        %squeeze3A_242 = vector.extract %slice3A_241[0] : i32 from vector<1xi32>
        %sub3A_243 = arith.subi %squeeze3A_242, %squeeze3A_234 : i32
        %min3A_244 = arith.constant 160 : i32
        %min3A_245 = arith.minsi %sub3A_243, %min3A_244 : i32
        %add3A_246 = arith.constant 80 : i32
        %add3A_247 = arith.addi %min3A_245, %add3A_246 : i32
        %sub3A_248 = arith.constant 1 : i32
        %sub3A_249 = arith.subi %add3A_247, %sub3A_248 : i32
        %jit3A_250 = arith.constant 80 : i32
        %div3A_251 = arith.divsi %sub3A_249, %jit3A_250 : i32
        %sign3A_252 = arith.constant 0 : i32
        %sign3A_253 = arith.cmpi sgt, %sub3A_249, %sign3A_252 : i32
        %sign3A_254 = arith.extui %sign3A_253 : i1 to i32
        %sign3A_255 = arith.constant 0 : i32
        %sign3A_256 = arith.cmpi slt, %sub3A_249, %sign3A_255 : i32
        %sign3A_257 = arith.extui %sign3A_256 : i1 to i32
        %sign3A_258 = arith.subi %sign3A_254, %sign3A_257 : i32
        %sign3A_259 = arith.constant 0 : i32
        %sign3A_260 = arith.cmpi sgt, %jit3A_250, %sign3A_259 : i32
        %sign3A_261 = arith.extui %sign3A_260 : i1 to i32
        %sign3A_262 = arith.constant 0 : i32
        %sign3A_263 = arith.cmpi slt, %jit3A_250, %sign3A_262 : i32
        %sign3A_264 = arith.extui %sign3A_263 : i1 to i32
        %sign3A_265 = arith.subi %sign3A_261, %sign3A_264 : i32
        %ne3A_266 = arith.cmpi ne, %sign3A_258, %sign3A_265 : i32
        %rem3A_267 = arith.remsi %sub3A_249, %jit3A_250 : i32
        %ne3A_268 = arith.constant 0 : i32
        %ne3A_269 = arith.cmpi ne, %rem3A_267, %ne3A_268 : i32
        %and3A_270 = arith.andi %ne3A_266, %ne3A_269 : i1
        %sub3A_271 = arith.constant 1 : i32
        %sub3A_272 = arith.subi %div3A_251, %sub3A_271 : i32
        %select_n3A_273 = arith.select %and3A_270, %sub3A_272, %div3A_251 : i32
        %while3A_274 = arith.constant 0 : i32
        %while3A_275 = arith.constant 0 : i32
        %while3A_276 = arith.subi %select_n3A_273, %while3A_274 : i32
        %while3A_277 = arith.addi %while3A_274, %while3A_276 : i32
        %while3A_278 = arith.constant 1 : i32
        %while3A_279 = arith.divsi %while3A_276, %while3A_278 : i32
        %while3A_280 = arith.muli %while3A_279, %while3A_278 : i32
        %while3A_281 = arith.addi %while3A_274, %while3A_280 : i32
        %while3A_282 = arith.constant 1 : i32
        %while3A_283 = scf.for %while3A_369 = %while3A_274 to %while3A_281 step %while3A_282 iter_args(%while3A_370 = %while3A_275) -> (i32)  : i32 {
          %dma_wait3A = arith.constant 0 : i32
          %dma_wait3A_371 = arith.constant 0 : i32
          %dma_wait3A_372 = tpu.memref_slice %arg15[%dma_wait3A, %dma_wait3A_371] : memref<160x128xi32, #tpu.memory_space<vmem>> -> memref<80x128xi32, #tpu.memory_space<vmem>>
          %dma_wait3A_373 = arith.constant 0 : i32
          %dma_wait3A_374 = arith.constant 0 : i32
          %dma_wait3A_375 = tpu.memref_slice %arg2[%dma_wait3A_373, %dma_wait3A_374] : memref<320000x128xi32, #tpu.memory_space<hbm>> -> memref<80x128xi32, #tpu.memory_space<hbm>>
          %dma_wait3A_376 = arith.constant 0 : i32
          %dma_wait3A_377 = arith.constant 0 : i32
          %dma_wait3A_378 = tpu.memref_slice %arg15[%dma_wait3A_376, %dma_wait3A_377] : memref<160x128xi32, #tpu.memory_space<vmem>> -> memref<80x128xi32, #tpu.memory_space<vmem>>
          %dma_wait3A_379 = arith.constant 0 : i32
          %dma_wait3A_380 = arith.constant 0 : i32
          %dma_wait3A_381 = tpu.memref_slice %arg2[%dma_wait3A_379, %dma_wait3A_380] : memref<320000x128xi32, #tpu.memory_space<hbm>> -> memref<80x128xi32, #tpu.memory_space<hbm>>
          tpu.wait_dma2 semaphore(%arg17 : memref<!tpu.dma_semaphore, #tpu.memory_space<semaphore_mem>>) src(%dma_wait3A_381 : memref<80x128xi32, #tpu.memory_space<hbm>>) dst(%dma_wait3A_378 : memref<80x128xi32, #tpu.memory_space<vmem>>)
          %while3A_382 = arith.constant 0 : i32
          scf.yield %while3A_382 : i32
        }
        %while3A_284 = arith.constant 1 : i32
        %while3A_285 = scf.for %while3A_369 = %while3A_281 to %while3A_277 step %while3A_284 iter_args(%while3A_370 = %while3A_283) -> (i32)  : i32 {
          %dma_wait3A = arith.constant 0 : i32
          %dma_wait3A_371 = arith.constant 0 : i32
          %dma_wait3A_372 = tpu.memref_slice %arg15[%dma_wait3A, %dma_wait3A_371] : memref<160x128xi32, #tpu.memory_space<vmem>> -> memref<80x128xi32, #tpu.memory_space<vmem>>
          %dma_wait3A_373 = arith.constant 0 : i32
          %dma_wait3A_374 = arith.constant 0 : i32
          %dma_wait3A_375 = tpu.memref_slice %arg2[%dma_wait3A_373, %dma_wait3A_374] : memref<320000x128xi32, #tpu.memory_space<hbm>> -> memref<80x128xi32, #tpu.memory_space<hbm>>
          %dma_wait3A_376 = arith.constant 0 : i32
          %dma_wait3A_377 = arith.constant 0 : i32
          %dma_wait3A_378 = tpu.memref_slice %arg15[%dma_wait3A_376, %dma_wait3A_377] : memref<160x128xi32, #tpu.memory_space<vmem>> -> memref<80x128xi32, #tpu.memory_space<vmem>>
          %dma_wait3A_379 = arith.constant 0 : i32
          %dma_wait3A_380 = arith.constant 0 : i32
          %dma_wait3A_381 = tpu.memref_slice %arg2[%dma_wait3A_379, %dma_wait3A_380] : memref<320000x128xi32, #tpu.memory_space<hbm>> -> memref<80x128xi32, #tpu.memory_space<hbm>>
          tpu.wait_dma2 semaphore(%arg17 : memref<!tpu.dma_semaphore, #tpu.memory_space<semaphore_mem>>) src(%dma_wait3A_381 : memref<80x128xi32, #tpu.memory_space<hbm>>) dst(%dma_wait3A_378 : memref<80x128xi32, #tpu.memory_space<vmem>>)
          %while3A_382 = arith.constant 0 : i32
          scf.yield %while3A_382 : i32
        }
        %mul3A_286 = arith.constant 10 : i32
        %mul3A_287 = arith.muli %mul3A_162, %mul3A_286 : i32
        %get3A_288 = arith.index_cast %mul3A_287 : i32 to index
        %get3A_289 = tpu.vector_load %arg12[%get3A_288] {strides = array<i32>} : memref<336xi32, #tpu.memory_space<vmem>>, vector<16xi32>,
        %slice3A_290 = vector.extract_strided_slice %get3A_289 {offsets = [0], sizes = [1], strides = [1]} : vector<16xi32> to vector<1xi32>
        %squeeze3A_291 = vector.extract %slice3A_290[0] : i32 from vector<1xi32>
        %parallel_loop3A = arith.constant 0 : i32
        %parallel_loop3A_292 = arith.constant 10 : i32
        %parallel_loop3A_293 = arith.constant 1 : i32
        scf.for %parallel_loop3A_369 = %parallel_loop3A to %parallel_loop3A_292 step %parallel_loop3A_293  : i32 {
          %parallel_loop3A_370 = arith.constant 10 : i32
          %parallel_loop3A_371 = arith.muli %mul3A_162, %parallel_loop3A_370 : i32
          %parallel_loop3A_372 = arith.addi %parallel_loop3A_371, %parallel_loop3A_369 : i32
          %parallel_loop3A_373 = arith.index_cast %parallel_loop3A_372 : i32 to index
          %parallel_loop3A_374 = tpu.vector_load %arg11[%parallel_loop3A_373] {strides = array<i32>} : memref<336xi32, #tpu.memory_space<vmem>>, vector<16xi32>,
          %parallel_loop3A_375 = vector.extract_strided_slice %parallel_loop3A_374 {offsets = [0], sizes = [1], strides = [1]} : vector<16xi32> to vector<1xi32>
          %parallel_loop3A_376 = vector.extract %parallel_loop3A_375[0] : i32 from vector<1xi32>
          %parallel_loop3A_377 = arith.index_cast %parallel_loop3A_372 : i32 to index
          %parallel_loop3A_378 = tpu.vector_load %arg12[%parallel_loop3A_377] {strides = array<i32>} : memref<336xi32, #tpu.memory_space<vmem>>, vector<16xi32>,
          %parallel_loop3A_379 = vector.extract_strided_slice %parallel_loop3A_378 {offsets = [0], sizes = [1], strides = [1]} : vector<16xi32> to vector<1xi32>
          %parallel_loop3A_380 = vector.extract %parallel_loop3A_379[0] : i32 from vector<1xi32>
          %parallel_loop3A_381 = arith.subi %parallel_loop3A_380, %squeeze3A_291 : i32
          %parallel_loop3A_382 = arith.constant 159 : i32
          %parallel_loop3A_383 = arith.minsi %parallel_loop3A_381, %parallel_loop3A_382 : i32
          %parallel_loop3A_384 = arith.addi %parallel_loop3A_381, %parallel_loop3A_376 : i32
          %parallel_loop3A_385 = arith.constant 160 : i32
          %parallel_loop3A_386 = arith.minsi %parallel_loop3A_384, %parallel_loop3A_385 : i32
          %parallel_loop3A_387 = arith.constant 1 : i32
          %parallel_loop3A_388:8 = scf.for %parallel_loop3A_421 = %parallel_loop3A_383 to %parallel_loop3A_386 step %parallel_loop3A_387 iter_args(%parallel_loop3A_422 = %broadcast_in_dim3A_83, %parallel_loop3A_423 = %broadcast_in_dim3A_83, %parallel_loop3A_424 = %broadcast_in_dim3A_83, %parallel_loop3A_425 = %broadcast_in_dim3A_83, %parallel_loop3A_426 = %broadcast_in_dim3A_83, %parallel_loop3A_427 = %broadcast_in_dim3A_83, %parallel_loop3A_428 = %broadcast_in_dim3A_83, %parallel_loop3A_429 = %broadcast_in_dim3A_83) -> (vector<32xbf16>, vector<32xbf16>, vector<32xbf16>, vector<32xbf16>, vector<32xbf16>, vector<32xbf16>, vector<32xbf16>, vector<32xbf16>)  : i32 {
            %parallel_loop3A_430 = arith.index_cast %parallel_loop3A_421 : i32 to index
            %parallel_loop3A_431 = arith.constant 0 : index
            %parallel_loop3A_432 = tpu.vector_load %arg15[%parallel_loop3A_430, %parallel_loop3A_431] {strides = array<i32>} : memref<160x128xi32, #tpu.memory_space<vmem>>, vector<16xi32>,
            %parallel_loop3A_433 = vector.bitcast %parallel_loop3A_432 : vector<16xi32> to vector<32xbf16>
            %parallel_loop3A_434 = arith.maximumf %parallel_loop3A_422, %parallel_loop3A_433 : vector<32xbf16>
            %parallel_loop3A_435 = arith.index_cast %parallel_loop3A_421 : i32 to index
            %parallel_loop3A_436 = arith.constant 16 : index
            %parallel_loop3A_437 = tpu.vector_load %arg15[%parallel_loop3A_435, %parallel_loop3A_436] {strides = array<i32>} : memref<160x128xi32, #tpu.memory_space<vmem>>, vector<16xi32>,
            %parallel_loop3A_438 = vector.bitcast %parallel_loop3A_437 : vector<16xi32> to vector<32xbf16>
            %parallel_loop3A_439 = arith.maximumf %parallel_loop3A_423, %parallel_loop3A_438 : vector<32xbf16>
            %parallel_loop3A_440 = arith.index_cast %parallel_loop3A_421 : i32 to index
            %parallel_loop3A_441 = arith.constant 32 : index
            %parallel_loop3A_442 = tpu.vector_load %arg15[%parallel_loop3A_440, %parallel_loop3A_441] {strides = array<i32>} : memref<160x128xi32, #tpu.memory_space<vmem>>, vector<16xi32>,
            %parallel_loop3A_443 = vector.bitcast %parallel_loop3A_442 : vector<16xi32> to vector<32xbf16>
            %parallel_loop3A_444 = arith.maximumf %parallel_loop3A_424, %parallel_loop3A_443 : vector<32xbf16>
            %parallel_loop3A_445 = arith.index_cast %parallel_loop3A_421 : i32 to index
            %parallel_loop3A_446 = arith.constant 48 : index
            %parallel_loop3A_447 = tpu.vector_load %arg15[%parallel_loop3A_445, %parallel_loop3A_446] {strides = array<i32>} : memref<160x128xi32, #tpu.memory_space<vmem>>, vector<16xi32>,
            %parallel_loop3A_448 = vector.bitcast %parallel_loop3A_447 : vector<16xi32> to vector<32xbf16>
            %parallel_loop3A_449 = arith.maximumf %parallel_loop3A_425, %parallel_loop3A_448 : vector<32xbf16>
            %parallel_loop3A_450 = arith.index_cast %parallel_loop3A_421 : i32 to index
            %parallel_loop3A_451 = arith.constant 64 : index
            %parallel_loop3A_452 = tpu.vector_load %arg15[%parallel_loop3A_450, %parallel_loop3A_451] {strides = array<i32>} : memref<160x128xi32, #tpu.memory_space<vmem>>, vector<16xi32>,
            %parallel_loop3A_453 = vector.bitcast %parallel_loop3A_452 : vector<16xi32> to vector<32xbf16>
            %parallel_loop3A_454 = arith.maximumf %parallel_loop3A_426, %parallel_loop3A_453 : vector<32xbf16>
            %parallel_loop3A_455 = arith.index_cast %parallel_loop3A_421 : i32 to index
            %parallel_loop3A_456 = arith.constant 80 : index
            %parallel_loop3A_457 = tpu.vector_load %arg15[%parallel_loop3A_455, %parallel_loop3A_456] {strides = array<i32>} : memref<160x128xi32, #tpu.memory_space<vmem>>, vector<16xi32>,
            %parallel_loop3A_458 = vector.bitcast %parallel_loop3A_457 : vector<16xi32> to vector<32xbf16>
            %parallel_loop3A_459 = arith.maximumf %parallel_loop3A_427, %parallel_loop3A_458 : vector<32xbf16>
            %parallel_loop3A_460 = arith.index_cast %parallel_loop3A_421 : i32 to index
            %parallel_loop3A_461 = arith.constant 96 : index
            %parallel_loop3A_462 = tpu.vector_load %arg15[%parallel_loop3A_460, %parallel_loop3A_461] {strides = array<i32>} : memref<160x128xi32, #tpu.memory_space<vmem>>, vector<16xi32>,
            %parallel_loop3A_463 = vector.bitcast %parallel_loop3A_462 : vector<16xi32> to vector<32xbf16>
            %parallel_loop3A_464 = arith.maximumf %parallel_loop3A_428, %parallel_loop3A_463 : vector<32xbf16>
            %parallel_loop3A_465 = arith.index_cast %parallel_loop3A_421 : i32 to index
            %parallel_loop3A_466 = arith.constant 112 : index
            %parallel_loop3A_467 = tpu.vector_load %arg15[%parallel_loop3A_465, %parallel_loop3A_466] {strides = array<i32>} : memref<160x128xi32, #tpu.memory_space<vmem>>, vector<16xi32>,
            %parallel_loop3A_468 = vector.bitcast %parallel_loop3A_467 : vector<16xi32> to vector<32xbf16>
            %parallel_loop3A_469 = arith.maximumf %parallel_loop3A_429, %parallel_loop3A_468 : vector<32xbf16>
            scf.yield %parallel_loop3A_434, %parallel_loop3A_439, %parallel_loop3A_444, %parallel_loop3A_449, %parallel_loop3A_454, %parallel_loop3A_459, %parallel_loop3A_464, %parallel_loop3A_469 : vector<32xbf16>, vector<32xbf16>, vector<32xbf16>, vector<32xbf16>, vector<32xbf16>, vector<32xbf16>, vector<32xbf16>, vector<32xbf16>
          } {sc.loop_unroll_factor = 2 : i64, sc.parallel_access}
          %parallel_loop3A_389 = vector.bitcast %parallel_loop3A_388#0 : vector<32xbf16> to vector<16xi32>
          %parallel_loop3A_390 = arith.index_cast %parallel_loop3A_372 : i32 to index
          %parallel_loop3A_391 = arith.constant 0 : index
          %parallel_loop3A_392 = tpu.vector_load %arg14[%parallel_loop3A_390, %parallel_loop3A_391] {strides = array<i32>} : memref<320x128xi32, #tpu.memory_space<vmem>>, vector<16xi32>,
          tpu.vector_store %arg14[%parallel_loop3A_390, %parallel_loop3A_391], %parallel_loop3A_389 {strides = array<i32>} : memref<320x128xi32, #tpu.memory_space<vmem>>, vector<16xi32>,
          %parallel_loop3A_393 = vector.bitcast %parallel_loop3A_388#1 : vector<32xbf16> to vector<16xi32>
          %parallel_loop3A_394 = arith.index_cast %parallel_loop3A_372 : i32 to index
          %parallel_loop3A_395 = arith.constant 16 : index
          %parallel_loop3A_396 = tpu.vector_load %arg14[%parallel_loop3A_394, %parallel_loop3A_395] {strides = array<i32>} : memref<320x128xi32, #tpu.memory_space<vmem>>, vector<16xi32>,
          tpu.vector_store %arg14[%parallel_loop3A_394, %parallel_loop3A_395], %parallel_loop3A_393 {strides = array<i32>} : memref<320x128xi32, #tpu.memory_space<vmem>>, vector<16xi32>,
          %parallel_loop3A_397 = vector.bitcast %parallel_loop3A_388#2 : vector<32xbf16> to vector<16xi32>
          %parallel_loop3A_398 = arith.index_cast %parallel_loop3A_372 : i32 to index
          %parallel_loop3A_399 = arith.constant 32 : index
          %parallel_loop3A_400 = tpu.vector_load %arg14[%parallel_loop3A_398, %parallel_loop3A_399] {strides = array<i32>} : memref<320x128xi32, #tpu.memory_space<vmem>>, vector<16xi32>,
          tpu.vector_store %arg14[%parallel_loop3A_398, %parallel_loop3A_399], %parallel_loop3A_397 {strides = array<i32>} : memref<320x128xi32, #tpu.memory_space<vmem>>, vector<16xi32>,
          %parallel_loop3A_401 = vector.bitcast %parallel_loop3A_388#3 : vector<32xbf16> to vector<16xi32>
          %parallel_loop3A_402 = arith.index_cast %parallel_loop3A_372 : i32 to index
          %parallel_loop3A_403 = arith.constant 48 : index
          %parallel_loop3A_404 = tpu.vector_load %arg14[%parallel_loop3A_402, %parallel_loop3A_403] {strides = array<i32>} : memref<320x128xi32, #tpu.memory_space<vmem>>, vector<16xi32>,
          tpu.vector_store %arg14[%parallel_loop3A_402, %parallel_loop3A_403], %parallel_loop3A_401 {strides = array<i32>} : memref<320x128xi32, #tpu.memory_space<vmem>>, vector<16xi32>,
          %parallel_loop3A_405 = vector.bitcast %parallel_loop3A_388#4 : vector<32xbf16> to vector<16xi32>
          %parallel_loop3A_406 = arith.index_cast %parallel_loop3A_372 : i32 to index
          %parallel_loop3A_407 = arith.constant 64 : index
          %parallel_loop3A_408 = tpu.vector_load %arg14[%parallel_loop3A_406, %parallel_loop3A_407] {strides = array<i32>} : memref<320x128xi32, #tpu.memory_space<vmem>>, vector<16xi32>,
          tpu.vector_store %arg14[%parallel_loop3A_406, %parallel_loop3A_407], %parallel_loop3A_405 {strides = array<i32>} : memref<320x128xi32, #tpu.memory_space<vmem>>, vector<16xi32>,
          %parallel_loop3A_409 = vector.bitcast %parallel_loop3A_388#5 : vector<32xbf16> to vector<16xi32>
          %parallel_loop3A_410 = arith.index_cast %parallel_loop3A_372 : i32 to index
          %parallel_loop3A_411 = arith.constant 80 : index
          %parallel_loop3A_412 = tpu.vector_load %arg14[%parallel_loop3A_410, %parallel_loop3A_411] {strides = array<i32>} : memref<320x128xi32, #tpu.memory_space<vmem>>, vector<16xi32>,
          tpu.vector_store %arg14[%parallel_loop3A_410, %parallel_loop3A_411], %parallel_loop3A_409 {strides = array<i32>} : memref<320x128xi32, #tpu.memory_space<vmem>>, vector<16xi32>,
          %parallel_loop3A_413 = vector.bitcast %parallel_loop3A_388#6 : vector<32xbf16> to vector<16xi32>
          %parallel_loop3A_414 = arith.index_cast %parallel_loop3A_372 : i32 to index
          %parallel_loop3A_415 = arith.constant 96 : index
          %parallel_loop3A_416 = tpu.vector_load %arg14[%parallel_loop3A_414, %parallel_loop3A_415] {strides = array<i32>} : memref<320x128xi32, #tpu.memory_space<vmem>>, vector<16xi32>,
          tpu.vector_store %arg14[%parallel_loop3A_414, %parallel_loop3A_415], %parallel_loop3A_413 {strides = array<i32>} : memref<320x128xi32, #tpu.memory_space<vmem>>, vector<16xi32>,
          %parallel_loop3A_417 = vector.bitcast %parallel_loop3A_388#7 : vector<32xbf16> to vector<16xi32>
          %parallel_loop3A_418 = arith.index_cast %parallel_loop3A_372 : i32 to index
          %parallel_loop3A_419 = arith.constant 112 : index
          %parallel_loop3A_420 = tpu.vector_load %arg14[%parallel_loop3A_418, %parallel_loop3A_419] {strides = array<i32>} : memref<320x128xi32, #tpu.memory_space<vmem>>, vector<16xi32>,
          tpu.vector_store %arg14[%parallel_loop3A_418, %parallel_loop3A_419], %parallel_loop3A_417 {strides = array<i32>} : memref<320x128xi32, #tpu.memory_space<vmem>>, vector<16xi32>,
        } {sc.loop_unroll_factor = 1 : i64, sc.parallel_access}
        %add3A_294 = arith.constant 2 : i32
        %add3A_295 = arith.addi %mul3A_162, %add3A_294 : i32
        %lt3A = arith.constant 32 : i32
        %lt3A_296 = arith.cmpi slt, %add3A_295, %lt3A : i32
        %convert_element_type3A = arith.extui %lt3A_296 : i1 to i32
        %cond3A = arith.constant 0 : i32
        %cond3A_297 = arith.cmpi ne, %convert_element_type3A, %cond3A : i32
        scf.if %cond3A_297 {
          %add3A_369 = arith.constant 2 : i32
          %add3A_370 = arith.addi %mul3A_162, %add3A_369 : i32
          %mul3A_371 = arith.constant 10 : i32
          %mul3A_372 = arith.muli %add3A_370, %mul3A_371 : i32
          %get3A_373 = arith.index_cast %mul3A_372 : i32 to index
          %get3A_374 = tpu.vector_load %arg12[%get3A_373] {strides = array<i32>} : memref<336xi32, #tpu.memory_space<vmem>>, vector<16xi32>,
          %slice3A_375 = vector.extract_strided_slice %get3A_374 {offsets = [0], sizes = [1], strides = [1]} : vector<16xi32> to vector<1xi32>
          %squeeze3A_376 = vector.extract %slice3A_375[0] : i32 from vector<1xi32>
          %mul3A_377 = arith.constant 10 : i32
          %mul3A_378 = arith.muli %add3A_370, %mul3A_377 : i32
          %add3A_379 = arith.constant 10 : i32
          %add3A_380 = arith.addi %mul3A_378, %add3A_379 : i32
          %get3A_381 = arith.index_cast %add3A_380 : i32 to index
          %get3A_382 = tpu.vector_load %arg12[%get3A_381] {strides = array<i32>} : memref<336xi32, #tpu.memory_space<vmem>>, vector<16xi32>,
          %slice3A_383 = vector.extract_strided_slice %get3A_382 {offsets = [0], sizes = [1], strides = [1]} : vector<16xi32> to vector<1xi32>
          %squeeze3A_384 = vector.extract %slice3A_383[0] : i32 from vector<1xi32>
          %sub3A_385 = arith.subi %squeeze3A_384, %squeeze3A_376 : i32
          %min3A_386 = arith.constant 160 : i32
          %min3A_387 = arith.minsi %sub3A_385, %min3A_386 : i32
          %add3A_388 = arith.constant 80 : i32
          %add3A_389 = arith.addi %min3A_387, %add3A_388 : i32
          %sub3A_390 = arith.constant 1 : i32
          %sub3A_391 = arith.subi %add3A_389, %sub3A_390 : i32
          %jit3A_392 = arith.constant 80 : i32
          %div3A_393 = arith.divsi %sub3A_391, %jit3A_392 : i32
          %sign3A_394 = arith.constant 0 : i32
          %sign3A_395 = arith.cmpi sgt, %sub3A_391, %sign3A_394 : i32
          %sign3A_396 = arith.extui %sign3A_395 : i1 to i32
          %sign3A_397 = arith.constant 0 : i32
          %sign3A_398 = arith.cmpi slt, %sub3A_391, %sign3A_397 : i32
          %sign3A_399 = arith.extui %sign3A_398 : i1 to i32
          %sign3A_400 = arith.subi %sign3A_396, %sign3A_399 : i32
          %sign3A_401 = arith.constant 0 : i32
          %sign3A_402 = arith.cmpi sgt, %jit3A_392, %sign3A_401 : i32
          %sign3A_403 = arith.extui %sign3A_402 : i1 to i32
          %sign3A_404 = arith.constant 0 : i32
          %sign3A_405 = arith.cmpi slt, %jit3A_392, %sign3A_404 : i32
          %sign3A_406 = arith.extui %sign3A_405 : i1 to i32
          %sign3A_407 = arith.subi %sign3A_403, %sign3A_406 : i32
          %ne3A_408 = arith.cmpi ne, %sign3A_400, %sign3A_407 : i32
          %rem3A_409 = arith.remsi %sub3A_391, %jit3A_392 : i32
          %ne3A_410 = arith.constant 0 : i32
          %ne3A_411 = arith.cmpi ne, %rem3A_409, %ne3A_410 : i32
          %and3A_412 = arith.andi %ne3A_408, %ne3A_411 : i1
          %sub3A_413 = arith.constant 1 : i32
          %sub3A_414 = arith.subi %div3A_393, %sub3A_413 : i32
          %select_n3A_415 = arith.select %and3A_412, %sub3A_414, %div3A_393 : i32
          %scan3A_416 = arith.constant 0 : i32
          %scan3A_417 = arith.constant 0 : i32
          %scan3A_418 = arith.constant 10 : i32
          %scan3A_419 = arith.addi %scan3A_417, %scan3A_418 : i32
          %scan3A_420 = arith.constant 1 : i32
          %scan3A_421 = scf.for %scan3A_435 = %scan3A_417 to %scan3A_419 step %scan3A_420 iter_args(%scan3A_436 = %scan3A_416) -> (i32)  : i32 {
            %mul3A_437 = arith.constant 16 : i32
            %mul3A_438 = arith.muli %mul3A_437, %scan3A_435 : i32
            %add3A_439 = arith.addi %squeeze3A_376, %mul3A_438 : i32
            %get3A_440 = arith.index_cast %add3A_439 : i32 to index
            %get3A_441 = tpu.vector_load %arg8[%get3A_440] {strides = array<i32>} : memref<3360xi32, #tpu.memory_space<vmem>>, vector<16xi32>,
            %add3A_442 = vector.broadcast %mul3A_94 : i32 to vector<16xi32>
            %add3A_443 = arith.addi %get3A_441, %add3A_442 : vector<16xi32>
            %mul3A_444 = arith.constant 16 : i32
            %mul3A_445 = arith.muli %mul3A_444, %scan3A_435 : i32
            %swap3A = arith.index_cast %mul3A_445 : i32 to index
            %swap3A_446 = tpu.vector_load %arg9[%swap3A] {strides = array<i32>} : memref<160xi32, #tpu.memory_space<vmem>>, vector<16xi32>,
            tpu.vector_store %arg9[%swap3A], %add3A_443 {strides = array<i32>} : memref<160xi32, #tpu.memory_space<vmem>>, vector<16xi32>,
            %scan3A_447 = arith.constant 0 : i32
            scf.yield %scan3A_447 : i32
          }
          %scan3A_422 = arith.constant 10 : i32
          %while3A_423 = arith.constant 0 : i32
          %while3A_424 = arith.constant 0 : i32
          %while3A_425 = arith.subi %select_n3A_415, %while3A_423 : i32
          %while3A_426 = arith.addi %while3A_423, %while3A_425 : i32
          %while3A_427 = arith.constant 1 : i32
          %while3A_428 = arith.divsi %while3A_425, %while3A_427 : i32
          %while3A_429 = arith.muli %while3A_428, %while3A_427 : i32
          %while3A_430 = arith.addi %while3A_423, %while3A_429 : i32
          %while3A_431 = arith.constant 1 : i32
          %while3A_432 = scf.for %while3A_435 = %while3A_423 to %while3A_430 step %while3A_431 iter_args(%while3A_436 = %while3A_424) -> (i32)  : i32 {
            %mul3A_437 = arith.constant 80 : i32
            %mul3A_438 = arith.muli %mul3A_437, %while3A_435 : i32
            %mul3A_439 = arith.constant 80 : i32
            %mul3A_440 = arith.muli %mul3A_439, %while3A_435 : i32
            %dma_start3A = arith.constant 0 : i32
            %dma_start3A_441 = tpu.memref_slice %arg15[%mul3A_440, %dma_start3A] : memref<160x128xi32, #tpu.memory_space<vmem>> -> memref<80x128xi32, #tpu.memory_space<vmem>>
            %dma_start3A_442 = tpu.memref_slice %arg9[%mul3A_438] : memref<160xi32, #tpu.memory_space<vmem>> -> memref<80xi32, #tpu.memory_space<vmem>>
            %dma_start3A_443 = arith.constant 0 : i32
            %dma_start3A_444 = arith.constant 0 : i32
            %dma_start3A_445 = tpu.memref_slice %arg2[%dma_start3A_443, %dma_start3A_444] : memref<320000x128xi32, #tpu.memory_space<hbm>> -> memref<320000x128xi32, #tpu.memory_space<hbm>>
            tpu.enqueue_indirect_dma source(%dma_start3A_445 : memref<320000x128xi32, #tpu.memory_space<hbm>>) target(%dma_start3A_441 : memref<80x128xi32, #tpu.memory_space<vmem>>) offsets(%dma_start3A_442 : memref<80xi32, #tpu.memory_space<vmem>>) semaphore(%arg17 : memref<!tpu.dma_semaphore, #tpu.memory_space<semaphore_mem>>)
            %while3A_446 = arith.constant 0 : i32
            scf.yield %while3A_446 : i32
          }
          %while3A_433 = arith.constant 1 : i32
          %while3A_434 = scf.for %while3A_435 = %while3A_430 to %while3A_426 step %while3A_433 iter_args(%while3A_436 = %while3A_432) -> (i32)  : i32 {
            %mul3A_437 = arith.constant 80 : i32
            %mul3A_438 = arith.muli %mul3A_437, %while3A_435 : i32
            %mul3A_439 = arith.constant 80 : i32
            %mul3A_440 = arith.muli %mul3A_439, %while3A_435 : i32
            %dma_start3A = arith.constant 0 : i32
            %dma_start3A_441 = tpu.memref_slice %arg15[%mul3A_440, %dma_start3A] : memref<160x128xi32, #tpu.memory_space<vmem>> -> memref<80x128xi32, #tpu.memory_space<vmem>>
            %dma_start3A_442 = tpu.memref_slice %arg9[%mul3A_438] : memref<160xi32, #tpu.memory_space<vmem>> -> memref<80xi32, #tpu.memory_space<vmem>>
            %dma_start3A_443 = arith.constant 0 : i32
            %dma_start3A_444 = arith.constant 0 : i32
            %dma_start3A_445 = tpu.memref_slice %arg2[%dma_start3A_443, %dma_start3A_444] : memref<320000x128xi32, #tpu.memory_space<hbm>> -> memref<320000x128xi32, #tpu.memory_space<hbm>>
            tpu.enqueue_indirect_dma source(%dma_start3A_445 : memref<320000x128xi32, #tpu.memory_space<hbm>>) target(%dma_start3A_441 : memref<80x128xi32, #tpu.memory_space<vmem>>) offsets(%dma_start3A_442 : memref<80xi32, #tpu.memory_space<vmem>>) semaphore(%arg17 : memref<!tpu.dma_semaphore, #tpu.memory_space<semaphore_mem>>)
            %while3A_446 = arith.constant 0 : i32
            scf.yield %while3A_446 : i32
          }
        } else {
        }
        %add3A_298 = arith.constant 1 : i32
        %add3A_299 = arith.addi %mul3A_162, %add3A_298 : i32
        %mul3A_300 = arith.constant 10 : i32
        %mul3A_301 = arith.muli %add3A_299, %mul3A_300 : i32
        %get3A_302 = arith.index_cast %mul3A_301 : i32 to index
        %get3A_303 = tpu.vector_load %arg12[%get3A_302] {strides = array<i32>} : memref<336xi32, #tpu.memory_space<vmem>>, vector<16xi32>,
        %slice3A_304 = vector.extract_strided_slice %get3A_303 {offsets = [0], sizes = [1], strides = [1]} : vector<16xi32> to vector<1xi32>
        %squeeze3A_305 = vector.extract %slice3A_304[0] : i32 from vector<1xi32>
        %mul3A_306 = arith.constant 10 : i32
        %mul3A_307 = arith.muli %add3A_299, %mul3A_306 : i32
        %add3A_308 = arith.constant 10 : i32
        %add3A_309 = arith.addi %mul3A_307, %add3A_308 : i32
        %get3A_310 = arith.index_cast %add3A_309 : i32 to index
        %get3A_311 = tpu.vector_load %arg12[%get3A_310] {strides = array<i32>} : memref<336xi32, #tpu.memory_space<vmem>>, vector<16xi32>,
        %slice3A_312 = vector.extract_strided_slice %get3A_311 {offsets = [0], sizes = [1], strides = [1]} : vector<16xi32> to vector<1xi32>
        %squeeze3A_313 = vector.extract %slice3A_312[0] : i32 from vector<1xi32>
        %sub3A_314 = arith.subi %squeeze3A_313, %squeeze3A_305 : i32
        %min3A_315 = arith.constant 160 : i32
        %min3A_316 = arith.minsi %sub3A_314, %min3A_315 : i32
        %add3A_317 = arith.constant 80 : i32
        %add3A_318 = arith.addi %min3A_316, %add3A_317 : i32
        %sub3A_319 = arith.constant 1 : i32
        %sub3A_320 = arith.subi %add3A_318, %sub3A_319 : i32
        %jit3A_321 = arith.constant 80 : i32
        %div3A_322 = arith.divsi %sub3A_320, %jit3A_321 : i32
        %sign3A_323 = arith.constant 0 : i32
        %sign3A_324 = arith.cmpi sgt, %sub3A_320, %sign3A_323 : i32
        %sign3A_325 = arith.extui %sign3A_324 : i1 to i32
        %sign3A_326 = arith.constant 0 : i32
        %sign3A_327 = arith.cmpi slt, %sub3A_320, %sign3A_326 : i32
        %sign3A_328 = arith.extui %sign3A_327 : i1 to i32
        %sign3A_329 = arith.subi %sign3A_325, %sign3A_328 : i32
        %sign3A_330 = arith.constant 0 : i32
        %sign3A_331 = arith.cmpi sgt, %jit3A_321, %sign3A_330 : i32
        %sign3A_332 = arith.extui %sign3A_331 : i1 to i32
        %sign3A_333 = arith.constant 0 : i32
        %sign3A_334 = arith.cmpi slt, %jit3A_321, %sign3A_333 : i32
        %sign3A_335 = arith.extui %sign3A_334 : i1 to i32
        %sign3A_336 = arith.subi %sign3A_332, %sign3A_335 : i32
        %ne3A_337 = arith.cmpi ne, %sign3A_329, %sign3A_336 : i32
        %rem3A_338 = arith.remsi %sub3A_320, %jit3A_321 : i32
        %ne3A_339 = arith.constant 0 : i32
        %ne3A_340 = arith.cmpi ne, %rem3A_338, %ne3A_339 : i32
        %and3A_341 = arith.andi %ne3A_337, %ne3A_340 : i1
        %sub3A_342 = arith.constant 1 : i32
        %sub3A_343 = arith.subi %div3A_322, %sub3A_342 : i32
        %select_n3A_344 = arith.select %and3A_341, %sub3A_343, %div3A_322 : i32
        %while3A_345 = arith.constant 0 : i32
        %while3A_346 = arith.constant 0 : i32
        %while3A_347 = arith.subi %select_n3A_344, %while3A_345 : i32
        %while3A_348 = arith.addi %while3A_345, %while3A_347 : i32
        %while3A_349 = arith.constant 1 : i32
        %while3A_350 = arith.divsi %while3A_347, %while3A_349 : i32
        %while3A_351 = arith.muli %while3A_350, %while3A_349 : i32
        %while3A_352 = arith.addi %while3A_345, %while3A_351 : i32
        %while3A_353 = arith.constant 1 : i32
        %while3A_354 = scf.for %while3A_369 = %while3A_345 to %while3A_352 step %while3A_353 iter_args(%while3A_370 = %while3A_346) -> (i32)  : i32 {
          %dma_wait3A = arith.constant 0 : i32
          %dma_wait3A_371 = arith.constant 0 : i32
          %dma_wait3A_372 = tpu.memref_slice %arg16[%dma_wait3A, %dma_wait3A_371] : memref<160x128xi32, #tpu.memory_space<vmem>> -> memref<80x128xi32, #tpu.memory_space<vmem>>
          %dma_wait3A_373 = arith.constant 0 : i32
          %dma_wait3A_374 = arith.constant 0 : i32
          %dma_wait3A_375 = tpu.memref_slice %arg2[%dma_wait3A_373, %dma_wait3A_374] : memref<320000x128xi32, #tpu.memory_space<hbm>> -> memref<80x128xi32, #tpu.memory_space<hbm>>
          %dma_wait3A_376 = arith.constant 0 : i32
          %dma_wait3A_377 = arith.constant 0 : i32
          %dma_wait3A_378 = tpu.memref_slice %arg16[%dma_wait3A_376, %dma_wait3A_377] : memref<160x128xi32, #tpu.memory_space<vmem>> -> memref<80x128xi32, #tpu.memory_space<vmem>>
          %dma_wait3A_379 = arith.constant 0 : i32
          %dma_wait3A_380 = arith.constant 0 : i32
          %dma_wait3A_381 = tpu.memref_slice %arg2[%dma_wait3A_379, %dma_wait3A_380] : memref<320000x128xi32, #tpu.memory_space<hbm>> -> memref<80x128xi32, #tpu.memory_space<hbm>>
          tpu.wait_dma2 semaphore(%arg18 : memref<!tpu.dma_semaphore, #tpu.memory_space<semaphore_mem>>) src(%dma_wait3A_381 : memref<80x128xi32, #tpu.memory_space<hbm>>) dst(%dma_wait3A_378 : memref<80x128xi32, #tpu.memory_space<vmem>>)
          %while3A_382 = arith.constant 0 : i32
          scf.yield %while3A_382 : i32
        }
        %while3A_355 = arith.constant 1 : i32
        %while3A_356 = scf.for %while3A_369 = %while3A_352 to %while3A_348 step %while3A_355 iter_args(%while3A_370 = %while3A_354) -> (i32)  : i32 {
          %dma_wait3A = arith.constant 0 : i32
          %dma_wait3A_371 = arith.constant 0 : i32
          %dma_wait3A_372 = tpu.memref_slice %arg16[%dma_wait3A, %dma_wait3A_371] : memref<160x128xi32, #tpu.memory_space<vmem>> -> memref<80x128xi32, #tpu.memory_space<vmem>>
          %dma_wait3A_373 = arith.constant 0 : i32
          %dma_wait3A_374 = arith.constant 0 : i32
          %dma_wait3A_375 = tpu.memref_slice %arg2[%dma_wait3A_373, %dma_wait3A_374] : memref<320000x128xi32, #tpu.memory_space<hbm>> -> memref<80x128xi32, #tpu.memory_space<hbm>>
          %dma_wait3A_376 = arith.constant 0 : i32
          %dma_wait3A_377 = arith.constant 0 : i32
          %dma_wait3A_378 = tpu.memref_slice %arg16[%dma_wait3A_376, %dma_wait3A_377] : memref<160x128xi32, #tpu.memory_space<vmem>> -> memref<80x128xi32, #tpu.memory_space<vmem>>
          %dma_wait3A_379 = arith.constant 0 : i32
          %dma_wait3A_380 = arith.constant 0 : i32
          %dma_wait3A_381 = tpu.memref_slice %arg2[%dma_wait3A_379, %dma_wait3A_380] : memref<320000x128xi32, #tpu.memory_space<hbm>> -> memref<80x128xi32, #tpu.memory_space<hbm>>
          tpu.wait_dma2 semaphore(%arg18 : memref<!tpu.dma_semaphore, #tpu.memory_space<semaphore_mem>>) src(%dma_wait3A_381 : memref<80x128xi32, #tpu.memory_space<hbm>>) dst(%dma_wait3A_378 : memref<80x128xi32, #tpu.memory_space<vmem>>)
          %while3A_382 = arith.constant 0 : i32
          scf.yield %while3A_382 : i32
        }
        %add3A_357 = arith.constant 1 : i32
        %add3A_358 = arith.addi %mul3A_162, %add3A_357 : i32
        %mul3A_359 = arith.constant 10 : i32
        %mul3A_360 = arith.muli %add3A_358, %mul3A_359 : i32
        %get3A_361 = arith.index_cast %mul3A_360 : i32 to index
        %get3A_362 = tpu.vector_load %arg12[%get3A_361] {strides = array<i32>} : memref<336xi32, #tpu.memory_space<vmem>>, vector<16xi32>,
        %slice3A_363 = vector.extract_strided_slice %get3A_362 {offsets = [0], sizes = [1], strides = [1]} : vector<16xi32> to vector<1xi32>
        %squeeze3A_364 = vector.extract %slice3A_363[0] : i32 from vector<1xi32>
        %parallel_loop3A_365 = arith.constant 0 : i32
        %parallel_loop3A_366 = arith.constant 10 : i32
        %parallel_loop3A_367 = arith.constant 1 : i32
        scf.for %parallel_loop3A_369 = %parallel_loop3A_365 to %parallel_loop3A_366 step %parallel_loop3A_367  : i32 {
          %parallel_loop3A_370 = arith.constant 10 : i32
          %parallel_loop3A_371 = arith.muli %add3A_358, %parallel_loop3A_370 : i32
          %parallel_loop3A_372 = arith.addi %parallel_loop3A_371, %parallel_loop3A_369 : i32
          %parallel_loop3A_373 = arith.index_cast %parallel_loop3A_372 : i32 to index
          %parallel_loop3A_374 = tpu.vector_load %arg11[%parallel_loop3A_373] {strides = array<i32>} : memref<336xi32, #tpu.memory_space<vmem>>, vector<16xi32>,
          %parallel_loop3A_375 = vector.extract_strided_slice %parallel_loop3A_374 {offsets = [0], sizes = [1], strides = [1]} : vector<16xi32> to vector<1xi32>
          %parallel_loop3A_376 = vector.extract %parallel_loop3A_375[0] : i32 from vector<1xi32>
          %parallel_loop3A_377 = arith.index_cast %parallel_loop3A_372 : i32 to index
          %parallel_loop3A_378 = tpu.vector_load %arg12[%parallel_loop3A_377] {strides = array<i32>} : memref<336xi32, #tpu.memory_space<vmem>>, vector<16xi32>,
          %parallel_loop3A_379 = vector.extract_strided_slice %parallel_loop3A_378 {offsets = [0], sizes = [1], strides = [1]} : vector<16xi32> to vector<1xi32>
          %parallel_loop3A_380 = vector.extract %parallel_loop3A_379[0] : i32 from vector<1xi32>
          %parallel_loop3A_381 = arith.subi %parallel_loop3A_380, %squeeze3A_364 : i32
          %parallel_loop3A_382 = arith.constant 159 : i32
          %parallel_loop3A_383 = arith.minsi %parallel_loop3A_381, %parallel_loop3A_382 : i32
          %parallel_loop3A_384 = arith.addi %parallel_loop3A_381, %parallel_loop3A_376 : i32
          %parallel_loop3A_385 = arith.constant 160 : i32
          %parallel_loop3A_386 = arith.minsi %parallel_loop3A_384, %parallel_loop3A_385 : i32
          %parallel_loop3A_387 = arith.constant 1 : i32
          %parallel_loop3A_388:8 = scf.for %parallel_loop3A_421 = %parallel_loop3A_383 to %parallel_loop3A_386 step %parallel_loop3A_387 iter_args(%parallel_loop3A_422 = %broadcast_in_dim3A_83, %parallel_loop3A_423 = %broadcast_in_dim3A_83, %parallel_loop3A_424 = %broadcast_in_dim3A_83, %parallel_loop3A_425 = %broadcast_in_dim3A_83, %parallel_loop3A_426 = %broadcast_in_dim3A_83, %parallel_loop3A_427 = %broadcast_in_dim3A_83, %parallel_loop3A_428 = %broadcast_in_dim3A_83, %parallel_loop3A_429 = %broadcast_in_dim3A_83) -> (vector<32xbf16>, vector<32xbf16>, vector<32xbf16>, vector<32xbf16>, vector<32xbf16>, vector<32xbf16>, vector<32xbf16>, vector<32xbf16>)  : i32 {
            %parallel_loop3A_430 = arith.index_cast %parallel_loop3A_421 : i32 to index
            %parallel_loop3A_431 = arith.constant 0 : index
            %parallel_loop3A_432 = tpu.vector_load %arg16[%parallel_loop3A_430, %parallel_loop3A_431] {strides = array<i32>} : memref<160x128xi32, #tpu.memory_space<vmem>>, vector<16xi32>,
            %parallel_loop3A_433 = vector.bitcast %parallel_loop3A_432 : vector<16xi32> to vector<32xbf16>
            %parallel_loop3A_434 = arith.maximumf %parallel_loop3A_422, %parallel_loop3A_433 : vector<32xbf16>
            %parallel_loop3A_435 = arith.index_cast %parallel_loop3A_421 : i32 to index
            %parallel_loop3A_436 = arith.constant 16 : index
            %parallel_loop3A_437 = tpu.vector_load %arg16[%parallel_loop3A_435, %parallel_loop3A_436] {strides = array<i32>} : memref<160x128xi32, #tpu.memory_space<vmem>>, vector<16xi32>,
            %parallel_loop3A_438 = vector.bitcast %parallel_loop3A_437 : vector<16xi32> to vector<32xbf16>
            %parallel_loop3A_439 = arith.maximumf %parallel_loop3A_423, %parallel_loop3A_438 : vector<32xbf16>
            %parallel_loop3A_440 = arith.index_cast %parallel_loop3A_421 : i32 to index
            %parallel_loop3A_441 = arith.constant 32 : index
            %parallel_loop3A_442 = tpu.vector_load %arg16[%parallel_loop3A_440, %parallel_loop3A_441] {strides = array<i32>} : memref<160x128xi32, #tpu.memory_space<vmem>>, vector<16xi32>,
            %parallel_loop3A_443 = vector.bitcast %parallel_loop3A_442 : vector<16xi32> to vector<32xbf16>
            %parallel_loop3A_444 = arith.maximumf %parallel_loop3A_424, %parallel_loop3A_443 : vector<32xbf16>
            %parallel_loop3A_445 = arith.index_cast %parallel_loop3A_421 : i32 to index
            %parallel_loop3A_446 = arith.constant 48 : index
            %parallel_loop3A_447 = tpu.vector_load %arg16[%parallel_loop3A_445, %parallel_loop3A_446] {strides = array<i32>} : memref<160x128xi32, #tpu.memory_space<vmem>>, vector<16xi32>,
            %parallel_loop3A_448 = vector.bitcast %parallel_loop3A_447 : vector<16xi32> to vector<32xbf16>
            %parallel_loop3A_449 = arith.maximumf %parallel_loop3A_425, %parallel_loop3A_448 : vector<32xbf16>
            %parallel_loop3A_450 = arith.index_cast %parallel_loop3A_421 : i32 to index
            %parallel_loop3A_451 = arith.constant 64 : index
            %parallel_loop3A_452 = tpu.vector_load %arg16[%parallel_loop3A_450, %parallel_loop3A_451] {strides = array<i32>} : memref<160x128xi32, #tpu.memory_space<vmem>>, vector<16xi32>,
            %parallel_loop3A_453 = vector.bitcast %parallel_loop3A_452 : vector<16xi32> to vector<32xbf16>
            %parallel_loop3A_454 = arith.maximumf %parallel_loop3A_426, %parallel_loop3A_453 : vector<32xbf16>
            %parallel_loop3A_455 = arith.index_cast %parallel_loop3A_421 : i32 to index
            %parallel_loop3A_456 = arith.constant 80 : index
            %parallel_loop3A_457 = tpu.vector_load %arg16[%parallel_loop3A_455, %parallel_loop3A_456] {strides = array<i32>} : memref<160x128xi32, #tpu.memory_space<vmem>>, vector<16xi32>,
            %parallel_loop3A_458 = vector.bitcast %parallel_loop3A_457 : vector<16xi32> to vector<32xbf16>
            %parallel_loop3A_459 = arith.maximumf %parallel_loop3A_427, %parallel_loop3A_458 : vector<32xbf16>
            %parallel_loop3A_460 = arith.index_cast %parallel_loop3A_421 : i32 to index
            %parallel_loop3A_461 = arith.constant 96 : index
            %parallel_loop3A_462 = tpu.vector_load %arg16[%parallel_loop3A_460, %parallel_loop3A_461] {strides = array<i32>} : memref<160x128xi32, #tpu.memory_space<vmem>>, vector<16xi32>,
            %parallel_loop3A_463 = vector.bitcast %parallel_loop3A_462 : vector<16xi32> to vector<32xbf16>
            %parallel_loop3A_464 = arith.maximumf %parallel_loop3A_428, %parallel_loop3A_463 : vector<32xbf16>
            %parallel_loop3A_465 = arith.index_cast %parallel_loop3A_421 : i32 to index
            %parallel_loop3A_466 = arith.constant 112 : index
            %parallel_loop3A_467 = tpu.vector_load %arg16[%parallel_loop3A_465, %parallel_loop3A_466] {strides = array<i32>} : memref<160x128xi32, #tpu.memory_space<vmem>>, vector<16xi32>,
            %parallel_loop3A_468 = vector.bitcast %parallel_loop3A_467 : vector<16xi32> to vector<32xbf16>
            %parallel_loop3A_469 = arith.maximumf %parallel_loop3A_429, %parallel_loop3A_468 : vector<32xbf16>
            scf.yield %parallel_loop3A_434, %parallel_loop3A_439, %parallel_loop3A_444, %parallel_loop3A_449, %parallel_loop3A_454, %parallel_loop3A_459, %parallel_loop3A_464, %parallel_loop3A_469 : vector<32xbf16>, vector<32xbf16>, vector<32xbf16>, vector<32xbf16>, vector<32xbf16>, vector<32xbf16>, vector<32xbf16>, vector<32xbf16>
          } {sc.loop_unroll_factor = 2 : i64, sc.parallel_access}
          %parallel_loop3A_389 = vector.bitcast %parallel_loop3A_388#0 : vector<32xbf16> to vector<16xi32>
          %parallel_loop3A_390 = arith.index_cast %parallel_loop3A_372 : i32 to index
          %parallel_loop3A_391 = arith.constant 0 : index
          %parallel_loop3A_392 = tpu.vector_load %arg14[%parallel_loop3A_390, %parallel_loop3A_391] {strides = array<i32>} : memref<320x128xi32, #tpu.memory_space<vmem>>, vector<16xi32>,
          tpu.vector_store %arg14[%parallel_loop3A_390, %parallel_loop3A_391], %parallel_loop3A_389 {strides = array<i32>} : memref<320x128xi32, #tpu.memory_space<vmem>>, vector<16xi32>,
          %parallel_loop3A_393 = vector.bitcast %parallel_loop3A_388#1 : vector<32xbf16> to vector<16xi32>
          %parallel_loop3A_394 = arith.index_cast %parallel_loop3A_372 : i32 to index
          %parallel_loop3A_395 = arith.constant 16 : index
          %parallel_loop3A_396 = tpu.vector_load %arg14[%parallel_loop3A_394, %parallel_loop3A_395] {strides = array<i32>} : memref<320x128xi32, #tpu.memory_space<vmem>>, vector<16xi32>,
          tpu.vector_store %arg14[%parallel_loop3A_394, %parallel_loop3A_395], %parallel_loop3A_393 {strides = array<i32>} : memref<320x128xi32, #tpu.memory_space<vmem>>, vector<16xi32>,
          %parallel_loop3A_397 = vector.bitcast %parallel_loop3A_388#2 : vector<32xbf16> to vector<16xi32>
          %parallel_loop3A_398 = arith.index_cast %parallel_loop3A_372 : i32 to index
          %parallel_loop3A_399 = arith.constant 32 : index
          %parallel_loop3A_400 = tpu.vector_load %arg14[%parallel_loop3A_398, %parallel_loop3A_399] {strides = array<i32>} : memref<320x128xi32, #tpu.memory_space<vmem>>, vector<16xi32>,
          tpu.vector_store %arg14[%parallel_loop3A_398, %parallel_loop3A_399], %parallel_loop3A_397 {strides = array<i32>} : memref<320x128xi32, #tpu.memory_space<vmem>>, vector<16xi32>,
          %parallel_loop3A_401 = vector.bitcast %parallel_loop3A_388#3 : vector<32xbf16> to vector<16xi32>
          %parallel_loop3A_402 = arith.index_cast %parallel_loop3A_372 : i32 to index
          %parallel_loop3A_403 = arith.constant 48 : index
          %parallel_loop3A_404 = tpu.vector_load %arg14[%parallel_loop3A_402, %parallel_loop3A_403] {strides = array<i32>} : memref<320x128xi32, #tpu.memory_space<vmem>>, vector<16xi32>,
          tpu.vector_store %arg14[%parallel_loop3A_402, %parallel_loop3A_403], %parallel_loop3A_401 {strides = array<i32>} : memref<320x128xi32, #tpu.memory_space<vmem>>, vector<16xi32>,
          %parallel_loop3A_405 = vector.bitcast %parallel_loop3A_388#4 : vector<32xbf16> to vector<16xi32>
          %parallel_loop3A_406 = arith.index_cast %parallel_loop3A_372 : i32 to index
          %parallel_loop3A_407 = arith.constant 64 : index
          %parallel_loop3A_408 = tpu.vector_load %arg14[%parallel_loop3A_406, %parallel_loop3A_407] {strides = array<i32>} : memref<320x128xi32, #tpu.memory_space<vmem>>, vector<16xi32>,
          tpu.vector_store %arg14[%parallel_loop3A_406, %parallel_loop3A_407], %parallel_loop3A_405 {strides = array<i32>} : memref<320x128xi32, #tpu.memory_space<vmem>>, vector<16xi32>,
          %parallel_loop3A_409 = vector.bitcast %parallel_loop3A_388#5 : vector<32xbf16> to vector<16xi32>
          %parallel_loop3A_410 = arith.index_cast %parallel_loop3A_372 : i32 to index
          %parallel_loop3A_411 = arith.constant 80 : index
          %parallel_loop3A_412 = tpu.vector_load %arg14[%parallel_loop3A_410, %parallel_loop3A_411] {strides = array<i32>} : memref<320x128xi32, #tpu.memory_space<vmem>>, vector<16xi32>,
          tpu.vector_store %arg14[%parallel_loop3A_410, %parallel_loop3A_411], %parallel_loop3A_409 {strides = array<i32>} : memref<320x128xi32, #tpu.memory_space<vmem>>, vector<16xi32>,
          %parallel_loop3A_413 = vector.bitcast %parallel_loop3A_388#6 : vector<32xbf16> to vector<16xi32>
          %parallel_loop3A_414 = arith.index_cast %parallel_loop3A_372 : i32 to index
          %parallel_loop3A_415 = arith.constant 96 : index
          %parallel_loop3A_416 = tpu.vector_load %arg14[%parallel_loop3A_414, %parallel_loop3A_415] {strides = array<i32>} : memref<320x128xi32, #tpu.memory_space<vmem>>, vector<16xi32>,
          tpu.vector_store %arg14[%parallel_loop3A_414, %parallel_loop3A_415], %parallel_loop3A_413 {strides = array<i32>} : memref<320x128xi32, #tpu.memory_space<vmem>>, vector<16xi32>,
          %parallel_loop3A_417 = vector.bitcast %parallel_loop3A_388#7 : vector<32xbf16> to vector<16xi32>
          %parallel_loop3A_418 = arith.index_cast %parallel_loop3A_372 : i32 to index
          %parallel_loop3A_419 = arith.constant 112 : index
          %parallel_loop3A_420 = tpu.vector_load %arg14[%parallel_loop3A_418, %parallel_loop3A_419] {strides = array<i32>} : memref<320x128xi32, #tpu.memory_space<vmem>>, vector<16xi32>,
          tpu.vector_store %arg14[%parallel_loop3A_418, %parallel_loop3A_419], %parallel_loop3A_417 {strides = array<i32>} : memref<320x128xi32, #tpu.memory_space<vmem>>, vector<16xi32>,
        } {sc.loop_unroll_factor = 1 : i64, sc.parallel_access}
        %scan3A_368 = arith.constant 0 : i32
        scf.yield %scan3A_368 : i32
      }
      %scan3A_155 = arith.constant 16 : i32
      %mul3A_156 = arith.constant 128 : i32
      %mul3A_157 = arith.muli %scan3A_91, %mul3A_156 : i32
      "tpu.region"() ({
        %run_scoped3A = tpu.sem_alloc : memref<!tpu.dma_semaphore, #tpu.memory_space<semaphore_mem>>
        %dma_start3A = tpu.memref_slice %arg4[%mul3A_2, %mul3A_157] : memref<10240x512xi32, #tpu.memory_space<hbm>> -> memref<320x128xi32, #tpu.memory_space<hbm>>
        %dma_start3A_159 = tpu.memref_slice %arg4[%mul3A_2, %mul3A_157] : memref<10240x512xi32, #tpu.memory_space<hbm>> -> memref<320x128xi32, #tpu.memory_space<hbm>>
        tpu.enqueue_dma source(%arg14 : memref<320x128xi32, #tpu.memory_space<vmem>>) target(%dma_start3A_159 : memref<320x128xi32, #tpu.memory_space<hbm>>) target_semaphore(%run_scoped3A : memref<!tpu.dma_semaphore, #tpu.memory_space<semaphore_mem>>)
        %dma_wait3A = tpu.memref_slice %arg4[%mul3A_2, %mul3A_157] : memref<10240x512xi32, #tpu.memory_space<hbm>> -> memref<320x128xi32, #tpu.memory_space<hbm>>
        %dma_wait3A_160 = tpu.memref_slice %arg4[%mul3A_2, %mul3A_157] : memref<10240x512xi32, #tpu.memory_space<hbm>> -> memref<320x128xi32, #tpu.memory_space<hbm>>
        tpu.wait_dma2 semaphore(%run_scoped3A : memref<!tpu.dma_semaphore, #tpu.memory_space<semaphore_mem>>) src(%arg14 : memref<320x128xi32, #tpu.memory_space<vmem>>) dst(%dma_wait3A_160 : memref<320x128xi32, #tpu.memory_space<hbm>>)
        tpu.yield
      }) : () -> ()
      %scan3A_158 = arith.constant 0 : i32
      scf.yield %scan3A_158 : i32
    }
    %scan3A_90 = arith.constant 4 : i32
    return
  }
}

#map = affine_map<(d0, d1) -> (0, 0)>
#map1 = affine_map<(d0, d1) -> (0)>
module attributes {stable_mosaic.version = 14 : i64} {
  func.func @k(%arg0: i32, %arg1: i32, %arg2: memref<320000x128xi32, #tpu.memory_space<hbm>>, %arg3: memref<80000xi32, #tpu.memory_space<hbm>>, %arg4: memref<10240x512xi32, #tpu.memory_space<hbm>>, %arg5: memref<4000xi32, #tpu.memory_space<vmem>>, %arg6: memref<3088xi32, #tpu.memory_space<vmem>>, %arg7: memref<3088xi32, #tpu.memory_space<vmem>>, %arg8: memref<3360xi32, #tpu.memory_space<vmem>>, %arg9: memref<160xi32, #tpu.memory_space<vmem>>, %arg10: memref<160xi32, #tpu.memory_space<vmem>>, %arg11: memref<336xi32, #tpu.memory_space<vmem>>, %arg12: memref<336xi32, #tpu.memory_space<vmem>>, %arg13: memref<336xi32, #tpu.memory_space<vmem>>, %arg14: memref<320x128xi32, #tpu.memory_space<vmem>>, %arg15: memref<160x128xi32, #tpu.memory_space<vmem>>, %arg16: memref<160x128xi32, #tpu.memory_space<vmem>>, %arg17: memref<!tpu.dma_semaphore, #tpu.memory_space<semaphore_mem>>, %arg18: memref<!tpu.dma_semaphore, #tpu.memory_space<semaphore_mem>>) attributes {dimension_semantics = [#tpu.dimension_semantics<core_parallel>, #tpu.dimension_semantics<subcore_parallel>], iteration_bounds = array<i64: 2, 16>, scalar_prefetch = 0 : i64, scratch_operands = 14 : i64, tpu.core_type = #tpu.core_type<sc_vector_subcore>, window_params = [{transform_indices = #map}, {transform_indices = #map1}, {transform_indices = #map}]} {
    %mul3A = arith.constant 2 : i32
    %mul3A_0 = arith.muli %arg1, %mul3A : i32
    %add3A = arith.addi %mul3A_0, %arg0 : i32
    %mul3A_1 = arith.constant 320 : i32
    %mul3A_2 = arith.muli %add3A, %mul3A_1 : i32
    %add3A_3 = arith.constant 320 : i32
    %add3A_4 = arith.addi %mul3A_2, %add3A_3 : i32
    %iota3A = tpu.iota {dimensions = array<i32: 0>} : vector<16xi32>
    %broadcast_in_dim3A = arith.constant 0 : i32
    %broadcast_in_dim3A_5 = vector.broadcast %broadcast_in_dim3A : i32 to vector<16xi32>
    %eq3A = arith.constant 0 : i32
    %eq3A_6 = vector.broadcast %eq3A : i32 to vector<16xi32>
    %eq3A_7 = arith.cmpi eq, %iota3A, %eq3A_6 : vector<16xi32>
    %scan3A = arith.constant 0 : i32
    %scan3A_8 = arith.constant 0 : i32
    %scan3A_9 = arith.constant 210 : i32
    %scan3A_10 = arith.addi %scan3A_8, %scan3A_9 : i32
    %scan3A_11 = arith.constant 1 : i32
    %scan3A_12 = scf.for %scan3A_91 = %scan3A_8 to %scan3A_10 step %scan3A_11 iter_args(%scan3A_92 = %scan3A) -> (i32)  : i32 {
      %mul3A_93 = arith.constant 16 : i32
      %mul3A_94 = arith.muli %mul3A_93, %scan3A_91 : i32
      %swap3A = arith.index_cast %mul3A_94 : i32 to index
      %swap3A_95 = tpu.vector_load %arg8[%swap3A] {strides = array<i32>} : memref<3360xi32, #tpu.memory_space<vmem>>, vector<16xi32>,
      tpu.vector_store %arg8[%swap3A], %broadcast_in_dim3A_5 {strides = array<i32>} : memref<3360xi32, #tpu.memory_space<vmem>>, vector<16xi32>,
      %scan3A_96 = arith.constant 0 : i32
      scf.yield %scan3A_96 : i32
    }
    %scan3A_13 = arith.constant 210 : i32
    %scan3A_14 = arith.constant 0 : i32
    %scan3A_15 = arith.constant 0 : i32
    %scan3A_16 = arith.constant 20 : i32
    %scan3A_17 = arith.addi %scan3A_15, %scan3A_16 : i32
    %scan3A_18 = arith.constant 1 : i32
    %scan3A_19 = scf.for %scan3A_91 = %scan3A_15 to %scan3A_17 step %scan3A_18 iter_args(%scan3A_92 = %scan3A_14) -> (i32)  : i32 {
      %mul3A_93 = arith.constant 16 : i32
      %mul3A_94 = arith.muli %mul3A_93, %scan3A_91 : i32
      %swap3A = arith.index_cast %mul3A_94 : i32 to index
      %swap3A_95 = tpu.vector_load %arg11[%swap3A] {strides = array<i32>} : memref<336xi32, #tpu.memory_space<vmem>>, vector<16xi32>,
      tpu.vector_store %arg11[%swap3A], %broadcast_in_dim3A_5 {strides = array<i32>} : memref<336xi32, #tpu.memory_space<vmem>>, vector<16xi32>,
      %scan3A_96 = arith.constant 0 : i32
      scf.yield %scan3A_96 : i32
    }
    %scan3A_20 = arith.constant 20 : i32
    %scan3A_21 = arith.constant 0 : i32
    %scan3A_22 = arith.constant 0 : i32
    %scan3A_23 = arith.constant 20 : i32
    %scan3A_24 = arith.addi %scan3A_22, %scan3A_23 : i32
    %scan3A_25 = arith.constant 1 : i32
    %scan3A_26 = scf.for %scan3A_91 = %scan3A_22 to %scan3A_24 step %scan3A_25 iter_args(%scan3A_92 = %scan3A_21) -> (i32)  : i32 {
      %mul3A_93 = arith.constant 4000 : i32
      %mul3A_94 = arith.muli %scan3A_91, %mul3A_93 : i32
      "tpu.region"() ({
        %run_scoped3A = tpu.sem_alloc : memref<!tpu.dma_semaphore, #tpu.memory_space<semaphore_mem>>
        %dma_start3A = tpu.memref_slice %arg3[%mul3A_94] : memref<80000xi32, #tpu.memory_space<hbm>> -> memref<4000xi32, #tpu.memory_space<hbm>>
        %dma_start3A_98 = tpu.memref_slice %arg3[%mul3A_94] : memref<80000xi32, #tpu.memory_space<hbm>> -> memref<4000xi32, #tpu.memory_space<hbm>>
        tpu.enqueue_dma source(%dma_start3A_98 : memref<4000xi32, #tpu.memory_space<hbm>>) target(%arg5 : memref<4000xi32, #tpu.memory_space<vmem>>) target_semaphore(%run_scoped3A : memref<!tpu.dma_semaphore, #tpu.memory_space<semaphore_mem>>)
        %dma_wait3A = tpu.memref_slice %arg3[%mul3A_94] : memref<80000xi32, #tpu.memory_space<hbm>> -> memref<4000xi32, #tpu.memory_space<hbm>>
        %dma_wait3A_99 = tpu.memref_slice %arg3[%mul3A_94] : memref<80000xi32, #tpu.memory_space<hbm>> -> memref<4000xi32, #tpu.memory_space<hbm>>
        tpu.wait_dma2 semaphore(%run_scoped3A : memref<!tpu.dma_semaphore, #tpu.memory_space<semaphore_mem>>) src(%dma_wait3A_99 : memref<4000xi32, #tpu.memory_space<hbm>>) dst(%arg5 : memref<4000xi32, #tpu.memory_space<vmem>>)
        tpu.yield
      }) : () -> ()
      %parallel_loop3A = arith.constant 0 : i32
      %parallel_loop3A_95 = arith.constant 250 : i32
      %parallel_loop3A_96 = arith.constant 1 : i32
      %parallel_loop3A_97 = scf.for %parallel_loop3A_98 = %parallel_loop3A to %parallel_loop3A_95 step %parallel_loop3A_96 iter_args(%parallel_loop3A_99 = %scan3A_92) -> (i32)  : i32 {
        %parallel_loop3A_100 = arith.constant 16 : i32
        %parallel_loop3A_101 = arith.muli %parallel_loop3A_100, %parallel_loop3A_98 : i32
        %parallel_loop3A_102 = arith.index_cast %parallel_loop3A_101 : i32 to index
        %parallel_loop3A_103 = tpu.vector_load %arg5[%parallel_loop3A_102] {strides = array<i32>} : memref<4000xi32, #tpu.memory_space<vmem>>, vector<16xi32>,
        %parallel_loop3A_104 = arith.constant 4000 : i32
        %parallel_loop3A_105 = arith.muli %scan3A_91, %parallel_loop3A_104 : i32
        %parallel_loop3A_106 = arith.constant 16 : i32
        %parallel_loop3A_107 = arith.muli %parallel_loop3A_106, %parallel_loop3A_98 : i32
        %parallel_loop3A_108 = arith.addi %parallel_loop3A_105, %parallel_loop3A_107 : i32
        %parallel_loop3A_109 = vector.broadcast %parallel_loop3A_108 : i32 to vector<16xi32>
        %parallel_loop3A_110 = arith.addi %parallel_loop3A_109, %iota3A : vector<16xi32>
        %parallel_loop3A_111 = vector.broadcast %mul3A_2 : i32 to vector<16xi32>
        %parallel_loop3A_112 = arith.cmpi sge, %parallel_loop3A_103, %parallel_loop3A_111 : vector<16xi32>
        %parallel_loop3A_113 = vector.broadcast %add3A_4 : i32 to vector<16xi32>
        %parallel_loop3A_114 = arith.cmpi slt, %parallel_loop3A_103, %parallel_loop3A_113 : vector<16xi32>
        %parallel_loop3A_115 = arith.andi %parallel_loop3A_112, %parallel_loop3A_114 : vector<16xi1>
        %parallel_loop3A_116 = arith.constant 1 : i32
        %parallel_loop3A_117 = arith.constant 0 : i32
        %parallel_loop3A_118 = vector.broadcast %parallel_loop3A_116 : i32 to vector<16xi32>
        %parallel_loop3A_119 = vector.broadcast %parallel_loop3A_117 : i32 to vector<16xi32>
        %parallel_loop3A_120 = arith.select %parallel_loop3A_115, %parallel_loop3A_118, %parallel_loop3A_119 : vector<16xi1>, vector<16xi32>
        %parallel_loop3A_121 = arith.constant true
        %parallel_loop3A_122 = vector.broadcast %parallel_loop3A_121 : i1 to vector<16xi1>
        %parallel_loop3A_123 = tpu.scan <sum>, %parallel_loop3A_120 masked %parallel_loop3A_122 : vector<16xi32>, vector<16xi1> -> vector<16xi32>
        %parallel_loop3A_124 = vector.broadcast %parallel_loop3A_99 : i32 to vector<16xi32>
        %parallel_loop3A_125 = arith.addi %parallel_loop3A_124, %parallel_loop3A_123 : vector<16xi32>
        %parallel_loop3A_126 = arith.constant 1 : i32
        %parallel_loop3A_127 = vector.broadcast %parallel_loop3A_126 : i32 to vector<16xi32>
        %parallel_loop3A_128 = arith.subi %parallel_loop3A_125, %parallel_loop3A_127 : vector<16xi32>
        %parallel_loop3A_129 = vector.broadcast %mul3A_2 : i32 to vector<16xi32>
        %parallel_loop3A_130 = arith.subi %parallel_loop3A_103, %parallel_loop3A_129 : vector<16xi32>
        tpu.vector_store_idx %arg7[%parallel_loop3A_128], %parallel_loop3A_130 masked %parallel_loop3A_115 : memref<3088xi32, #tpu.memory_space<vmem>>[vector<16xi32>], vector<16xi32>, vector<16xi1>
        tpu.vector_store_idx %arg6[%parallel_loop3A_128], %parallel_loop3A_110 masked %parallel_loop3A_115 : memref<3088xi32, #tpu.memory_space<vmem>>[vector<16xi32>], vector<16xi32>, vector<16xi1>
        %parallel_loop3A_131 = vector.extract_strided_slice %parallel_loop3A_123 {offsets = [15], sizes = [1], strides = [1]} : vector<16xi32> to vector<1xi32>
        %parallel_loop3A_132 = vector.extract %parallel_loop3A_131[0] : i32 from vector<1xi32>
        %parallel_loop3A_133 = arith.addi %parallel_loop3A_99, %parallel_loop3A_132 : i32
        %parallel_loop3A_134 = arith.constant 3072 : i32
        %parallel_loop3A_135 = arith.minsi %parallel_loop3A_133, %parallel_loop3A_134 : i32
        scf.yield %parallel_loop3A_135 : i32
      } {sc.loop_unroll_factor = 2 : i64, sc.parallel_access}
      scf.yield %parallel_loop3A_97 : i32
    }
    %scan3A_27 = arith.constant 20 : i32
    %add3A_28 = arith.constant 15 : i32
    %add3A_29 = arith.addi %scan3A_26, %add3A_28 : i32
    %jit3A = arith.constant 16 : i32
    %div3A = arith.divsi %add3A_29, %jit3A : i32
    %sign3A = arith.constant 0 : i32
    %sign3A_30 = arith.cmpi sgt, %add3A_29, %sign3A : i32
    %sign3A_31 = arith.extui %sign3A_30 : i1 to i32
    %sign3A_32 = arith.constant 0 : i32
    %sign3A_33 = arith.cmpi slt, %add3A_29, %sign3A_32 : i32
    %sign3A_34 = arith.extui %sign3A_33 : i1 to i32
    %sign3A_35 = arith.subi %sign3A_31, %sign3A_34 : i32
    %sign3A_36 = arith.constant 0 : i32
    %sign3A_37 = arith.cmpi sgt, %jit3A, %sign3A_36 : i32
    %sign3A_38 = arith.extui %sign3A_37 : i1 to i32
    %sign3A_39 = arith.constant 0 : i32
    %sign3A_40 = arith.cmpi slt, %jit3A, %sign3A_39 : i32
    %sign3A_41 = arith.extui %sign3A_40 : i1 to i32
    %sign3A_42 = arith.subi %sign3A_38, %sign3A_41 : i32
    %ne3A = arith.cmpi ne, %sign3A_35, %sign3A_42 : i32
    %rem3A = arith.remsi %add3A_29, %jit3A : i32
    %ne3A_43 = arith.constant 0 : i32
    %ne3A_44 = arith.cmpi ne, %rem3A, %ne3A_43 : i32
    %and3A = arith.andi %ne3A, %ne3A_44 : i1
    %sub3A = arith.constant 1 : i32
    %sub3A_45 = arith.subi %div3A, %sub3A : i32
    %select_n3A = arith.select %and3A, %sub3A_45, %div3A : i32
    %broadcast_in_dim3A_46 = arith.constant 1 : i32
    %broadcast_in_dim3A_47 = vector.broadcast %broadcast_in_dim3A_46 : i32 to vector<16xi32>
    %while3A = arith.constant 0 : i32
    %while3A_48 = arith.constant 0 : i32
    %while3A_49 = arith.subi %select_n3A, %while3A : i32
    %while3A_50 = arith.addi %while3A, %while3A_49 : i32
    %while3A_51 = arith.constant 1 : i32
    %while3A_52 = arith.divsi %while3A_49, %while3A_51 : i32
    %while3A_53 = arith.muli %while3A_52, %while3A_51 : i32
    %while3A_54 = arith.addi %while3A, %while3A_53 : i32
    %while3A_55 = arith.constant 1 : i32
    %while3A_56 = scf.for %while3A_91 = %while3A to %while3A_54 step %while3A_55 iter_args(%while3A_92 = %while3A_48) -> (i32)  : i32 {
      %mul3A_93 = arith.constant 16 : i32
      %mul3A_94 = arith.muli %mul3A_93, %while3A_91 : i32
      %get3A = arith.index_cast %mul3A_94 : i32 to index
      %get3A_95 = tpu.vector_load %arg7[%get3A] {strides = array<i32>} : memref<3088xi32, #tpu.memory_space<vmem>>, vector<16xi32>,
      %mul3A_96 = arith.constant 16 : i32
      %mul3A_97 = arith.muli %mul3A_96, %while3A_91 : i32
      %add3A_98 = vector.broadcast %mul3A_97 : i32 to vector<16xi32>
      %add3A_99 = arith.addi %add3A_98, %iota3A : vector<16xi32>
      %lt3A = vector.broadcast %scan3A_26 : i32 to vector<16xi32>
      %lt3A_100 = arith.cmpi slt, %add3A_99, %lt3A : vector<16xi32>
      tpu.vector_store_idx %arg11[%get3A_95], %broadcast_in_dim3A_47 masked %lt3A_100 {add = true} : memref<336xi32, #tpu.memory_space<vmem>>[vector<16xi32>], vector<16xi32>, vector<16xi1>
      %while3A_101 = arith.constant 0 : i32
      scf.yield %while3A_101 : i32
    }
    %while3A_57 = arith.constant 1 : i32
    %while3A_58 = scf.for %while3A_91 = %while3A_54 to %while3A_50 step %while3A_57 iter_args(%while3A_92 = %while3A_56) -> (i32)  : i32 {
      %mul3A_93 = arith.constant 16 : i32
      %mul3A_94 = arith.muli %mul3A_93, %while3A_91 : i32
      %get3A = arith.index_cast %mul3A_94 : i32 to index
      %get3A_95 = tpu.vector_load %arg7[%get3A] {strides = array<i32>} : memref<3088xi32, #tpu.memory_space<vmem>>, vector<16xi32>,
      %mul3A_96 = arith.constant 16 : i32
      %mul3A_97 = arith.muli %mul3A_96, %while3A_91 : i32
      %add3A_98 = vector.broadcast %mul3A_97 : i32 to vector<16xi32>
      %add3A_99 = arith.addi %add3A_98, %iota3A : vector<16xi32>
      %lt3A = vector.broadcast %scan3A_26 : i32 to vector<16xi32>
      %lt3A_100 = arith.cmpi slt, %add3A_99, %lt3A : vector<16xi32>
      tpu.vector_store_idx %arg11[%get3A_95], %broadcast_in_dim3A_47 masked %lt3A_100 {add = true} : memref<336xi32, #tpu.memory_space<vmem>>[vector<16xi32>], vector<16xi32>, vector<16xi1>
      %while3A_101 = arith.constant 0 : i32
      scf.yield %while3A_101 : i32
    }
    %scan3A_59 = arith.constant 0 : i32
    %scan3A_60 = arith.constant 0 : i32
    %scan3A_61 = arith.constant 20 : i32
    %scan3A_62 = arith.addi %scan3A_60, %scan3A_61 : i32
    %scan3A_63 = arith.constant 1 : i32
    %scan3A_64 = scf.for %scan3A_91 = %scan3A_60 to %scan3A_62 step %scan3A_63 iter_args(%scan3A_92 = %scan3A_59) -> (i32)  : i32 {
      %mul3A_93 = arith.constant 16 : i32
      %mul3A_94 = arith.muli %mul3A_93, %scan3A_91 : i32
      %get3A = arith.index_cast %mul3A_94 : i32 to index
      %get3A_95 = tpu.vector_load %arg11[%get3A] {strides = array<i32>} : memref<336xi32, #tpu.memory_space<vmem>>, vector<16xi32>,
      %broadcast_in_dim3A_96 = arith.constant true
      %broadcast_in_dim3A_97 = vector.broadcast %broadcast_in_dim3A_96 : i1 to vector<16xi1>
      %masked_cumsum3A = tpu.scan <sum>, %get3A_95 masked %broadcast_in_dim3A_97 : vector<16xi32>, vector<16xi1> -> vector<16xi32>
      %sub3A_98 = arith.subi %masked_cumsum3A, %get3A_95 : vector<16xi32>
      %add3A_99 = vector.broadcast %scan3A_92 : i32 to vector<16xi32>
      %add3A_100 = arith.addi %sub3A_98, %add3A_99 : vector<16xi32>
      %mul3A_101 = arith.constant 16 : i32
      %mul3A_102 = arith.muli %mul3A_101, %scan3A_91 : i32
      %swap3A = arith.index_cast %mul3A_102 : i32 to index
      %swap3A_103 = tpu.vector_load %arg12[%swap3A] {strides = array<i32>} : memref<336xi32, #tpu.memory_space<vmem>>, vector<16xi32>,
      tpu.vector_store %arg12[%swap3A], %add3A_100 {strides = array<i32>} : memref<336xi32, #tpu.memory_space<vmem>>, vector<16xi32>,
      %mul3A_104 = arith.constant 16 : i32
      %mul3A_105 = arith.muli %mul3A_104, %scan3A_91 : i32
      %swap3A_106 = arith.index_cast %mul3A_105 : i32 to index
      %swap3A_107 = tpu.vector_load %arg13[%swap3A_106] {strides = array<i32>} : memref<336xi32, #tpu.memory_space<vmem>>, vector<16xi32>,
      tpu.vector_store %arg13[%swap3A_106], %add3A_100 {strides = array<i32>} : memref<336xi32, #tpu.memory_space<vmem>>, vector<16xi32>,
      %reduce_max3A = arith.constant true
      %reduce_max3A_108 = vector.broadcast %reduce_max3A : i1 to vector<16xi1>
      %reduce_max3A_109 = arith.constant -2147483648 : i32
      %reduce_max3A_110 = vector.broadcast %reduce_max3A_109 : i32 to vector<16xi32>
      %reduce_max3A_111 = arith.xori %masked_cumsum3A, %reduce_max3A_110 : vector<16xi32>
      %reduce_max3A_112 = tpu.scan <max>, %reduce_max3A_111 masked %reduce_max3A_108 : vector<16xi32>, vector<16xi1> -> vector<16xi32>
      %reduce_max3A_113 = arith.xori %reduce_max3A_112, %reduce_max3A_110 : vector<16xi32>
      %reduce_max3A_114 = vector.extract %reduce_max3A_113[15] : i32 from vector<16xi32>
      %add3A_115 = arith.addi %scan3A_92, %reduce_max3A_114 : i32
      scf.yield %add3A_115 : i32
    }
    %scan3A_65 = arith.constant 20 : i32
    %broadcast_in_dim3A_66 = arith.constant 320 : i32
    %broadcast_in_dim3A_67 = vector.broadcast %broadcast_in_dim3A_66 : i32 to vector<16xi32>
    %broadcast_in_dim3A_68 = vector.broadcast %scan3A_26 : i32 to vector<16xi32>
    tpu.vector_store_idx %arg12[%broadcast_in_dim3A_67], %broadcast_in_dim3A_68 masked %eq3A_7 : memref<336xi32, #tpu.memory_space<vmem>>[vector<16xi32>], vector<16xi32>, vector<16xi1>
    %while3A_69 = arith.constant 134217727 : i32
    %while3A_70 = arith.constant 0 : i32
    %while3A_71 = arith.constant 0 : i32
    %while3A_72 = arith.subi %select_n3A, %while3A_70 : i32
    %while3A_73 = arith.addi %while3A_70, %while3A_72 : i32
    %while3A_74 = arith.constant 1 : i32
    %while3A_75 = arith.divsi %while3A_72, %while3A_74 : i32
    %while3A_76 = arith.muli %while3A_75, %while3A_74 : i32
    %while3A_77 = arith.addi %while3A_70, %while3A_76 : i32
    %while3A_78 = arith.constant 1 : i32
    %while3A_79 = scf.for %while3A_91 = %while3A_70 to %while3A_77 step %while3A_78 iter_args(%while3A_92 = %while3A_71) -> (i32)  : i32 {
      %mul3A_93 = arith.constant 16 : i32
      %mul3A_94 = arith.muli %mul3A_93, %while3A_91 : i32
      %add3A_95 = vector.broadcast %mul3A_94 : i32 to vector<16xi32>
      %add3A_96 = arith.addi %add3A_95, %iota3A : vector<16xi32>
      %lt3A = vector.broadcast %scan3A_26 : i32 to vector<16xi32>
      %lt3A_97 = arith.cmpi slt, %add3A_96, %lt3A : vector<16xi32>
      %get3A = arith.index_cast %mul3A_94 : i32 to index
      %get3A_98 = tpu.vector_load %arg7[%get3A] {strides = array<i32>} : memref<3088xi32, #tpu.memory_space<vmem>>, vector<16xi32>,
      %broadcast_in_dim3A_99 = vector.broadcast %while3A_69 : i32 to vector<16xi32>
      %select_n3A_100 = arith.select %lt3A_97, %get3A_98, %broadcast_in_dim3A_99 : vector<16xi1>, vector<16xi32>
      %get3A_101 = arith.index_cast %mul3A_94 : i32 to index
      %get3A_102 = tpu.vector_load %arg6[%get3A_101] {strides = array<i32>} : memref<3088xi32, #tpu.memory_space<vmem>>, vector<16xi32>,
      %masked_sort3A = arith.constant dense<true> : vector<16xi1>
      %masked_sort3A_103 = arith.constant -2147483648 : i32
      %masked_sort3A_104 = vector.broadcast %masked_sort3A_103 : i32 to vector<16xi32>
      %masked_sort3A_105 = arith.xori %select_n3A_100, %masked_sort3A_104 : vector<16xi32>
      %masked_sort3A_106, %masked_sort3A_107, %masked_sort3A_108 = tpu.sort %masked_sort3A_105, %iota3A masked %masked_sort3A : (vector<16xi32>, vector<16xi32>, vector<16xi1>) -> (vector<16xi1>, vector<16xi32>, vector<16xi32>)
      %masked_sort3A_109 = arith.xori %masked_sort3A_107, %masked_sort3A_104 : vector<16xi32>
      %sub3A_110 = arith.constant 1 : i32
      %sub3A_111 = vector.broadcast %sub3A_110 : i32 to vector<16xi32>
      %sub3A_112 = arith.subi %iota3A, %sub3A_111 : vector<16xi32>
      %max3A = arith.constant 0 : i32
      %max3A_113 = vector.broadcast %max3A : i32 to vector<16xi32>
      %max3A_114 = arith.maxsi %sub3A_112, %max3A_113 : vector<16xi32>
      %lt3A_115 = arith.constant 0 : i32
      %lt3A_116 = vector.broadcast %lt3A_115 : i32 to vector<16xi32>
      %lt3A_117 = arith.cmpi slt, %max3A_114, %lt3A_116 : vector<16xi32>
      %add3A_118 = arith.constant 16 : i32
      %add3A_119 = vector.broadcast %add3A_118 : i32 to vector<16xi32>
      %add3A_120 = arith.addi %max3A_114, %add3A_119 : vector<16xi32>
      %select_n3A_121 = arith.select %lt3A_117, %add3A_120, %max3A_114 : vector<16xi1>, vector<16xi32>
      %broadcast_in_dim3A_122 = vector.shape_cast %select_n3A_121 : vector<16xi32> to vector<16x1xi32>
      %gather3A = vector.shape_cast %broadcast_in_dim3A_122 : vector<16x1xi32> to vector<16xi32>
      %gather3A_123 = tpu.dynamic_gather %masked_sort3A_109[%gather3A] in [0] : vector<16xi32>, vector<16xi32> -> vector<16xi32>
      %ne3A_124 = arith.cmpi ne, %masked_sort3A_109, %gather3A_123 : vector<16xi32>
      %eq3A_125 = arith.constant 0 : i32
      %eq3A_126 = vector.broadcast %eq3A_125 : i32 to vector<16xi32>
      %eq3A_127 = arith.cmpi eq, %iota3A, %eq3A_126 : vector<16xi32>
      %or3A = arith.ori %ne3A_124, %eq3A_127 : vector<16xi1>
      %jit3A_128 = arith.constant 0 : i32
      %broadcast_in_dim3A_129 = vector.broadcast %jit3A_128 : i32 to vector<16xi32>
      %select_n3A_130 = arith.select %or3A, %iota3A, %broadcast_in_dim3A_129 : vector<16xi1>, vector<16xi32>
      %broadcast_in_dim3A_131 = arith.constant true
      %broadcast_in_dim3A_132 = vector.broadcast %broadcast_in_dim3A_131 : i1 to vector<16xi1>
      %masked_cummax3A = arith.constant -2147483648 : i32
      %masked_cummax3A_133 = vector.broadcast %masked_cummax3A : i32 to vector<16xi32>
      %masked_cummax3A_134 = arith.xori %select_n3A_130, %masked_cummax3A_133 : vector<16xi32>
      %masked_cummax3A_135 = tpu.scan <max>, %masked_cummax3A_134 masked %broadcast_in_dim3A_132 : vector<16xi32>, vector<16xi1> -> vector<16xi32>
      %masked_cummax3A_136 = arith.xori %masked_cummax3A_135, %masked_cummax3A_133 : vector<16xi32>
      %sub3A_137 = arith.subi %iota3A, %masked_cummax3A_136 : vector<16xi32>
      %min3A = arith.constant 319 : i32
      %min3A_138 = vector.broadcast %min3A : i32 to vector<16xi32>
      %min3A_139 = arith.minsi %masked_sort3A_109, %min3A_138 : vector<16xi32>
      %gather3A_140 = tpu.vector_load_idx %arg13[%min3A_139] : memref<336xi32, #tpu.memory_space<vmem>>[vector<16xi32>], vector<16xi32>,
      %add3A_141 = arith.addi %gather3A_140, %sub3A_137 : vector<16xi32>
      %lt3A_142 = arith.constant 0 : i32
      %lt3A_143 = vector.broadcast %lt3A_142 : i32 to vector<16xi32>
      %lt3A_144 = arith.cmpi slt, %masked_sort3A_108, %lt3A_143 : vector<16xi32>
      %add3A_145 = arith.constant 16 : i32
      %add3A_146 = vector.broadcast %add3A_145 : i32 to vector<16xi32>
      %add3A_147 = arith.addi %masked_sort3A_108, %add3A_146 : vector<16xi32>
      %select_n3A_148 = arith.select %lt3A_144, %add3A_147, %masked_sort3A_108 : vector<16xi1>, vector<16xi32>
      %broadcast_in_dim3A_149 = vector.shape_cast %select_n3A_148 : vector<16xi32> to vector<16x1xi32>
      %gather3A_150 = vector.shape_cast %broadcast_in_dim3A_149 : vector<16x1xi32> to vector<16xi32>
      %gather3A_151 = tpu.dynamic_gather %get3A_102[%gather3A_150] in [0] : vector<16xi32>, vector<16xi32> -> vector<16xi32>
      %ne3A_152 = vector.broadcast %while3A_69 : i32 to vector<16xi32>
      %ne3A_153 = arith.cmpi ne, %masked_sort3A_109, %ne3A_152 : vector<16xi32>
      tpu.vector_store_idx %arg8[%add3A_141], %gather3A_151 masked %ne3A_153 : memref<3360xi32, #tpu.memory_space<vmem>>[vector<16xi32>], vector<16xi32>, vector<16xi1>
      tpu.vector_store_idx %arg13[%min3A_139], %broadcast_in_dim3A_47 masked %ne3A_153 {add = true} : memref<336xi32, #tpu.memory_space<vmem>>[vector<16xi32>], vector<16xi32>, vector<16xi1>
      %while3A_154 = arith.constant 0 : i32
      scf.yield %while3A_154 : i32
    }
    %while3A_80 = arith.constant 1 : i32
    %while3A_81 = scf.for %while3A_91 = %while3A_77 to %while3A_73 step %while3A_80 iter_args(%while3A_92 = %while3A_79) -> (i32)  : i32 {
      %mul3A_93 = arith.constant 16 : i32
      %mul3A_94 = arith.muli %mul3A_93, %while3A_91 : i32
      %add3A_95 = vector.broadcast %mul3A_94 : i32 to vector<16xi32>
      %add3A_96 = arith.addi %add3A_95, %iota3A : vector<16xi32>
      %lt3A = vector.broadcast %scan3A_26 : i32 to vector<16xi32>
      %lt3A_97 = arith.cmpi slt, %add3A_96, %lt3A : vector<16xi32>
      %get3A = arith.index_cast %mul3A_94 : i32 to index
      %get3A_98 = tpu.vector_load %arg7[%get3A] {strides = array<i32>} : memref<3088xi32, #tpu.memory_space<vmem>>, vector<16xi32>,
      %broadcast_in_dim3A_99 = vector.broadcast %while3A_69 : i32 to vector<16xi32>
      %select_n3A_100 = arith.select %lt3A_97, %get3A_98, %broadcast_in_dim3A_99 : vector<16xi1>, vector<16xi32>
      %get3A_101 = arith.index_cast %mul3A_94 : i32 to index
      %get3A_102 = tpu.vector_load %arg6[%get3A_101] {strides = array<i32>} : memref<3088xi32, #tpu.memory_space<vmem>>, vector<16xi32>,
      %masked_sort3A = arith.constant dense<true> : vector<16xi1>
      %masked_sort3A_103 = arith.constant -2147483648 : i32
      %masked_sort3A_104 = vector.broadcast %masked_sort3A_103 : i32 to vector<16xi32>
      %masked_sort3A_105 = arith.xori %select_n3A_100, %masked_sort3A_104 : vector<16xi32>
      %masked_sort3A_106, %masked_sort3A_107, %masked_sort3A_108 = tpu.sort %masked_sort3A_105, %iota3A masked %masked_sort3A : (vector<16xi32>, vector<16xi32>, vector<16xi1>) -> (vector<16xi1>, vector<16xi32>, vector<16xi32>)
      %masked_sort3A_109 = arith.xori %masked_sort3A_107, %masked_sort3A_104 : vector<16xi32>
      %sub3A_110 = arith.constant 1 : i32
      %sub3A_111 = vector.broadcast %sub3A_110 : i32 to vector<16xi32>
      %sub3A_112 = arith.subi %iota3A, %sub3A_111 : vector<16xi32>
      %max3A = arith.constant 0 : i32
      %max3A_113 = vector.broadcast %max3A : i32 to vector<16xi32>
      %max3A_114 = arith.maxsi %sub3A_112, %max3A_113 : vector<16xi32>
      %lt3A_115 = arith.constant 0 : i32
      %lt3A_116 = vector.broadcast %lt3A_115 : i32 to vector<16xi32>
      %lt3A_117 = arith.cmpi slt, %max3A_114, %lt3A_116 : vector<16xi32>
      %add3A_118 = arith.constant 16 : i32
      %add3A_119 = vector.broadcast %add3A_118 : i32 to vector<16xi32>
      %add3A_120 = arith.addi %max3A_114, %add3A_119 : vector<16xi32>
      %select_n3A_121 = arith.select %lt3A_117, %add3A_120, %max3A_114 : vector<16xi1>, vector<16xi32>
      %broadcast_in_dim3A_122 = vector.shape_cast %select_n3A_121 : vector<16xi32> to vector<16x1xi32>
      %gather3A = vector.shape_cast %broadcast_in_dim3A_122 : vector<16x1xi32> to vector<16xi32>
      %gather3A_123 = tpu.dynamic_gather %masked_sort3A_109[%gather3A] in [0] : vector<16xi32>, vector<16xi32> -> vector<16xi32>
      %ne3A_124 = arith.cmpi ne, %masked_sort3A_109, %gather3A_123 : vector<16xi32>
      %eq3A_125 = arith.constant 0 : i32
      %eq3A_126 = vector.broadcast %eq3A_125 : i32 to vector<16xi32>
      %eq3A_127 = arith.cmpi eq, %iota3A, %eq3A_126 : vector<16xi32>
      %or3A = arith.ori %ne3A_124, %eq3A_127 : vector<16xi1>
      %jit3A_128 = arith.constant 0 : i32
      %broadcast_in_dim3A_129 = vector.broadcast %jit3A_128 : i32 to vector<16xi32>
      %select_n3A_130 = arith.select %or3A, %iota3A, %broadcast_in_dim3A_129 : vector<16xi1>, vector<16xi32>
      %broadcast_in_dim3A_131 = arith.constant true
      %broadcast_in_dim3A_132 = vector.broadcast %broadcast_in_dim3A_131 : i1 to vector<16xi1>
      %masked_cummax3A = arith.constant -2147483648 : i32
      %masked_cummax3A_133 = vector.broadcast %masked_cummax3A : i32 to vector<16xi32>
      %masked_cummax3A_134 = arith.xori %select_n3A_130, %masked_cummax3A_133 : vector<16xi32>
      %masked_cummax3A_135 = tpu.scan <max>, %masked_cummax3A_134 masked %broadcast_in_dim3A_132 : vector<16xi32>, vector<16xi1> -> vector<16xi32>
      %masked_cummax3A_136 = arith.xori %masked_cummax3A_135, %masked_cummax3A_133 : vector<16xi32>
      %sub3A_137 = arith.subi %iota3A, %masked_cummax3A_136 : vector<16xi32>
      %min3A = arith.constant 319 : i32
      %min3A_138 = vector.broadcast %min3A : i32 to vector<16xi32>
      %min3A_139 = arith.minsi %masked_sort3A_109, %min3A_138 : vector<16xi32>
      %gather3A_140 = tpu.vector_load_idx %arg13[%min3A_139] : memref<336xi32, #tpu.memory_space<vmem>>[vector<16xi32>], vector<16xi32>,
      %add3A_141 = arith.addi %gather3A_140, %sub3A_137 : vector<16xi32>
      %lt3A_142 = arith.constant 0 : i32
      %lt3A_143 = vector.broadcast %lt3A_142 : i32 to vector<16xi32>
      %lt3A_144 = arith.cmpi slt, %masked_sort3A_108, %lt3A_143 : vector<16xi32>
      %add3A_145 = arith.constant 16 : i32
      %add3A_146 = vector.broadcast %add3A_145 : i32 to vector<16xi32>
      %add3A_147 = arith.addi %masked_sort3A_108, %add3A_146 : vector<16xi32>
      %select_n3A_148 = arith.select %lt3A_144, %add3A_147, %masked_sort3A_108 : vector<16xi1>, vector<16xi32>
      %broadcast_in_dim3A_149 = vector.shape_cast %select_n3A_148 : vector<16xi32> to vector<16x1xi32>
      %gather3A_150 = vector.shape_cast %broadcast_in_dim3A_149 : vector<16x1xi32> to vector<16xi32>
      %gather3A_151 = tpu.dynamic_gather %get3A_102[%gather3A_150] in [0] : vector<16xi32>, vector<16xi32> -> vector<16xi32>
      %ne3A_152 = vector.broadcast %while3A_69 : i32 to vector<16xi32>
      %ne3A_153 = arith.cmpi ne, %masked_sort3A_109, %ne3A_152 : vector<16xi32>
      tpu.vector_store_idx %arg8[%add3A_141], %gather3A_151 masked %ne3A_153 : memref<3360xi32, #tpu.memory_space<vmem>>[vector<16xi32>], vector<16xi32>, vector<16xi1>
      tpu.vector_store_idx %arg13[%min3A_139], %broadcast_in_dim3A_47 masked %ne3A_153 {add = true} : memref<336xi32, #tpu.memory_space<vmem>>[vector<16xi32>], vector<16xi32>, vector<16xi1>
      %while3A_154 = arith.constant 0 : i32
      scf.yield %while3A_154 : i32
    }
    %broadcast_in_dim3A_82 = arith.constant 0xFF80 : bf16
    %broadcast_in_dim3A_83 = vector.broadcast %broadcast_in_dim3A_82 : bf16 to vector<32xbf16>
    %scan3A_84 = arith.constant 0 : i32
    %scan3A_85 = arith.constant 0 : i32
    %scan3A_86 = arith.constant 4 : i32
    %scan3A_87 = arith.addi %scan3A_85, %scan3A_86 : i32
    %scan3A_88 = arith.constant 1 : i32
    %scan3A_89 = scf.for %scan3A_91 = %scan3A_85 to %scan3A_87 step %scan3A_88 iter_args(%scan3A_92 = %scan3A_84) -> (i32)  : i32 {
      %mul3A_93 = arith.constant 80000 : i32
      %mul3A_94 = arith.muli %scan3A_91, %mul3A_93 : i32
      %get3A = arith.constant 0 : index
      %get3A_95 = tpu.vector_load %arg12[%get3A] {strides = array<i32>} : memref<336xi32, #tpu.memory_space<vmem>>, vector<16xi32>,
      %slice3A = vector.extract_strided_slice %get3A_95 {offsets = [0], sizes = [1], strides = [1]} : vector<16xi32> to vector<1xi32>
      %squeeze3A = vector.extract %slice3A[0] : i32 from vector<1xi32>
      %get3A_96 = arith.constant 10 : index
      %get3A_97 = tpu.vector_load %arg12[%get3A_96] {strides = array<i32>} : memref<336xi32, #tpu.memory_space<vmem>>, vector<16xi32>,
      %slice3A_98 = vector.extract_strided_slice %get3A_97 {offsets = [0], sizes = [1], strides = [1]} : vector<16xi32> to vector<1xi32>
      %squeeze3A_99 = vector.extract %slice3A_98[0] : i32 from vector<1xi32>
      %sub3A_100 = arith.subi %squeeze3A_99, %squeeze3A : i32
      %min3A = arith.constant 160 : i32
      %min3A_101 = arith.minsi %sub3A_100, %min3A : i32
      %add3A_102 = arith.constant 80 : i32
      %add3A_103 = arith.addi %min3A_101, %add3A_102 : i32
      %sub3A_104 = arith.constant 1 : i32
      %sub3A_105 = arith.subi %add3A_103, %sub3A_104 : i32
      %jit3A_106 = arith.constant 80 : i32
      %div3A_107 = arith.divsi %sub3A_105, %jit3A_106 : i32
      %sign3A_108 = arith.constant 0 : i32
      %sign3A_109 = arith.cmpi sgt, %sub3A_105, %sign3A_108 : i32
      %sign3A_110 = arith.extui %sign3A_109 : i1 to i32
      %sign3A_111 = arith.constant 0 : i32
      %sign3A_112 = arith.cmpi slt, %sub3A_105, %sign3A_111 : i32
      %sign3A_113 = arith.extui %sign3A_112 : i1 to i32
      %sign3A_114 = arith.subi %sign3A_110, %sign3A_113 : i32
      %sign3A_115 = arith.constant 0 : i32
      %sign3A_116 = arith.cmpi sgt, %jit3A_106, %sign3A_115 : i32
      %sign3A_117 = arith.extui %sign3A_116 : i1 to i32
      %sign3A_118 = arith.constant 0 : i32
      %sign3A_119 = arith.cmpi slt, %jit3A_106, %sign3A_118 : i32
      %sign3A_120 = arith.extui %sign3A_119 : i1 to i32
      %sign3A_121 = arith.subi %sign3A_117, %sign3A_120 : i32
      %ne3A_122 = arith.cmpi ne, %sign3A_114, %sign3A_121 : i32
      %rem3A_123 = arith.remsi %sub3A_105, %jit3A_106 : i32
      %ne3A_124 = arith.constant 0 : i32
      %ne3A_125 = arith.cmpi ne, %rem3A_123, %ne3A_124 : i32
      %and3A_126 = arith.andi %ne3A_122, %ne3A_125 : i1
      %sub3A_127 = arith.constant 1 : i32
      %sub3A_128 = arith.subi %div3A_107, %sub3A_127 : i32
      %select_n3A_129 = arith.select %and3A_126, %sub3A_128, %div3A_107 : i32
      %scan3A_130 = arith.constant 0 : i32
      %scan3A_131 = arith.constant 0 : i32
      %scan3A_132 = arith.constant 10 : i32
      %scan3A_133 = arith.addi %scan3A_131, %scan3A_132 : i32
      %scan3A_134 = arith.constant 1 : i32
      %scan3A_135 = scf.for %scan3A_159 = %scan3A_131 to %scan3A_133 step %scan3A_134 iter_args(%scan3A_160 = %scan3A_130) -> (i32)  : i32 {
        %mul3A_161 = arith.constant 16 : i32
        %mul3A_162 = arith.muli %mul3A_161, %scan3A_159 : i32
        %add3A_163 = arith.addi %squeeze3A, %mul3A_162 : i32
        %get3A_164 = arith.index_cast %add3A_163 : i32 to index
        %get3A_165 = tpu.vector_load %arg8[%get3A_164] {strides = array<i32>} : memref<3360xi32, #tpu.memory_space<vmem>>, vector<16xi32>,
        %add3A_166 = vector.broadcast %mul3A_94 : i32 to vector<16xi32>
        %add3A_167 = arith.addi %get3A_165, %add3A_166 : vector<16xi32>
        %mul3A_168 = arith.constant 16 : i32
        %mul3A_169 = arith.muli %mul3A_168, %scan3A_159 : i32
        %swap3A = arith.index_cast %mul3A_169 : i32 to index
        %swap3A_170 = tpu.vector_load %arg9[%swap3A] {strides = array<i32>} : memref<160xi32, #tpu.memory_space<vmem>>, vector<16xi32>,
        tpu.vector_store %arg9[%swap3A], %add3A_167 {strides = array<i32>} : memref<160xi32, #tpu.memory_space<vmem>>, vector<16xi32>,
        %scan3A_171 = arith.constant 0 : i32
        scf.yield %scan3A_171 : i32
      }
      %scan3A_136 = arith.constant 10 : i32
      %while3A_137 = arith.constant 0 : i32
      %while3A_138 = arith.constant 0 : i32
      %while3A_139 = arith.subi %select_n3A_129, %while3A_137 : i32
      %while3A_140 = arith.addi %while3A_137, %while3A_139 : i32
      %while3A_141 = arith.constant 1 : i32
      %while3A_142 = arith.divsi %while3A_139, %while3A_141 : i32
      %while3A_143 = arith.muli %while3A_142, %while3A_141 : i32
      %while3A_144 = arith.addi %while3A_137, %while3A_143 : i32
      %while3A_145 = arith.constant 1 : i32
      %while3A_146 = scf.for %while3A_159 = %while3A_137 to %while3A_144 step %while3A_145 iter_args(%while3A_160 = %while3A_138) -> (i32)  : i32 {
        %mul3A_161 = arith.constant 80 : i32
        %mul3A_162 = arith.muli %mul3A_161, %while3A_159 : i32
        %mul3A_163 = arith.constant 80 : i32
        %mul3A_164 = arith.muli %mul3A_163, %while3A_159 : i32
        %dma_start3A = arith.constant 0 : i32
        %dma_start3A_165 = tpu.memref_slice %arg15[%mul3A_164, %dma_start3A] : memref<160x128xi32, #tpu.memory_space<vmem>> -> memref<80x128xi32, #tpu.memory_space<vmem>>
        %dma_start3A_166 = tpu.memref_slice %arg9[%mul3A_162] : memref<160xi32, #tpu.memory_space<vmem>> -> memref<80xi32, #tpu.memory_space<vmem>>
        %dma_start3A_167 = arith.constant 0 : i32
        %dma_start3A_168 = arith.constant 0 : i32
        %dma_start3A_169 = tpu.memref_slice %arg2[%dma_start3A_167, %dma_start3A_168] : memref<320000x128xi32, #tpu.memory_space<hbm>> -> memref<320000x128xi32, #tpu.memory_space<hbm>>
        tpu.enqueue_indirect_dma source(%dma_start3A_169 : memref<320000x128xi32, #tpu.memory_space<hbm>>) target(%dma_start3A_165 : memref<80x128xi32, #tpu.memory_space<vmem>>) offsets(%dma_start3A_166 : memref<80xi32, #tpu.memory_space<vmem>>) semaphore(%arg17 : memref<!tpu.dma_semaphore, #tpu.memory_space<semaphore_mem>>)
        %while3A_170 = arith.constant 0 : i32
        scf.yield %while3A_170 : i32
      }
      %while3A_147 = arith.constant 1 : i32
      %while3A_148 = scf.for %while3A_159 = %while3A_144 to %while3A_140 step %while3A_147 iter_args(%while3A_160 = %while3A_146) -> (i32)  : i32 {
        %mul3A_161 = arith.constant 80 : i32
        %mul3A_162 = arith.muli %mul3A_161, %while3A_159 : i32
        %mul3A_163 = arith.constant 80 : i32
        %mul3A_164 = arith.muli %mul3A_163, %while3A_159 : i32
        %dma_start3A = arith.constant 0 : i32
        %dma_start3A_165 = tpu.memref_slice %arg15[%mul3A_164, %dma_start3A] : memref<160x128xi32, #tpu.memory_space<vmem>> -> memref<80x128xi32, #tpu.memory_space<vmem>>
        %dma_start3A_166 = tpu.memref_slice %arg9[%mul3A_162] : memref<160xi32, #tpu.memory_space<vmem>> -> memref<80xi32, #tpu.memory_space<vmem>>
        %dma_start3A_167 = arith.constant 0 : i32
        %dma_start3A_168 = arith.constant 0 : i32
        %dma_start3A_169 = tpu.memref_slice %arg2[%dma_start3A_167, %dma_start3A_168] : memref<320000x128xi32, #tpu.memory_space<hbm>> -> memref<320000x128xi32, #tpu.memory_space<hbm>>
        tpu.enqueue_indirect_dma source(%dma_start3A_169 : memref<320000x128xi32, #tpu.memory_space<hbm>>) target(%dma_start3A_165 : memref<80x128xi32, #tpu.memory_space<vmem>>) offsets(%dma_start3A_166 : memref<80xi32, #tpu.memory_space<vmem>>) semaphore(%arg17 : memref<!tpu.dma_semaphore, #tpu.memory_space<semaphore_mem>>)
        %while3A_170 = arith.constant 0 : i32
        scf.yield %while3A_170 : i32
      }
      %scan3A_149 = arith.constant 0 : i32
      %scan3A_150 = arith.constant 0 : i32
      %scan3A_151 = arith.constant 16 : i32
      %scan3A_152 = arith.addi %scan3A_150, %scan3A_151 : i32
      %scan3A_153 = arith.constant 1 : i32
      %scan3A_154 = scf.for %scan3A_159 = %scan3A_150 to %scan3A_152 step %scan3A_153 iter_args(%scan3A_160 = %scan3A_149) -> (i32)  : i32 {
        %mul3A_161 = arith.constant 2 : i32
        %mul3A_162 = arith.muli %mul3A_161, %scan3A_159 : i32
        %add3A_163 = arith.constant 1 : i32
        %add3A_164 = arith.addi %mul3A_162, %add3A_163 : i32
        %mul3A_165 = arith.constant 10 : i32
        %mul3A_166 = arith.muli %add3A_164, %mul3A_165 : i32
        %get3A_167 = arith.index_cast %mul3A_166 : i32 to index
        %get3A_168 = tpu.vector_load %arg12[%get3A_167] {strides = array<i32>} : memref<336xi32, #tpu.memory_space<vmem>>, vector<16xi32>,
        %slice3A_169 = vector.extract_strided_slice %get3A_168 {offsets = [0], sizes = [1], strides = [1]} : vector<16xi32> to vector<1xi32>
        %squeeze3A_170 = vector.extract %slice3A_169[0] : i32 from vector<1xi32>
        %mul3A_171 = arith.constant 10 : i32
        %mul3A_172 = arith.muli %add3A_164, %mul3A_171 : i32
        %add3A_173 = arith.constant 10 : i32
        %add3A_174 = arith.addi %mul3A_172, %add3A_173 : i32
        %get3A_175 = arith.index_cast %add3A_174 : i32 to index
        %get3A_176 = tpu.vector_load %arg12[%get3A_175] {strides = array<i32>} : memref<336xi32, #tpu.memory_space<vmem>>, vector<16xi32>,
        %slice3A_177 = vector.extract_strided_slice %get3A_176 {offsets = [0], sizes = [1], strides = [1]} : vector<16xi32> to vector<1xi32>
        %squeeze3A_178 = vector.extract %slice3A_177[0] : i32 from vector<1xi32>
        %sub3A_179 = arith.subi %squeeze3A_178, %squeeze3A_170 : i32
        %min3A_180 = arith.constant 160 : i32
        %min3A_181 = arith.minsi %sub3A_179, %min3A_180 : i32
        %add3A_182 = arith.constant 80 : i32
        %add3A_183 = arith.addi %min3A_181, %add3A_182 : i32
        %sub3A_184 = arith.constant 1 : i32
        %sub3A_185 = arith.subi %add3A_183, %sub3A_184 : i32
        %jit3A_186 = arith.constant 80 : i32
        %div3A_187 = arith.divsi %sub3A_185, %jit3A_186 : i32
        %sign3A_188 = arith.constant 0 : i32
        %sign3A_189 = arith.cmpi sgt, %sub3A_185, %sign3A_188 : i32
        %sign3A_190 = arith.extui %sign3A_189 : i1 to i32
        %sign3A_191 = arith.constant 0 : i32
        %sign3A_192 = arith.cmpi slt, %sub3A_185, %sign3A_191 : i32
        %sign3A_193 = arith.extui %sign3A_192 : i1 to i32
        %sign3A_194 = arith.subi %sign3A_190, %sign3A_193 : i32
        %sign3A_195 = arith.constant 0 : i32
        %sign3A_196 = arith.cmpi sgt, %jit3A_186, %sign3A_195 : i32
        %sign3A_197 = arith.extui %sign3A_196 : i1 to i32
        %sign3A_198 = arith.constant 0 : i32
        %sign3A_199 = arith.cmpi slt, %jit3A_186, %sign3A_198 : i32
        %sign3A_200 = arith.extui %sign3A_199 : i1 to i32
        %sign3A_201 = arith.subi %sign3A_197, %sign3A_200 : i32
        %ne3A_202 = arith.cmpi ne, %sign3A_194, %sign3A_201 : i32
        %rem3A_203 = arith.remsi %sub3A_185, %jit3A_186 : i32
        %ne3A_204 = arith.constant 0 : i32
        %ne3A_205 = arith.cmpi ne, %rem3A_203, %ne3A_204 : i32
        %and3A_206 = arith.andi %ne3A_202, %ne3A_205 : i1
        %sub3A_207 = arith.constant 1 : i32
        %sub3A_208 = arith.subi %div3A_187, %sub3A_207 : i32
        %select_n3A_209 = arith.select %and3A_206, %sub3A_208, %div3A_187 : i32
        %scan3A_210 = arith.constant 0 : i32
        %scan3A_211 = arith.constant 0 : i32
        %scan3A_212 = arith.constant 10 : i32
        %scan3A_213 = arith.addi %scan3A_211, %scan3A_212 : i32
        %scan3A_214 = arith.constant 1 : i32
        %scan3A_215 = scf.for %scan3A_369 = %scan3A_211 to %scan3A_213 step %scan3A_214 iter_args(%scan3A_370 = %scan3A_210) -> (i32)  : i32 {
          %mul3A_371 = arith.constant 16 : i32
          %mul3A_372 = arith.muli %mul3A_371, %scan3A_369 : i32
          %add3A_373 = arith.addi %squeeze3A_170, %mul3A_372 : i32
          %get3A_374 = arith.index_cast %add3A_373 : i32 to index
          %get3A_375 = tpu.vector_load %arg8[%get3A_374] {strides = array<i32>} : memref<3360xi32, #tpu.memory_space<vmem>>, vector<16xi32>,
          %add3A_376 = vector.broadcast %mul3A_94 : i32 to vector<16xi32>
          %add3A_377 = arith.addi %get3A_375, %add3A_376 : vector<16xi32>
          %mul3A_378 = arith.constant 16 : i32
          %mul3A_379 = arith.muli %mul3A_378, %scan3A_369 : i32
          %swap3A = arith.index_cast %mul3A_379 : i32 to index
          %swap3A_380 = tpu.vector_load %arg10[%swap3A] {strides = array<i32>} : memref<160xi32, #tpu.memory_space<vmem>>, vector<16xi32>,
          tpu.vector_store %arg10[%swap3A], %add3A_377 {strides = array<i32>} : memref<160xi32, #tpu.memory_space<vmem>>, vector<16xi32>,
          %scan3A_381 = arith.constant 0 : i32
          scf.yield %scan3A_381 : i32
        }
        %scan3A_216 = arith.constant 10 : i32
        %while3A_217 = arith.constant 0 : i32
        %while3A_218 = arith.constant 0 : i32
        %while3A_219 = arith.subi %select_n3A_209, %while3A_217 : i32
        %while3A_220 = arith.addi %while3A_217, %while3A_219 : i32
        %while3A_221 = arith.constant 1 : i32
        %while3A_222 = arith.divsi %while3A_219, %while3A_221 : i32
        %while3A_223 = arith.muli %while3A_222, %while3A_221 : i32
        %while3A_224 = arith.addi %while3A_217, %while3A_223 : i32
        %while3A_225 = arith.constant 1 : i32
        %while3A_226 = scf.for %while3A_369 = %while3A_217 to %while3A_224 step %while3A_225 iter_args(%while3A_370 = %while3A_218) -> (i32)  : i32 {
          %mul3A_371 = arith.constant 80 : i32
          %mul3A_372 = arith.muli %mul3A_371, %while3A_369 : i32
          %mul3A_373 = arith.constant 80 : i32
          %mul3A_374 = arith.muli %mul3A_373, %while3A_369 : i32
          %dma_start3A = arith.constant 0 : i32
          %dma_start3A_375 = tpu.memref_slice %arg16[%mul3A_374, %dma_start3A] : memref<160x128xi32, #tpu.memory_space<vmem>> -> memref<80x128xi32, #tpu.memory_space<vmem>>
          %dma_start3A_376 = tpu.memref_slice %arg10[%mul3A_372] : memref<160xi32, #tpu.memory_space<vmem>> -> memref<80xi32, #tpu.memory_space<vmem>>
          %dma_start3A_377 = arith.constant 0 : i32
          %dma_start3A_378 = arith.constant 0 : i32
          %dma_start3A_379 = tpu.memref_slice %arg2[%dma_start3A_377, %dma_start3A_378] : memref<320000x128xi32, #tpu.memory_space<hbm>> -> memref<320000x128xi32, #tpu.memory_space<hbm>>
          tpu.enqueue_indirect_dma source(%dma_start3A_379 : memref<320000x128xi32, #tpu.memory_space<hbm>>) target(%dma_start3A_375 : memref<80x128xi32, #tpu.memory_space<vmem>>) offsets(%dma_start3A_376 : memref<80xi32, #tpu.memory_space<vmem>>) semaphore(%arg18 : memref<!tpu.dma_semaphore, #tpu.memory_space<semaphore_mem>>)
          %while3A_380 = arith.constant 0 : i32
          scf.yield %while3A_380 : i32
        }
        %while3A_227 = arith.constant 1 : i32
        %while3A_228 = scf.for %while3A_369 = %while3A_224 to %while3A_220 step %while3A_227 iter_args(%while3A_370 = %while3A_226) -> (i32)  : i32 {
          %mul3A_371 = arith.constant 80 : i32
          %mul3A_372 = arith.muli %mul3A_371, %while3A_369 : i32
          %mul3A_373 = arith.constant 80 : i32
          %mul3A_374 = arith.muli %mul3A_373, %while3A_369 : i32
          %dma_start3A = arith.constant 0 : i32
          %dma_start3A_375 = tpu.memref_slice %arg16[%mul3A_374, %dma_start3A] : memref<160x128xi32, #tpu.memory_space<vmem>> -> memref<80x128xi32, #tpu.memory_space<vmem>>
          %dma_start3A_376 = tpu.memref_slice %arg10[%mul3A_372] : memref<160xi32, #tpu.memory_space<vmem>> -> memref<80xi32, #tpu.memory_space<vmem>>
          %dma_start3A_377 = arith.constant 0 : i32
          %dma_start3A_378 = arith.constant 0 : i32
          %dma_start3A_379 = tpu.memref_slice %arg2[%dma_start3A_377, %dma_start3A_378] : memref<320000x128xi32, #tpu.memory_space<hbm>> -> memref<320000x128xi32, #tpu.memory_space<hbm>>
          tpu.enqueue_indirect_dma source(%dma_start3A_379 : memref<320000x128xi32, #tpu.memory_space<hbm>>) target(%dma_start3A_375 : memref<80x128xi32, #tpu.memory_space<vmem>>) offsets(%dma_start3A_376 : memref<80xi32, #tpu.memory_space<vmem>>) semaphore(%arg18 : memref<!tpu.dma_semaphore, #tpu.memory_space<semaphore_mem>>)
          %while3A_380 = arith.constant 0 : i32
          scf.yield %while3A_380 : i32
        }
        %mul3A_229 = arith.constant 10 : i32
        %mul3A_230 = arith.muli %mul3A_162, %mul3A_229 : i32
        %get3A_231 = arith.index_cast %mul3A_230 : i32 to index
        %get3A_232 = tpu.vector_load %arg12[%get3A_231] {strides = array<i32>} : memref<336xi32, #tpu.memory_space<vmem>>, vector<16xi32>,
        %slice3A_233 = vector.extract_strided_slice %get3A_232 {offsets = [0], sizes = [1], strides = [1]} : vector<16xi32> to vector<1xi32>
        %squeeze3A_234 = vector.extract %slice3A_233[0] : i32 from vector<1xi32>
        %mul3A_235 = arith.constant 10 : i32
        %mul3A_236 = arith.muli %mul3A_162, %mul3A_235 : i32
        %add3A_237 = arith.constant 10 : i32
        %add3A_238 = arith.addi %mul3A_236, %add3A_237 : i32
        %get3A_239 = arith.index_cast %add3A_238 : i32 to index
        %get3A_240 = tpu.vector_load %arg12[%get3A_239] {strides = array<i32>} : memref<336xi32, #tpu.memory_space<vmem>>, vector<16xi32>,
        %slice3A_241 = vector.extract_strided_slice %get3A_240 {offsets = [0], sizes = [1], strides = [1]} : vector<16xi32> to vector<1xi32>
        %squeeze3A_242 = vector.extract %slice3A_241[0] : i32 from vector<1xi32>
        %sub3A_243 = arith.subi %squeeze3A_242, %squeeze3A_234 : i32
        %min3A_244 = arith.constant 160 : i32
        %min3A_245 = arith.minsi %sub3A_243, %min3A_244 : i32
        %add3A_246 = arith.constant 80 : i32
        %add3A_247 = arith.addi %min3A_245, %add3A_246 : i32
        %sub3A_248 = arith.constant 1 : i32
        %sub3A_249 = arith.subi %add3A_247, %sub3A_248 : i32
        %jit3A_250 = arith.constant 80 : i32
        %div3A_251 = arith.divsi %sub3A_249, %jit3A_250 : i32
        %sign3A_252 = arith.constant 0 : i32
        %sign3A_253 = arith.cmpi sgt, %sub3A_249, %sign3A_252 : i32
        %sign3A_254 = arith.extui %sign3A_253 : i1 to i32
        %sign3A_255 = arith.constant 0 : i32
        %sign3A_256 = arith.cmpi slt, %sub3A_249, %sign3A_255 : i32
        %sign3A_257 = arith.extui %sign3A_256 : i1 to i32
        %sign3A_258 = arith.subi %sign3A_254, %sign3A_257 : i32
        %sign3A_259 = arith.constant 0 : i32
        %sign3A_260 = arith.cmpi sgt, %jit3A_250, %sign3A_259 : i32
        %sign3A_261 = arith.extui %sign3A_260 : i1 to i32
        %sign3A_262 = arith.constant 0 : i32
        %sign3A_263 = arith.cmpi slt, %jit3A_250, %sign3A_262 : i32
        %sign3A_264 = arith.extui %sign3A_263 : i1 to i32
        %sign3A_265 = arith.subi %sign3A_261, %sign3A_264 : i32
        %ne3A_266 = arith.cmpi ne, %sign3A_258, %sign3A_265 : i32
        %rem3A_267 = arith.remsi %sub3A_249, %jit3A_250 : i32
        %ne3A_268 = arith.constant 0 : i32
        %ne3A_269 = arith.cmpi ne, %rem3A_267, %ne3A_268 : i32
        %and3A_270 = arith.andi %ne3A_266, %ne3A_269 : i1
        %sub3A_271 = arith.constant 1 : i32
        %sub3A_272 = arith.subi %div3A_251, %sub3A_271 : i32
        %select_n3A_273 = arith.select %and3A_270, %sub3A_272, %div3A_251 : i32
        %while3A_274 = arith.constant 0 : i32
        %while3A_275 = arith.constant 0 : i32
        %while3A_276 = arith.subi %select_n3A_273, %while3A_274 : i32
        %while3A_277 = arith.addi %while3A_274, %while3A_276 : i32
        %while3A_278 = arith.constant 1 : i32
        %while3A_279 = arith.divsi %while3A_276, %while3A_278 : i32
        %while3A_280 = arith.muli %while3A_279, %while3A_278 : i32
        %while3A_281 = arith.addi %while3A_274, %while3A_280 : i32
        %while3A_282 = arith.constant 1 : i32
        %while3A_283 = scf.for %while3A_369 = %while3A_274 to %while3A_281 step %while3A_282 iter_args(%while3A_370 = %while3A_275) -> (i32)  : i32 {
          %dma_wait3A = arith.constant 0 : i32
          %dma_wait3A_371 = arith.constant 0 : i32
          %dma_wait3A_372 = tpu.memref_slice %arg15[%dma_wait3A, %dma_wait3A_371] : memref<160x128xi32, #tpu.memory_space<vmem>> -> memref<80x128xi32, #tpu.memory_space<vmem>>
          %dma_wait3A_373 = arith.constant 0 : i32
          %dma_wait3A_374 = arith.constant 0 : i32
          %dma_wait3A_375 = tpu.memref_slice %arg2[%dma_wait3A_373, %dma_wait3A_374] : memref<320000x128xi32, #tpu.memory_space<hbm>> -> memref<80x128xi32, #tpu.memory_space<hbm>>
          %dma_wait3A_376 = arith.constant 0 : i32
          %dma_wait3A_377 = arith.constant 0 : i32
          %dma_wait3A_378 = tpu.memref_slice %arg15[%dma_wait3A_376, %dma_wait3A_377] : memref<160x128xi32, #tpu.memory_space<vmem>> -> memref<80x128xi32, #tpu.memory_space<vmem>>
          %dma_wait3A_379 = arith.constant 0 : i32
          %dma_wait3A_380 = arith.constant 0 : i32
          %dma_wait3A_381 = tpu.memref_slice %arg2[%dma_wait3A_379, %dma_wait3A_380] : memref<320000x128xi32, #tpu.memory_space<hbm>> -> memref<80x128xi32, #tpu.memory_space<hbm>>
          tpu.wait_dma2 semaphore(%arg17 : memref<!tpu.dma_semaphore, #tpu.memory_space<semaphore_mem>>) src(%dma_wait3A_381 : memref<80x128xi32, #tpu.memory_space<hbm>>) dst(%dma_wait3A_378 : memref<80x128xi32, #tpu.memory_space<vmem>>)
          %while3A_382 = arith.constant 0 : i32
          scf.yield %while3A_382 : i32
        }
        %while3A_284 = arith.constant 1 : i32
        %while3A_285 = scf.for %while3A_369 = %while3A_281 to %while3A_277 step %while3A_284 iter_args(%while3A_370 = %while3A_283) -> (i32)  : i32 {
          %dma_wait3A = arith.constant 0 : i32
          %dma_wait3A_371 = arith.constant 0 : i32
          %dma_wait3A_372 = tpu.memref_slice %arg15[%dma_wait3A, %dma_wait3A_371] : memref<160x128xi32, #tpu.memory_space<vmem>> -> memref<80x128xi32, #tpu.memory_space<vmem>>
          %dma_wait3A_373 = arith.constant 0 : i32
          %dma_wait3A_374 = arith.constant 0 : i32
          %dma_wait3A_375 = tpu.memref_slice %arg2[%dma_wait3A_373, %dma_wait3A_374] : memref<320000x128xi32, #tpu.memory_space<hbm>> -> memref<80x128xi32, #tpu.memory_space<hbm>>
          %dma_wait3A_376 = arith.constant 0 : i32
          %dma_wait3A_377 = arith.constant 0 : i32
          %dma_wait3A_378 = tpu.memref_slice %arg15[%dma_wait3A_376, %dma_wait3A_377] : memref<160x128xi32, #tpu.memory_space<vmem>> -> memref<80x128xi32, #tpu.memory_space<vmem>>
          %dma_wait3A_379 = arith.constant 0 : i32
          %dma_wait3A_380 = arith.constant 0 : i32
          %dma_wait3A_381 = tpu.memref_slice %arg2[%dma_wait3A_379, %dma_wait3A_380] : memref<320000x128xi32, #tpu.memory_space<hbm>> -> memref<80x128xi32, #tpu.memory_space<hbm>>
          tpu.wait_dma2 semaphore(%arg17 : memref<!tpu.dma_semaphore, #tpu.memory_space<semaphore_mem>>) src(%dma_wait3A_381 : memref<80x128xi32, #tpu.memory_space<hbm>>) dst(%dma_wait3A_378 : memref<80x128xi32, #tpu.memory_space<vmem>>)
          %while3A_382 = arith.constant 0 : i32
          scf.yield %while3A_382 : i32
        }
        %mul3A_286 = arith.constant 10 : i32
        %mul3A_287 = arith.muli %mul3A_162, %mul3A_286 : i32
        %get3A_288 = arith.index_cast %mul3A_287 : i32 to index
        %get3A_289 = tpu.vector_load %arg12[%get3A_288] {strides = array<i32>} : memref<336xi32, #tpu.memory_space<vmem>>, vector<16xi32>,
        %slice3A_290 = vector.extract_strided_slice %get3A_289 {offsets = [0], sizes = [1], strides = [1]} : vector<16xi32> to vector<1xi32>
        %squeeze3A_291 = vector.extract %slice3A_290[0] : i32 from vector<1xi32>
        %parallel_loop3A = arith.constant 0 : i32
        %parallel_loop3A_292 = arith.constant 10 : i32
        %parallel_loop3A_293 = arith.constant 1 : i32
        scf.for %parallel_loop3A_369 = %parallel_loop3A to %parallel_loop3A_292 step %parallel_loop3A_293  : i32 {
          %parallel_loop3A_370 = arith.constant 10 : i32
          %parallel_loop3A_371 = arith.muli %mul3A_162, %parallel_loop3A_370 : i32
          %parallel_loop3A_372 = arith.addi %parallel_loop3A_371, %parallel_loop3A_369 : i32
          %parallel_loop3A_373 = arith.index_cast %parallel_loop3A_372 : i32 to index
          %parallel_loop3A_374 = tpu.vector_load %arg11[%parallel_loop3A_373] {strides = array<i32>} : memref<336xi32, #tpu.memory_space<vmem>>, vector<16xi32>,
          %parallel_loop3A_375 = vector.extract_strided_slice %parallel_loop3A_374 {offsets = [0], sizes = [1], strides = [1]} : vector<16xi32> to vector<1xi32>
          %parallel_loop3A_376 = vector.extract %parallel_loop3A_375[0] : i32 from vector<1xi32>
          %parallel_loop3A_377 = arith.index_cast %parallel_loop3A_372 : i32 to index
          %parallel_loop3A_378 = tpu.vector_load %arg12[%parallel_loop3A_377] {strides = array<i32>} : memref<336xi32, #tpu.memory_space<vmem>>, vector<16xi32>,
          %parallel_loop3A_379 = vector.extract_strided_slice %parallel_loop3A_378 {offsets = [0], sizes = [1], strides = [1]} : vector<16xi32> to vector<1xi32>
          %parallel_loop3A_380 = vector.extract %parallel_loop3A_379[0] : i32 from vector<1xi32>
          %parallel_loop3A_381 = arith.subi %parallel_loop3A_380, %squeeze3A_291 : i32
          %parallel_loop3A_382 = arith.constant 159 : i32
          %parallel_loop3A_383 = arith.minsi %parallel_loop3A_381, %parallel_loop3A_382 : i32
          %parallel_loop3A_384 = arith.addi %parallel_loop3A_381, %parallel_loop3A_376 : i32
          %parallel_loop3A_385 = arith.constant 160 : i32
          %parallel_loop3A_386 = arith.minsi %parallel_loop3A_384, %parallel_loop3A_385 : i32
          %parallel_loop3A_387 = arith.constant 1 : i32
          %parallel_loop3A_388:8 = scf.for %parallel_loop3A_421 = %parallel_loop3A_383 to %parallel_loop3A_386 step %parallel_loop3A_387 iter_args(%parallel_loop3A_422 = %broadcast_in_dim3A_83, %parallel_loop3A_423 = %broadcast_in_dim3A_83, %parallel_loop3A_424 = %broadcast_in_dim3A_83, %parallel_loop3A_425 = %broadcast_in_dim3A_83, %parallel_loop3A_426 = %broadcast_in_dim3A_83, %parallel_loop3A_427 = %broadcast_in_dim3A_83, %parallel_loop3A_428 = %broadcast_in_dim3A_83, %parallel_loop3A_429 = %broadcast_in_dim3A_83) -> (vector<32xbf16>, vector<32xbf16>, vector<32xbf16>, vector<32xbf16>, vector<32xbf16>, vector<32xbf16>, vector<32xbf16>, vector<32xbf16>)  : i32 {
            %parallel_loop3A_430 = arith.index_cast %parallel_loop3A_421 : i32 to index
            %parallel_loop3A_431 = arith.constant 0 : index
            %parallel_loop3A_432 = tpu.vector_load %arg15[%parallel_loop3A_430, %parallel_loop3A_431] {strides = array<i32>} : memref<160x128xi32, #tpu.memory_space<vmem>>, vector<16xi32>,
            %parallel_loop3A_433 = vector.bitcast %parallel_loop3A_432 : vector<16xi32> to vector<32xbf16>
            %parallel_loop3A_434 = arith.maximumf %parallel_loop3A_422, %parallel_loop3A_433 : vector<32xbf16>
            %parallel_loop3A_435 = arith.index_cast %parallel_loop3A_421 : i32 to index
            %parallel_loop3A_436 = arith.constant 16 : index
            %parallel_loop3A_437 = tpu.vector_load %arg15[%parallel_loop3A_435, %parallel_loop3A_436] {strides = array<i32>} : memref<160x128xi32, #tpu.memory_space<vmem>>, vector<16xi32>,
            %parallel_loop3A_438 = vector.bitcast %parallel_loop3A_437 : vector<16xi32> to vector<32xbf16>
            %parallel_loop3A_439 = arith.maximumf %parallel_loop3A_423, %parallel_loop3A_438 : vector<32xbf16>
            %parallel_loop3A_440 = arith.index_cast %parallel_loop3A_421 : i32 to index
            %parallel_loop3A_441 = arith.constant 32 : index
            %parallel_loop3A_442 = tpu.vector_load %arg15[%parallel_loop3A_440, %parallel_loop3A_441] {strides = array<i32>} : memref<160x128xi32, #tpu.memory_space<vmem>>, vector<16xi32>,
            %parallel_loop3A_443 = vector.bitcast %parallel_loop3A_442 : vector<16xi32> to vector<32xbf16>
            %parallel_loop3A_444 = arith.maximumf %parallel_loop3A_424, %parallel_loop3A_443 : vector<32xbf16>
            %parallel_loop3A_445 = arith.index_cast %parallel_loop3A_421 : i32 to index
            %parallel_loop3A_446 = arith.constant 48 : index
            %parallel_loop3A_447 = tpu.vector_load %arg15[%parallel_loop3A_445, %parallel_loop3A_446] {strides = array<i32>} : memref<160x128xi32, #tpu.memory_space<vmem>>, vector<16xi32>,
            %parallel_loop3A_448 = vector.bitcast %parallel_loop3A_447 : vector<16xi32> to vector<32xbf16>
            %parallel_loop3A_449 = arith.maximumf %parallel_loop3A_425, %parallel_loop3A_448 : vector<32xbf16>
            %parallel_loop3A_450 = arith.index_cast %parallel_loop3A_421 : i32 to index
            %parallel_loop3A_451 = arith.constant 64 : index
            %parallel_loop3A_452 = tpu.vector_load %arg15[%parallel_loop3A_450, %parallel_loop3A_451] {strides = array<i32>} : memref<160x128xi32, #tpu.memory_space<vmem>>, vector<16xi32>,
            %parallel_loop3A_453 = vector.bitcast %parallel_loop3A_452 : vector<16xi32> to vector<32xbf16>
            %parallel_loop3A_454 = arith.maximumf %parallel_loop3A_426, %parallel_loop3A_453 : vector<32xbf16>
            %parallel_loop3A_455 = arith.index_cast %parallel_loop3A_421 : i32 to index
            %parallel_loop3A_456 = arith.constant 80 : index
            %parallel_loop3A_457 = tpu.vector_load %arg15[%parallel_loop3A_455, %parallel_loop3A_456] {strides = array<i32>} : memref<160x128xi32, #tpu.memory_space<vmem>>, vector<16xi32>,
            %parallel_loop3A_458 = vector.bitcast %parallel_loop3A_457 : vector<16xi32> to vector<32xbf16>
            %parallel_loop3A_459 = arith.maximumf %parallel_loop3A_427, %parallel_loop3A_458 : vector<32xbf16>
            %parallel_loop3A_460 = arith.index_cast %parallel_loop3A_421 : i32 to index
            %parallel_loop3A_461 = arith.constant 96 : index
            %parallel_loop3A_462 = tpu.vector_load %arg15[%parallel_loop3A_460, %parallel_loop3A_461] {strides = array<i32>} : memref<160x128xi32, #tpu.memory_space<vmem>>, vector<16xi32>,
            %parallel_loop3A_463 = vector.bitcast %parallel_loop3A_462 : vector<16xi32> to vector<32xbf16>
            %parallel_loop3A_464 = arith.maximumf %parallel_loop3A_428, %parallel_loop3A_463 : vector<32xbf16>
            %parallel_loop3A_465 = arith.index_cast %parallel_loop3A_421 : i32 to index
            %parallel_loop3A_466 = arith.constant 112 : index
            %parallel_loop3A_467 = tpu.vector_load %arg15[%parallel_loop3A_465, %parallel_loop3A_466] {strides = array<i32>} : memref<160x128xi32, #tpu.memory_space<vmem>>, vector<16xi32>,
            %parallel_loop3A_468 = vector.bitcast %parallel_loop3A_467 : vector<16xi32> to vector<32xbf16>
            %parallel_loop3A_469 = arith.maximumf %parallel_loop3A_429, %parallel_loop3A_468 : vector<32xbf16>
            scf.yield %parallel_loop3A_434, %parallel_loop3A_439, %parallel_loop3A_444, %parallel_loop3A_449, %parallel_loop3A_454, %parallel_loop3A_459, %parallel_loop3A_464, %parallel_loop3A_469 : vector<32xbf16>, vector<32xbf16>, vector<32xbf16>, vector<32xbf16>, vector<32xbf16>, vector<32xbf16>, vector<32xbf16>, vector<32xbf16>
          } {sc.loop_unroll_factor = 2 : i64, sc.parallel_access}
          %parallel_loop3A_389 = vector.bitcast %parallel_loop3A_388#0 : vector<32xbf16> to vector<16xi32>
          %parallel_loop3A_390 = arith.index_cast %parallel_loop3A_372 : i32 to index
          %parallel_loop3A_391 = arith.constant 0 : index
          %parallel_loop3A_392 = tpu.vector_load %arg14[%parallel_loop3A_390, %parallel_loop3A_391] {strides = array<i32>} : memref<320x128xi32, #tpu.memory_space<vmem>>, vector<16xi32>,
          tpu.vector_store %arg14[%parallel_loop3A_390, %parallel_loop3A_391], %parallel_loop3A_389 {strides = array<i32>} : memref<320x128xi32, #tpu.memory_space<vmem>>, vector<16xi32>,
          %parallel_loop3A_393 = vector.bitcast %parallel_loop3A_388#1 : vector<32xbf16> to vector<16xi32>
          %parallel_loop3A_394 = arith.index_cast %parallel_loop3A_372 : i32 to index
          %parallel_loop3A_395 = arith.constant 16 : index
          %parallel_loop3A_396 = tpu.vector_load %arg14[%parallel_loop3A_394, %parallel_loop3A_395] {strides = array<i32>} : memref<320x128xi32, #tpu.memory_space<vmem>>, vector<16xi32>,
          tpu.vector_store %arg14[%parallel_loop3A_394, %parallel_loop3A_395], %parallel_loop3A_393 {strides = array<i32>} : memref<320x128xi32, #tpu.memory_space<vmem>>, vector<16xi32>,
          %parallel_loop3A_397 = vector.bitcast %parallel_loop3A_388#2 : vector<32xbf16> to vector<16xi32>
          %parallel_loop3A_398 = arith.index_cast %parallel_loop3A_372 : i32 to index
          %parallel_loop3A_399 = arith.constant 32 : index
          %parallel_loop3A_400 = tpu.vector_load %arg14[%parallel_loop3A_398, %parallel_loop3A_399] {strides = array<i32>} : memref<320x128xi32, #tpu.memory_space<vmem>>, vector<16xi32>,
          tpu.vector_store %arg14[%parallel_loop3A_398, %parallel_loop3A_399], %parallel_loop3A_397 {strides = array<i32>} : memref<320x128xi32, #tpu.memory_space<vmem>>, vector<16xi32>,
          %parallel_loop3A_401 = vector.bitcast %parallel_loop3A_388#3 : vector<32xbf16> to vector<16xi32>
          %parallel_loop3A_402 = arith.index_cast %parallel_loop3A_372 : i32 to index
          %parallel_loop3A_403 = arith.constant 48 : index
          %parallel_loop3A_404 = tpu.vector_load %arg14[%parallel_loop3A_402, %parallel_loop3A_403] {strides = array<i32>} : memref<320x128xi32, #tpu.memory_space<vmem>>, vector<16xi32>,
          tpu.vector_store %arg14[%parallel_loop3A_402, %parallel_loop3A_403], %parallel_loop3A_401 {strides = array<i32>} : memref<320x128xi32, #tpu.memory_space<vmem>>, vector<16xi32>,
          %parallel_loop3A_405 = vector.bitcast %parallel_loop3A_388#4 : vector<32xbf16> to vector<16xi32>
          %parallel_loop3A_406 = arith.index_cast %parallel_loop3A_372 : i32 to index
          %parallel_loop3A_407 = arith.constant 64 : index
          %parallel_loop3A_408 = tpu.vector_load %arg14[%parallel_loop3A_406, %parallel_loop3A_407] {strides = array<i32>} : memref<320x128xi32, #tpu.memory_space<vmem>>, vector<16xi32>,
          tpu.vector_store %arg14[%parallel_loop3A_406, %parallel_loop3A_407], %parallel_loop3A_405 {strides = array<i32>} : memref<320x128xi32, #tpu.memory_space<vmem>>, vector<16xi32>,
          %parallel_loop3A_409 = vector.bitcast %parallel_loop3A_388#5 : vector<32xbf16> to vector<16xi32>
          %parallel_loop3A_410 = arith.index_cast %parallel_loop3A_372 : i32 to index
          %parallel_loop3A_411 = arith.constant 80 : index
          %parallel_loop3A_412 = tpu.vector_load %arg14[%parallel_loop3A_410, %parallel_loop3A_411] {strides = array<i32>} : memref<320x128xi32, #tpu.memory_space<vmem>>, vector<16xi32>,
          tpu.vector_store %arg14[%parallel_loop3A_410, %parallel_loop3A_411], %parallel_loop3A_409 {strides = array<i32>} : memref<320x128xi32, #tpu.memory_space<vmem>>, vector<16xi32>,
          %parallel_loop3A_413 = vector.bitcast %parallel_loop3A_388#6 : vector<32xbf16> to vector<16xi32>
          %parallel_loop3A_414 = arith.index_cast %parallel_loop3A_372 : i32 to index
          %parallel_loop3A_415 = arith.constant 96 : index
          %parallel_loop3A_416 = tpu.vector_load %arg14[%parallel_loop3A_414, %parallel_loop3A_415] {strides = array<i32>} : memref<320x128xi32, #tpu.memory_space<vmem>>, vector<16xi32>,
          tpu.vector_store %arg14[%parallel_loop3A_414, %parallel_loop3A_415], %parallel_loop3A_413 {strides = array<i32>} : memref<320x128xi32, #tpu.memory_space<vmem>>, vector<16xi32>,
          %parallel_loop3A_417 = vector.bitcast %parallel_loop3A_388#7 : vector<32xbf16> to vector<16xi32>
          %parallel_loop3A_418 = arith.index_cast %parallel_loop3A_372 : i32 to index
          %parallel_loop3A_419 = arith.constant 112 : index
          %parallel_loop3A_420 = tpu.vector_load %arg14[%parallel_loop3A_418, %parallel_loop3A_419] {strides = array<i32>} : memref<320x128xi32, #tpu.memory_space<vmem>>, vector<16xi32>,
          tpu.vector_store %arg14[%parallel_loop3A_418, %parallel_loop3A_419], %parallel_loop3A_417 {strides = array<i32>} : memref<320x128xi32, #tpu.memory_space<vmem>>, vector<16xi32>,
        } {sc.loop_unroll_factor = 1 : i64, sc.parallel_access}
        %add3A_294 = arith.constant 2 : i32
        %add3A_295 = arith.addi %mul3A_162, %add3A_294 : i32
        %lt3A = arith.constant 32 : i32
        %lt3A_296 = arith.cmpi slt, %add3A_295, %lt3A : i32
        %convert_element_type3A = arith.extui %lt3A_296 : i1 to i32
        %cond3A = arith.constant 0 : i32
        %cond3A_297 = arith.cmpi ne, %convert_element_type3A, %cond3A : i32
        scf.if %cond3A_297 {
          %add3A_369 = arith.constant 2 : i32
          %add3A_370 = arith.addi %mul3A_162, %add3A_369 : i32
          %mul3A_371 = arith.constant 10 : i32
          %mul3A_372 = arith.muli %add3A_370, %mul3A_371 : i32
          %get3A_373 = arith.index_cast %mul3A_372 : i32 to index
          %get3A_374 = tpu.vector_load %arg12[%get3A_373] {strides = array<i32>} : memref<336xi32, #tpu.memory_space<vmem>>, vector<16xi32>,
          %slice3A_375 = vector.extract_strided_slice %get3A_374 {offsets = [0], sizes = [1], strides = [1]} : vector<16xi32> to vector<1xi32>
          %squeeze3A_376 = vector.extract %slice3A_375[0] : i32 from vector<1xi32>
          %mul3A_377 = arith.constant 10 : i32
          %mul3A_378 = arith.muli %add3A_370, %mul3A_377 : i32
          %add3A_379 = arith.constant 10 : i32
          %add3A_380 = arith.addi %mul3A_378, %add3A_379 : i32
          %get3A_381 = arith.index_cast %add3A_380 : i32 to index
          %get3A_382 = tpu.vector_load %arg12[%get3A_381] {strides = array<i32>} : memref<336xi32, #tpu.memory_space<vmem>>, vector<16xi32>,
          %slice3A_383 = vector.extract_strided_slice %get3A_382 {offsets = [0], sizes = [1], strides = [1]} : vector<16xi32> to vector<1xi32>
          %squeeze3A_384 = vector.extract %slice3A_383[0] : i32 from vector<1xi32>
          %sub3A_385 = arith.subi %squeeze3A_384, %squeeze3A_376 : i32
          %min3A_386 = arith.constant 160 : i32
          %min3A_387 = arith.minsi %sub3A_385, %min3A_386 : i32
          %add3A_388 = arith.constant 80 : i32
          %add3A_389 = arith.addi %min3A_387, %add3A_388 : i32
          %sub3A_390 = arith.constant 1 : i32
          %sub3A_391 = arith.subi %add3A_389, %sub3A_390 : i32
          %jit3A_392 = arith.constant 80 : i32
          %div3A_393 = arith.divsi %sub3A_391, %jit3A_392 : i32
          %sign3A_394 = arith.constant 0 : i32
          %sign3A_395 = arith.cmpi sgt, %sub3A_391, %sign3A_394 : i32
          %sign3A_396 = arith.extui %sign3A_395 : i1 to i32
          %sign3A_397 = arith.constant 0 : i32
          %sign3A_398 = arith.cmpi slt, %sub3A_391, %sign3A_397 : i32
          %sign3A_399 = arith.extui %sign3A_398 : i1 to i32
          %sign3A_400 = arith.subi %sign3A_396, %sign3A_399 : i32
          %sign3A_401 = arith.constant 0 : i32
          %sign3A_402 = arith.cmpi sgt, %jit3A_392, %sign3A_401 : i32
          %sign3A_403 = arith.extui %sign3A_402 : i1 to i32
          %sign3A_404 = arith.constant 0 : i32
          %sign3A_405 = arith.cmpi slt, %jit3A_392, %sign3A_404 : i32
          %sign3A_406 = arith.extui %sign3A_405 : i1 to i32
          %sign3A_407 = arith.subi %sign3A_403, %sign3A_406 : i32
          %ne3A_408 = arith.cmpi ne, %sign3A_400, %sign3A_407 : i32
          %rem3A_409 = arith.remsi %sub3A_391, %jit3A_392 : i32
          %ne3A_410 = arith.constant 0 : i32
          %ne3A_411 = arith.cmpi ne, %rem3A_409, %ne3A_410 : i32
          %and3A_412 = arith.andi %ne3A_408, %ne3A_411 : i1
          %sub3A_413 = arith.constant 1 : i32
          %sub3A_414 = arith.subi %div3A_393, %sub3A_413 : i32
          %select_n3A_415 = arith.select %and3A_412, %sub3A_414, %div3A_393 : i32
          %scan3A_416 = arith.constant 0 : i32
          %scan3A_417 = arith.constant 0 : i32
          %scan3A_418 = arith.constant 10 : i32
          %scan3A_419 = arith.addi %scan3A_417, %scan3A_418 : i32
          %scan3A_420 = arith.constant 1 : i32
          %scan3A_421 = scf.for %scan3A_435 = %scan3A_417 to %scan3A_419 step %scan3A_420 iter_args(%scan3A_436 = %scan3A_416) -> (i32)  : i32 {
            %mul3A_437 = arith.constant 16 : i32
            %mul3A_438 = arith.muli %mul3A_437, %scan3A_435 : i32
            %add3A_439 = arith.addi %squeeze3A_376, %mul3A_438 : i32
            %get3A_440 = arith.index_cast %add3A_439 : i32 to index
            %get3A_441 = tpu.vector_load %arg8[%get3A_440] {strides = array<i32>} : memref<3360xi32, #tpu.memory_space<vmem>>, vector<16xi32>,
            %add3A_442 = vector.broadcast %mul3A_94 : i32 to vector<16xi32>
            %add3A_443 = arith.addi %get3A_441, %add3A_442 : vector<16xi32>
            %mul3A_444 = arith.constant 16 : i32
            %mul3A_445 = arith.muli %mul3A_444, %scan3A_435 : i32
            %swap3A = arith.index_cast %mul3A_445 : i32 to index
            %swap3A_446 = tpu.vector_load %arg9[%swap3A] {strides = array<i32>} : memref<160xi32, #tpu.memory_space<vmem>>, vector<16xi32>,
            tpu.vector_store %arg9[%swap3A], %add3A_443 {strides = array<i32>} : memref<160xi32, #tpu.memory_space<vmem>>, vector<16xi32>,
            %scan3A_447 = arith.constant 0 : i32
            scf.yield %scan3A_447 : i32
          }
          %scan3A_422 = arith.constant 10 : i32
          %while3A_423 = arith.constant 0 : i32
          %while3A_424 = arith.constant 0 : i32
          %while3A_425 = arith.subi %select_n3A_415, %while3A_423 : i32
          %while3A_426 = arith.addi %while3A_423, %while3A_425 : i32
          %while3A_427 = arith.constant 1 : i32
          %while3A_428 = arith.divsi %while3A_425, %while3A_427 : i32
          %while3A_429 = arith.muli %while3A_428, %while3A_427 : i32
          %while3A_430 = arith.addi %while3A_423, %while3A_429 : i32
          %while3A_431 = arith.constant 1 : i32
          %while3A_432 = scf.for %while3A_435 = %while3A_423 to %while3A_430 step %while3A_431 iter_args(%while3A_436 = %while3A_424) -> (i32)  : i32 {
            %mul3A_437 = arith.constant 80 : i32
            %mul3A_438 = arith.muli %mul3A_437, %while3A_435 : i32
            %mul3A_439 = arith.constant 80 : i32
            %mul3A_440 = arith.muli %mul3A_439, %while3A_435 : i32
            %dma_start3A = arith.constant 0 : i32
            %dma_start3A_441 = tpu.memref_slice %arg15[%mul3A_440, %dma_start3A] : memref<160x128xi32, #tpu.memory_space<vmem>> -> memref<80x128xi32, #tpu.memory_space<vmem>>
            %dma_start3A_442 = tpu.memref_slice %arg9[%mul3A_438] : memref<160xi32, #tpu.memory_space<vmem>> -> memref<80xi32, #tpu.memory_space<vmem>>
            %dma_start3A_443 = arith.constant 0 : i32
            %dma_start3A_444 = arith.constant 0 : i32
            %dma_start3A_445 = tpu.memref_slice %arg2[%dma_start3A_443, %dma_start3A_444] : memref<320000x128xi32, #tpu.memory_space<hbm>> -> memref<320000x128xi32, #tpu.memory_space<hbm>>
            tpu.enqueue_indirect_dma source(%dma_start3A_445 : memref<320000x128xi32, #tpu.memory_space<hbm>>) target(%dma_start3A_441 : memref<80x128xi32, #tpu.memory_space<vmem>>) offsets(%dma_start3A_442 : memref<80xi32, #tpu.memory_space<vmem>>) semaphore(%arg17 : memref<!tpu.dma_semaphore, #tpu.memory_space<semaphore_mem>>)
            %while3A_446 = arith.constant 0 : i32
            scf.yield %while3A_446 : i32
          }
          %while3A_433 = arith.constant 1 : i32
          %while3A_434 = scf.for %while3A_435 = %while3A_430 to %while3A_426 step %while3A_433 iter_args(%while3A_436 = %while3A_432) -> (i32)  : i32 {
            %mul3A_437 = arith.constant 80 : i32
            %mul3A_438 = arith.muli %mul3A_437, %while3A_435 : i32
            %mul3A_439 = arith.constant 80 : i32
            %mul3A_440 = arith.muli %mul3A_439, %while3A_435 : i32
            %dma_start3A = arith.constant 0 : i32
            %dma_start3A_441 = tpu.memref_slice %arg15[%mul3A_440, %dma_start3A] : memref<160x128xi32, #tpu.memory_space<vmem>> -> memref<80x128xi32, #tpu.memory_space<vmem>>
            %dma_start3A_442 = tpu.memref_slice %arg9[%mul3A_438] : memref<160xi32, #tpu.memory_space<vmem>> -> memref<80xi32, #tpu.memory_space<vmem>>
            %dma_start3A_443 = arith.constant 0 : i32
            %dma_start3A_444 = arith.constant 0 : i32
            %dma_start3A_445 = tpu.memref_slice %arg2[%dma_start3A_443, %dma_start3A_444] : memref<320000x128xi32, #tpu.memory_space<hbm>> -> memref<320000x128xi32, #tpu.memory_space<hbm>>
            tpu.enqueue_indirect_dma source(%dma_start3A_445 : memref<320000x128xi32, #tpu.memory_space<hbm>>) target(%dma_start3A_441 : memref<80x128xi32, #tpu.memory_space<vmem>>) offsets(%dma_start3A_442 : memref<80xi32, #tpu.memory_space<vmem>>) semaphore(%arg17 : memref<!tpu.dma_semaphore, #tpu.memory_space<semaphore_mem>>)
            %while3A_446 = arith.constant 0 : i32
            scf.yield %while3A_446 : i32
          }
        } else {
        }
        %add3A_298 = arith.constant 1 : i32
        %add3A_299 = arith.addi %mul3A_162, %add3A_298 : i32
        %mul3A_300 = arith.constant 10 : i32
        %mul3A_301 = arith.muli %add3A_299, %mul3A_300 : i32
        %get3A_302 = arith.index_cast %mul3A_301 : i32 to index
        %get3A_303 = tpu.vector_load %arg12[%get3A_302] {strides = array<i32>} : memref<336xi32, #tpu.memory_space<vmem>>, vector<16xi32>,
        %slice3A_304 = vector.extract_strided_slice %get3A_303 {offsets = [0], sizes = [1], strides = [1]} : vector<16xi32> to vector<1xi32>
        %squeeze3A_305 = vector.extract %slice3A_304[0] : i32 from vector<1xi32>
        %mul3A_306 = arith.constant 10 : i32
        %mul3A_307 = arith.muli %add3A_299, %mul3A_306 : i32
        %add3A_308 = arith.constant 10 : i32
        %add3A_309 = arith.addi %mul3A_307, %add3A_308 : i32
        %get3A_310 = arith.index_cast %add3A_309 : i32 to index
        %get3A_311 = tpu.vector_load %arg12[%get3A_310] {strides = array<i32>} : memref<336xi32, #tpu.memory_space<vmem>>, vector<16xi32>,
        %slice3A_312 = vector.extract_strided_slice %get3A_311 {offsets = [0], sizes = [1], strides = [1]} : vector<16xi32> to vector<1xi32>
        %squeeze3A_313 = vector.extract %slice3A_312[0] : i32 from vector<1xi32>
        %sub3A_314 = arith.subi %squeeze3A_313, %squeeze3A_305 : i32
        %min3A_315 = arith.constant 160 : i32
        %min3A_316 = arith.minsi %sub3A_314, %min3A_315 : i32
        %add3A_317 = arith.constant 80 : i32
        %add3A_318 = arith.addi %min3A_316, %add3A_317 : i32
        %sub3A_319 = arith.constant 1 : i32
        %sub3A_320 = arith.subi %add3A_318, %sub3A_319 : i32
        %jit3A_321 = arith.constant 80 : i32
        %div3A_322 = arith.divsi %sub3A_320, %jit3A_321 : i32
        %sign3A_323 = arith.constant 0 : i32
        %sign3A_324 = arith.cmpi sgt, %sub3A_320, %sign3A_323 : i32
        %sign3A_325 = arith.extui %sign3A_324 : i1 to i32
        %sign3A_326 = arith.constant 0 : i32
        %sign3A_327 = arith.cmpi slt, %sub3A_320, %sign3A_326 : i32
        %sign3A_328 = arith.extui %sign3A_327 : i1 to i32
        %sign3A_329 = arith.subi %sign3A_325, %sign3A_328 : i32
        %sign3A_330 = arith.constant 0 : i32
        %sign3A_331 = arith.cmpi sgt, %jit3A_321, %sign3A_330 : i32
        %sign3A_332 = arith.extui %sign3A_331 : i1 to i32
        %sign3A_333 = arith.constant 0 : i32
        %sign3A_334 = arith.cmpi slt, %jit3A_321, %sign3A_333 : i32
        %sign3A_335 = arith.extui %sign3A_334 : i1 to i32
        %sign3A_336 = arith.subi %sign3A_332, %sign3A_335 : i32
        %ne3A_337 = arith.cmpi ne, %sign3A_329, %sign3A_336 : i32
        %rem3A_338 = arith.remsi %sub3A_320, %jit3A_321 : i32
        %ne3A_339 = arith.constant 0 : i32
        %ne3A_340 = arith.cmpi ne, %rem3A_338, %ne3A_339 : i32
        %and3A_341 = arith.andi %ne3A_337, %ne3A_340 : i1
        %sub3A_342 = arith.constant 1 : i32
        %sub3A_343 = arith.subi %div3A_322, %sub3A_342 : i32
        %select_n3A_344 = arith.select %and3A_341, %sub3A_343, %div3A_322 : i32
        %while3A_345 = arith.constant 0 : i32
        %while3A_346 = arith.constant 0 : i32
        %while3A_347 = arith.subi %select_n3A_344, %while3A_345 : i32
        %while3A_348 = arith.addi %while3A_345, %while3A_347 : i32
        %while3A_349 = arith.constant 1 : i32
        %while3A_350 = arith.divsi %while3A_347, %while3A_349 : i32
        %while3A_351 = arith.muli %while3A_350, %while3A_349 : i32
        %while3A_352 = arith.addi %while3A_345, %while3A_351 : i32
        %while3A_353 = arith.constant 1 : i32
        %while3A_354 = scf.for %while3A_369 = %while3A_345 to %while3A_352 step %while3A_353 iter_args(%while3A_370 = %while3A_346) -> (i32)  : i32 {
          %dma_wait3A = arith.constant 0 : i32
          %dma_wait3A_371 = arith.constant 0 : i32
          %dma_wait3A_372 = tpu.memref_slice %arg16[%dma_wait3A, %dma_wait3A_371] : memref<160x128xi32, #tpu.memory_space<vmem>> -> memref<80x128xi32, #tpu.memory_space<vmem>>
          %dma_wait3A_373 = arith.constant 0 : i32
          %dma_wait3A_374 = arith.constant 0 : i32
          %dma_wait3A_375 = tpu.memref_slice %arg2[%dma_wait3A_373, %dma_wait3A_374] : memref<320000x128xi32, #tpu.memory_space<hbm>> -> memref<80x128xi32, #tpu.memory_space<hbm>>
          %dma_wait3A_376 = arith.constant 0 : i32
          %dma_wait3A_377 = arith.constant 0 : i32
          %dma_wait3A_378 = tpu.memref_slice %arg16[%dma_wait3A_376, %dma_wait3A_377] : memref<160x128xi32, #tpu.memory_space<vmem>> -> memref<80x128xi32, #tpu.memory_space<vmem>>
          %dma_wait3A_379 = arith.constant 0 : i32
          %dma_wait3A_380 = arith.constant 0 : i32
          %dma_wait3A_381 = tpu.memref_slice %arg2[%dma_wait3A_379, %dma_wait3A_380] : memref<320000x128xi32, #tpu.memory_space<hbm>> -> memref<80x128xi32, #tpu.memory_space<hbm>>
          tpu.wait_dma2 semaphore(%arg18 : memref<!tpu.dma_semaphore, #tpu.memory_space<semaphore_mem>>) src(%dma_wait3A_381 : memref<80x128xi32, #tpu.memory_space<hbm>>) dst(%dma_wait3A_378 : memref<80x128xi32, #tpu.memory_space<vmem>>)
          %while3A_382 = arith.constant 0 : i32
          scf.yield %while3A_382 : i32
        }
        %while3A_355 = arith.constant 1 : i32
        %while3A_356 = scf.for %while3A_369 = %while3A_352 to %while3A_348 step %while3A_355 iter_args(%while3A_370 = %while3A_354) -> (i32)  : i32 {
          %dma_wait3A = arith.constant 0 : i32
          %dma_wait3A_371 = arith.constant 0 : i32
          %dma_wait3A_372 = tpu.memref_slice %arg16[%dma_wait3A, %dma_wait3A_371] : memref<160x128xi32, #tpu.memory_space<vmem>> -> memref<80x128xi32, #tpu.memory_space<vmem>>
          %dma_wait3A_373 = arith.constant 0 : i32
          %dma_wait3A_374 = arith.constant 0 : i32
          %dma_wait3A_375 = tpu.memref_slice %arg2[%dma_wait3A_373, %dma_wait3A_374] : memref<320000x128xi32, #tpu.memory_space<hbm>> -> memref<80x128xi32, #tpu.memory_space<hbm>>
          %dma_wait3A_376 = arith.constant 0 : i32
          %dma_wait3A_377 = arith.constant 0 : i32
          %dma_wait3A_378 = tpu.memref_slice %arg16[%dma_wait3A_376, %dma_wait3A_377] : memref<160x128xi32, #tpu.memory_space<vmem>> -> memref<80x128xi32, #tpu.memory_space<vmem>>
          %dma_wait3A_379 = arith.constant 0 : i32
          %dma_wait3A_380 = arith.constant 0 : i32
          %dma_wait3A_381 = tpu.memref_slice %arg2[%dma_wait3A_379, %dma_wait3A_380] : memref<320000x128xi32, #tpu.memory_space<hbm>> -> memref<80x128xi32, #tpu.memory_space<hbm>>
          tpu.wait_dma2 semaphore(%arg18 : memref<!tpu.dma_semaphore, #tpu.memory_space<semaphore_mem>>) src(%dma_wait3A_381 : memref<80x128xi32, #tpu.memory_space<hbm>>) dst(%dma_wait3A_378 : memref<80x128xi32, #tpu.memory_space<vmem>>)
          %while3A_382 = arith.constant 0 : i32
          scf.yield %while3A_382 : i32
        }
        %add3A_357 = arith.constant 1 : i32
        %add3A_358 = arith.addi %mul3A_162, %add3A_357 : i32
        %mul3A_359 = arith.constant 10 : i32
        %mul3A_360 = arith.muli %add3A_358, %mul3A_359 : i32
        %get3A_361 = arith.index_cast %mul3A_360 : i32 to index
        %get3A_362 = tpu.vector_load %arg12[%get3A_361] {strides = array<i32>} : memref<336xi32, #tpu.memory_space<vmem>>, vector<16xi32>,
        %slice3A_363 = vector.extract_strided_slice %get3A_362 {offsets = [0], sizes = [1], strides = [1]} : vector<16xi32> to vector<1xi32>
        %squeeze3A_364 = vector.extract %slice3A_363[0] : i32 from vector<1xi32>
        %parallel_loop3A_365 = arith.constant 0 : i32
        %parallel_loop3A_366 = arith.constant 10 : i32
        %parallel_loop3A_367 = arith.constant 1 : i32
        scf.for %parallel_loop3A_369 = %parallel_loop3A_365 to %parallel_loop3A_366 step %parallel_loop3A_367  : i32 {
          %parallel_loop3A_370 = arith.constant 10 : i32
          %parallel_loop3A_371 = arith.muli %add3A_358, %parallel_loop3A_370 : i32
          %parallel_loop3A_372 = arith.addi %parallel_loop3A_371, %parallel_loop3A_369 : i32
          %parallel_loop3A_373 = arith.index_cast %parallel_loop3A_372 : i32 to index
          %parallel_loop3A_374 = tpu.vector_load %arg11[%parallel_loop3A_373] {strides = array<i32>} : memref<336xi32, #tpu.memory_space<vmem>>, vector<16xi32>,
          %parallel_loop3A_375 = vector.extract_strided_slice %parallel_loop3A_374 {offsets = [0], sizes = [1], strides = [1]} : vector<16xi32> to vector<1xi32>
          %parallel_loop3A_376 = vector.extract %parallel_loop3A_375[0] : i32 from vector<1xi32>
          %parallel_loop3A_377 = arith.index_cast %parallel_loop3A_372 : i32 to index
          %parallel_loop3A_378 = tpu.vector_load %arg12[%parallel_loop3A_377] {strides = array<i32>} : memref<336xi32, #tpu.memory_space<vmem>>, vector<16xi32>,
          %parallel_loop3A_379 = vector.extract_strided_slice %parallel_loop3A_378 {offsets = [0], sizes = [1], strides = [1]} : vector<16xi32> to vector<1xi32>
          %parallel_loop3A_380 = vector.extract %parallel_loop3A_379[0] : i32 from vector<1xi32>
          %parallel_loop3A_381 = arith.subi %parallel_loop3A_380, %squeeze3A_364 : i32
          %parallel_loop3A_382 = arith.constant 159 : i32
          %parallel_loop3A_383 = arith.minsi %parallel_loop3A_381, %parallel_loop3A_382 : i32
          %parallel_loop3A_384 = arith.addi %parallel_loop3A_381, %parallel_loop3A_376 : i32
          %parallel_loop3A_385 = arith.constant 160 : i32
          %parallel_loop3A_386 = arith.minsi %parallel_loop3A_384, %parallel_loop3A_385 : i32
          %parallel_loop3A_387 = arith.constant 1 : i32
          %parallel_loop3A_388:8 = scf.for %parallel_loop3A_421 = %parallel_loop3A_383 to %parallel_loop3A_386 step %parallel_loop3A_387 iter_args(%parallel_loop3A_422 = %broadcast_in_dim3A_83, %parallel_loop3A_423 = %broadcast_in_dim3A_83, %parallel_loop3A_424 = %broadcast_in_dim3A_83, %parallel_loop3A_425 = %broadcast_in_dim3A_83, %parallel_loop3A_426 = %broadcast_in_dim3A_83, %parallel_loop3A_427 = %broadcast_in_dim3A_83, %parallel_loop3A_428 = %broadcast_in_dim3A_83, %parallel_loop3A_429 = %broadcast_in_dim3A_83) -> (vector<32xbf16>, vector<32xbf16>, vector<32xbf16>, vector<32xbf16>, vector<32xbf16>, vector<32xbf16>, vector<32xbf16>, vector<32xbf16>)  : i32 {
            %parallel_loop3A_430 = arith.index_cast %parallel_loop3A_421 : i32 to index
            %parallel_loop3A_431 = arith.constant 0 : index
            %parallel_loop3A_432 = tpu.vector_load %arg16[%parallel_loop3A_430, %parallel_loop3A_431] {strides = array<i32>} : memref<160x128xi32, #tpu.memory_space<vmem>>, vector<16xi32>,
            %parallel_loop3A_433 = vector.bitcast %parallel_loop3A_432 : vector<16xi32> to vector<32xbf16>
            %parallel_loop3A_434 = arith.maximumf %parallel_loop3A_422, %parallel_loop3A_433 : vector<32xbf16>
            %parallel_loop3A_435 = arith.index_cast %parallel_loop3A_421 : i32 to index
            %parallel_loop3A_436 = arith.constant 16 : index
            %parallel_loop3A_437 = tpu.vector_load %arg16[%parallel_loop3A_435, %parallel_loop3A_436] {strides = array<i32>} : memref<160x128xi32, #tpu.memory_space<vmem>>, vector<16xi32>,
            %parallel_loop3A_438 = vector.bitcast %parallel_loop3A_437 : vector<16xi32> to vector<32xbf16>
            %parallel_loop3A_439 = arith.maximumf %parallel_loop3A_423, %parallel_loop3A_438 : vector<32xbf16>
            %parallel_loop3A_440 = arith.index_cast %parallel_loop3A_421 : i32 to index
            %parallel_loop3A_441 = arith.constant 32 : index
            %parallel_loop3A_442 = tpu.vector_load %arg16[%parallel_loop3A_440, %parallel_loop3A_441] {strides = array<i32>} : memref<160x128xi32, #tpu.memory_space<vmem>>, vector<16xi32>,
            %parallel_loop3A_443 = vector.bitcast %parallel_loop3A_442 : vector<16xi32> to vector<32xbf16>
            %parallel_loop3A_444 = arith.maximumf %parallel_loop3A_424, %parallel_loop3A_443 : vector<32xbf16>
            %parallel_loop3A_445 = arith.index_cast %parallel_loop3A_421 : i32 to index
            %parallel_loop3A_446 = arith.constant 48 : index
            %parallel_loop3A_447 = tpu.vector_load %arg16[%parallel_loop3A_445, %parallel_loop3A_446] {strides = array<i32>} : memref<160x128xi32, #tpu.memory_space<vmem>>, vector<16xi32>,
            %parallel_loop3A_448 = vector.bitcast %parallel_loop3A_447 : vector<16xi32> to vector<32xbf16>
            %parallel_loop3A_449 = arith.maximumf %parallel_loop3A_425, %parallel_loop3A_448 : vector<32xbf16>
            %parallel_loop3A_450 = arith.index_cast %parallel_loop3A_421 : i32 to index
            %parallel_loop3A_451 = arith.constant 64 : index
            %parallel_loop3A_452 = tpu.vector_load %arg16[%parallel_loop3A_450, %parallel_loop3A_451] {strides = array<i32>} : memref<160x128xi32, #tpu.memory_space<vmem>>, vector<16xi32>,
            %parallel_loop3A_453 = vector.bitcast %parallel_loop3A_452 : vector<16xi32> to vector<32xbf16>
            %parallel_loop3A_454 = arith.maximumf %parallel_loop3A_426, %parallel_loop3A_453 : vector<32xbf16>
            %parallel_loop3A_455 = arith.index_cast %parallel_loop3A_421 : i32 to index
            %parallel_loop3A_456 = arith.constant 80 : index
            %parallel_loop3A_457 = tpu.vector_load %arg16[%parallel_loop3A_455, %parallel_loop3A_456] {strides = array<i32>} : memref<160x128xi32, #tpu.memory_space<vmem>>, vector<16xi32>,
            %parallel_loop3A_458 = vector.bitcast %parallel_loop3A_457 : vector<16xi32> to vector<32xbf16>
            %parallel_loop3A_459 = arith.maximumf %parallel_loop3A_427, %parallel_loop3A_458 : vector<32xbf16>
            %parallel_loop3A_460 = arith.index_cast %parallel_loop3A_421 : i32 to index
            %parallel_loop3A_461 = arith.constant 96 : index
            %parallel_loop3A_462 = tpu.vector_load %arg16[%parallel_loop3A_460, %parallel_loop3A_461] {strides = array<i32>} : memref<160x128xi32, #tpu.memory_space<vmem>>, vector<16xi32>,
            %parallel_loop3A_463 = vector.bitcast %parallel_loop3A_462 : vector<16xi32> to vector<32xbf16>
            %parallel_loop3A_464 = arith.maximumf %parallel_loop3A_428, %parallel_loop3A_463 : vector<32xbf16>
            %parallel_loop3A_465 = arith.index_cast %parallel_loop3A_421 : i32 to index
            %parallel_loop3A_466 = arith.constant 112 : index
            %parallel_loop3A_467 = tpu.vector_load %arg16[%parallel_loop3A_465, %parallel_loop3A_466] {strides = array<i32>} : memref<160x128xi32, #tpu.memory_space<vmem>>, vector<16xi32>,
            %parallel_loop3A_468 = vector.bitcast %parallel_loop3A_467 : vector<16xi32> to vector<32xbf16>
            %parallel_loop3A_469 = arith.maximumf %parallel_loop3A_429, %parallel_loop3A_468 : vector<32xbf16>
            scf.yield %parallel_loop3A_434, %parallel_loop3A_439, %parallel_loop3A_444, %parallel_loop3A_449, %parallel_loop3A_454, %parallel_loop3A_459, %parallel_loop3A_464, %parallel_loop3A_469 : vector<32xbf16>, vector<32xbf16>, vector<32xbf16>, vector<32xbf16>, vector<32xbf16>, vector<32xbf16>, vector<32xbf16>, vector<32xbf16>
          } {sc.loop_unroll_factor = 2 : i64, sc.parallel_access}
          %parallel_loop3A_389 = vector.bitcast %parallel_loop3A_388#0 : vector<32xbf16> to vector<16xi32>
          %parallel_loop3A_390 = arith.index_cast %parallel_loop3A_372 : i32 to index
          %parallel_loop3A_391 = arith.constant 0 : index
          %parallel_loop3A_392 = tpu.vector_load %arg14[%parallel_loop3A_390, %parallel_loop3A_391] {strides = array<i32>} : memref<320x128xi32, #tpu.memory_space<vmem>>, vector<16xi32>,
          tpu.vector_store %arg14[%parallel_loop3A_390, %parallel_loop3A_391], %parallel_loop3A_389 {strides = array<i32>} : memref<320x128xi32, #tpu.memory_space<vmem>>, vector<16xi32>,
          %parallel_loop3A_393 = vector.bitcast %parallel_loop3A_388#1 : vector<32xbf16> to vector<16xi32>
          %parallel_loop3A_394 = arith.index_cast %parallel_loop3A_372 : i32 to index
          %parallel_loop3A_395 = arith.constant 16 : index
          %parallel_loop3A_396 = tpu.vector_load %arg14[%parallel_loop3A_394, %parallel_loop3A_395] {strides = array<i32>} : memref<320x128xi32, #tpu.memory_space<vmem>>, vector<16xi32>,
          tpu.vector_store %arg14[%parallel_loop3A_394, %parallel_loop3A_395], %parallel_loop3A_393 {strides = array<i32>} : memref<320x128xi32, #tpu.memory_space<vmem>>, vector<16xi32>,
          %parallel_loop3A_397 = vector.bitcast %parallel_loop3A_388#2 : vector<32xbf16> to vector<16xi32>
          %parallel_loop3A_398 = arith.index_cast %parallel_loop3A_372 : i32 to index
          %parallel_loop3A_399 = arith.constant 32 : index
          %parallel_loop3A_400 = tpu.vector_load %arg14[%parallel_loop3A_398, %parallel_loop3A_399] {strides = array<i32>} : memref<320x128xi32, #tpu.memory_space<vmem>>, vector<16xi32>,
          tpu.vector_store %arg14[%parallel_loop3A_398, %parallel_loop3A_399], %parallel_loop3A_397 {strides = array<i32>} : memref<320x128xi32, #tpu.memory_space<vmem>>, vector<16xi32>,
          %parallel_loop3A_401 = vector.bitcast %parallel_loop3A_388#3 : vector<32xbf16> to vector<16xi32>
          %parallel_loop3A_402 = arith.index_cast %parallel_loop3A_372 : i32 to index
          %parallel_loop3A_403 = arith.constant 48 : index
          %parallel_loop3A_404 = tpu.vector_load %arg14[%parallel_loop3A_402, %parallel_loop3A_403] {strides = array<i32>} : memref<320x128xi32, #tpu.memory_space<vmem>>, vector<16xi32>,
          tpu.vector_store %arg14[%parallel_loop3A_402, %parallel_loop3A_403], %parallel_loop3A_401 {strides = array<i32>} : memref<320x128xi32, #tpu.memory_space<vmem>>, vector<16xi32>,
          %parallel_loop3A_405 = vector.bitcast %parallel_loop3A_388#4 : vector<32xbf16> to vector<16xi32>
          %parallel_loop3A_406 = arith.index_cast %parallel_loop3A_372 : i32 to index
          %parallel_loop3A_407 = arith.constant 64 : index
          %parallel_loop3A_408 = tpu.vector_load %arg14[%parallel_loop3A_406, %parallel_loop3A_407] {strides = array<i32>} : memref<320x128xi32, #tpu.memory_space<vmem>>, vector<16xi32>,
          tpu.vector_store %arg14[%parallel_loop3A_406, %parallel_loop3A_407], %parallel_loop3A_405 {strides = array<i32>} : memref<320x128xi32, #tpu.memory_space<vmem>>, vector<16xi32>,
          %parallel_loop3A_409 = vector.bitcast %parallel_loop3A_388#5 : vector<32xbf16> to vector<16xi32>
          %parallel_loop3A_410 = arith.index_cast %parallel_loop3A_372 : i32 to index
          %parallel_loop3A_411 = arith.constant 80 : index
          %parallel_loop3A_412 = tpu.vector_load %arg14[%parallel_loop3A_410, %parallel_loop3A_411] {strides = array<i32>} : memref<320x128xi32, #tpu.memory_space<vmem>>, vector<16xi32>,
          tpu.vector_store %arg14[%parallel_loop3A_410, %parallel_loop3A_411], %parallel_loop3A_409 {strides = array<i32>} : memref<320x128xi32, #tpu.memory_space<vmem>>, vector<16xi32>,
          %parallel_loop3A_413 = vector.bitcast %parallel_loop3A_388#6 : vector<32xbf16> to vector<16xi32>
          %parallel_loop3A_414 = arith.index_cast %parallel_loop3A_372 : i32 to index
          %parallel_loop3A_415 = arith.constant 96 : index
          %parallel_loop3A_416 = tpu.vector_load %arg14[%parallel_loop3A_414, %parallel_loop3A_415] {strides = array<i32>} : memref<320x128xi32, #tpu.memory_space<vmem>>, vector<16xi32>,
          tpu.vector_store %arg14[%parallel_loop3A_414, %parallel_loop3A_415], %parallel_loop3A_413 {strides = array<i32>} : memref<320x128xi32, #tpu.memory_space<vmem>>, vector<16xi32>,
          %parallel_loop3A_417 = vector.bitcast %parallel_loop3A_388#7 : vector<32xbf16> to vector<16xi32>
          %parallel_loop3A_418 = arith.index_cast %parallel_loop3A_372 : i32 to index
          %parallel_loop3A_419 = arith.constant 112 : index
          %parallel_loop3A_420 = tpu.vector_load %arg14[%parallel_loop3A_418, %parallel_loop3A_419] {strides = array<i32>} : memref<320x128xi32, #tpu.memory_space<vmem>>, vector<16xi32>,
          tpu.vector_store %arg14[%parallel_loop3A_418, %parallel_loop3A_419], %parallel_loop3A_417 {strides = array<i32>} : memref<320x128xi32, #tpu.memory_space<vmem>>, vector<16xi32>,
        } {sc.loop_unroll_factor = 1 : i64, sc.parallel_access}
        %scan3A_368 = arith.constant 0 : i32
        scf.yield %scan3A_368 : i32
      }
      %scan3A_155 = arith.constant 16 : i32
      %mul3A_156 = arith.constant 128 : i32
      %mul3A_157 = arith.muli %scan3A_91, %mul3A_156 : i32
      "tpu.region"() ({
        %run_scoped3A = tpu.sem_alloc : memref<!tpu.dma_semaphore, #tpu.memory_space<semaphore_mem>>
        %dma_start3A = tpu.memref_slice %arg4[%mul3A_2, %mul3A_157] : memref<10240x512xi32, #tpu.memory_space<hbm>> -> memref<320x128xi32, #tpu.memory_space<hbm>>
        %dma_start3A_159 = tpu.memref_slice %arg4[%mul3A_2, %mul3A_157] : memref<10240x512xi32, #tpu.memory_space<hbm>> -> memref<320x128xi32, #tpu.memory_space<hbm>>
        tpu.enqueue_dma source(%arg14 : memref<320x128xi32, #tpu.memory_space<vmem>>) target(%dma_start3A_159 : memref<320x128xi32, #tpu.memory_space<hbm>>) target_semaphore(%run_scoped3A : memref<!tpu.dma_semaphore, #tpu.memory_space<semaphore_mem>>)
        %dma_wait3A = tpu.memref_slice %arg4[%mul3A_2, %mul3A_157] : memref<10240x512xi32, #tpu.memory_space<hbm>> -> memref<320x128xi32, #tpu.memory_space<hbm>>
        %dma_wait3A_160 = tpu.memref_slice %arg4[%mul3A_2, %mul3A_157] : memref<10240x512xi32, #tpu.memory_space<hbm>> -> memref<320x128xi32, #tpu.memory_space<hbm>>
        tpu.wait_dma2 semaphore(%run_scoped3A : memref<!tpu.dma_semaphore, #tpu.memory_space<semaphore_mem>>) src(%arg14 : memref<320x128xi32, #tpu.memory_space<vmem>>) dst(%dma_wait3A_160 : memref<320x128xi32, #tpu.memory_space<hbm>>)
        tpu.yield
      }) : () -> ()
      %scan3A_158 = arith.constant 0 : i32
      scf.yield %scan3A_158 : i32
    }
    %scan3A_90 = arith.constant 4 : i32
    return
  }
}

module attributes {stable_mosaic.version = 14 : i64} {
  func.func @body(%arg0: i32, %arg1: memref<1600x16xf32, #tpu.memory_space<vmem>>, %arg2: memref<16x1024xbf16, #tpu.memory_space<vmem>>, %arg3: memref<1x1024xf32, #tpu.memory_space<vmem>>, %arg4: memref<1024x1024xbf16, #tpu.memory_space<vmem>>, %arg5: memref<1x1024xf32, #tpu.memory_space<vmem>>, %arg6: memref<4x1600x128xi32, #tpu.memory_space<vmem>>) attributes {dimension_semantics = [#tpu.dimension_semantics<arbitrary>], iteration_bounds = array<i64: 50>, scalar_prefetch = 0 : i64, scratch_operands = 0 : i64, tpu.core_type = #tpu.core_type<tc>, window_params = [{transform_indices = @transform_0, window_bounds = array<i64: 1600, 16>}, {pipeline_mode = #tpu.pipeline_mode<synchronous>, transform_indices = @transform_1, window_bounds = array<i64: 16, 1024>}, {pipeline_mode = #tpu.pipeline_mode<synchronous>, transform_indices = @transform_2, window_bounds = array<i64: 1, 1024>}, {pipeline_mode = #tpu.pipeline_mode<synchronous>, transform_indices = @transform_3, window_bounds = array<i64: 1024, 1024>}, {pipeline_mode = #tpu.pipeline_mode<synchronous>, transform_indices = @transform_4, window_bounds = array<i64: 1, 1024>}, {transform_indices = @transform_5, window_bounds = array<i64: 4, 1600, 128>}]} {
    %get3A = arith.constant 0 : index
    %get3A_0 = arith.constant 0 : index
    %get3A_1 = vector.load %arg1[%get3A, %get3A_0] : memref<1600x16xf32, #tpu.memory_space<vmem>>, vector<1600x16xf32>
    %convert_element_type3A = arith.truncf %get3A_1 : vector<1600x16xf32> to vector<1600x16xbf16>
    %get3A_2 = arith.constant 0 : index
    %get3A_3 = arith.constant 0 : index
    %get3A_4 = vector.load %arg2[%get3A_2, %get3A_3] : memref<16x1024xbf16, #tpu.memory_space<vmem>>, vector<16x1024xbf16>
    %dot_general3A = arith.constant dense<0.000000e+00> : vector<1600x1024xf32>
    %dot_general3A_5 = tpu.matmul %convert_element_type3A, %get3A_4, %dot_general3A {dimension_numbers = #tpu.dot_dimension_numbers<[1], [0], [0], [1], [0, 0, 1, 1], [], []>, transpose_lhs_hint = false} : vector<1600x16xbf16>, vector<16x1024xbf16>, vector<1600x1024xf32> -> vector<1600x1024xf32>
    %get3A_6 = arith.constant 0 : index
    %get3A_7 = arith.constant 0 : index
    %get3A_8 = vector.load %arg3[%get3A_6, %get3A_7] : memref<1x1024xf32, #tpu.memory_space<vmem>>, vector<1x1024xf32>
    %add3A = vector.broadcast %get3A_8 : vector<1x1024xf32> to vector<1600x1024xf32>
    %add3A_9 = arith.addf %dot_general3A_5, %add3A : vector<1600x1024xf32>
    %max3A = arith.constant 0.000000e+00 : f32
    %max3A_10 = vector.broadcast %max3A : f32 to vector<1600x1024xf32>
    %max3A_11 = arith.maximumf %add3A_9, %max3A_10 : vector<1600x1024xf32>
    %convert_element_type3A_12 = arith.truncf %max3A_11 : vector<1600x1024xf32> to vector<1600x1024xbf16>
    %get3A_13 = arith.constant 0 : index
    %get3A_14 = arith.constant 0 : index
    %get3A_15 = vector.load %arg4[%get3A_13, %get3A_14] : memref<1024x1024xbf16, #tpu.memory_space<vmem>>, vector<1024x1024xbf16>
    %dot_general3A_16 = arith.constant dense<0.000000e+00> : vector<1600x1024xf32>
    %dot_general3A_17 = tpu.matmul %convert_element_type3A_12, %get3A_15, %dot_general3A_16 {dimension_numbers = #tpu.dot_dimension_numbers<[1], [0], [0], [1], [0, 0, 1, 1], [], []>, transpose_lhs_hint = false} : vector<1600x1024xbf16>, vector<1024x1024xbf16>, vector<1600x1024xf32> -> vector<1600x1024xf32>
    %get3A_18 = arith.constant 0 : index
    %get3A_19 = arith.constant 0 : index
    %get3A_20 = vector.load %arg5[%get3A_18, %get3A_19] : memref<1x1024xf32, #tpu.memory_space<vmem>>, vector<1x1024xf32>
    %add3A_21 = vector.broadcast %get3A_20 : vector<1x1024xf32> to vector<1600x1024xf32>
    %add3A_22 = arith.addf %dot_general3A_17, %add3A_21 : vector<1600x1024xf32>
    %convert_element_type3A_23 = arith.truncf %add3A_22 : vector<1600x1024xf32> to vector<1600x1024xbf16>
    %slice3A = vector.extract_strided_slice %convert_element_type3A_23 {offsets = [0, 0], sizes = [1600, 512], strides = [1, 1]} : vector<1600x1024xbf16> to vector<1600x512xbf16>
    %bitcast_convert_type3A = tpu.bitcast %slice3A : vector<1600x512xbf16> -> vector<1600x512xi16>
    %slice3A_24 = vector.extract_strided_slice %convert_element_type3A_23 {offsets = [0, 512], sizes = [1600, 512], strides = [1, 1]} : vector<1600x1024xbf16> to vector<1600x512xbf16>
    %bitcast_convert_type3A_25 = tpu.bitcast %slice3A_24 : vector<1600x512xbf16> -> vector<1600x512xi16>
    %convert_element_type3A_26 = arith.extui %bitcast_convert_type3A : vector<1600x512xi16> to vector<1600x512xi32>
    %convert_element_type3A_27 = arith.extui %bitcast_convert_type3A_25 : vector<1600x512xi16> to vector<1600x512xi32>
    %shift_left3A = arith.constant 16 : i32
    %shift_left3A_28 = vector.broadcast %shift_left3A : i32 to vector<1600x512xi32>
    %shift_left3A_29 = arith.shli %convert_element_type3A_27, %shift_left3A_28 : vector<1600x512xi32>
    %or3A = arith.ori %convert_element_type3A_26, %shift_left3A_29 : vector<1600x512xi32>
    %bitcast_convert_type3A_30 = tpu.bitcast %or3A : vector<1600x512xi32> -> vector<1600x512xi32>
    %slice3A_31 = vector.extract_strided_slice %bitcast_convert_type3A_30 {offsets = [0, 0], sizes = [1600, 128], strides = [1, 1]} : vector<1600x512xi32> to vector<1600x128xi32>
    %swap3A = arith.constant 0 : index
    %swap3A_32 = arith.constant 0 : index
    %swap3A_33 = arith.constant 0 : index
    %swap3A_34 = vector.load %arg6[%swap3A, %swap3A_32, %swap3A_33] : memref<4x1600x128xi32, #tpu.memory_space<vmem>>, vector<1x1600x128xi32>
    %swap3A_35 = vector.shape_cast %swap3A_34 : vector<1x1600x128xi32> to vector<1600x128xi32>
    %swap3A_36 = vector.shape_cast %slice3A_31 : vector<1600x128xi32> to vector<1x1600x128xi32>
    tpu.vector_store %arg6[%swap3A, %swap3A_32, %swap3A_33], %swap3A_36 {strides = array<i32>} : memref<4x1600x128xi32, #tpu.memory_space<vmem>>, vector<1x1600x128xi32>,
    %slice3A_37 = vector.extract_strided_slice %bitcast_convert_type3A_30 {offsets = [0, 128], sizes = [1600, 128], strides = [1, 1]} : vector<1600x512xi32> to vector<1600x128xi32>
    %swap3A_38 = arith.constant 1 : index
    %swap3A_39 = arith.constant 0 : index
    %swap3A_40 = arith.constant 0 : index
    %swap3A_41 = vector.load %arg6[%swap3A_38, %swap3A_39, %swap3A_40] : memref<4x1600x128xi32, #tpu.memory_space<vmem>>, vector<1x1600x128xi32>
    %swap3A_42 = vector.shape_cast %swap3A_41 : vector<1x1600x128xi32> to vector<1600x128xi32>
    %swap3A_43 = vector.shape_cast %slice3A_37 : vector<1600x128xi32> to vector<1x1600x128xi32>
    tpu.vector_store %arg6[%swap3A_38, %swap3A_39, %swap3A_40], %swap3A_43 {strides = array<i32>} : memref<4x1600x128xi32, #tpu.memory_space<vmem>>, vector<1x1600x128xi32>,
    %slice3A_44 = vector.extract_strided_slice %bitcast_convert_type3A_30 {offsets = [0, 256], sizes = [1600, 128], strides = [1, 1]} : vector<1600x512xi32> to vector<1600x128xi32>
    %swap3A_45 = arith.constant 2 : index
    %swap3A_46 = arith.constant 0 : index
    %swap3A_47 = arith.constant 0 : index
    %swap3A_48 = vector.load %arg6[%swap3A_45, %swap3A_46, %swap3A_47] : memref<4x1600x128xi32, #tpu.memory_space<vmem>>, vector<1x1600x128xi32>
    %swap3A_49 = vector.shape_cast %swap3A_48 : vector<1x1600x128xi32> to vector<1600x128xi32>
    %swap3A_50 = vector.shape_cast %slice3A_44 : vector<1600x128xi32> to vector<1x1600x128xi32>
    tpu.vector_store %arg6[%swap3A_45, %swap3A_46, %swap3A_47], %swap3A_50 {strides = array<i32>} : memref<4x1600x128xi32, #tpu.memory_space<vmem>>, vector<1x1600x128xi32>,
    %slice3A_51 = vector.extract_strided_slice %bitcast_convert_type3A_30 {offsets = [0, 384], sizes = [1600, 128], strides = [1, 1]} : vector<1600x512xi32> to vector<1600x128xi32>
    %swap3A_52 = arith.constant 3 : index
    %swap3A_53 = arith.constant 0 : index
    %swap3A_54 = arith.constant 0 : index
    %swap3A_55 = vector.load %arg6[%swap3A_52, %swap3A_53, %swap3A_54] : memref<4x1600x128xi32, #tpu.memory_space<vmem>>, vector<1x1600x128xi32>
    %swap3A_56 = vector.shape_cast %swap3A_55 : vector<1x1600x128xi32> to vector<1600x128xi32>
    %swap3A_57 = vector.shape_cast %slice3A_51 : vector<1600x128xi32> to vector<1x1600x128xi32>
    tpu.vector_store %arg6[%swap3A_52, %swap3A_53, %swap3A_54], %swap3A_57 {strides = array<i32>} : memref<4x1600x128xi32, #tpu.memory_space<vmem>>, vector<1x1600x128xi32>,
    return
  }
  func.func @transform_0(%arg0: i32) -> (i32, i32) {
    %c0_i32 = arith.constant 0 : i32
    %c0_i32_0 = arith.constant 0 : i32
    return %arg0, %c0_i32 : i32, i32
  }
  func.func @transform_1(%arg0: i32) -> (i32, i32) {
    %c0_i32 = arith.constant 0 : i32
    %c0_i32_0 = arith.constant 0 : i32
    %c0_i32_1 = arith.constant 0 : i32
    return %c0_i32, %c0_i32_0 : i32, i32
  }
  func.func @transform_2(%arg0: i32) -> (i32, i32) {
    %c0_i32 = arith.constant 0 : i32
    %c0_i32_0 = arith.constant 0 : i32
    %c0_i32_1 = arith.constant 0 : i32
    return %c0_i32, %c0_i32_0 : i32, i32
  }
  func.func @transform_3(%arg0: i32) -> (i32, i32) {
    %c0_i32 = arith.constant 0 : i32
    %c0_i32_0 = arith.constant 0 : i32
    %c0_i32_1 = arith.constant 0 : i32
    return %c0_i32, %c0_i32_0 : i32, i32
  }
  func.func @transform_4(%arg0: i32) -> (i32, i32) {
    %c0_i32 = arith.constant 0 : i32
    %c0_i32_0 = arith.constant 0 : i32
    %c0_i32_1 = arith.constant 0 : i32
    return %c0_i32, %c0_i32_0 : i32, i32
  }
  func.func @transform_5(%arg0: i32) -> (i32, i32, i32) {
    %c0_i32 = arith.constant 0 : i32
    %c0_i32_0 = arith.constant 0 : i32
    %c0_i32_1 = arith.constant 0 : i32
    return %c0_i32, %arg0, %c0_i32_0 : i32, i32, i32
  }
}

module attributes {stable_mosaic.version = 14 : i64} {
  func.func @body(%arg0: i32, %arg1: memref<1000x512xi32, #tpu.memory_space<vmem>>, %arg2: memref<1000x512xi32, #tpu.memory_space<vmem>>, %arg3: memref<1000x16xf32, #tpu.memory_space<vmem>>, %arg4: memref<16x1024xf32, #tpu.memory_space<vmem>>, %arg5: memref<1x1024xf32, #tpu.memory_space<vmem>>, %arg6: memref<1024x1024xf32, #tpu.memory_space<vmem>>, %arg7: memref<1x1024xf32, #tpu.memory_space<vmem>>, %arg8: memref<1024x1024xf32, #tpu.memory_space<vmem>>, %arg9: memref<1x1024xf32, #tpu.memory_space<vmem>>, %arg10: memref<1x1024xf32, #tpu.memory_space<vmem>>, %arg11: memref<10x1000xf32, #tpu.memory_space<vmem>>) attributes {dimension_semantics = [#tpu.dimension_semantics<arbitrary>], iteration_bounds = array<i64: 10>, scalar_prefetch = 0 : i64, scratch_operands = 0 : i64, tpu.core_type = #tpu.core_type<tc>, window_params = [{transform_indices = @transform_0, window_bounds = array<i64: 1000, 512>}, {transform_indices = @transform_1, window_bounds = array<i64: 1000, 512>}, {transform_indices = @transform_2, window_bounds = array<i64: 1000, 16>}, {pipeline_mode = #tpu.pipeline_mode<synchronous>, transform_indices = @transform_3, window_bounds = array<i64: 16, 1024>}, {pipeline_mode = #tpu.pipeline_mode<synchronous>, transform_indices = @transform_4, window_bounds = array<i64: 1, 1024>}, {pipeline_mode = #tpu.pipeline_mode<synchronous>, transform_indices = @transform_5, window_bounds = array<i64: 1024, 1024>}, {pipeline_mode = #tpu.pipeline_mode<synchronous>, transform_indices = @transform_6, window_bounds = array<i64: 1, 1024>}, {pipeline_mode = #tpu.pipeline_mode<synchronous>, transform_indices = @transform_7, window_bounds = array<i64: 1024, 1024>}, {pipeline_mode = #tpu.pipeline_mode<synchronous>, transform_indices = @transform_8, window_bounds = array<i64: 1, 1024>}, {pipeline_mode = #tpu.pipeline_mode<synchronous>, transform_indices = @transform_9, window_bounds = array<i64: 1, 1024>}, {pipeline_mode = #tpu.pipeline_mode<synchronous>, transform_indices = @transform_10, window_bounds = array<i64: 10, 1000>}]} {
    %get3A = arith.constant 0 : index
    %get3A_0 = arith.constant 0 : index
    %get3A_1 = vector.load %arg3[%get3A, %get3A_0] : memref<1000x16xf32, #tpu.memory_space<vmem>>, vector<1000x16xf32>
    %get3A_2 = arith.constant 0 : index
    %get3A_3 = arith.constant 0 : index
    %get3A_4 = vector.load %arg4[%get3A_2, %get3A_3] : memref<16x1024xf32, #tpu.memory_space<vmem>>, vector<16x1024xf32>
    %dot_general3A = arith.constant dense<0.000000e+00> : vector<1000x1024xf32>
    %dot_general3A_5 = tpu.matmul %get3A_1, %get3A_4, %dot_general3A {dimension_numbers = #tpu.dot_dimension_numbers<[1], [0], [0], [1], [0, 0, 1, 1], [], []>, transpose_lhs_hint = false} : vector<1000x16xf32>, vector<16x1024xf32>, vector<1000x1024xf32> -> vector<1000x1024xf32>
    %get3A_6 = arith.constant 0 : index
    %get3A_7 = arith.constant 0 : index
    %get3A_8 = vector.load %arg5[%get3A_6, %get3A_7] : memref<1x1024xf32, #tpu.memory_space<vmem>>, vector<1x1024xf32>
    %add3A = vector.broadcast %get3A_8 : vector<1x1024xf32> to vector<1000x1024xf32>
    %add3A_9 = arith.addf %dot_general3A_5, %add3A : vector<1000x1024xf32>
    %max3A = arith.constant 0.000000e+00 : f32
    %max3A_10 = vector.broadcast %max3A : f32 to vector<1000x1024xf32>
    %max3A_11 = arith.maximumf %add3A_9, %max3A_10 : vector<1000x1024xf32>
    %get3A_12 = arith.constant 0 : index
    %get3A_13 = arith.constant 0 : index
    %get3A_14 = vector.load %arg6[%get3A_12, %get3A_13] : memref<1024x1024xf32, #tpu.memory_space<vmem>>, vector<1024x1024xf32>
    %dot_general3A_15 = arith.constant dense<0.000000e+00> : vector<1000x1024xf32>
    %dot_general3A_16 = tpu.matmul %max3A_11, %get3A_14, %dot_general3A_15 {dimension_numbers = #tpu.dot_dimension_numbers<[1], [0], [0], [1], [0, 0, 1, 1], [], []>, transpose_lhs_hint = false} : vector<1000x1024xf32>, vector<1024x1024xf32>, vector<1000x1024xf32> -> vector<1000x1024xf32>
    %get3A_17 = arith.constant 0 : index
    %get3A_18 = arith.constant 0 : index
    %get3A_19 = vector.load %arg7[%get3A_17, %get3A_18] : memref<1x1024xf32, #tpu.memory_space<vmem>>, vector<1x1024xf32>
    %add3A_20 = vector.broadcast %get3A_19 : vector<1x1024xf32> to vector<1000x1024xf32>
    %add3A_21 = arith.addf %dot_general3A_16, %add3A_20 : vector<1000x1024xf32>
    %get3A_22 = arith.constant 0 : index
    %get3A_23 = arith.constant 0 : index
    %get3A_24 = vector.load %arg1[%get3A_22, %get3A_23] : memref<1000x512xi32, #tpu.memory_space<vmem>>, vector<1000x512xi32>
    %bitcast_convert_type3A = tpu.bitcast %get3A_24 : vector<1000x512xi32> -> vector<1000x512xi32>
    %and3A = arith.constant 65535 : i32
    %and3A_25 = vector.broadcast %and3A : i32 to vector<1000x512xi32>
    %and3A_26 = arith.andi %bitcast_convert_type3A, %and3A_25 : vector<1000x512xi32>
    %convert_element_type3A = arith.trunci %and3A_26 : vector<1000x512xi32> to vector<1000x512xi16>
    %bitcast_convert_type3A_27 = tpu.bitcast %convert_element_type3A : vector<1000x512xi16> -> vector<1000x512xbf16>
    %shift_right_logical3A = arith.constant 16 : i32
    %shift_right_logical3A_28 = vector.broadcast %shift_right_logical3A : i32 to vector<1000x512xi32>
    %shift_right_logical3A_29 = arith.shrui %bitcast_convert_type3A, %shift_right_logical3A_28 : vector<1000x512xi32>
    %convert_element_type3A_30 = arith.trunci %shift_right_logical3A_29 : vector<1000x512xi32> to vector<1000x512xi16>
    %bitcast_convert_type3A_31 = tpu.bitcast %convert_element_type3A_30 : vector<1000x512xi16> -> vector<1000x512xbf16>
    %concatenate3A = tpu.concatenate %bitcast_convert_type3A_27, %bitcast_convert_type3A_31 in 1 : vector<1000x512xbf16>, vector<1000x512xbf16> -> vector<1000x1024xbf16>
    %get3A_32 = arith.constant 0 : index
    %get3A_33 = arith.constant 0 : index
    %get3A_34 = vector.load %arg2[%get3A_32, %get3A_33] : memref<1000x512xi32, #tpu.memory_space<vmem>>, vector<1000x512xi32>
    %bitcast_convert_type3A_35 = tpu.bitcast %get3A_34 : vector<1000x512xi32> -> vector<1000x512xi32>
    %and3A_36 = arith.constant 65535 : i32
    %and3A_37 = vector.broadcast %and3A_36 : i32 to vector<1000x512xi32>
    %and3A_38 = arith.andi %bitcast_convert_type3A_35, %and3A_37 : vector<1000x512xi32>
    %convert_element_type3A_39 = arith.trunci %and3A_38 : vector<1000x512xi32> to vector<1000x512xi16>
    %bitcast_convert_type3A_40 = tpu.bitcast %convert_element_type3A_39 : vector<1000x512xi16> -> vector<1000x512xbf16>
    %shift_right_logical3A_41 = arith.constant 16 : i32
    %shift_right_logical3A_42 = vector.broadcast %shift_right_logical3A_41 : i32 to vector<1000x512xi32>
    %shift_right_logical3A_43 = arith.shrui %bitcast_convert_type3A_35, %shift_right_logical3A_42 : vector<1000x512xi32>
    %convert_element_type3A_44 = arith.trunci %shift_right_logical3A_43 : vector<1000x512xi32> to vector<1000x512xi16>
    %bitcast_convert_type3A_45 = tpu.bitcast %convert_element_type3A_44 : vector<1000x512xi16> -> vector<1000x512xbf16>
    %concatenate3A_46 = tpu.concatenate %bitcast_convert_type3A_40, %bitcast_convert_type3A_45 in 1 : vector<1000x512xbf16>, vector<1000x512xbf16> -> vector<1000x1024xbf16>
    %max3A_47 = arith.maximumf %concatenate3A, %concatenate3A_46 : vector<1000x1024xbf16>
    %eq3A = arith.constant 0xFF80 : bf16
    %eq3A_48 = vector.broadcast %eq3A : bf16 to vector<1000x1024xbf16>
    %eq3A_49 = arith.cmpf oeq, %max3A_47, %eq3A_48 : vector<1000x1024xbf16>
    %jit3A = arith.constant 0.000000e+00 : bf16
    %broadcast_in_dim3A = vector.broadcast %jit3A : bf16 to vector<1000x1024xbf16>
    %select_n3A = arith.select %eq3A_49, %broadcast_in_dim3A, %max3A_47 : vector<1000x1024xi1>, vector<1000x1024xbf16>
    %convert_element_type3A_50 = arith.extf %select_n3A : vector<1000x1024xbf16> to vector<1000x1024xf32>
    %add3A_51 = arith.addf %convert_element_type3A_50, %add3A_21 : vector<1000x1024xf32>
    %get3A_52 = arith.constant 0 : index
    %get3A_53 = arith.constant 0 : index
    %get3A_54 = vector.load %arg8[%get3A_52, %get3A_53] : memref<1024x1024xf32, #tpu.memory_space<vmem>>, vector<1024x1024xf32>
    %dot_general3A_55 = arith.constant dense<0.000000e+00> : vector<1000x1024xf32>
    %dot_general3A_56 = tpu.matmul %add3A_51, %get3A_54, %dot_general3A_55 {dimension_numbers = #tpu.dot_dimension_numbers<[1], [0], [0], [1], [0, 0, 1, 1], [], []>, transpose_lhs_hint = false} : vector<1000x1024xf32>, vector<1024x1024xf32>, vector<1000x1024xf32> -> vector<1000x1024xf32>
    %get3A_57 = arith.constant 0 : index
    %get3A_58 = arith.constant 0 : index
    %get3A_59 = vector.load %arg9[%get3A_57, %get3A_58] : memref<1x1024xf32, #tpu.memory_space<vmem>>, vector<1x1024xf32>
    %add3A_60 = vector.broadcast %get3A_59 : vector<1x1024xf32> to vector<1000x1024xf32>
    %add3A_61 = arith.addf %dot_general3A_56, %add3A_60 : vector<1000x1024xf32>
    %max3A_62 = arith.constant 0.000000e+00 : f32
    %max3A_63 = vector.broadcast %max3A_62 : f32 to vector<1000x1024xf32>
    %max3A_64 = arith.maximumf %add3A_61, %max3A_63 : vector<1000x1024xf32>
    %get3A_65 = arith.constant 0 : index
    %get3A_66 = arith.constant 0 : index
    %get3A_67 = vector.load %arg10[%get3A_65, %get3A_66] : memref<1x1024xf32, #tpu.memory_space<vmem>>, vector<1x1024xf32>
    %mul3A = vector.broadcast %get3A_67 : vector<1x1024xf32> to vector<1000x1024xf32>
    %mul3A_68 = arith.mulf %max3A_64, %mul3A : vector<1000x1024xf32>
    %reduce_sum3A = arith.constant dense<0.000000e+00> : vector<1000xf32>
    %reduce_sum3A_69 = vector.multi_reduction <add>, %mul3A_68, %reduce_sum3A [1] : vector<1000x1024xf32> to vector<1000xf32>
    %swap3A = arith.index_cast %arg0 : i32 to index
    %swap3A_70 = arith.constant 0 : index
    %swap3A_71 = vector.load %arg11[%swap3A, %swap3A_70] : memref<10x1000xf32, #tpu.memory_space<vmem>>, vector<1x1000xf32>
    %swap3A_72 = vector.shape_cast %swap3A_71 : vector<1x1000xf32> to vector<1000xf32>
    %swap3A_73 = vector.shape_cast %reduce_sum3A_69 : vector<1000xf32> to vector<1x1000xf32>
    tpu.vector_store %arg11[%swap3A, %swap3A_70], %swap3A_73 {strides = array<i32>} : memref<10x1000xf32, #tpu.memory_space<vmem>>, vector<1x1000xf32>,
    return
  }
  func.func @transform_0(%arg0: i32) -> (i32, i32) {
    %c0_i32 = arith.constant 0 : i32
    %c0_i32_0 = arith.constant 0 : i32
    return %arg0, %c0_i32 : i32, i32
  }
  func.func @transform_1(%arg0: i32) -> (i32, i32) {
    %c0_i32 = arith.constant 0 : i32
    %c0_i32_0 = arith.constant 0 : i32
    return %arg0, %c0_i32 : i32, i32
  }
  func.func @transform_2(%arg0: i32) -> (i32, i32) {
    %c0_i32 = arith.constant 0 : i32
    %c0_i32_0 = arith.constant 0 : i32
    return %arg0, %c0_i32 : i32, i32
  }
  func.func @transform_3(%arg0: i32) -> (i32, i32) {
    %c0_i32 = arith.constant 0 : i32
    %c0_i32_0 = arith.constant 0 : i32
    %c0_i32_1 = arith.constant 0 : i32
    return %c0_i32, %c0_i32_0 : i32, i32
  }
  func.func @transform_4(%arg0: i32) -> (i32, i32) {
    %c0_i32 = arith.constant 0 : i32
    %c0_i32_0 = arith.constant 0 : i32
    %c0_i32_1 = arith.constant 0 : i32
    return %c0_i32, %c0_i32_0 : i32, i32
  }
  func.func @transform_5(%arg0: i32) -> (i32, i32) {
    %c0_i32 = arith.constant 0 : i32
    %c0_i32_0 = arith.constant 0 : i32
    %c0_i32_1 = arith.constant 0 : i32
    return %c0_i32, %c0_i32_0 : i32, i32
  }
  func.func @transform_6(%arg0: i32) -> (i32, i32) {
    %c0_i32 = arith.constant 0 : i32
    %c0_i32_0 = arith.constant 0 : i32
    %c0_i32_1 = arith.constant 0 : i32
    return %c0_i32, %c0_i32_0 : i32, i32
  }
  func.func @transform_7(%arg0: i32) -> (i32, i32) {
    %c0_i32 = arith.constant 0 : i32
    %c0_i32_0 = arith.constant 0 : i32
    %c0_i32_1 = arith.constant 0 : i32
    return %c0_i32, %c0_i32_0 : i32, i32
  }
  func.func @transform_8(%arg0: i32) -> (i32, i32) {
    %c0_i32 = arith.constant 0 : i32
    %c0_i32_0 = arith.constant 0 : i32
    %c0_i32_1 = arith.constant 0 : i32
    return %c0_i32, %c0_i32_0 : i32, i32
  }
  func.func @transform_9(%arg0: i32) -> (i32, i32) {
    %c0_i32 = arith.constant 0 : i32
    %c0_i32_0 = arith.constant 0 : i32
    %c0_i32_1 = arith.constant 0 : i32
    return %c0_i32, %c0_i32_0 : i32, i32
  }
  func.func @transform_10(%arg0: i32) -> (i32, i32) {
    %c0_i32 = arith.constant 0 : i32
    %c0_i32_0 = arith.constant 0 : i32
    %c0_i32_1 = arith.constant 0 : i32
    return %c0_i32, %c0_i32_0 : i32, i32
  }
}

</mosaic_0001>

<sc_bundles>
// kernel: kernel.10.cloned.1.call-start
scs
__scs_entry_jumppad:
0x0: {  	(pc) =	sbr.rel $0x88, $3  }
0x1: {  	(tag) =	ssettag $0x0;
	lr =	simm.s32 $0x1  }
0x2: {  	[smem:$0x3F92] =	sst lr;
	_ =	strace $0xD0000000  }
0x3: {  	_ = 	snop  }
0x4: {  	_ = 	snop  }
0x5: {  	_ = 	snop  }
0x6: {  	_ = 	snop  }
0x7: {  	_ = 	snop  }
__scs_overlays_trampoline_lowered:
0x8: {  	[smem:$0x3FA1] =	sst s0  }
0x9: {  	[smem:$0x3FA2] =	sst s1  }
0xa: {  	[smem:$0x3FA3] =	sst s2  }
0xb: {  	[smem:$0x3FA4] =	sst s3  }
0xc: {  	[smem:$0x3FA5] =	sst s4  }
0xd: {  	[smem:$0x3FA6] =	sst s5  }
0xe: {  	[smem:$0x3FA7] =	sst s6  }
0xf: {  	[smem:$0x3FA8] =	sst s7  }
0x10: {  	[smem:$0x3FA9] =	sst s8  }
0x11: {  	[smem:$0x3FAA] =	sst s9;
	s0 =	simm.s32 @!p0 $0x0  }
0x12: {  	s1 =	sld [smem:$0x3F90];
	s0 =	simm.s32 @p0 $0x1  }
0x13: {  	[smem:$0x3FAB] =	sst s0;
	s0 =	simm.s32 @!p1 $0x0  }
0x14: {  	s2 =	sld [smem:$0x3F8F];
	s0 =	simm.s32 @p1 $0x1  }
0x15: {  	[smem:$0x3FAC] =	sst s0;
	s0 =	simm.s32 @!p2 $0x0  }
0x16: {  	s3 =	sld [smem:$0x3FDB];
	s0 =	simm.s32 @p2 $0x1  }
0x17: {  	s4 =	simm.s32 $0x1BF5;
	[smem:$0x3FAE] =	sst s0  }
0x18: {  	s0 =	sld [smem:$0x3F91];
	_ =	swait.ge [sflag:s4], $0x0  }
0x19: {  	s7 =	sld [smem:$0x3F92]  }
0x1a: {  	s8 =	sadd.s32 $0xFFFFE003, lr  }
0x1b: {  	s9 =	sadd.s32 $0xFFFFFEF7, lr;
	s5 =	simm.s32 $0xFFFFFFFF;
	p2 =	slt.u32 s8, $0xFFFFF086  }
0x1c: {  	p1 =	slt.u32 s9, $0xF7A;
	s5 =	simm.s32 @!p2 $0x0  }
0x1d: {  	s5 =	simm.s32 @p1 $0x1;
	p0 =	seq.s32 s7, s2  }
0x1e: {  	s7 =	smul.u32 @!p0 $0xF7A, s2;
	p2 =	seq.s32 @!p0 s5, $0x0  }
0x1f: {  	s9 =	smul.u32 $0xF7A, s1;
	s8 =	simm.s32 @!p0 $0x1BF5;
	p2 =	por !p2, p0  }
0x20: {  	[sflag:s8] =	ssyncset.s32 @!p0 $0xFFFFF086;
	s6 =	sadd.s32 @!p0 s3, s7;
	s7 =	simm.s32 @!p0 $0x108  }
0x21: {  	s3 =	sadd.s32 s3, s9;
	s6 =	sadd.s32 @!p0 $0x88, s6;
	s7 =	simm.s32 @p2 $0x1082  }
0x22: {  	[simem:s7], [sflag:s8] =	dma.local @!p0 [hbm:s6], $0xF7A  }
0x23: {  	s9 =	sor.u32 $0xD0000000, s2;
	s6 =	simm.s32 $0x108;
	_ =	swait.ge @!p0 [sflag:s8], $0x0  }
0x24: {  	s3 =	sadd.s32 $0x88, s3;
	s6 =	simm.s32 @!p1 $0x1082;
	[sflag:s4] =	ssyncset.s32 $0xFFFFF086  }
0x25: {  	[simem:s6], [sflag:s4] =	dma.local [hbm:s3], $0xF7A  }
0x26: {  	[smem:$0x3F92] =	sst s1;
	(tag) =	ssettag s2;
	_ =	strace s9  }
0x27: {  	s1 =	sld [smem:$0x3FA2]  }
0x28: {  	s2 =	sld [smem:$0x3FA3]  }
0x29: {  	s4 =	sld [smem:$0x3FA5]  }
0x2a: {  	p0 =	seq.s32 s5, $0x0;
	s5 =	sld [smem:$0x3FA6]  }
0x2b: {  	s6 =	sld [smem:$0x3FA7]  }
0x2c: {  	s7 =	sld [smem:$0x3FA8]  }
0x2d: {  	s3 =	simm.s32 $0x108;
	s8 =	sld [smem:$0x3FA9]  }
0x2e: {  	s3 =	simm.s32 @!p0 $0x1082;
	s9 =	sld [smem:$0x3FAA]  }
0x2f: {  	lr =	sadd.s32 s0, s3;
	s0 =	sld [smem:$0x3FA1]  }
0x30: {  	s3 =	sld [smem:$0x3FA4]  }
0x31: {  	[smem:$0x3FAD] =	sst s10  }
0x32: {  	s10 =	sld [smem:$0x3FAB];
	_ =	sdelay $0x3  }
0x33: {  	p0 =	seq.s32 s10, $0x1;
	s10 =	sld [smem:$0x3FAD];
	_ =	sdelay $0x3  }
0x34: {  	[smem:$0x3FAD] =	sst s10  }
0x35: {  	s10 =	sld [smem:$0x3FAC];
	_ =	sdelay $0x3  }
0x36: {  	p1 =	seq.s32 s10, $0x1;
	s10 =	sld [smem:$0x3FAD];
	_ =	sdelay $0x3  }
0x37: {  	[smem:$0x3FAD] =	sst s10  }
0x38: {  	s10 =	sld [smem:$0x3FAE]  }
0x39: {  	_ = 	snop;
	(pc) =	sbr.ind lr, $3  }
0x3a: {  	_ = 	snop  }
0x3b: {  	_ = 	snop  }
0x3c: {  	p2 =	seq.s32 s10, $0x1;
	s10 =	sld [smem:$0x3FAD]  }
0x3d: {  	_ =	shalt  }
0x3e: {  	_ =	shalt  }
0x3f: {  	_ =	shalt  }
0x40: {  	_ =	shalt  }
0x41: {  	_ =	shalt  }
0x42: {  	_ =	shalt  }
0x43: {  	_ =	shalt  }
0x44: {  	_ =	shalt  }
0x45: {  	_ =	shalt  }
0x46: {  	_ =	shalt  }
0x47: {  	_ =	shalt  }
0x48: {  	_ =	shalt  }
0x49: {  	_ =	shalt  }
0x4a: {  	_ =	shalt  }
0x4b: {  	_ =	shalt  }
0x4c: {  	_ =	shalt  }
0x4d: {  	_ =	shalt  }
0x4e: {  	_ =	shalt  }
0x4f: {  	_ =	shalt  }
0x50: {  	_ =	shalt  }
0x51: {  	_ =	shalt  }
0x52: {  	_ =	shalt  }
0x53: {  	_ =	shalt  }
0x54: {  	_ =	shalt  }
0x55: {  	_ =	shalt  }
0x56: {  	_ =	shalt  }
0x57: {  	_ =	shalt  }
0x58: {  	_ =	shalt  }
0x59: {  	_ =	shalt  }
0x5a: {  	_ =	shalt  }
0x5b: {  	_ =	shalt  }
0x5c: {  	_ =	shalt  }
0x5d: {  	_ =	shalt  }
0x5e: {  	_ =	shalt  }
0x5f: {  	_ =	shalt  }
0x60: {  	_ =	shalt  }
0x61: {  	_ =	shalt  }
0x62: {  	_ =	shalt  }
0x63: {  	_ =	shalt  }
0x64: {  	_ =	shalt  }
0x65: {  	_ =	shalt  }
0x66: {  	_ =	shalt  }
0x67: {  	_ =	shalt  }
0x68: {  	_ =	shalt  }
0x69: {  	_ =	shalt  }
0x6a: {  	_ =	shalt  }
0x6b: {  	_ =	shalt  }
0x6c: {  	_ =	shalt  }
0x6d: {  	_ =	shalt  }
0x6e: {  	_ =	shalt  }
0x6f: {  	_ =	shalt  }
0x70: {  	_ =	shalt  }
0x71: {  	_ =	shalt  }
0x72: {  	_ =	shalt  }
0x73: {  	_ =	shalt  }
0x74: {  	_ =	shalt  }
0x75: {  	_ =	shalt  }
0x76: {  	_ =	shalt  }
0x77: {  	_ =	shalt  }
0x78: {  	_ =	shalt  }
0x79: {  	_ =	shalt  }
0x7a: {  	_ =	shalt  }
0x7b: {  	_ =	shalt  }
0x7c: {  	_ =	shalt  }
0x7d: {  	_ =	shalt  }
0x7e: {  	_ =	shalt  }
0x7f: {  	_ =	shalt  }
0x80: {  	_ =	shalt  }
0x81: {  	_ =	shalt  }
0x82: {  	_ =	shalt  }
0x83: {  	_ =	shalt  }
0x84: {  	_ =	shalt  }
0x85: {  	_ =	shalt  }
0x86: {  	_ =	shalt  }
0x87: {  	_ =	shalt  }
.Lfunc_end0:
.L_simem_size_0:
called_computation.1_lowered:
.L_overlay_start_0:
0x88: {  	s2 =	sld [smem:$0x3FD9]  }
0x89: {  	s3 =	sld [smem:$0x3FFE];
	_ =	sdelay $0x1  }
0x8a: {  	s1 =	srdreg.scid  }
0x8b: {  	s0 =	sand.u32 $0x1, s1  }
0x8c: {  	s16 =	sshll.u32 s0, $0xA;
	s2 =	sadd.s32 s3, s2  }
0x8d: {  	s2 =	sadd.s32 s2, s16  }
0x8e: {  	[smem:$0x3FB9] =	sst s2  }
0x8f: {  	_ = 	snop  }
0x90: {  	(tm) =	ssettm $0x1  }
0x91: {  	s17 =	sld [smem:$0x3FFB];
	_ =	sdelay $0x3  }
0x92: {  	_ =	strace s17  }
0x93: {  	s2 =	sld [smem:$0x3FFC];
	_ =	sdelay $0x3  }
0x94: {  	_ =	strace s2  }
0x95: {  	s2 =	sld [smem:$0x3FFD];
	_ =	sdelay $0x3  }
0x96: {  	_ =	strace s2  }
0x97: {  	_ =	strace $0x8FFFFFFF  }
0x98: {  	s18 =	sld [smem:$0x3FDB];
	_ =	sdelay $0x1  }
0x99: {  	s19 =	simm.s32 $_scs_section_size  }
0x9a: {  	s4 =	simm.s32 $_size__tile_overlayer_lowered;
	s5 =	simm.s32 $_tile_overlayer_lowered  }
0x9b: {  	s22 =	simm.s32 $0x1BFF;
	s21 =	sshll.u32 s5, $0x1;
	s2 =	sadd.s32 s19, s18  }
0x9c: {  	s6 =	simm.s32 $0x0;
	s20 =	sshll.u32 s4, $0x1;
	s4 =	sadd.s32 s21, s2  }
0x9d: {  	[timem:s6], [sflag:s22] =	dma.local [hbm:s4], s20  }
0x9e: {  	_ =	swait.ge [sflag:s22], s20  }
0x9f: {  	s3 =	ssub.s32 $0x0, s20;
	[sflag:s22] =	ssyncset.done $0x0  }
0xa0: {  	[sflag:s22] =	ssyncadd.s32 s3;
	_ =	sdelay $0x1  }
0xa1: {  	s23 =	simm.s32 $0x1B8B  }
0xa2: {  	_ =	swait.ge [sflag:s23], $0x1  }
0xa3: {  	[sflag:s23] =	ssyncset.done $0x0  }
0xa4: {  	s25 =	simm.s32 $0x1B8E;
	s24 =	sld [smem:$0x3FFE];
	[sflag:s23] =	ssyncadd.s32 $0xFFFFFFFF  }
0xa5: {  	s26 =	simm.s32 $execute0_lowered;
	[smem:$0x3FD2] =	sst s25  }
0xa6: {  	s4 =	sshll.u32 s26, $0x1;
	_ =	strace $0x80000046;
	[dreg:$0x1] =	wrdreg $0xFFFFFFFF  }
0xa7: {  	s28 =	simm.s32 $_size_execute0_lowered;
	s2 =	sadd.s32 s2, s4;
	[dreg:$0x0] =	wrdreg $0x0  }
0xa8: {  	s4 =	sshll.u32 s28, $0x1;
	[dreg:$0x2] =	wrdreg s2  }
0xa9: {  	[dreg:$0x3] =	wrdreg s4  }
0xaa: {  	[dreg:$0x4] =	wrdreg $0xC0  }
0xab: {  	_ =	task [dreg:s6], $0x5FFFF  }
0xac: {  	[dreg:$0x1] =	wrdreg $0xFFFFFFFF  }
0xad: {  	[dreg:$0x0] =	wrdreg $0x60  }
0xae: {  	[dreg:$0x2] =	wrdreg s24  }
0xaf: {  	[dreg:$0x3] =	wrdreg $0xA  }
0xb0: {  	_ =	task.clear_ibuf [dreg:s6], $0x4FFFF;
	_ =	strace $0x90000046  }
0xb1: {  	s29 =	simm.s32 $0xA;
	_ =	strace $0x80000048  }
0xb2: {  	_ =	swait.ge [sflag:s29], $0x1  }
0xb3: {  	[sflag:s29] =	ssyncadd.s32 $0xFFFFFFFF  }
0xb4: {  	_ =	strace $0x90000048  }
0xb5: {  	_ =	sfence  }
0xb6: {  	s30 =	sld [smem:$0x0];
	_ =	sdelay $0x2  }
0xb7: {  	s31 =	sshll.u32 s1, $0xD;
	s1 =	sshrl.u32 s1, $0x2  }
0xb8: {  	s3 =	sand.u32 $0x4000, s31;
	s1 =	sadd.s32 s1, s30  }
0xb9: {  	s0 =	sor.u32 s3, s0;
	s1 =	sshll.u32 s1, $0x11  }
0xba: {  	s0 =	sor.u32 s1, s0  }
0xbb: {  	s0 =	sadd.s32 $0x8F2B, s0  }
0xbc: {  	[sflag:s0] =	ssyncadd.remote.s32 $0x1  }
0xbd: {  	_ =	sfence.sel $0xFFFF  }
0xbe: {  	[dreg:$0x0] =	wrdreg $0xFFFFFFFF;
	(pc) =	sbr.abs _section_cstart, $3  }
0xbf: {  	[dreg:$0x1] =	wrdreg $0xFFFFFFFF  }
0xc0: {  	_ =	task.clear_ibuf [dreg:s6], $0x2FFFF;
	_ =	strace $0x9FFFFFFF  }
0xc1: {  	(tm) =	ssettm $0x7FFFFFFF  }
tec
execute0_lowered:
.L_overlay_start_1:
0x0: {  	(tag) =	ssettag $0x1  }
0x1: {  	s0 =	rddreg [dreg:$0x0];
	s1 =	srdreg.scid  }
0x2: {  	s3 =	stileid.u32;
	s2 =	simm.s32 $0x0;
	s8 =	simm.s32 $0x3  }
0x3: {  	s10 =	simm.s32 $0x1000;
	s11 =	simm.s32 $0x1;
	s12 =	simm.s32 $0x3880  }
0x4: {  	s14 =	simm.s32 $0x3B80;
	s15 =	simm.s32 $0x2900;
	s16 =	simm.s32 $0x50  }
0x5: {  	v0 =	vimm.s32 $0xEDCBA987;
	s17 =	simm.s32 $0x2;
	s18 =	simm.s32 $0x400;
	s19 =	simm.s32 $0x3D00  }
0x6: {  	v1 =	vimm.s32 $0x65432100;
	s20 =	simm.s32 $0x0;
	s1 =	sand.u32 $0x1, s1;
	s3 =	sshll.u32 s3, $0x1;
	v2 =	vunpack.c.l.s4.s8 v0  }
.Ltmp0:
0x7: {  	[smem:$0x7FF] =	sst s2;
	v4 =	vunpack.c.l.s4.s8 v1;
	s6 =	sor.u32 s1, s3;
	(pc) =	sbr.rel .LBB2_1-.Ltmp0, $4  }
0x8: {  	v3 =	vlaneseq.u32;
	v5 =	vimm.s32 $0x140;
	s4 =	sadd.s32 $0x172200, s0;
	s1 =	ssub.s32 $0x2, s1;
	s9 =	smul.u32 $0x140, s6;
	v6 =	vunpack.c.0.s8.s32 v2  }
0x9: {  	s5 =	sadd.s32 $0x29A00, s0;
	v8 =	vadd.s32 $0x1, v3;
	_ =	strace $0x80000047;
	s7 =	sshrl.u32 s1, $0x1;
	v2 =	vimm.s32 $0x0;
	v7 =	vunpack.c.0.s8.s32 v4  }
0xa: {  	s3 =	sadd.s32 $0x174A00, s0;
	v4 =	vimm.s32 $0x1;
	s30 =	ssub.s32 s1, s7;
	s31 =	sadd.s32 $0x140, s9;
	v0 =	vmov s9;
	v6 =	vand.u32 $0xF, v6  }
0xb: {  	s6 =	smul.u32 $0x28000, s6;
	s7 =	smax.u32 s30, $0x1;
	s9 =	simm.s32 $0x1C80;
	v1 =	vmov s31;
	v6 =	vcombine.low v7, v6;
	v7 =	vor.u32 $0x80000000, v3  }
.LBB2_59:
0xc: {  	s20 =	sadd.s32 $0x1, s20  }
0xd: {  	p0 =	sne.s32 s20, s7  }
.Ltmp1:
0xe: {  	_ = 	snop;
	(pc) =	sbr.rel @!p0 .LBB2_60-.Ltmp1, $1  }
0xf: {  	_ =	sdelay $0x3  }
.LBB2_1:
0x10: {  	s0 =	simm.s32 $0x40;
	s1 =	simm.s32 $0x0  }
.LBB2_2:
0x11: {  	p0 =	sne.s32 s0, $0x3440;
	[tilespmem:s1+$0x2900] =	vst v2;
	s1 =	smov.u32 s0;
	s0 =	sadd.s32 $0x40, s0  }
.Ltmp2:
0x12: {  	(pc) =	sbr.rel @p0 .LBB2_2-.Ltmp2, $2  }
0x13: {  	_ =	sdelay $0x2  }
0x14: {  	s1 =	sshra.s32 s1, $0x2  }
0x15: {  	[tilespmem:s1+$0x2900] =	vst v2  }
0x16: {  	[tilespmem:$0x3880] =	vst v2  }
0x17: {  	[tilespmem:$0x3890] =	vst v2  }
0x18: {  	[tilespmem:$0x38A0] =	vst v2  }
0x19: {  	[tilespmem:$0x38B0] =	vst v2  }
0x1a: {  	[tilespmem:$0x38C0] =	vst v2  }
0x1b: {  	[tilespmem:$0x38D0] =	vst v2  }
0x1c: {  	[tilespmem:$0x38E0] =	vst v2  }
0x1d: {  	[tilespmem:$0x38F0] =	vst v2  }
0x1e: {  	[tilespmem:$0x3900] =	vst v2  }
0x1f: {  	[tilespmem:$0x3910] =	vst v2  }
0x20: {  	[tilespmem:$0x3920] =	vst v2  }
0x21: {  	[tilespmem:$0x3930] =	vst v2  }
0x22: {  	[tilespmem:$0x3940] =	vst v2  }
0x23: {  	[tilespmem:$0x3950] =	vst v2  }
0x24: {  	[tilespmem:$0x3960] =	vst v2  }
0x25: {  	[tilespmem:$0x3970] =	vst v2  }
0x26: {  	[tilespmem:$0x3980] =	vst v2  }
0x27: {  	[tilespmem:$0x3990] =	vst v2  }
0x28: {  	s0 =	simm.s32 $0x0;
	[tilespmem:$0x39A0] =	vst v2  }
0x29: {  	s21 =	simm.s32 $0x10;
	s22 =	simm.s32 $0x10;
	s23 =	simm.s32 $0x0;
	[tilespmem:$0x39B0] =	vst v2  }
.LBB2_4:
0x2a: {  	s1 =	smul.u32 $0xFA0, s23;
	_ =	sdelay $0x1  }
0x2b: {  	s1 =	sshrl.u32 s1, $0x3  }
0x2c: {  	s1 =	sadd.s32 s4, s1  }
0x2d: {  	[tilespmem:s2], [sflag:$0x3] =	stream.linear.gather [hbm4b:s1+s2], $0xFA0, $0x38;
	[tilespmem:$0x17D00] =	vst v63  }
0x2e: {  	_ =	swait.ge [sflag:s8], $0xFA0  }
0x2f: {  	[sflag:s8] =	ssyncset.done $0x0  }
0x30: {  	[sflag:s8] =	ssyncadd.s32 $0xFFFFF060  }
0x31: {  	v17 =	vld [tilespmem:s21+$0xFFFFFFF0];
	_ =	sdelay $0x4  }
0x32: {  	vm0 =	vge.s32 v17, v0;
	vm1 =	vlt.s32 v17, v1  }
0x33: {  	vm0 =	vmand vm0, vm1  }
0x34: {  	v10 =	vsel vm0, $0x1, v2  }
0x35: {  	v9 =	vld [tilespmem:s21+$0x0];
	(xrf0) =	vadd.scan.msk.s32 $0xffff, v10;
	_ =	sdelay $0x1  }
0x36: {  	s25 =	simm.s32 $0x30  }
0x37: {  	v13 =	vld [tilespmem:s25+$0xFFFFFFF0];
	_ =	sdelay $0x1  }
0x38: {  	vm2 =	vlt.s32 v9, v1;
	vm1 =	vge.s32 v9, v0  }
0x39: {  	vm1 =	vmand vm1, vm2;
	v19, _, _ =	vpop (xrf0)  }
0x3a: {  	v10 =	vsel vm1, $0x1, v2;
	(v2sf) =	vpush v19, $0xF  }
0x3b: {  	v11 =	vld [tilespmem:s25+$0x0];
	vm3 =	vlt.s32 v13, v1;
	vm2 =	vge.s32 v13, v0;
	(xrf0) =	vadd.scan.msk.s32 $0xffff, v10  }
0x3c: {  	vm2 =	vmand vm2, vm3  }
0x3d: {  	v10 =	vsel vm2, $0x1, v2  }
0x3e: {  	(xrf0) =	vadd.scan.msk.s32 $0xffff, v10;
	_ =	sdelay $0x1  }
0x3f: {  	s26 =	simm.s32 $0x50;
	vm4 =	vlt.s32 v11, v1;
	vm3 =	vge.s32 v11, v0  }
0x40: {  	vm3 =	vmand vm3, vm4;
	v10 =	vld [tilespmem:s26+$0xFFFFFFF0];
	v21, _, _ =	vpop (xrf0)  }
0x41: {  	v12 =	vsel vm3, $0x1, v2;
	(v2sf) =	vpush v21, $0xF  }
0x42: {  	(xrf0) =	vadd.scan.msk.s32 $0xffff, v12;
	v12 =	vld [tilespmem:s26+$0x0]  }
0x43: {  	v16, _, _ =	vpop (xrf0)  }
0x44: {  	(v2sf) =	vpush v16, $0xF  }
0x45: {  	vm4 =	vge.s32 v10, v0;
	vm5 =	vlt.s32 v10, v1  }
0x46: {  	v15 =	vmov s0;
	v14 =	vsub.s32 v9, v0;
	vm4 =	vmand vm4, vm5  }
0x47: {  	v9 =	vsel vm4, $0x1, v2;
	vm5 =	vge.s32 v12, v0;
	vm6 =	vlt.s32 v12, v1  }
0x48: {  	s29 =	simm.s32 $0x70;
	v22 =	vadd.s32 $0xFFFFFFFF, v15;
	(xrf0) =	vadd.scan.msk.s32 $0xffff, v9;
	vm5 =	vmand vm5, vm6;
	s13 =	spop (v2sf)  }
0x49: {  	v22 =	vbroadcast v22, $0x0;
	vm0 =	vmmov vm0;
	v9 =	vld [tilespmem:s29+$0xFFFFFFF0];
	v15 =	vsel vm5, $0x1, v2;
	s0 =	sadd.s32 s0, s13  }
0x4a: {  	vm1 =	vmmov vm1;
	vm0 =	vmmov vm0;
	v11 =	vsub.s32 v11, v0;
	v20, _, _ =	vpop (xrf0);
	(xrf0) =	vadd.scan.msk.s32 $0xffff, v15;
	p0 =	slt.s32 s0, $0xC00  }
0x4b: {  	vm1 =	vmmov vm1;
	vm0 =	vmmov vm0;
	vm3 =	vmmov vm3;
	s0 =	simm.s32 @!p0 $0xC00  }
0x4c: {  	vm7 =	vmmov vm1;
	(v2sf) =	vpush v20, $0xF;
	v23 =	vmov s0  }
0x4d: {  	vm0 =	vmmov vm0;
	vm1 =	vmmov vm5;
	v23 =	vadd.s32 $0xFFFFFFFF, v23  }
0x4e: {  	vm5 =	vge.s32 v9, v0;
	vm6 =	vlt.s32 v9, v1;
	v18, _, _ =	vpop (xrf0);
	v23 =	vbroadcast v23, $0x0  }
0x4f: {  	vm3 =	vmmov vm3;
	v15 =	vld [tilespmem:s29+$0x0];
	vm5 =	vmand vm5, vm6;
	(v2sf) =	vpush v18, $0xF  }
0x50: {  	v19 =	vadd.s32 v19, v22;
	v24 =	vsel vm5, $0x1, v2;
	s30 =	spop (v2sf);
	v22 =	vadd.s32 v21, v23;
	v21, _, _ =	vpop (xrf0)  }
0x51: {  	vm2 =	vmmov vm2;
	vm4 =	vmmov vm4;
	s0 =	sadd.s32 s0, s30;
	(xrf0) =	vadd.scan.msk.s32 $0xffff, v24;
	(v2sf) =	vpush v21, $0xF  }
0x52: {  	s25 =	simm.s32 $0x90;
	vm2 =	vmmov vm2;
	vm4 =	vmmov vm4;
	v12 =	vsub.s32 v12, v0;
	p0 =	slt.s32 s0, $0xC00  }
0x53: {  	vm6 =	vmmov vm2;
	vm2 =	vmmov vm7;
	s31 =	spop (v2sf);
	v23 =	vsub.s32 v17, v0;
	v17 =	vld [tilespmem:s25+$0xFFFFFFF0];
	s0 =	simm.s32 @!p0 $0xC00  }
0x54: {  	s28 =	simm.s32 $0x8;
	vm7 =	vge.s32 v15, v0;
	vm8 =	vlt.s32 v15, v1;
	v25 =	vmov s0;
	s26 =	sadd.s32 s0, s31  }
0x55: {  	s24 =	sadd.s32 $0x20, s22;
	vm5 =	vmmov vm5;
	vm7 =	vmand vm7, vm8;
	s0 =	smov.u32 s22;
	v24 =	vadd.s32 $0xFFFFFFFF, v25;
	p1 =	slt.s32 s26, $0xC00  }
.LBB2_5:
0x56: {  	s28 =	sadd.s32 $0x2, s28;
	v25 =	vsel vm7, $0x1, v2;
	v26 =	vsub.s32 v15, v0;
	[tilespmem:v19+s9+$0x0] =	vst.idx.msk vm0, v23;
	v23 =	vor.u32 s0, v3  }
0x57: {  	v27, _, _ =	vpop (xrf0);
	s26 =	simm.s32 @!p1 $0xC00;
	s1 =	sadd.s32 $0xFFFFFFF0, s0;
	vm8 =	vmmov vm3;
	vm3 =	vmmov vm1;
	vm1 =	vmmov vm7;
	s0 =	smov.u32 s24  }
0x58: {  	p0 =	slt.u32 s28, $0xF8;
	vm7 =	vge.s32 v17, v0;
	vm9 =	vlt.s32 v17, v1;
	(xrf0) =	vadd.scan.msk.s32 $0xffff, v25;
	v25 =	vor.u32 s1, v3;
	v28 =	vmovc v17  }
0x59: {  	v17 =	vmov s26;
	vm7 =	vmand vm7, vm9;
	(v2sf) =	vpush v27, $0xF;
	[tilespmem:v22+s9+$0x0] =	vst.idx.msk vm2, v14;
	v14 =	vmovc v11;
	v11 =	vmovc v12  }
0x5a: {  	v24 =	vbroadcast v24, $0x0;
	v17 =	vadd.s32 $0xFFFFFFFF, v17;
	v12 =	vmovc v26;
	v29 =	vsel vm7, $0x1, v2;
	v15 =	vld [tilespmem:s25+$0x0];
	[tilespmem:v22+s10+$0x0] =	vst.idx.msk vm2, v23  }
0x5b: {  	v22 =	vbroadcast v17, $0x0;
	(xrf0) =	vadd.scan.msk.s32 $0xffff, v29;
	s1 =	spop (v2sf);
	[tilespmem:v19+s10+$0x0] =	vst.idx.msk vm0, v25;
	vm0 =	vmmov vm6  }
.Ltmp3:
0x5c: {  	s25 =	sadd.s32 $0x20, s25;
	v19 =	vadd.s32 v16, v24;
	v16 =	vmovc v18;
	v18 =	vmovc v27;
	vm6 =	vmmov vm4;
	vm4 =	vmmov vm5;
	s1 =	sadd.s32 s26, s1;
	(pc) =	sbr.rel @p0 .LBB2_5-.Ltmp3, $4  }
0x5d: {  	vm2 =	vmmov vm8;
	vm5 =	vmmov vm7;
	v22 =	vadd.s32 v20, v22;
	v20 =	vmovc v21;
	v17 =	vld [tilespmem:s25+$0xFFFFFFF0];
	p1 =	slt.s32 s1, $0xC00  }
0x5e: {  	v23 =	vsub.s32 v13, v0;
	v13 =	vmov v10;
	v10 =	vmov v9;
	v21, _, _ =	vpop (xrf0);
	s13 =	spop (v2sf);
	s1 =	simm.s32 @!p1 $0xC00  }
0x5f: {  	v9 =	vmovc v28;
	vm7 =	vge.s32 v15, v0;
	vm8 =	vlt.s32 v15, v1;
	v24 =	vmov s1;
	s26 =	sadd.s32 s1, s13  }
0x60: {  	s24 =	sadd.s32 $0x20, s24;
	vm7 =	vmand vm7, vm8;
	(v2sf) =	vpush v21, $0xF;
	v24 =	vadd.s32 $0xFFFFFFFF, v24;
	p1 =	slt.s32 s26, $0xC00  }
0x61: {  	v25 =	vsel vm7, $0x1, v2  }
0x62: {  	vm8 =	vge.s32 v17, v0;
	vm9 =	vlt.s32 v17, v1;
	(xrf0) =	vadd.scan.msk.s32 $0xffff, v25  }
0x63: {  	vm9 =	vmand vm8, vm9  }
0x64: {  	v43 =	vsel vm9, $0x1, v2  }
0x65: {  	v26, _, _ =	vpop (xrf0);
	(xrf0) =	vadd.scan.msk.s32 $0xffff, v43  }
0x66: {  	(v2sf) =	vpush v26, $0xF;
	_ =	sdelay $0x1  }
0x67: {  	v27, _, _ =	vpop (xrf0)  }
0x68: {  	v44 =	vld [tilespmem:s25+$0x0];
	(v2sf) =	vpush v27, $0xF;
	_ =	sdelay $0x1  }
0x69: {  	v28, _, _ =	vpop (xrf0)  }
0x6a: {  	s26 =	simm.s32 @!p1 $0xC00;
	s1 =	spop (v2sf);
	(v2sf) =	vpush v28, $0xF  }
0x6b: {  	s1 =	sadd.s32 s26, s1  }
0x6c: {  	v29 =	vor.u32 s0, v3;
	p0 =	slt.s32 s1, $0xC00;
	vm15 =	vge.s32 v44, v0;
	vm10 =	vlt.s32 v44, v1  }
0x6d: {  	vm3 =	vmmov vm3;
	vm12 =	vmmov vm1;
	s1 =	simm.s32 @!p0 $0xC00;
	vm8 =	vmand vm15, vm10;
	s13 =	spop (v2sf)  }
0x6e: {  	v24 =	vbroadcast v24, $0x0;
	vm13 =	vmmov vm7;
	v31 =	vsel vm8, $0x1, v2;
	s13 =	sadd.s32 s1, s13  }
0x6f: {  	vm1 =	vmmov vm6;
	vm4 =	vmmov vm4;
	vm14 =	vmmov vm5;
	p0 =	slt.s32 s13, $0xC00;
	(xrf0) =	vadd.scan.msk.s32 $0xffff, v31  }
0x70: {  	s28 =	sadd.s32 $0xFFFFFFF0, s0;
	v13 =	vsub.s32 v13, v0;
	v46 =	vor.u32 s24, v3;
	v10 =	vsub.s32 v10, v0;
	s13 =	simm.s32 @!p0 $0xC00;
	s29 =	spop (v2sf)  }
0x71: {  	s31 =	sadd.s32 $0xFFFFFFF0, s24;
	v30 =	vmov s26;
	v32 =	vor.u32 s28, v3;
	vm3 =	vmmov vm3;
	s0 =	sadd.s32 s13, s29  }
0x72: {  	vm7 =	vmmov vm13;
	v48 =	vor.u32 s31, v3;
	v30 =	vadd.s32 $0xFFFFFFFF, v30;
	p0 =	slt.s32 s0, $0xC00  }
0x73: {  	vm11 =	vmmov vm4;
	vm6 =	vmmov vm14;
	s26 =	sadd.s32 $0x20, s24;
	v30 =	vbroadcast v30, $0x0;
	s30 =	spop (v2sf);
	s0 =	simm.s32 @!p0 $0xC00  }
0x74: {  	v16 =	vadd.s32 v16, v24;
	v52 =	vor.u32 s26, v3;
	v45 =	vmov s1;
	s1 =	sadd.s32 s0, s30  }
0x75: {  	[tilespmem:v22+s9+$0x0] =	vst.idx.msk vm2, v14;
	vm7 =	vmmov vm7;
	v20 =	vadd.s32 v20, v30;
	v24 =	vadd.s32 $0xFFFFFFFF, v45;
	v49, _, _ =	vpop (xrf0);
	p0 =	slt.s32 s1, $0xC00  }
0x76: {  	[tilespmem:v19+s9+$0x0] =	vst.idx.msk vm0, v23;
	v24 =	vbroadcast v24, $0x0;
	v47 =	vmov s13;
	(v2sf) =	vpush v49, $0xF;
	s1 =	simm.s32 @!p0 $0xC00;
	s25 =	spop (v2sf)  }
0x77: {  	[tilespmem:v22+s10+$0x0] =	vst.idx.msk vm2, v29;
	s24 =	sadd.s32 $0xFFFFFFF0, s26;
	vm9 =	vmmov vm9;
	v31 =	vadd.s32 $0xFFFFFFFF, v47;
	v50 =	vmov s0;
	s0 =	sadd.s32 s1, s25  }
0x78: {  	[tilespmem:v19+s10+$0x0] =	vst.idx.msk vm0, v32;
	v55 =	vor.u32 s24, v3;
	v18 =	vadd.s32 v18, v24;
	v31 =	vbroadcast v31, $0x0;
	p0 =	slt.s32 s0, $0xC00  }
0x79: {  	vm10 =	vmmov vm12;
	vm12 =	vmmov vm9;
	[tilespmem:v16+s9+$0x0] =	vst.idx.msk vm1, v13;
	v51 =	vadd.s32 $0xFFFFFFFF, v50;
	s28 =	spop (v2sf);
	s0 =	simm.s32 @!p0 $0xC00  }
0x7a: {  	[tilespmem:v20+s9+$0x0] =	vst.idx.msk vm3, v11;
	v21 =	vadd.s32 v21, v31;
	v11 =	vbroadcast v51, $0x0;
	v53 =	vmov s1;
	s1 =	sadd.s32 s0, s28  }
0x7b: {  	vm15 =	vmmov vm8;
	vm4 =	vmmov vm12;
	[tilespmem:v16+s10+$0x0] =	vst.idx.msk vm1, v48;
	v54 =	vadd.s32 $0xFFFFFFFF, v53;
	p0 =	slt.s32 s1, $0xC00  }
0x7c: {  	[tilespmem:v20+s10+$0x0] =	vst.idx.msk vm3, v46;
	v11 =	vadd.s32 v26, v11;
	v19 =	vbroadcast v54, $0x0;
	v56 =	vmov s0;
	s1 =	simm.s32 @!p0 $0xC00  }
0x7d: {  	vm5 =	vmmov vm15;
	[tilespmem:v18+s9+$0x0] =	vst.idx.msk vm11, v10;
	v14 =	vadd.s32 $0xFFFFFFFF, v56;
	v57 =	vmov s1  }
0x7e: {  	[tilespmem:v18+s10+$0x0] =	vst.idx.msk vm11, v55;
	v10 =	vadd.s32 v27, v19;
	v58 =	vbroadcast v14, $0x0;
	v59 =	vadd.s32 $0xFFFFFFFF, v57  }
0x7f: {  	vm4 =	vmmov vm4;
	vm0 =	vmmov vm5;
	s29 =	sadd.s32 $0x20, s26;
	[tilespmem:v21+s9+$0x0] =	vst.idx.msk vm10, v12;
	v60 =	vbroadcast v59, $0x0  }
0x80: {  	v9 =	vsub.s32 v9, v0;
	vm0 =	vmmov vm0;
	s13 =	sadd.s32 $0xFFFFFFF0, s29;
	[tilespmem:v21+s10+$0x0] =	vst.idx.msk vm10, v52;
	v12 =	vadd.s32 v28, v58  }
0x81: {  	v63 =	vor.u32 s13, v3;
	[tilespmem:v11+s9+$0x0] =	vst.idx.msk vm6, v9;
	v9 =	vadd.s32 v49, v60  }
0x82: {  	v61 =	vsub.s32 v15, v0;
	s23 =	sadd.s32 $0x1, s23;
	[tilespmem:v11+s10+$0x0] =	vst.idx.msk vm6, v63  }
0x83: {  	p1 =	sne.s32 s23, $0x14;
	v62 =	vor.u32 s29, v3;
	[tilespmem:v10+s9+$0x0] =	vst.idx.msk vm7, v61  }
.Ltmp4:
0x84: {  	[tilespmem:v10+s10+$0x0] =	vst.idx.msk vm7, v62;
	v10 =	vsub.s32 v17, v0;
	(pc) =	sbr.rel @p1 .LBB2_4-.Ltmp4, $4  }
0x85: {  	s0 =	sadd.s32 $0x20, s29;
	v11 =	vsub.s32 v44, v0;
	s30 =	spop (v2sf);
	[tilespmem:v12+s9+$0x0] =	vst.idx.msk vm4, v10  }
0x86: {  	s31 =	sadd.s32 $0xFFFFFFF0, s0;
	s1 =	sadd.s32 s1, s30;
	v10 =	vor.u32 s0, v3;
	[tilespmem:v9+s9+$0x0] =	vst.idx.msk vm0, v11  }
0x87: {  	p0 =	slt.s32 s1, $0xC00;
	s0 =	smov.u32 s1;
	v11 =	vor.u32 s31, v3;
	[tilespmem:v9+s10+$0x0] =	vst.idx.msk vm0, v10  }
0x88: {  	s22 =	sadd.s32 $0xFA0, s22;
	vm14 =	vmmov vm6;
	vm13 =	vmmov vm10;
	vm15 =	vmmov vm7;
	s0 =	simm.s32 @!p0 $0xC00;
	[tilespmem:v12+s10+$0x0] =	vst.idx.msk vm4, v11  }
0x89: {  	s13 =	sadd.s32 $0xF, s0  }
0x8a: {  	s21 =	sand.u32 $0xF, s13  }
0x8b: {  	p0 =	slt.s32 s1, $0xFFFFFFF2;
	s22 =	sshra.s32 s13, $0x1F;
	p1 =	sne.s32 s21, $0x0  }
0x8c: {  	s31 =	sshrl.u32 s22, $0x1C;
	p0 =	por !p0, !p1  }
0x8d: {  	s1 =	sadd.s32 s31, s13;
	s13 =	simm.s32 $0x1;
	p0 =	por !p0, !p0  }
0x8e: {  	s1 =	sshra.s32 s1, $0x4;
	s13 =	simm.s32 @!p0 $0x0  }
0x8f: {  	s21 =	ssub.s32 s1, s13  }
0x90: {  	p0 =	slt.s32 s21, $0x1  }
.Ltmp5:
0x91: {  	_ = 	snop;
	(pc) =	sbr.rel @p0 .LBB2_11-.Ltmp5, $2  }
0x92: {  	_ =	sdelay $0x2  }
0x93: {  	v9 =	vmov s0  }
0x94: {  	p1 =	sne.s32 s21, $0x1  }
.Ltmp6:
0x95: {  	_ = 	snop;
	(pc) =	sbr.rel @!p1 .LBB2_10-.Ltmp6, $3  }
0x96: {  	_ =	sdelay $0x1  }
0x97: {  	s0 =	simm.s32 $0x1C80  }
0x98: {  	s1 =	simm.s32 $0x0;
	s13 =	sadd.s32 $0xFFFFFFFF, s21;
	v10 =	vld [tilespmem:s0+$0x0]  }
.LBB2_9:
0x99: {  	p1 =	sne.s32 s13, $0x1;
	v11 =	vor.u32 s1, v3  }
0x9a: {  	vm0 =	vlt.s32 v11, v9;
	_ =	sdelay $0x2  }
.Ltmp7:
0x9b: {  	(pc) =	sbr.rel @p1 .LBB2_9-.Ltmp7, $3  }
0x9c: {  	_ =	sdelay $0x1  }
0x9d: {  	s0 =	sadd.s32 $0x10, s0;
	[tilespmem:v10+s12+$0x0] =	vst.idx.add.s32.msk vm0, v4  }
0x9e: {  	s13 =	sadd.s32 $0xFFFFFFFF, s13;
	s1 =	sadd.s32 $0x10, s1;
	v10 =	vld [tilespmem:s0+$0x0]  }
.LBB2_10:
0x9f: {  	_ = 	snop  }
0xa0: {  	v11 =	vor.u32 s1, v3  }
0xa1: {  	vm0 =	vlt.s32 v11, v9;
	_ =	sdelay $0x5  }
0xa2: {  	[tilespmem:v10+s12+$0x0] =	vst.idx.add.s32.msk vm0, v4  }
.LBB2_11:
0xa3: {  	s23 =	simm.s32 $0x0  }
0xa4: {  	v11 =	vld [tilespmem:s23+$0x3880];
	_ =	sdelay $0x4  }
0xa5: {  	(xrf0) =	vadd.scan.msk.s32 $0xffff, v11  }
0xa6: {  	s22 =	simm.s32 $0x10  }
0xa7: {  	v12 =	vld [tilespmem:s22+$0x3880]  }
0xa8: {  	s26 =	simm.s32 $0x20  }
0xa9: {  	v13 =	vld [tilespmem:s26+$0x3880];
	_ =	sdelay $0x1  }
0xaa: {  	v14, _, _ =	vpop (xrf0)  }
0xab: {  	(xrf0) =	vadd.scan.msk.s32 $0xffff, v12;
	v10 =	vxor.u32 $0x80000000, v14  }
0xac: {  	(xrf0) =	vmax.scan.msk.u32 $0xffff, v10  }
0xad: {  	(xrf0) =	vadd.scan.msk.s32 $0xffff, v13  }
0xae: {  	s0 =	simm.s32 $0x30  }
0xaf: {  	v16 =	vld [tilespmem:s0+$0x3880];
	_ =	sdelay $0x1  }
0xb0: {  	v15, _, _ =	vpop (xrf0)  }
0xb1: {  	v10 =	vxor.u32 $0x80000000, v15;
	v17, _, _ =	vpop (xrf0)  }
0xb2: {  	(xrf0) =	vmax.scan.msk.u32 $0xffff, v10;
	v18, _, _ =	vpop (xrf0)  }
0xb3: {  	(xrf0) =	vadd.scan.msk.s32 $0xffff, v16;
	v10 =	vxor.u32 $0x80000000, v18  }
0xb4: {  	(xrf0) =	vmax.scan.msk.u32 $0xffff, v10;
	_ =	sdelay $0x2  }
0xb5: {  	(v2sf) =	vpush v17, $0xF  }
0xb6: {  	v19 =	vsub.s32 v14, v11;
	v11, _, _ =	vpop (xrf0)  }
0xb7: {  	v14 =	vsub.s32 v15, v12;
	v12 =	vsub.s32 v18, v13;
	v13, _, _ =	vpop (xrf0)  }
0xb8: {  	s24 =	simm.s32 $0x40;
	(v2sf) =	vpush v11, $0xF;
	v63, _, _ =	vpop (xrf0)  }
0xb9: {  	v10 =	vld [tilespmem:s24+$0x3880];
	(v2sf) =	vpush v63, $0xF;
	_ =	sdelay $0x4  }
0xba: {  	s25 =	simm.s32 $0x50;
	(xrf0) =	vadd.scan.msk.s32 $0xffff, v10  }
0xbb: {  	s1 =	simm.s32 $0x0;
	v11 =	vld [tilespmem:s25+$0x3880];
	v17 =	vxor.u32 $0x80000000, v13  }
0xbc: {  	v15 =	vadd.s32 s1, v19;
	(xrf0) =	vmax.scan.msk.u32 $0xffff, v17  }
0xbd: {  	s13 =	simm.s32 $0x180;
	[tilespmem:s23+$0x3A00] =	vst v15;
	v13 =	vsub.s32 v13, v16  }
.LBB2_12:
0xbe: {  	s28 =	sshra.s32 s13, $0x2  }
0xbf: {  	[tilespmem:s23+$0x3B80] =	vst v15;
	s23 =	smov.u32 s22;
	s22 =	smov.u32 s26;
	p1 =	sne.s32 s13, $0x4C0  }
.Ltmp8:
0xc0: {  	s13 =	sadd.s32 $0x40, s13;
	(xrf0) =	vadd.scan.msk.s32 $0xffff, v11;
	v15, _, _ =	vpop (xrf0);
	s26 =	spop (v2sf);
	(pc) =	sbr.rel @p1 .LBB2_12-.Ltmp8, $4  }
0xc1: {  	v16 =	vsub.s32 v15, v10;
	v17 =	vxor.u32 $0x80000000, v15;
	s1 =	sadd.s32 s26, s1;
	v10 =	vmov v11;
	v11 =	vld [tilespmem:s28+$0x3880];
	s26 =	smov.u32 s0;
	s0 =	smov.u32 s24  }
0xc2: {  	s24 =	smov.u32 s25;
	s25 =	smov.u32 s28;
	(xrf0) =	vmax.scan.msk.u32 $0xffff, v17;
	v15, _, _ =	vpop (xrf0);
	s1 =	sadd.s32 $0x80000000, s1  }
0xc3: {  	(v2sf) =	vpush v15, $0xF;
	v15 =	vadd.s32 s1, v14;
	v14 =	vmovc v12;
	v12 =	vmovc v13;
	v13 =	vmov v16  }
0xc4: {  	[tilespmem:s23+$0x3A00] =	vst v15  }
0xc5: {  	_ = 	snop  }
0xc6: {  	(xrf0) =	vadd.scan.msk.s32 $0xffff, v11;
	v16, _, _ =	vpop (xrf0)  }
0xc7: {  	v17 =	vxor.u32 $0x80000000, v16  }
0xc8: {  	(xrf0) =	vmax.scan.msk.u32 $0xffff, v17;
	_ =	sdelay $0x2  }
0xc9: {  	v59, _, _ =	vpop (xrf0)  }
0xca: {  	v18, _, _ =	vpop (xrf0)  }
0xcb: {  	(v2sf) =	vpush v59, $0xF;
	v60 =	vxor.u32 $0x80000000, v18  }
0xcc: {  	(xrf0) =	vmax.scan.msk.u32 $0xffff, v60;
	v61, _, _ =	vpop (xrf0)  }
0xcd: {  	(v2sf) =	vpush v61, $0xF;
	_ =	sdelay $0x4  }
0xce: {  	v62, _, _ =	vpop (xrf0)  }
0xcf: {  	(v2sf) =	vpush v62, $0xF  }
0xd0: {  	s13 =	spop (v2sf)  }
0xd1: {  	s1 =	sadd.s32 s13, s1  }
0xd2: {  	s31 =	spop (v2sf);
	s1 =	sadd.s32 $0x80000000, s1  }
0xd3: {  	[tilespmem:s23+$0x3B80] =	vst v15;
	v14 =	vadd.s32 s1, v14;
	s1 =	sadd.s32 s31, s1  }
0xd4: {  	[tilespmem:s22+$0x3A00] =	vst v14;
	s1 =	sadd.s32 $0x80000000, s1;
	s23 =	spop (v2sf)  }
0xd5: {  	[tilespmem:s22+$0x3B80] =	vst v14;
	v12 =	vadd.s32 s1, v12;
	s1 =	sadd.s32 s23, s1  }
0xd6: {  	[tilespmem:s26+$0x3A00] =	vst v12;
	s1 =	sadd.s32 $0x80000000, s1;
	s28 =	spop (v2sf)  }
0xd7: {  	[tilespmem:s26+$0x3B80] =	vst v12;
	v63 =	vadd.s32 s1, v13;
	s1 =	sadd.s32 s28, s1  }
0xd8: {  	v10 =	vsub.s32 v16, v10;
	[tilespmem:s0+$0x3A00] =	vst v63;
	s1 =	sadd.s32 $0x80000000, s1;
	s29 =	spop (v2sf)  }
0xd9: {  	[tilespmem:s0+$0x3B80] =	vst v63;
	v10 =	vadd.s32 s1, v10;
	s30 =	sadd.s32 s29, s1  }
.Ltmp9:
0xda: {  	v11 =	vsub.s32 v18, v11;
	[tilespmem:s24+$0x3A00] =	vst v10;
	s0 =	sadd.s32 $0x80000000, s30;
	(pc) =	sbr.rel @p0 .LBB2_20-.Ltmp9, $4  }
0xdb: {  	[tilespmem:s24+$0x3B80] =	vst v10;
	v10 =	vadd.s32 s0, v11  }
0xdc: {  	[tilespmem:s25+$0x3A00] =	vst v10  }
0xdd: {  	s0 =	simm.s32 $0x3A00;
	[tilespmem:s25+$0x3B80] =	vst v10  }
0xde: {  	[tilespmem:v5+s0+$0x0] =	vst.idx.msk $0x1, v9;
	s31 =	spop (v2sf)  }
0xdf: {  	p1 =	sne.s32 s21, $0x1  }
.Ltmp10:
0xe0: {  	_ = 	snop;
	(pc) =	sbr.rel @!p1 .LBB2_15-.Ltmp10, $3  }
0xe1: {  	_ =	sdelay $0x1  }
0xe2: {  	s0 =	simm.s32 $0x1C80;
	s22 =	simm.s32 $0x1000  }
0xe3: {  	s23 =	simm.s32 $0x0;
	p0 =	por $0x0, $0x0;
	v10 =	vld [tilespmem:s0+$0x0];
	s0 =	sadd.s32 $0xFFFFFFFF, s21  }
0xe4: {  	_ =	sdelay $0x2  }
0xe5: {  	v11 =	vor.u32 s23, v3  }
0xe6: {  	vm0 =	vlt.s32 v11, v9;
	v10 =	vxor.u32 $0x80000000, v10  }
0xe7: {  	v10 =	vnsel vm0, $0x87FFFFFF, v10  }
0xe8: {  	(xrf1) =	vsort.ascd.msk.u32 $0xffff, v10, v3;
	_ =	sdelay $0xd  }
0xe9: {  	v10, v11, _ =	vpop (xrf1)  }
0xea: {  	v12 =	vxor.u32 $0x80000000, v10  }
0xeb: {  	v13 =	vperm.xlane v12, v6  }
0xec: {  	vm13 =	vlt.s32 v12, $0x13F  }
0xed: {  	v14 =	vnsel vm13, $0x13F, v12;
	vm14 =	veq.s32 v12, v13  }
0xee: {  	v12 =	vsel vm14, $0x80000000, v7  }
0xef: {  	(xrf0) =	vmax.scan.msk.u32 $0xffff, v12;
	_ =	sdelay $0x2  }
0xf0: {  	v62 =	vld.idx.msk [tilespmem:v14+s14+$0x0], $0xffff;
	_ =	sdelay $0x2  }
0xf1: {  	v63, _, _ =	vpop (xrf0)  }
0xf2: {  	v15 =	vld [tilespmem:s22+$0x0];
	v13 =	vxor.u32 $0x7FFFFFFF, v63  }
0xf3: {  	vm15 =	vne.s32 v10, $0x87FFFFFF;
	v12 =	vadd.s32 v13, v62  }
0xf4: {  	v10 =	vadd.s32 v8, v12;
	_ =	sdelay $0x2  }
0xf5: {  	p1 =	sne.s32 s0, $0x1;
	v11 =	vperm.xlane v15, v11  }
.Ltmp11:
0xf6: {  	_ = 	snop;
	(pc) =	sbr.rel @!p1 .LBB2_17-.Ltmp11, $4  }
0xf7: {  	[tilespmem:v10+s15+$0x0] =	vst.idx.msk vm15, v11  }
0xf8: {  	s24 =	simm.s32 $0x1C90;
	[tilespmem:v14+s14+$0x0] =	vst.idx.add.s32.msk vm15, v4  }
0xf9: {  	s25 =	sadd.s32 $0xFFFFFFFF, s0;
	v10 =	vld [tilespmem:s24+$0x0]  }
0xfa: {  	p0 =	por $0x1, $0x1;
	s21 =	simm.s32 $0x0;
	s0 =	simm.s32 $0x1000  }
.LBB2_18:
0xfb: {  	p1 =	sne.s32 s25, $0x1  }
0xfc: {  	s21 =	sadd.s32 $0x10, s21  }
0xfd: {  	v11 =	vor.u32 s21, v3  }
0xfe: {  	vm0 =	vlt.s32 v11, v9;
	v10 =	vxor.u32 $0x80000000, v10  }
0xff: {  	v10 =	vnsel vm0, $0x87FFFFFF, v10  }
0x100: {  	(xrf1) =	vsort.ascd.msk.u32 $0xffff, v10, v3;
	_ =	sdelay $0xd  }
0x101: {  	v10, v11, _ =	vpop (xrf1)  }
0x102: {  	v12 =	vxor.u32 $0x80000000, v10  }
0x103: {  	v13 =	vperm.xlane v12, v6;
	vm0 =	vlt.s32 v12, $0x13F  }
0x104: {  	v14 =	vnsel vm0, $0x13F, v12  }
0x105: {  	vm0 =	veq.s32 v12, v13  }
0x106: {  	v12 =	vsel vm0, $0x80000000, v7  }
0x107: {  	(xrf0) =	vmax.scan.msk.u32 $0xffff, v12;
	_ =	sdelay $0x1  }
0x108: {  	v12 =	vld.idx.msk [tilespmem:v14+s14+$0x0], $0xffff;
	_ =	sdelay $0x3  }
0x109: {  	s0 =	sadd.s32 $0x10, s0;
	v13, _, _ =	vpop (xrf0)  }
0x10a: {  	v15 =	vld [tilespmem:s0+$0x0];
	v13 =	vxor.u32 $0x7FFFFFFF, v13  }
0x10b: {  	vm0 =	vne.s32 v10, $0x87FFFFFF;
	v12 =	vadd.s32 v13, v12  }
0x10c: {  	v10 =	vadd.s32 v8, v12;
	_ =	sdelay $0x2  }
0x10d: {  	v11 =	vperm.xlane v15, v11  }
.Ltmp12:
0x10e: {  	(pc) =	sbr.rel @p1 .LBB2_18-.Ltmp12, $4  }
0x10f: {  	[tilespmem:v10+s15+$0x0] =	vst.idx.msk vm0, v11  }
0x110: {  	s24 =	sadd.s32 $0x10, s24;
	[tilespmem:v14+s14+$0x0] =	vst.idx.add.s32.msk vm0, v4  }
0x111: {  	v10 =	vld [tilespmem:s24+$0x0]  }
0x112: {  	s25 =	sadd.s32 $0xFFFFFFFF, s25  }
.LBB2_19:
0x113: {  	s1 =	sadd.s32 @p0 $0x10, s21  }
0x114: {  	s23 =	smov.u32 @p0 s1  }
0x115: {  	v11 =	vor.u32 s23, v3  }
0x116: {  	vm0 =	vlt.s32 v11, v9;
	v9 =	vxor.u32 $0x80000000, v10  }
0x117: {  	v9 =	vnsel vm0, $0x87FFFFFF, v9  }
0x118: {  	(xrf1) =	vsort.ascd.msk.u32 $0xffff, v9, v3;
	_ =	sdelay $0xd  }
0x119: {  	v9, v10, _ =	vpop (xrf1)  }
0x11a: {  	v11 =	vxor.u32 $0x80000000, v9  }
0x11b: {  	v12 =	vperm.xlane v11, v6  }
0x11c: {  	vm13 =	vlt.s32 v11, $0x13F  }
0x11d: {  	v13 =	vnsel vm13, $0x13F, v11;
	vm14 =	veq.s32 v11, v12  }
0x11e: {  	v11 =	vsel vm14, $0x80000000, v7  }
0x11f: {  	(xrf0) =	vmax.scan.msk.u32 $0xffff, v11;
	_ =	sdelay $0x2  }
0x120: {  	v11 =	vld.idx.msk [tilespmem:v13+s14+$0x0], $0xffff;
	_ =	sdelay $0x1  }
0x121: {  	s0 =	sadd.s32 @p0 $0x10, s0  }
0x122: {  	s22 =	smov.u32 @p0 s0;
	v63, _, _ =	vpop (xrf0)  }
0x123: {  	v14 =	vld [tilespmem:s22+$0x0];
	v12 =	vxor.u32 $0x7FFFFFFF, v63  }
0x124: {  	vm15 =	vne.s32 v9, $0x87FFFFFF;
	v11 =	vadd.s32 v12, v11  }
0x125: {  	v9 =	vadd.s32 v8, v11;
	_ =	sdelay $0x2  }
0x126: {  	v10 =	vperm.xlane v14, v10;
	_ =	sdelay $0x1  }
0x127: {  	[tilespmem:v9+s15+$0x0] =	vst.idx.msk vm15, v10  }
0x128: {  	[tilespmem:v13+s14+$0x0] =	vst.idx.add.s32.msk vm15, v4  }
.LBB2_20:
.Ltmp13:
0x129: {  	(pc) =	sbr.rel .LBB2_21-.Ltmp13, $2  }
0x12a: {  	_ =	sdelay $0x2  }
0x12b: {  	s21 =	simm.s32 $0x0  }
.LBB2_58:
0x12c: {  	s0 =	sshll.u32 s21, $0xA  }
0x12d: {  	s21 =	sadd.s32 $0x1, s21;
	s0 =	sadd.s32 s6, s0  }
0x12e: {  	p0 =	sne.s32 s21, $0x4;
	s0 =	sshrl.u32 s0, $0x3  }
.Ltmp14:
0x12f: {  	s0 =	sadd.s32 s5, s0;
	(pc) =	sbr.rel @!p0 .LBB2_59-.Ltmp14, $4  }
0x130: {  	[hbm4b:s0+s18] =	stream.strided.scatter [tilespmem:s19], [sflag:$0x3], $0xA000, s10, s18, $0x38;
	[tilespmem:$0x17D00] =	vst v63  }
0x131: {  	_ =	swait.ge [sflag:s8], $0xA000  }
0x132: {  	[sflag:s8] =	ssyncset.done $0x0  }
0x133: {  	[sflag:s8] =	ssyncadd.s32 $0xFFFF6000  }
.LBB2_21:
0x134: {  	v9 =	vld [tilespmem:$0x3A00];
	_ =	sdelay $0x4  }
0x135: {  	(v2sf) =	vpush v9, $0x0;
	_ =	sdelay $0xe  }
0x136: {  	s1 =	spop (v2sf)  }
0x137: {  	v9 =	vld [tilespmem:s1+$0x2900];
	_ =	sdelay $0x2  }
0x138: {  	s0 =	smul.u32 $0x13880, s21;
	_ =	sdelay $0x1  }
0x139: {  	v9 =	vadd.s32 s0, v9  }
0x13a: {  	[tilespmem:$0x3680] =	vst v9  }
0x13b: {  	v9 =	vld [tilespmem:s1+$0x2910];
	_ =	sdelay $0x4  }
0x13c: {  	v9 =	vadd.s32 s0, v9  }
0x13d: {  	[tilespmem:$0x3690] =	vst v9  }
0x13e: {  	v9 =	vld [tilespmem:s1+$0x2920];
	_ =	sdelay $0x4  }
0x13f: {  	v9 =	vadd.s32 s0, v9  }
0x140: {  	[tilespmem:$0x36A0] =	vst v9  }
0x141: {  	v9 =	vld [tilespmem:s1+$0x2930];
	_ =	sdelay $0x4  }
0x142: {  	v9 =	vadd.s32 s0, v9  }
0x143: {  	v10 =	vld [tilespmem:$0x3A0A];
	[tilespmem:$0x36B0] =	vst v9  }
0x144: {  	v9 =	vld [tilespmem:s1+$0x2940];
	_ =	sdelay $0x4  }
0x145: {  	(v2sf) =	vpush v10, $0x0;
	v9 =	vadd.s32 s0, v9  }
0x146: {  	[tilespmem:$0x36C0] =	vst v9  }
0x147: {  	v9 =	vld [tilespmem:s1+$0x2950];
	_ =	sdelay $0x4  }
0x148: {  	v9 =	vadd.s32 s0, v9  }
0x149: {  	[tilespmem:$0x36D0] =	vst v9  }
0x14a: {  	v9 =	vld [tilespmem:s1+$0x2960];
	_ =	sdelay $0x4  }
0x14b: {  	v9 =	vadd.s32 s0, v9  }
0x14c: {  	s13 =	spop (v2sf);
	[tilespmem:$0x36E0] =	vst v9  }
0x14d: {  	s13 =	ssub.s32 s13, s1;
	v9 =	vld [tilespmem:s1+$0x2970]  }
0x14e: {  	p1 =	slt.s32 s13, $0xA0  }
0x14f: {  	p0 =	slt.s32 s13, $0xFFFFFFB2;
	s13 =	simm.s32 @!p1 $0xA0  }
0x150: {  	s22 =	sadd.s32 $0x4F, s13  }
0x151: {  	s23 =	smulhi.u32 $0x66666667, s22;
	s22 =	sshra.s32 s22, $0x1F  }
0x152: {  	s22 =	smul.u32 $0x66666667, s22;
	v9 =	vadd.s32 s0, v9  }
0x153: {  	[tilespmem:$0x36F0] =	vst v9  }
0x154: {  	s22 =	sadd.s32 s22, s23;
	v9 =	vld [tilespmem:s1+$0x2980]  }
0x155: {  	s23 =	sshrl.u32 s22, $0x1F;
	s22 =	sshra.s32 s22, $0x5  }
0x156: {  	s22 =	sadd.s32 s23, s22  }
0x157: {  	s23 =	smul.u32 $0xFFFFFFB0, s22  }
0x158: {  	s13 =	ssub.s32 $0xFFFFFFB1, s13  }
0x159: {  	p6 =	sne.s32 s23, s13;
	v9 =	vadd.s32 s0, v9  }
0x15a: {  	p0 =	por !p0, !p6;
	[tilespmem:$0x3700] =	vst v9  }
0x15b: {  	p0 =	por !p0, !p0;
	v9 =	vld [tilespmem:s1+$0x2990];
	s1 =	simm.s32 $0x1  }
0x15c: {  	s1 =	simm.s32 @!p0 $0x0  }
0x15d: {  	s22 =	ssub.s32 s22, s1  }
0x15e: {  	p0 =	slt.s32 s22, $0x1  }
.Ltmp15:
0x15f: {  	_ = 	snop;
	(pc) =	sbr.rel @p0 .LBB2_24-.Ltmp15, $3  }
0x160: {  	_ =	sdelay $0x1  }
0x161: {  	v9 =	vadd.s32 s0, v9  }
0x162: {  	[tilespmem:$0x3710] =	vst v9  }
0x163: {  	p0 =	sne.s32 s22, $0x1  }
.Ltmp16:
0x164: {  	_ = 	snop;
	(pc) =	sbr.rel @!p0 .LBB2_24-.Ltmp16, $3  }
0x165: {  	_ =	sdelay $0x1  }
0x166: {  	s1 =	simm.s32 $0x3680;
	s13 =	simm.s32 $0xDD00;
	s22 =	sadd.s32 $0xFFFFFFFF, s22  }
0x167: {  	[tilespmem:s13], [sflag:$0x1] =	stream.indirect.gather [hbm4b:s3+s16], $0x80, s1, s16, $0xb8;
	[tilespmem:$0x17D00] =	vst v63  }
.LBB2_23:
0x168: {  	p0 =	sne.s32 s22, $0x1  }
.Ltmp17:
0x169: {  	_ = 	snop;
	(pc) =	sbr.rel @p0 .LBB2_23-.Ltmp17, $4  }
0x16a: {  	_ = 	snop  }
0x16b: {  	s1 =	sadd.s32 $0x50, s1;
	s13 =	sadd.s32 $0x2800, s13  }
0x16c: {  	s22 =	sadd.s32 $0xFFFFFFFF, s22  }
0x16d: {  	[tilespmem:s13], [sflag:$0x1] =	stream.indirect.gather [hbm4b:s3+s16], $0x80, s1, s16, $0xb8;
	[tilespmem:$0x17D00] =	vst v63  }
.LBB2_24:
.Ltmp18:
0x16e: {  	(pc) =	sbr.rel .LBB2_25-.Ltmp18, $2  }
0x16f: {  	_ =	sdelay $0x2  }
0x170: {  	v9 =	vmov s0;
	s22 =	simm.s32 $0x0  }
.LBB2_57:
0x171: {  	s22 =	sadd.s32 $0x1, s22  }
0x172: {  	p0 =	sne.s32 s22, $0x10  }
.Ltmp19:
0x173: {  	_ = 	snop;
	(pc) =	sbr.rel @!p0 .LBB2_58-.Ltmp19, $1  }
0x174: {  	_ =	sdelay $0x3  }
.LBB2_25:
0x175: {  	s24 =	smul.u32 $0x14, s22;
	_ =	sdelay $0x1  }
0x176: {  	v10 =	vld [tilespmem:s24+$0x3A0A];
	_ =	sdelay $0x4  }
0x177: {  	(v2sf) =	vpush v10, $0x0;
	_ =	sdelay $0xe  }
0x178: {  	s0 =	spop (v2sf)  }
0x179: {  	v10 =	vld [tilespmem:s0+$0x2900];
	_ =	sdelay $0x4  }
0x17a: {  	v10 =	vadd.s32 v9, v10  }
0x17b: {  	v11 =	vld [tilespmem:s24+$0x3A14];
	[tilespmem:$0x3780] =	vst v10  }
0x17c: {  	v10 =	vld [tilespmem:s0+$0x2910];
	_ =	sdelay $0x4  }
0x17d: {  	v10 =	vadd.s32 v9, v10  }
0x17e: {  	[tilespmem:$0x3790] =	vst v10  }
0x17f: {  	v10 =	vld [tilespmem:s0+$0x2920];
	_ =	sdelay $0x4  }
0x180: {  	v10 =	vadd.s32 v9, v10  }
0x181: {  	[tilespmem:$0x37A0] =	vst v10  }
0x182: {  	v10 =	vld [tilespmem:s0+$0x2930];
	_ =	sdelay $0x4  }
0x183: {  	v10 =	vadd.s32 v9, v10  }
0x184: {  	[tilespmem:$0x37B0] =	vst v10  }
0x185: {  	v10 =	vld [tilespmem:s0+$0x2940];
	_ =	sdelay $0x4  }
0x186: {  	(v2sf) =	vpush v11, $0x0;
	v10 =	vadd.s32 v9, v10  }
0x187: {  	[tilespmem:$0x37C0] =	vst v10  }
0x188: {  	v10 =	vld [tilespmem:s0+$0x2950];
	_ =	sdelay $0x4  }
0x189: {  	v10 =	vadd.s32 v9, v10  }
0x18a: {  	[tilespmem:$0x37D0] =	vst v10  }
0x18b: {  	v10 =	vld [tilespmem:s0+$0x2960];
	_ =	sdelay $0x4  }
0x18c: {  	v10 =	vadd.s32 v9, v10  }
0x18d: {  	s1 =	spop (v2sf);
	[tilespmem:$0x37E0] =	vst v10  }
0x18e: {  	s1 =	ssub.s32 s1, s0;
	v10 =	vld [tilespmem:s0+$0x2970]  }
0x18f: {  	p1 =	slt.s32 s1, $0xA0  }
0x190: {  	p0 =	slt.s32 s1, $0xFFFFFFB2;
	s1 =	simm.s32 @!p1 $0xA0  }
0x191: {  	s13 =	sadd.s32 $0x4F, s1  }
0x192: {  	s23 =	smulhi.u32 $0x66666667, s13;
	s13 =	sshra.s32 s13, $0x1F  }
0x193: {  	s13 =	smul.u32 $0x66666667, s13;
	v10 =	vadd.s32 v9, v10  }
0x194: {  	[tilespmem:$0x37F0] =	vst v10  }
0x195: {  	s13 =	sadd.s32 s13, s23;
	v10 =	vld [tilespmem:s0+$0x2980]  }
0x196: {  	s23 =	sshrl.u32 s13, $0x1F;
	s13 =	sshra.s32 s13, $0x5  }
0x197: {  	s13 =	sadd.s32 s23, s13  }
0x198: {  	s23 =	smul.u32 $0xFFFFFFB0, s13  }
0x199: {  	s1 =	ssub.s32 $0xFFFFFFB1, s1  }
0x19a: {  	p6 =	sne.s32 s23, s1;
	v10 =	vadd.s32 v9, v10  }
0x19b: {  	p0 =	por !p0, !p6;
	[tilespmem:$0x3800] =	vst v10  }
0x19c: {  	p0 =	por !p0, !p0;
	v10 =	vld [tilespmem:s0+$0x2990];
	s0 =	simm.s32 $0x1  }
0x19d: {  	s0 =	simm.s32 @!p0 $0x0  }
0x19e: {  	s13 =	ssub.s32 s13, s0  }
0x19f: {  	p0 =	slt.s32 s13, $0x1  }
.Ltmp20:
0x1a0: {  	_ = 	snop;
	(pc) =	sbr.rel @p0 .LBB2_28-.Ltmp20, $3  }
0x1a1: {  	_ =	sdelay $0x1  }
0x1a2: {  	v10 =	vadd.s32 v9, v10  }
0x1a3: {  	[tilespmem:$0x3810] =	vst v10  }
0x1a4: {  	p0 =	sne.s32 s13, $0x1  }
.Ltmp21:
0x1a5: {  	_ = 	snop;
	(pc) =	sbr.rel @!p0 .LBB2_28-.Ltmp21, $3  }
0x1a6: {  	_ =	sdelay $0x1  }
0x1a7: {  	s0 =	simm.s32 $0x3780;
	s1 =	simm.s32 $0x12D00;
	s13 =	sadd.s32 $0xFFFFFFFF, s13  }
0x1a8: {  	[tilespmem:s1], [sflag:$0x2] =	stream.indirect.gather [hbm4b:s3+s16], $0x80, s0, s16, $0xb8;
	[tilespmem:$0x17D00] =	vst v63  }
.LBB2_27:
0x1a9: {  	p0 =	sne.s32 s13, $0x1  }
.Ltmp22:
0x1aa: {  	_ = 	snop;
	(pc) =	sbr.rel @p0 .LBB2_27-.Ltmp22, $4  }
0x1ab: {  	_ = 	snop  }
0x1ac: {  	s0 =	sadd.s32 $0x50, s0;
	s1 =	sadd.s32 $0x2800, s1  }
0x1ad: {  	s13 =	sadd.s32 $0xFFFFFFFF, s13  }
0x1ae: {  	[tilespmem:s1], [sflag:$0x2] =	stream.indirect.gather [hbm4b:s3+s16], $0x80, s0, s16, $0xb8;
	[tilespmem:$0x17D00] =	vst v63  }
.LBB2_28:
0x1af: {  	v10 =	vld [tilespmem:s24+$0x3A00]  }
0x1b0: {  	v11 =	vld [tilespmem:s24+$0x3A0A];
	_ =	sdelay $0x3  }
0x1b1: {  	(v2sf) =	vpush v10, $0x0  }
0x1b2: {  	(v2sf) =	vpush v11, $0x0;
	_ =	sdelay $0xd  }
0x1b3: {  	s25 =	spop (v2sf)  }
0x1b4: {  	s0 =	spop (v2sf)  }
0x1b5: {  	s0 =	ssub.s32 s0, s25  }
0x1b6: {  	p0 =	slt.s32 s0, $0xA0  }
0x1b7: {  	p1 =	slt.s32 s0, $0xFFFFFFB2;
	s0 =	simm.s32 @!p0 $0xA0  }
0x1b8: {  	s1 =	sadd.s32 $0x4F, s0  }
0x1b9: {  	s13 =	smulhi.u32 $0x66666667, s1;
	s1 =	sshra.s32 s1, $0x1F  }
0x1ba: {  	s1 =	smul.u32 $0x66666667, s1;
	_ =	sdelay $0x1  }
0x1bb: {  	s1 =	sadd.s32 s1, s13  }
0x1bc: {  	s13 =	sshrl.u32 s1, $0x1F;
	s1 =	sshra.s32 s1, $0x5  }
0x1bd: {  	s1 =	sadd.s32 s13, s1  }
0x1be: {  	s13 =	smul.u32 $0xFFFFFFB0, s1  }
0x1bf: {  	s0 =	ssub.s32 $0xFFFFFFB1, s0  }
0x1c0: {  	p6 =	sne.s32 s13, s0  }
0x1c1: {  	p0 =	por !p1, !p6  }
0x1c2: {  	s0 =	simm.s32 $0x1;
	p0 =	por !p0, !p0  }
0x1c3: {  	s0 =	simm.s32 @!p0 $0x0  }
0x1c4: {  	s0 =	ssub.s32 s1, s0  }
0x1c5: {  	p0 =	slt.s32 s0, $0x1  }
.Ltmp23:
0x1c6: {  	_ = 	snop;
	(pc) =	sbr.rel @p0 .LBB2_32-.Ltmp23, $1  }
0x1c7: {  	_ =	sdelay $0x3  }
0x1c8: {  	p0 =	sne.s32 s0, $0x1  }
.Ltmp24:
0x1c9: {  	_ = 	snop;
	(pc) =	sbr.rel @!p0 .LBB2_31-.Ltmp24, $3  }
0x1ca: {  	_ =	sdelay $0x1  }
0x1cb: {  	_ =	swait.ge [sflag:s11], $0x2800  }
0x1cc: {  	s0 =	sadd.s32 $0xFFFFFFFF, s0;
	[sflag:s11] =	ssyncset.done $0x0  }
.LBB2_30:
0x1cd: {  	p0 =	sne.s32 s0, $0x1;
	s0 =	sadd.s32 $0xFFFFFFFF, s0;
	[sflag:s11] =	ssyncadd.s32 $0xFFFFD800  }
.Ltmp25:
0x1ce: {  	(pc) =	sbr.rel @p0 .LBB2_30-.Ltmp25, $3  }
0x1cf: {  	_ =	sdelay $0x1  }
0x1d0: {  	_ =	swait.ge [sflag:s11], $0x2800  }
0x1d1: {  	[sflag:s11] =	ssyncset.done $0x0  }
.LBB2_31:
0x1d2: {  	[sflag:s11] =	ssyncadd.s32 $0xFFFFD800  }
.LBB2_32:
.Ltmp26:
0x1d3: {  	(pc) =	sbr.rel .LBB2_33-.Ltmp26, $2  }
0x1d4: {  	_ =	sdelay $0x2  }
0x1d5: {  	s23 =	sadd.s32 $0xA, s24;
	s26 =	simm.s32 $0x0;
	v10 =	vmov s24  }
.LBB2_40:
0x1d6: {  	s0 =	sshll.u32 s28, $0x7  }
0x1d7: {  	s0 =	sand.u32 $0x3FFFFF80, s0  }
0x1d8: {  	[tilespmem:s0+$0x3D00] =	vst v16  }
0x1d9: {  	s26 =	sadd.s32 $0x1, s26;
	[tilespmem:s0+$0x3D10] =	vst v17  }
0x1da: {  	p0 =	sne.s32 s26, $0xA;
	[tilespmem:s0+$0x3D20] =	vst v11  }
.Ltmp27:
0x1db: {  	[tilespmem:s0+$0x3D30] =	vst v13;
	(pc) =	sbr.rel @!p0 .LBB2_41-.Ltmp27, $4  }
0x1dc: {  	[tilespmem:s0+$0x3D40] =	vst v15  }
0x1dd: {  	[tilespmem:s0+$0x3D50] =	vst v12  }
0x1de: {  	[tilespmem:s0+$0x3D60] =	vst v14  }
0x1df: {  	[tilespmem:s0+$0x3D70] =	vst v18  }
.LBB2_33:
0x1e0: {  	_ =	sdelay $0x3  }
0x1e1: {  	v11 =	vld.idx.msk [tilespmem:v10+s26+$0x3880 ss:$0x1], $0xffff  }
0x1e2: {  	v12 =	vld.idx.msk [tilespmem:v10+s26+$0x3A00 ss:$0x1], $0xffff;
	_ =	sdelay $0x3  }
0x1e3: {  	(v2sf) =	vpush v11, $0x0  }
0x1e4: {  	(v2sf) =	vpush v12, $0x0;
	_ =	sdelay $0xd  }
0x1e5: {  	s0 =	spop (v2sf)  }
0x1e6: {  	s1 =	spop (v2sf)  }
0x1e7: {  	s1 =	ssub.s32 s1, s25  }
0x1e8: {  	s29 =	sadd.s32 s0, s1  }
0x1e9: {  	p0 =	slt.s32 s1, $0x9F;
	p1 =	slt.s32 s29, $0xA0  }
0x1ea: {  	s1 =	simm.s32 @!p0 $0x9F;
	s29 =	simm.s32 @!p1 $0xA0  }
0x1eb: {  	s30 =	ssub.s32 s29, s1  }
0x1ec: {  	s13 =	sshrl.u32 s30, $0x1F  }
0x1ed: {  	s0 =	sadd.s32 s13, s30  }
0x1ee: {  	s31 =	sand.u32 $0xFFFFFFFE, s0  }
0x1ef: {  	s0 =	sadd.s32 s1, s31  }
0x1f0: {  	p0 =	sge.s32 s1, s0  }
.Ltmp28:
0x1f1: {  	_ = 	snop;
	(pc) =	sbr.rel @p0 .LBB2_37-.Ltmp28, $4  }
0x1f2: {  	_ = 	snop  }
0x1f3: {  	v16 =	vimm.bf16 $-Inf;
	v17 =	vimm.bf16 $-Inf  }
0x1f4: {  	v13 =	vimm.bf16 $-Inf;
	v15 =	vimm.bf16 $-Inf;
	v14 =	vimm.bf16 $-Inf  }
0x1f5: {  	s28 =	sadd.s32 s24, s26;
	v18 =	vimm.bf16 $-Inf;
	v11 =	vimm.bf16 $-Inf;
	v12 =	vimm.bf16 $-Inf  }
0x1f6: {  	s13 =	sshll.u32 s1, $0x9  }
0x1f7: {  	s13 =	sshra.s32 s13, $0x2  }
0x1f8: {  	s13 =	sadd.s32 $0xDD80, s13  }
0x1f9: {  	v16 =	vld [tilespmem:s13+$0x0]  }
0x1fa: {  	v17 =	vld [tilespmem:s13+$0x10]  }
0x1fb: {  	v11 =	vld [tilespmem:s13+$0x20]  }
0x1fc: {  	v15 =	vld [tilespmem:s13+$0x30]  }
0x1fd: {  	v18 =	vld [tilespmem:s13+$0x40]  }
0x1fe: {  	v12 =	vld [tilespmem:s13+$0x50]  }
0x1ff: {  	v14 =	vld [tilespmem:s13+$0x60]  }
0x200: {  	v19 =	vld [tilespmem:s13+$0xFFFFFF80]  }
0x201: {  	v20 =	vld [tilespmem:s13+$0xFFFFFF90]  }
0x202: {  	s1 =	sadd.s32 $0x2, s1;
	v28 =	vld [tilespmem:s13+$0xFFFFFFA0]  }
0x203: {  	p0 =	slt.s32 s1, s0;
	v29 =	vld [tilespmem:s13+$0xFFFFFFB0]  }
.Ltmp29:
0x204: {  	v30 =	vld [tilespmem:s13+$0xFFFFFFC0];
	(pc) =	sbr.rel @!p0 .LBB2_36-.Ltmp29, $4  }
0x205: {  	v24 =	vld [tilespmem:s13+$0xFFFFFFD0]  }
0x206: {  	v13 =	vimm.bf16 $-Inf;
	v22 =	vimm.bf16 $-Inf;
	v25 =	vld [tilespmem:s13+$0xFFFFFFE0]  }
0x207: {  	v23 =	vimm.bf16 $-Inf;
	v21 =	vimm.bf16 $-Inf;
	v26 =	vld [tilespmem:s13+$0xFFFFFFF0];
	v31 =	vmax.bf16 v13, v19  }
0x208: {  	v27 =	vld [tilespmem:s13+$0x70];
	s13 =	sadd.s32 $0x100, s13;
	v32 =	vmax.bf16 v13, v20;
	v19 =	vimm.bf16 $-Inf;
	v20 =	vimm.bf16 $-Inf  }
.LBB2_35:
0x209: {  	v31 =	vmax.bf16 v31, v16;
	v16 =	vld [tilespmem:s13+$0x0];
	v32 =	vmax.bf16 v32, v17  }
0x20a: {  	v13 =	vmax.bf16 v13, v28;
	v22 =	vmax.bf16 v22, v29;
	v23 =	vmax.bf16 v23, v30;
	v17 =	vld [tilespmem:s13+$0x10]  }
0x20b: {  	v13 =	vmax.bf16 v13, v11;
	v22 =	vmax.bf16 v22, v15;
	v23 =	vmax.bf16 v23, v18;
	v11 =	vld [tilespmem:s13+$0x20]  }
0x20c: {  	v19 =	vmax.bf16 v19, v24;
	v20 =	vmax.bf16 v20, v25;
	v15 =	vld [tilespmem:s13+$0x30];
	v21 =	vmax.bf16 v21, v26  }
0x20d: {  	v19 =	vmax.bf16 v19, v12;
	v20 =	vmax.bf16 v20, v14;
	v18 =	vld [tilespmem:s13+$0x40];
	v21 =	vmax.bf16 v21, v27  }
0x20e: {  	v12 =	vld [tilespmem:s13+$0x50]  }
0x20f: {  	v14 =	vld [tilespmem:s13+$0x60]  }
0x210: {  	v27 =	vld [tilespmem:s13+$0xFFFFFF80]  }
0x211: {  	v33 =	vld [tilespmem:s13+$0xFFFFFF90]  }
0x212: {  	s1 =	sadd.s32 $0x2, s1;
	v28 =	vld [tilespmem:s13+$0xFFFFFFA0]  }
0x213: {  	p0 =	slt.s32 s1, s0;
	v29 =	vld [tilespmem:s13+$0xFFFFFFB0]  }
.Ltmp30:
0x214: {  	v30 =	vld [tilespmem:s13+$0xFFFFFFC0];
	(pc) =	sbr.rel @p0 .LBB2_35-.Ltmp30, $4  }
0x215: {  	v24 =	vld [tilespmem:s13+$0xFFFFFFD0]  }
0x216: {  	v25 =	vld [tilespmem:s13+$0xFFFFFFE0]  }
0x217: {  	v26 =	vld [tilespmem:s13+$0xFFFFFFF0]  }
0x218: {  	v31 =	vmax.bf16 v31, v27;
	v32 =	vmax.bf16 v32, v33;
	v27 =	vld [tilespmem:s13+$0x70];
	s13 =	sadd.s32 $0x100, s13  }
.LBB2_36:
0x219: {  	v16 =	vmax.bf16 v31, v16;
	v17 =	vmax.bf16 v32, v17  }
0x21a: {  	v13 =	vmax.bf16 v13, v28;
	v22 =	vmax.bf16 v22, v29;
	v23 =	vmax.bf16 v23, v30  }
0x21b: {  	v11 =	vmax.bf16 v13, v11;
	v13 =	vmax.bf16 v22, v15;
	v15 =	vmax.bf16 v23, v18  }
0x21c: {  	v18 =	vmax.bf16 v19, v24;
	v19 =	vmax.bf16 v20, v25;
	v20 =	vmax.bf16 v21, v26  }
0x21d: {  	v12 =	vmax.bf16 v18, v12;
	v14 =	vmax.bf16 v19, v14;
	v18 =	vmax.bf16 v20, v27  }
.LBB2_37:
0x21e: {  	p0 =	sge.s32 s0, s29  }
.Ltmp31:
0x21f: {  	_ = 	snop;
	(pc) =	sbr.rel @p0 .LBB2_40-.Ltmp31, $1  }
0x220: {  	_ =	sdelay $0x3  }
0x221: {  	s0 =	ssub.s32 s30, s31  }
0x222: {  	s1 =	sshll.u32 s29, $0x9;
	s13 =	sshll.u32 s0, $0x9  }
0x223: {  	s1 =	ssub.s32 s1, s13  }
0x224: {  	s1 =	sshra.s32 s1, $0x2  }
0x225: {  	s1 =	sadd.s32 $0xDD40, s1  }
.LBB2_39:
0x226: {  	v19 =	vld [tilespmem:s1+$0xFFFFFFC0]  }
0x227: {  	v20 =	vld [tilespmem:s1+$0xFFFFFFD0]  }
0x228: {  	v21 =	vld [tilespmem:s1+$0xFFFFFFE0]  }
0x229: {  	v22 =	vld [tilespmem:s1+$0xFFFFFFF0]  }
0x22a: {  	v23 =	vld [tilespmem:s1+$0x0]  }
0x22b: {  	v24 =	vld [tilespmem:s1+$0x10]  }
0x22c: {  	v25 =	vld [tilespmem:s1+$0x20]  }
0x22d: {  	v26 =	vld [tilespmem:s1+$0x30];
	p0 =	sne.s32 s0, $0x1  }
.Ltmp32:
0x22e: {  	_ = 	snop;
	(pc) =	sbr.rel @p0 .LBB2_39-.Ltmp32, $4  }
0x22f: {  	_ = 	snop  }
0x230: {  	v16 =	vmax.bf16 v16, v19;
	v17 =	vmax.bf16 v17, v20  }
0x231: {  	v11 =	vmax.bf16 v11, v21;
	v13 =	vmax.bf16 v13, v22;
	v15 =	vmax.bf16 v15, v23  }
0x232: {  	s1 =	sadd.s32 $0x80, s1;
	s0 =	sadd.s32 $0xFFFFFFFF, s0;
	v12 =	vmax.bf16 v12, v24;
	v14 =	vmax.bf16 v14, v25;
	v18 =	vmax.bf16 v18, v26  }
.Ltmp33:
0x233: {  	_ = 	snop;
	(pc) =	sbr.rel .LBB2_40-.Ltmp33, $1  }
0x234: {  	_ =	sdelay $0x3  }
.LBB2_41:
0x235: {  	p0 =	seq.s32 s22, $0xF  }
0x236: {  	v10 =	vld @!p0 [tilespmem:s24+$0x3A14];
	_ =	sdelay $0x4  }
0x237: {  	(v2sf) =	vpush @!p0 v10, $0x0;
	_ =	sdelay $0xe  }
0x238: {  	s0 =	spop @!p0 (v2sf)  }
0x239: {  	v10 =	vld @!p0 [tilespmem:s0+$0x2900];
	_ =	sdelay $0x4  }
0x23a: {  	v10 =	vadd.s32 @!p0 v9, v10  }
0x23b: {  	v11 =	vld @!p0 [tilespmem:s24+$0x3A1E];
	[tilespmem:$0x3680] =	vst @!p0 v10  }
0x23c: {  	v10 =	vld @!p0 [tilespmem:s0+$0x2910];
	_ =	sdelay $0x4  }
0x23d: {  	v10 =	vadd.s32 @!p0 v9, v10  }
0x23e: {  	[tilespmem:$0x3690] =	vst @!p0 v10  }
0x23f: {  	v10 =	vld @!p0 [tilespmem:s0+$0x2920];
	_ =	sdelay $0x4  }
0x240: {  	v10 =	vadd.s32 @!p0 v9, v10  }
0x241: {  	[tilespmem:$0x36A0] =	vst @!p0 v10  }
0x242: {  	v10 =	vld @!p0 [tilespmem:s0+$0x2930];
	_ =	sdelay $0x4  }
0x243: {  	v10 =	vadd.s32 @!p0 v9, v10  }
0x244: {  	[tilespmem:$0x36B0] =	vst @!p0 v10  }
0x245: {  	v10 =	vld @!p0 [tilespmem:s0+$0x2940];
	_ =	sdelay $0x2  }
0x246: {  	(v2sf) =	vpush @!p0 v11, $0x0;
	_ =	sdelay $0x1  }
0x247: {  	v10 =	vadd.s32 @!p0 v9, v10  }
0x248: {  	[tilespmem:$0x36C0] =	vst @!p0 v10  }
0x249: {  	v10 =	vld @!p0 [tilespmem:s0+$0x2950];
	_ =	sdelay $0x4  }
0x24a: {  	v10 =	vadd.s32 @!p0 v9, v10  }
0x24b: {  	[tilespmem:$0x36D0] =	vst @!p0 v10  }
0x24c: {  	v10 =	vld @!p0 [tilespmem:s0+$0x2960];
	_ =	sdelay $0x3  }
0x24d: {  	s1 =	spop @!p0 (v2sf)  }
0x24e: {  	s1 =	ssub.s32 @!p0 s1, s0;
	v10 =	vadd.s32 @!p0 v9, v10  }
0x24f: {  	p1 =	slt.s32 @!p0 s1, $0xA0;
	[tilespmem:$0x36E0] =	vst @!p0 v10  }
0x250: {  	p2 =	por !p1, p0;
	v10 =	vld @!p0 [tilespmem:s0+$0x2970]  }
0x251: {  	p1 =	slt.s32 @!p0 s1, $0xFFFFFFB2;
	s1 =	simm.s32 @p2 $0xA0  }
0x252: {  	s13 =	sadd.s32 @!p0 $0x4F, s1  }
0x253: {  	s25 =	smulhi.u32 @!p0 $0x66666667, s13;
	s13 =	sshra.s32 @!p0 s13, $0x1F  }
0x254: {  	s13 =	smul.u32 @!p0 $0x66666667, s13  }
0x255: {  	v10 =	vadd.s32 @!p0 v9, v10  }
0x256: {  	s13 =	sadd.s32 @!p0 s13, s25;
	[tilespmem:$0x36F0] =	vst @!p0 v10  }
0x257: {  	s25 =	sshrl.u32 @!p0 s13, $0x1F;
	s13 =	sshra.s32 @!p0 s13, $0x5;
	v10 =	vld @!p0 [tilespmem:s0+$0x2980]  }
0x258: {  	s13 =	sadd.s32 @!p0 s25, s13  }
0x259: {  	s25 =	smul.u32 @!p0 $0xFFFFFFB0, s13  }
0x25a: {  	s1 =	ssub.s32 @!p0 $0xFFFFFFB1, s1  }
0x25b: {  	p2 =	sne.s32 @!p0 s25, s1  }
0x25c: {  	p1 =	por @!p0 !p1, !p2;
	v10 =	vadd.s32 @!p0 v9, v10  }
0x25d: {  	p1 =	por @!p0 !p1, !p1;
	[tilespmem:$0x3700] =	vst @!p0 v10  }
0x25e: {  	p1 =	por !p1, p0;
	v10 =	vld @!p0 [tilespmem:s0+$0x2990];
	s0 =	simm.s32 @!p0 $0x1  }
0x25f: {  	s0 =	simm.s32 @p1 $0x0  }
0x260: {  	s13 =	ssub.s32 @!p0 s13, s0  }
0x261: {  	p1 =	slt.s32 @!p0 s13, $0x1  }
0x262: {  	p1 =	por p0, p1  }
.Ltmp34:
0x263: {  	_ = 	snop;
	(pc) =	sbr.rel @p1 .LBB2_44-.Ltmp34, $3  }
0x264: {  	_ =	sdelay $0x1  }
0x265: {  	v10 =	vadd.s32 @!p0 v9, v10  }
0x266: {  	[tilespmem:$0x3710] =	vst @!p0 v10  }
0x267: {  	s0 =	simm.s32 @!p0 $0x3680;
	s1 =	simm.s32 @!p0 $0xDD00;
	p0 =	sne.s32 s13, $0x1  }
.Ltmp35:
0x268: {  	_ = 	snop;
	(pc) =	sbr.rel @!p0 .LBB2_44-.Ltmp35, $3  }
0x269: {  	_ =	sdelay $0x1  }
0x26a: {  	s13 =	sadd.s32 $0xFFFFFFFF, s13  }
0x26b: {  	[tilespmem:s1], [sflag:$0x1] =	stream.indirect.gather [hbm4b:s3+s16], $0x80, s0, s16, $0xb8;
	[tilespmem:$0x17D00] =	vst v63  }
.LBB2_43:
0x26c: {  	p0 =	sne.s32 s13, $0x1  }
.Ltmp36:
0x26d: {  	_ = 	snop;
	(pc) =	sbr.rel @p0 .LBB2_43-.Ltmp36, $4  }
0x26e: {  	_ = 	snop  }
0x26f: {  	s0 =	sadd.s32 $0x50, s0;
	s1 =	sadd.s32 $0x2800, s1  }
0x270: {  	s13 =	sadd.s32 $0xFFFFFFFF, s13  }
0x271: {  	[tilespmem:s1], [sflag:$0x1] =	stream.indirect.gather [hbm4b:s3+s16], $0x80, s0, s16, $0xb8;
	[tilespmem:$0x17D00] =	vst v63  }
.LBB2_44:
0x272: {  	v10 =	vld [tilespmem:s23+$0x3A00]  }
0x273: {  	v11 =	vld [tilespmem:s24+$0x3A14];
	_ =	sdelay $0x3  }
0x274: {  	(v2sf) =	vpush v10, $0x0  }
0x275: {  	(v2sf) =	vpush v11, $0x0;
	_ =	sdelay $0xd  }
0x276: {  	s24 =	spop (v2sf)  }
0x277: {  	s0 =	spop (v2sf)  }
0x278: {  	s0 =	ssub.s32 s0, s24  }
0x279: {  	p0 =	slt.s32 s0, $0xA0  }
0x27a: {  	p1 =	slt.s32 s0, $0xFFFFFFB2;
	s0 =	simm.s32 @!p0 $0xA0  }
0x27b: {  	s1 =	sadd.s32 $0x4F, s0  }
0x27c: {  	s13 =	smulhi.u32 $0x66666667, s1;
	s1 =	sshra.s32 s1, $0x1F  }
0x27d: {  	s1 =	smul.u32 $0x66666667, s1;
	_ =	sdelay $0x1  }
0x27e: {  	s1 =	sadd.s32 s1, s13  }
0x27f: {  	s13 =	sshrl.u32 s1, $0x1F;
	s1 =	sshra.s32 s1, $0x5  }
0x280: {  	s1 =	sadd.s32 s13, s1  }
0x281: {  	s13 =	smul.u32 $0xFFFFFFB0, s1  }
0x282: {  	s0 =	ssub.s32 $0xFFFFFFB1, s0  }
0x283: {  	p6 =	sne.s32 s13, s0  }
0x284: {  	p0 =	por !p1, !p6  }
0x285: {  	s0 =	simm.s32 $0x1;
	p0 =	por !p0, !p0  }
0x286: {  	s0 =	simm.s32 @!p0 $0x0  }
0x287: {  	s0 =	ssub.s32 s1, s0  }
0x288: {  	p0 =	slt.s32 s0, $0x1  }
.Ltmp37:
0x289: {  	_ = 	snop;
	(pc) =	sbr.rel @p0 .LBB2_48-.Ltmp37, $1  }
0x28a: {  	_ =	sdelay $0x3  }
0x28b: {  	p0 =	sne.s32 s0, $0x1  }
.Ltmp38:
0x28c: {  	_ = 	snop;
	(pc) =	sbr.rel @!p0 .LBB2_47-.Ltmp38, $3  }
0x28d: {  	_ =	sdelay $0x1  }
0x28e: {  	_ =	swait.ge [sflag:s17], $0x2800  }
0x28f: {  	s0 =	sadd.s32 $0xFFFFFFFF, s0;
	[sflag:s17] =	ssyncset.done $0x0  }
.LBB2_46:
0x290: {  	p0 =	sne.s32 s0, $0x1;
	s0 =	sadd.s32 $0xFFFFFFFF, s0;
	[sflag:s17] =	ssyncadd.s32 $0xFFFFD800  }
.Ltmp39:
0x291: {  	(pc) =	sbr.rel @p0 .LBB2_46-.Ltmp39, $3  }
0x292: {  	_ =	sdelay $0x1  }
0x293: {  	_ =	swait.ge [sflag:s17], $0x2800  }
0x294: {  	[sflag:s17] =	ssyncset.done $0x0  }
.LBB2_47:
0x295: {  	[sflag:s17] =	ssyncadd.s32 $0xFFFFD800  }
.LBB2_48:
.Ltmp40:
0x296: {  	(pc) =	sbr.rel .LBB2_49-.Ltmp40, $2  }
0x297: {  	_ =	sdelay $0x2  }
0x298: {  	s25 =	simm.s32 $0x0;
	v10 =	vmov s23  }
.LBB2_56:
0x299: {  	s0 =	sshll.u32 s26, $0x7  }
0x29a: {  	s0 =	sand.u32 $0x3FFFFF80, s0  }
0x29b: {  	[tilespmem:s0+$0x3D00] =	vst v16  }
0x29c: {  	s25 =	sadd.s32 $0x1, s25;
	[tilespmem:s0+$0x3D10] =	vst v17  }
0x29d: {  	p0 =	sne.s32 s25, $0xA;
	[tilespmem:s0+$0x3D20] =	vst v11  }
.Ltmp41:
0x29e: {  	[tilespmem:s0+$0x3D30] =	vst v13;
	(pc) =	sbr.rel @!p0 .LBB2_57-.Ltmp41, $4  }
0x29f: {  	[tilespmem:s0+$0x3D40] =	vst v15  }
0x2a0: {  	[tilespmem:s0+$0x3D50] =	vst v12  }
0x2a1: {  	[tilespmem:s0+$0x3D60] =	vst v14  }
0x2a2: {  	[tilespmem:s0+$0x3D70] =	vst v18  }
.LBB2_49:
0x2a3: {  	_ =	sdelay $0x3  }
0x2a4: {  	v11 =	vld.idx.msk [tilespmem:v10+s25+$0x3880 ss:$0x1], $0xffff  }
0x2a5: {  	v12 =	vld.idx.msk [tilespmem:v10+s25+$0x3A00 ss:$0x1], $0xffff;
	_ =	sdelay $0x3  }
0x2a6: {  	(v2sf) =	vpush v11, $0x0  }
0x2a7: {  	(v2sf) =	vpush v12, $0x0;
	_ =	sdelay $0xd  }
0x2a8: {  	s0 =	spop (v2sf)  }
0x2a9: {  	s1 =	spop (v2sf)  }
0x2aa: {  	s1 =	ssub.s32 s1, s24  }
0x2ab: {  	s28 =	sadd.s32 s0, s1  }
0x2ac: {  	p0 =	slt.s32 s1, $0x9F;
	p1 =	slt.s32 s28, $0xA0  }
0x2ad: {  	s1 =	simm.s32 @!p0 $0x9F;
	s28 =	simm.s32 @!p1 $0xA0  }
0x2ae: {  	s29 =	ssub.s32 s28, s1  }
0x2af: {  	s31 =	sshrl.u32 s29, $0x1F  }
0x2b0: {  	s0 =	sadd.s32 s31, s29  }
0x2b1: {  	s30 =	sand.u32 $0xFFFFFFFE, s0  }
0x2b2: {  	s0 =	sadd.s32 s1, s30  }
0x2b3: {  	p0 =	sge.s32 s1, s0  }
.Ltmp42:
0x2b4: {  	_ = 	snop;
	(pc) =	sbr.rel @p0 .LBB2_53-.Ltmp42, $4  }
0x2b5: {  	_ = 	snop  }
0x2b6: {  	v16 =	vimm.bf16 $-Inf;
	v17 =	vimm.bf16 $-Inf  }
0x2b7: {  	v13 =	vimm.bf16 $-Inf;
	v15 =	vimm.bf16 $-Inf;
	v14 =	vimm.bf16 $-Inf  }
0x2b8: {  	s26 =	sadd.s32 s23, s25;
	v18 =	vimm.bf16 $-Inf;
	v11 =	vimm.bf16 $-Inf;
	v12 =	vimm.bf16 $-Inf  }
0x2b9: {  	s13 =	sshll.u32 s1, $0x9  }
0x2ba: {  	s13 =	sshra.s32 s13, $0x2  }
0x2bb: {  	s13 =	sadd.s32 $0x12D80, s13  }
0x2bc: {  	v16 =	vld [tilespmem:s13+$0x0]  }
0x2bd: {  	v17 =	vld [tilespmem:s13+$0x10]  }
0x2be: {  	v11 =	vld [tilespmem:s13+$0x20]  }
0x2bf: {  	v15 =	vld [tilespmem:s13+$0x30]  }
0x2c0: {  	v18 =	vld [tilespmem:s13+$0x40]  }
0x2c1: {  	v12 =	vld [tilespmem:s13+$0x50]  }
0x2c2: {  	v14 =	vld [tilespmem:s13+$0x60]  }
0x2c3: {  	v19 =	vld [tilespmem:s13+$0xFFFFFF80]  }
0x2c4: {  	v20 =	vld [tilespmem:s13+$0xFFFFFF90]  }
0x2c5: {  	s1 =	sadd.s32 $0x2, s1;
	v28 =	vld [tilespmem:s13+$0xFFFFFFA0]  }
0x2c6: {  	p0 =	slt.s32 s1, s0;
	v29 =	vld [tilespmem:s13+$0xFFFFFFB0]  }
.Ltmp43:
0x2c7: {  	v30 =	vld [tilespmem:s13+$0xFFFFFFC0];
	(pc) =	sbr.rel @!p0 .LBB2_52-.Ltmp43, $4  }
0x2c8: {  	v24 =	vld [tilespmem:s13+$0xFFFFFFD0]  }
0x2c9: {  	v13 =	vimm.bf16 $-Inf;
	v22 =	vimm.bf16 $-Inf;
	v25 =	vld [tilespmem:s13+$0xFFFFFFE0]  }
0x2ca: {  	v23 =	vimm.bf16 $-Inf;
	v21 =	vimm.bf16 $-Inf;
	v26 =	vld [tilespmem:s13+$0xFFFFFFF0];
	v31 =	vmax.bf16 v13, v19  }
0x2cb: {  	v27 =	vld [tilespmem:s13+$0x70];
	s13 =	sadd.s32 $0x100, s13;
	v32 =	vmax.bf16 v13, v20;
	v19 =	vimm.bf16 $-Inf;
	v20 =	vimm.bf16 $-Inf  }
.LBB2_51:
0x2cc: {  	v31 =	vmax.bf16 v31, v16;
	v16 =	vld [tilespmem:s13+$0x0];
	v32 =	vmax.bf16 v32, v17  }
0x2cd: {  	v13 =	vmax.bf16 v13, v28;
	v22 =	vmax.bf16 v22, v29;
	v23 =	vmax.bf16 v23, v30;
	v17 =	vld [tilespmem:s13+$0x10]  }
0x2ce: {  	v13 =	vmax.bf16 v13, v11;
	v22 =	vmax.bf16 v22, v15;
	v23 =	vmax.bf16 v23, v18;
	v11 =	vld [tilespmem:s13+$0x20]  }
0x2cf: {  	v19 =	vmax.bf16 v19, v24;
	v20 =	vmax.bf16 v20, v25;
	v15 =	vld [tilespmem:s13+$0x30];
	v21 =	vmax.bf16 v21, v26  }
0x2d0: {  	v19 =	vmax.bf16 v19, v12;
	v20 =	vmax.bf16 v20, v14;
	v18 =	vld [tilespmem:s13+$0x40];
	v21 =	vmax.bf16 v21, v27  }
0x2d1: {  	v12 =	vld [tilespmem:s13+$0x50]  }
0x2d2: {  	v14 =	vld [tilespmem:s13+$0x60]  }
0x2d3: {  	v27 =	vld [tilespmem:s13+$0xFFFFFF80]  }
0x2d4: {  	v33 =	vld [tilespmem:s13+$0xFFFFFF90]  }
0x2d5: {  	s1 =	sadd.s32 $0x2, s1;
	v28 =	vld [tilespmem:s13+$0xFFFFFFA0]  }
0x2d6: {  	p0 =	slt.s32 s1, s0;
	v29 =	vld [tilespmem:s13+$0xFFFFFFB0]  }
.Ltmp44:
0x2d7: {  	v30 =	vld [tilespmem:s13+$0xFFFFFFC0];
	(pc) =	sbr.rel @p0 .LBB2_51-.Ltmp44, $4  }
0x2d8: {  	v24 =	vld [tilespmem:s13+$0xFFFFFFD0]  }
0x2d9: {  	v25 =	vld [tilespmem:s13+$0xFFFFFFE0]  }
0x2da: {  	v26 =	vld [tilespmem:s13+$0xFFFFFFF0]  }
0x2db: {  	v31 =	vmax.bf16 v31, v27;
	v32 =	vmax.bf16 v32, v33;
	v27 =	vld [tilespmem:s13+$0x70];
	s13 =	sadd.s32 $0x100, s13  }
.LBB2_52:
0x2dc: {  	v16 =	vmax.bf16 v31, v16;
	v17 =	vmax.bf16 v32, v17  }
0x2dd: {  	v13 =	vmax.bf16 v13, v28;
	v22 =	vmax.bf16 v22, v29;
	v23 =	vmax.bf16 v23, v30  }
0x2de: {  	v11 =	vmax.bf16 v13, v11;
	v13 =	vmax.bf16 v22, v15;
	v15 =	vmax.bf16 v23, v18  }
0x2df: {  	v18 =	vmax.bf16 v19, v24;
	v19 =	vmax.bf16 v20, v25;
	v20 =	vmax.bf16 v21, v26  }
0x2e0: {  	v12 =	vmax.bf16 v18, v12;
	v14 =	vmax.bf16 v19, v14;
	v18 =	vmax.bf16 v20, v27  }
.LBB2_53:
0x2e1: {  	p0 =	sge.s32 s0, s28  }
.Ltmp45:
0x2e2: {  	_ = 	snop;
	(pc) =	sbr.rel @p0 .LBB2_56-.Ltmp45, $1  }
0x2e3: {  	_ =	sdelay $0x3  }
0x2e4: {  	s0 =	ssub.s32 s29, s30  }
0x2e5: {  	s1 =	sshll.u32 s28, $0x9;
	s13 =	sshll.u32 s0, $0x9  }
0x2e6: {  	s1 =	ssub.s32 s1, s13  }
0x2e7: {  	s1 =	sshra.s32 s1, $0x2  }
0x2e8: {  	s1 =	sadd.s32 $0x12D40, s1  }
.LBB2_55:
0x2e9: {  	v19 =	vld [tilespmem:s1+$0xFFFFFFC0]  }
0x2ea: {  	v20 =	vld [tilespmem:s1+$0xFFFFFFD0]  }
0x2eb: {  	v21 =	vld [tilespmem:s1+$0xFFFFFFE0]  }
0x2ec: {  	v22 =	vld [tilespmem:s1+$0xFFFFFFF0]  }
0x2ed: {  	v23 =	vld [tilespmem:s1+$0x0]  }
0x2ee: {  	v24 =	vld [tilespmem:s1+$0x10]  }
0x2ef: {  	v25 =	vld [tilespmem:s1+$0x20]  }
0x2f0: {  	v26 =	vld [tilespmem:s1+$0x30];
	p0 =	sne.s32 s0, $0x1  }
.Ltmp46:
0x2f1: {  	_ = 	snop;
	(pc) =	sbr.rel @p0 .LBB2_55-.Ltmp46, $4  }
0x2f2: {  	_ = 	snop  }
0x2f3: {  	v16 =	vmax.bf16 v16, v19;
	v17 =	vmax.bf16 v17, v20  }
0x2f4: {  	v11 =	vmax.bf16 v11, v21;
	v13 =	vmax.bf16 v13, v22;
	v15 =	vmax.bf16 v15, v23  }
0x2f5: {  	s1 =	sadd.s32 $0x80, s1;
	s0 =	sadd.s32 $0xFFFFFFFF, s0;
	v12 =	vmax.bf16 v12, v24;
	v14 =	vmax.bf16 v14, v25;
	v18 =	vmax.bf16 v18, v26  }
.Ltmp47:
0x2f6: {  	_ = 	snop;
	(pc) =	sbr.rel .LBB2_56-.Ltmp47, $1  }
0x2f7: {  	_ =	sdelay $0x3  }
.LBB2_15:
.Ltmp48:
0x2f8: {  	(pc) =	sbr.rel .LBB2_19-.Ltmp48, $2  }
0x2f9: {  	_ =	sdelay $0x2  }
0x2fa: {  	s21 =	simm.s32 $0x0;
	s0 =	simm.s32 $0x1000  }
.LBB2_17:
.Ltmp49:
0x2fb: {  	(pc) =	sbr.rel .LBB2_19-.Ltmp49, $2  }
0x2fc: {  	_ =	sdelay $0x2  }
0x2fd: {  	s21 =	simm.s32 $0x0;
	s0 =	simm.s32 $0x1000  }
.LBB2_60:
0x2fe: {  	_ =	sfence.sel $0x180000  }
0x2ff: {  	[bflag:$0x0] =	sbarrier.arrive $0xFFFF  }
0x300: {  	_ =	strace $0x90000047  }
0x301: {  	s0 =	stileid.u32;
	[bflag:$0x2] =	sbarrier.arrive $0xFFFF  }
0x302: {  	p0 =	sne.s32 s0, $0x0;
	s0 =	rddreg [dreg:$0x1]  }
0x303: {  	s0 =	sadd.s32 @!p0 $0x100000, s0  }
0x304: {  	[sflag:s0] =	ssyncadd.tile.s32 @!p0 $0x1;
	_ =	shalt  }
.Lfunc_end2:
_tile_overlayer_lowered:
.L_overlay_start_2:
0x305: {  	(tag) =	ssettag $0x2  }
0x306: {  	s0 =	rddreg [dreg:$0x0];
	s2 =	stileid.u32  }
0x307: {  	s1 =	rddreg [dreg:$0x1];
	p0 =	sne.s32 s2, $0x0  }
0x308: {  	s3 =	rddreg [dreg:$0x2];
	[bflag:$0x3] =	sbarrier.arrive $0xFFFF;
	s2 =	simm.s32 @!p0 $0x1C03  }
0x309: {  	[timem:s3], [sflag:s2] =	dma.local @!p0 [hbm:s0], s1  }
0x30a: {  	s0 =	simm.s32 @!p0 $0x3  }
0x30b: {  	_ =	swait.ge @!p0 [sflag:s0], s1  }
0x30c: {  	s1 =	ssub.s32 @!p0 $0x0, s1;
	[sflag:s0] =	ssyncset.done @!p0 $0x0  }
0x30d: {  	[sflag:s0] =	ssyncadd.s32 @!p0 s1  }
0x30e: {  	[bflag:$0x3] =	sbarrier.arrive $0xFFFF  }
0x30f: {  	_ =	shalt  }

// kernel: kernel.7.cloned.1.call-start
scs
__scs_entry_jumppad:
0x0: {  	(pc) =	sbr.rel $0x88, $3  }
0x1: {  	(tag) =	ssettag $0x0;
	lr =	simm.s32 $0x1  }
0x2: {  	[smem:$0x3F92] =	sst lr;
	_ =	strace $0xD0000000  }
0x3: {  	_ = 	snop  }
0x4: {  	_ = 	snop  }
0x5: {  	_ = 	snop  }
0x6: {  	_ = 	snop  }
0x7: {  	_ = 	snop  }
__scs_overlays_trampoline_lowered:
0x8: {  	[smem:$0x3FA1] =	sst s0  }
0x9: {  	[smem:$0x3FA2] =	sst s1  }
0xa: {  	[smem:$0x3FA3] =	sst s2  }
0xb: {  	[smem:$0x3FA4] =	sst s3  }
0xc: {  	[smem:$0x3FA5] =	sst s4  }
0xd: {  	[smem:$0x3FA6] =	sst s5  }
0xe: {  	[smem:$0x3FA7] =	sst s6  }
0xf: {  	[smem:$0x3FA8] =	sst s7  }
0x10: {  	[smem:$0x3FA9] =	sst s8  }
0x11: {  	[smem:$0x3FAA] =	sst s9;
	s0 =	simm.s32 @!p0 $0x0  }
0x12: {  	s1 =	sld [smem:$0x3F90];
	s0 =	simm.s32 @p0 $0x1  }
0x13: {  	[smem:$0x3FAB] =	sst s0;
	s0 =	simm.s32 @!p1 $0x0  }
0x14: {  	s2 =	sld [smem:$0x3F8F];
	s0 =	simm.s32 @p1 $0x1  }
0x15: {  	[smem:$0x3FAC] =	sst s0;
	s0 =	simm.s32 @!p2 $0x0  }
0x16: {  	s3 =	sld [smem:$0x3FDB];
	s0 =	simm.s32 @p2 $0x1  }
0x17: {  	s4 =	simm.s32 $0x1BF5;
	[smem:$0x3FAE] =	sst s0  }
0x18: {  	s0 =	sld [smem:$0x3F91];
	_ =	swait.ge [sflag:s4], $0x0  }
0x19: {  	s7 =	sld [smem:$0x3F92]  }
0x1a: {  	s8 =	sadd.s32 $0xFFFFE003, lr  }
0x1b: {  	s9 =	sadd.s32 $0xFFFFFEF7, lr;
	s5 =	simm.s32 $0xFFFFFFFF;
	p2 =	slt.u32 s8, $0xFFFFF086  }
0x1c: {  	p1 =	slt.u32 s9, $0xF7A;
	s5 =	simm.s32 @!p2 $0x0  }
0x1d: {  	s5 =	simm.s32 @p1 $0x1;
	p0 =	seq.s32 s7, s2  }
0x1e: {  	s7 =	smul.u32 @!p0 $0xF7A, s2;
	p2 =	seq.s32 @!p0 s5, $0x0  }
0x1f: {  	s9 =	smul.u32 $0xF7A, s1;
	s8 =	simm.s32 @!p0 $0x1BF5;
	p2 =	por !p2, p0  }
0x20: {  	[sflag:s8] =	ssyncset.s32 @!p0 $0xFFFFF086;
	s6 =	sadd.s32 @!p0 s3, s7;
	s7 =	simm.s32 @!p0 $0x108  }
0x21: {  	s3 =	sadd.s32 s3, s9;
	s6 =	sadd.s32 @!p0 $0x88, s6;
	s7 =	simm.s32 @p2 $0x1082  }
0x22: {  	[simem:s7], [sflag:s8] =	dma.local @!p0 [hbm:s6], $0xF7A  }
0x23: {  	s9 =	sor.u32 $0xD0000000, s2;
	s6 =	simm.s32 $0x108;
	_ =	swait.ge @!p0 [sflag:s8], $0x0  }
0x24: {  	s3 =	sadd.s32 $0x88, s3;
	s6 =	simm.s32 @!p1 $0x1082;
	[sflag:s4] =	ssyncset.s32 $0xFFFFF086  }
0x25: {  	[simem:s6], [sflag:s4] =	dma.local [hbm:s3], $0xF7A  }
0x26: {  	[smem:$0x3F92] =	sst s1;
	(tag) =	ssettag s2;
	_ =	strace s9  }
0x27: {  	s1 =	sld [smem:$0x3FA2]  }
0x28: {  	s2 =	sld [smem:$0x3FA3]  }
0x29: {  	s4 =	sld [smem:$0x3FA5]  }
0x2a: {  	p0 =	seq.s32 s5, $0x0;
	s5 =	sld [smem:$0x3FA6]  }
0x2b: {  	s6 =	sld [smem:$0x3FA7]  }
0x2c: {  	s7 =	sld [smem:$0x3FA8]  }
0x2d: {  	s3 =	simm.s32 $0x108;
	s8 =	sld [smem:$0x3FA9]  }
0x2e: {  	s3 =	simm.s32 @!p0 $0x1082;
	s9 =	sld [smem:$0x3FAA]  }
0x2f: {  	lr =	sadd.s32 s0, s3;
	s0 =	sld [smem:$0x3FA1]  }
0x30: {  	s3 =	sld [smem:$0x3FA4]  }
0x31: {  	[smem:$0x3FAD] =	sst s10  }
0x32: {  	s10 =	sld [smem:$0x3FAB];
	_ =	sdelay $0x3  }
0x33: {  	p0 =	seq.s32 s10, $0x1;
	s10 =	sld [smem:$0x3FAD];
	_ =	sdelay $0x3  }
0x34: {  	[smem:$0x3FAD] =	sst s10  }
0x35: {  	s10 =	sld [smem:$0x3FAC];
	_ =	sdelay $0x3  }
0x36: {  	p1 =	seq.s32 s10, $0x1;
	s10 =	sld [smem:$0x3FAD];
	_ =	sdelay $0x3  }
0x37: {  	[smem:$0x3FAD] =	sst s10  }
0x38: {  	s10 =	sld [smem:$0x3FAE]  }
0x39: {  	_ = 	snop;
	(pc) =	sbr.ind lr, $3  }
0x3a: {  	_ = 	snop  }
0x3b: {  	_ = 	snop  }
0x3c: {  	p2 =	seq.s32 s10, $0x1;
	s10 =	sld [smem:$0x3FAD]  }
0x3d: {  	_ =	shalt  }
0x3e: {  	_ =	shalt  }
0x3f: {  	_ =	shalt  }
0x40: {  	_ =	shalt  }
0x41: {  	_ =	shalt  }
0x42: {  	_ =	shalt  }
0x43: {  	_ =	shalt  }
0x44: {  	_ =	shalt  }
0x45: {  	_ =	shalt  }
0x46: {  	_ =	shalt  }
0x47: {  	_ =	shalt  }
0x48: {  	_ =	shalt  }
0x49: {  	_ =	shalt  }
0x4a: {  	_ =	shalt  }
0x4b: {  	_ =	shalt  }
0x4c: {  	_ =	shalt  }
0x4d: {  	_ =	shalt  }
0x4e: {  	_ =	shalt  }
0x4f: {  	_ =	shalt  }
0x50: {  	_ =	shalt  }
0x51: {  	_ =	shalt  }
0x52: {  	_ =	shalt  }
0x53: {  	_ =	shalt  }
0x54: {  	_ =	shalt  }
0x55: {  	_ =	shalt  }
0x56: {  	_ =	shalt  }
0x57: {  	_ =	shalt  }
0x58: {  	_ =	shalt  }
0x59: {  	_ =	shalt  }
0x5a: {  	_ =	shalt  }
0x5b: {  	_ =	shalt  }
0x5c: {  	_ =	shalt  }
0x5d: {  	_ =	shalt  }
0x5e: {  	_ =	shalt  }
0x5f: {  	_ =	shalt  }
0x60: {  	_ =	shalt  }
0x61: {  	_ =	shalt  }
0x62: {  	_ =	shalt  }
0x63: {  	_ =	shalt  }
0x64: {  	_ =	shalt  }
0x65: {  	_ =	shalt  }
0x66: {  	_ =	shalt  }
0x67: {  	_ =	shalt  }
0x68: {  	_ =	shalt  }
0x69: {  	_ =	shalt  }
0x6a: {  	_ =	shalt  }
0x6b: {  	_ =	shalt  }
0x6c: {  	_ =	shalt  }
0x6d: {  	_ =	shalt  }
0x6e: {  	_ =	shalt  }
0x6f: {  	_ =	shalt  }
0x70: {  	_ =	shalt  }
0x71: {  	_ =	shalt  }
0x72: {  	_ =	shalt  }
0x73: {  	_ =	shalt  }
0x74: {  	_ =	shalt  }
0x75: {  	_ =	shalt  }
0x76: {  	_ =	shalt  }
0x77: {  	_ =	shalt  }
0x78: {  	_ =	shalt  }
0x79: {  	_ =	shalt  }
0x7a: {  	_ =	shalt  }
0x7b: {  	_ =	shalt  }
0x7c: {  	_ =	shalt  }
0x7d: {  	_ =	shalt  }
0x7e: {  	_ =	shalt  }
0x7f: {  	_ =	shalt  }
0x80: {  	_ =	shalt  }
0x81: {  	_ =	shalt  }
0x82: {  	_ =	shalt  }
0x83: {  	_ =	shalt  }
0x84: {  	_ =	shalt  }
0x85: {  	_ =	shalt  }
0x86: {  	_ =	shalt  }
0x87: {  	_ =	shalt  }
.Lfunc_end0:
.L_simem_size_0:
called_computation_lowered:
.L_overlay_start_0:
0x88: {  	s2 =	sld [smem:$0x3FD9]  }
0x89: {  	s3 =	sld [smem:$0x3FFE];
	_ =	sdelay $0x1  }
0x8a: {  	s1 =	srdreg.scid  }
0x8b: {  	s0 =	sand.u32 $0x1, s1  }
0x8c: {  	s17 =	sshll.u32 s0, $0xA;
	s2 =	sadd.s32 s3, s2  }
0x8d: {  	s2 =	sadd.s32 s2, s17  }
0x8e: {  	[smem:$0x3FB9] =	sst s2  }
0x8f: {  	_ = 	snop  }
0x90: {  	(tm) =	ssettm $0x1  }
0x91: {  	s18 =	sld [smem:$0x3FFB];
	_ =	sdelay $0x3  }
0x92: {  	_ =	strace s18  }
0x93: {  	s2 =	sld [smem:$0x3FFC];
	_ =	sdelay $0x3  }
0x94: {  	_ =	strace s2  }
0x95: {  	s2 =	sld [smem:$0x3FFD];
	_ =	sdelay $0x3  }
0x96: {  	_ =	strace s2  }
0x97: {  	_ =	strace $0x8FFFFFFF  }
0x98: {  	s19 =	sld [smem:$0x3FDB];
	_ =	sdelay $0x1  }
0x99: {  	s20 =	simm.s32 $_scs_section_size  }
0x9a: {  	s4 =	simm.s32 $_size__tile_overlayer_lowered;
	s5 =	simm.s32 $_tile_overlayer_lowered  }
0x9b: {  	s6 =	simm.s32 $0x1BFF;
	s21 =	sshll.u32 s5, $0x1;
	s3 =	sadd.s32 s20, s19  }
0x9c: {  	s22 =	simm.s32 $0x0;
	s4 =	sshll.u32 s4, $0x1;
	s5 =	sadd.s32 s21, s3  }
0x9d: {  	[timem:s22], [sflag:s6] =	dma.local [hbm:s5], s4  }
0x9e: {  	_ =	swait.ge [sflag:s6], s4  }
0x9f: {  	s4 =	ssub.s32 $0x0, s4;
	[sflag:s6] =	ssyncset.done $0x0  }
0xa0: {  	[sflag:s6] =	ssyncadd.s32 s4;
	_ =	sdelay $0x1  }
0xa1: {  	s23 =	simm.s32 $0x1B8B  }
0xa2: {  	_ =	swait.ge [sflag:s23], $0x1  }
0xa3: {  	[sflag:s23] =	ssyncset.done $0x0  }
0xa4: {  	[sflag:s23] =	ssyncadd.s32 $0xFFFFFFFF  }
0xa5: {  	s4 =	sld [smem:$0x0]  }
0xa6: {  	s5 =	sand.u32 $0xFFFFFFFE, s1  }
0xa7: {  	p0 =	sne.s32 s1, s5  }
0xa8: {  	s5 =	sshll.u32 @p0 s5, $0xE  }
0xa9: {  	s5 =	sadd.s32 @p0 $0x11B8D, s5;
	s6 =	sshll.u32 @p0 s4, $0x11  }
0xaa: {  	s5 =	sor.u32 @p0 s6, s5  }
0xab: {  	[sflag:s5] =	ssyncadd.remote.s32 @p0 $0x1;
	_ =	sdelay $0x1  }
0xac: {  	s5 =	simm.s32 @p0 $0x1B8D  }
0xad: {  	_ =	swait.eq @p0 [sflag:s5], $0x1  }
0xae: {  	[sflag:s5] =	ssyncadd.s32 @p0 $0xFFFFFFFF  }
0xaf: {  	s6 =	sshll.u32 @!p0 s1, $0xE  }
0xb0: {  	s6 =	sor.u32 @!p0 $0x4000, s6;
	s5 =	simm.s32 @!p0 $0x1B8D  }
0xb1: {  	s4 =	sshll.u32 @!p0 s4, $0x11;
	s6 =	sadd.s32 @!p0 $0x11B8D, s6;
	_ =	swait.eq @!p0 [sflag:s5], $0x1  }
0xb2: {  	s4 =	sor.u32 @!p0 s4, s6;
	[sflag:s5] =	ssyncadd.s32 @!p0 $0xFFFFFFFF  }
0xb3: {  	s25 =	simm.s32 $0x1B8E;
	s24 =	sld [smem:$0x3FFE];
	[sflag:s4] =	ssyncadd.remote.s32 @!p0 $0x1  }
0xb4: {  	s26 =	simm.s32 $execute0_lowered;
	[smem:$0x3FD2] =	sst s25  }
0xb5: {  	s5 =	sshll.u32 s26, $0x1;
	_ =	strace $0x80000049;
	[dreg:$0x1] =	wrdreg $0xFFFFFFFF  }
0xb6: {  	s28 =	simm.s32 $_size_execute0_lowered;
	s3 =	sadd.s32 s3, s5;
	[dreg:$0x0] =	wrdreg $0x0  }
0xb7: {  	s5 =	sshll.u32 s28, $0x1;
	[dreg:$0x2] =	wrdreg s3  }
0xb8: {  	[dreg:$0x3] =	wrdreg s5  }
0xb9: {  	[dreg:$0x4] =	wrdreg $0xC0  }
0xba: {  	_ =	task [dreg:s22], $0x5FFFF  }
0xbb: {  	[dreg:$0x1] =	wrdreg $0xFFFFFFFF  }
0xbc: {  	[dreg:$0x0] =	wrdreg $0x60  }
0xbd: {  	[dreg:$0x2] =	wrdreg s24  }
0xbe: {  	[dreg:$0x3] =	wrdreg $0x9  }
0xbf: {  	_ =	task.clear_ibuf [dreg:s22], $0x4FFFF;
	_ =	strace $0x90000049  }
0xc0: {  	s29 =	simm.s32 $0x9;
	_ =	strace $0x8000004B  }
0xc1: {  	_ =	swait.ge [sflag:s29], $0x1  }
0xc2: {  	[sflag:s29] =	ssyncadd.s32 $0xFFFFFFFF  }
0xc3: {  	_ =	strace $0x9000004B  }
0xc4: {  	_ =	sfence  }
0xc5: {  	s30 =	sld [smem:$0x0];
	_ =	sdelay $0x2  }
0xc6: {  	s31 =	sshll.u32 s1, $0xD;
	s1 =	sshrl.u32 s1, $0x2  }
0xc7: {  	s4 =	sand.u32 $0x4000, s31;
	s1 =	sadd.s32 s1, s30  }
0xc8: {  	s0 =	sor.u32 s4, s0;
	s1 =	sshll.u32 s1, $0x11  }
0xc9: {  	s0 =	sor.u32 s1, s0  }
0xca: {  	s0 =	sadd.s32 $0x8F2B, s0  }
0xcb: {  	[sflag:s0] =	ssyncadd.remote.s32 $0x1  }
0xcc: {  	_ =	sfence.sel $0xFFFF  }
0xcd: {  	[dreg:$0x0] =	wrdreg $0xFFFFFFFF;
	(pc) =	sbr.abs _section_cstart, $3  }
0xce: {  	[dreg:$0x1] =	wrdreg $0xFFFFFFFF  }
0xcf: {  	_ =	task.clear_ibuf [dreg:s22], $0x2FFFF;
	_ =	strace $0x9FFFFFFF  }
0xd0: {  	(tm) =	ssettm $0x7FFFFFFF  }
0xd1: {  	_ =	shalt  }
tec
execute0_lowered:
.L_overlay_start_1:
0x0: {  	(tag) =	ssettag $0x1  }
0x1: {  	s0 =	rddreg [dreg:$0x0];
	s1 =	srdreg.scid  }
0x2: {  	s3 =	stileid.u32;
	s2 =	simm.s32 $0x0;
	s8 =	simm.s32 $0x3  }
0x3: {  	s10 =	simm.s32 $0x1000;
	s11 =	simm.s32 $0x1;
	s12 =	simm.s32 $0x3880  }
0x4: {  	s14 =	simm.s32 $0x3B80;
	s15 =	simm.s32 $0x2900;
	s16 =	simm.s32 $0x50  }
0x5: {  	v0 =	vimm.s32 $0xEDCBA987;
	s17 =	simm.s32 $0x2;
	s18 =	simm.s32 $0x400;
	s19 =	simm.s32 $0x3D00  }
0x6: {  	v1 =	vimm.s32 $0x65432100;
	s20 =	simm.s32 $0x0;
	s1 =	sand.u32 $0x1, s1;
	s3 =	sshll.u32 s3, $0x1;
	v2 =	vunpack.c.l.s4.s8 v0  }
.Ltmp0:
0x7: {  	[smem:$0x7FF] =	sst s2;
	v4 =	vunpack.c.l.s4.s8 v1;
	s6 =	sor.u32 s1, s3;
	(pc) =	sbr.rel .LBB2_1-.Ltmp0, $4  }
0x8: {  	v3 =	vlaneseq.u32;
	v5 =	vimm.s32 $0x140;
	s4 =	sadd.s32 $0x2800, s0;
	s1 =	ssub.s32 $0x2, s1;
	s9 =	smul.u32 $0x140, s6;
	v6 =	vunpack.c.0.s8.s32 v2  }
0x9: {  	s5 =	sadd.s32 $0xC9A00, s0;
	v8 =	vadd.s32 $0x1, v3;
	_ =	strace $0x8000004A;
	s7 =	sshrl.u32 s1, $0x1;
	v2 =	vimm.s32 $0x0;
	v7 =	vunpack.c.0.s8.s32 v4  }
0xa: {  	s3 =	sadd.s32 $0x78F200, s0;
	v4 =	vimm.s32 $0x1;
	s30 =	ssub.s32 s1, s7;
	s31 =	sadd.s32 $0x140, s9;
	v0 =	vmov s9;
	v6 =	vand.u32 $0xF, v6  }
0xb: {  	s6 =	smul.u32 $0x28000, s6;
	s7 =	smax.u32 s30, $0x1;
	s9 =	simm.s32 $0x1C80;
	v1 =	vmov s31;
	v6 =	vcombine.low v7, v6;
	v7 =	vor.u32 $0x80000000, v3  }
.LBB2_59:
0xc: {  	s20 =	sadd.s32 $0x1, s20  }
0xd: {  	p0 =	sne.s32 s20, s7  }
.Ltmp1:
0xe: {  	_ = 	snop;
	(pc) =	sbr.rel @!p0 .LBB2_60-.Ltmp1, $1  }
0xf: {  	_ =	sdelay $0x3  }
.LBB2_1:
0x10: {  	s0 =	simm.s32 $0x40;
	s1 =	simm.s32 $0x0  }
.LBB2_2:
0x11: {  	p0 =	sne.s32 s0, $0x3440;
	[tilespmem:s1+$0x2900] =	vst v2;
	s1 =	smov.u32 s0;
	s0 =	sadd.s32 $0x40, s0  }
.Ltmp2:
0x12: {  	(pc) =	sbr.rel @p0 .LBB2_2-.Ltmp2, $2  }
0x13: {  	_ =	sdelay $0x2  }
0x14: {  	s1 =	sshra.s32 s1, $0x2  }
0x15: {  	[tilespmem:s1+$0x2900] =	vst v2  }
0x16: {  	[tilespmem:$0x3880] =	vst v2  }
0x17: {  	[tilespmem:$0x3890] =	vst v2  }
0x18: {  	[tilespmem:$0x38A0] =	vst v2  }
0x19: {  	[tilespmem:$0x38B0] =	vst v2  }
0x1a: {  	[tilespmem:$0x38C0] =	vst v2  }
0x1b: {  	[tilespmem:$0x38D0] =	vst v2  }
0x1c: {  	[tilespmem:$0x38E0] =	vst v2  }
0x1d: {  	[tilespmem:$0x38F0] =	vst v2  }
0x1e: {  	[tilespmem:$0x3900] =	vst v2  }
0x1f: {  	[tilespmem:$0x3910] =	vst v2  }
0x20: {  	[tilespmem:$0x3920] =	vst v2  }
0x21: {  	[tilespmem:$0x3930] =	vst v2  }
0x22: {  	[tilespmem:$0x3940] =	vst v2  }
0x23: {  	[tilespmem:$0x3950] =	vst v2  }
0x24: {  	[tilespmem:$0x3960] =	vst v2  }
0x25: {  	[tilespmem:$0x3970] =	vst v2  }
0x26: {  	[tilespmem:$0x3980] =	vst v2  }
0x27: {  	[tilespmem:$0x3990] =	vst v2  }
0x28: {  	s0 =	simm.s32 $0x0;
	[tilespmem:$0x39A0] =	vst v2  }
0x29: {  	s21 =	simm.s32 $0x10;
	s22 =	simm.s32 $0x10;
	s23 =	simm.s32 $0x0;
	[tilespmem:$0x39B0] =	vst v2  }
.LBB2_4:
0x2a: {  	s1 =	smul.u32 $0xFA0, s23;
	_ =	sdelay $0x1  }
0x2b: {  	s1 =	sshrl.u32 s1, $0x3  }
0x2c: {  	s1 =	sadd.s32 s4, s1  }
0x2d: {  	[tilespmem:s2], [sflag:$0x3] =	stream.linear.gather [hbm4b:s1+s2], $0xFA0, $0x38;
	[tilespmem:$0x17D00] =	vst v63  }
0x2e: {  	_ =	swait.ge [sflag:s8], $0xFA0  }
0x2f: {  	[sflag:s8] =	ssyncset.done $0x0  }
0x30: {  	[sflag:s8] =	ssyncadd.s32 $0xFFFFF060  }
0x31: {  	v17 =	vld [tilespmem:s21+$0xFFFFFFF0];
	_ =	sdelay $0x4  }
0x32: {  	vm0 =	vge.s32 v17, v0;
	vm1 =	vlt.s32 v17, v1  }
0x33: {  	vm0 =	vmand vm0, vm1  }
0x34: {  	v10 =	vsel vm0, $0x1, v2  }
0x35: {  	v9 =	vld [tilespmem:s21+$0x0];
	(xrf0) =	vadd.scan.msk.s32 $0xffff, v10;
	_ =	sdelay $0x1  }
0x36: {  	s25 =	simm.s32 $0x30  }
0x37: {  	v13 =	vld [tilespmem:s25+$0xFFFFFFF0];
	_ =	sdelay $0x1  }
0x38: {  	vm2 =	vlt.s32 v9, v1;
	vm1 =	vge.s32 v9, v0  }
0x39: {  	vm1 =	vmand vm1, vm2;
	v19, _, _ =	vpop (xrf0)  }
0x3a: {  	v10 =	vsel vm1, $0x1, v2;
	(v2sf) =	vpush v19, $0xF  }
0x3b: {  	v11 =	vld [tilespmem:s25+$0x0];
	vm3 =	vlt.s32 v13, v1;
	vm2 =	vge.s32 v13, v0;
	(xrf0) =	vadd.scan.msk.s32 $0xffff, v10  }
0x3c: {  	vm2 =	vmand vm2, vm3  }
0x3d: {  	v10 =	vsel vm2, $0x1, v2  }
0x3e: {  	(xrf0) =	vadd.scan.msk.s32 $0xffff, v10;
	_ =	sdelay $0x1  }
0x3f: {  	s26 =	simm.s32 $0x50;
	vm4 =	vlt.s32 v11, v1;
	vm3 =	vge.s32 v11, v0  }
0x40: {  	vm3 =	vmand vm3, vm4;
	v10 =	vld [tilespmem:s26+$0xFFFFFFF0];
	v21, _, _ =	vpop (xrf0)  }
0x41: {  	v12 =	vsel vm3, $0x1, v2;
	(v2sf) =	vpush v21, $0xF  }
0x42: {  	(xrf0) =	vadd.scan.msk.s32 $0xffff, v12;
	v12 =	vld [tilespmem:s26+$0x0]  }
0x43: {  	v16, _, _ =	vpop (xrf0)  }
0x44: {  	(v2sf) =	vpush v16, $0xF  }
0x45: {  	vm4 =	vge.s32 v10, v0;
	vm5 =	vlt.s32 v10, v1  }
0x46: {  	v15 =	vmov s0;
	v14 =	vsub.s32 v9, v0;
	vm4 =	vmand vm4, vm5  }
0x47: {  	v9 =	vsel vm4, $0x1, v2;
	vm5 =	vge.s32 v12, v0;
	vm6 =	vlt.s32 v12, v1  }
0x48: {  	s29 =	simm.s32 $0x70;
	v22 =	vadd.s32 $0xFFFFFFFF, v15;
	(xrf0) =	vadd.scan.msk.s32 $0xffff, v9;
	vm5 =	vmand vm5, vm6;
	s13 =	spop (v2sf)  }
0x49: {  	v22 =	vbroadcast v22, $0x0;
	vm0 =	vmmov vm0;
	v9 =	vld [tilespmem:s29+$0xFFFFFFF0];
	v15 =	vsel vm5, $0x1, v2;
	s0 =	sadd.s32 s0, s13  }
0x4a: {  	vm1 =	vmmov vm1;
	vm0 =	vmmov vm0;
	v11 =	vsub.s32 v11, v0;
	v20, _, _ =	vpop (xrf0);
	(xrf0) =	vadd.scan.msk.s32 $0xffff, v15;
	p0 =	slt.s32 s0, $0xC00  }
0x4b: {  	vm1 =	vmmov vm1;
	vm0 =	vmmov vm0;
	vm3 =	vmmov vm3;
	s0 =	simm.s32 @!p0 $0xC00  }
0x4c: {  	vm7 =	vmmov vm1;
	(v2sf) =	vpush v20, $0xF;
	v23 =	vmov s0  }
0x4d: {  	vm0 =	vmmov vm0;
	vm1 =	vmmov vm5;
	v23 =	vadd.s32 $0xFFFFFFFF, v23  }
0x4e: {  	vm5 =	vge.s32 v9, v0;
	vm6 =	vlt.s32 v9, v1;
	v18, _, _ =	vpop (xrf0);
	v23 =	vbroadcast v23, $0x0  }
0x4f: {  	vm3 =	vmmov vm3;
	v15 =	vld [tilespmem:s29+$0x0];
	vm5 =	vmand vm5, vm6;
	(v2sf) =	vpush v18, $0xF  }
0x50: {  	v19 =	vadd.s32 v19, v22;
	v24 =	vsel vm5, $0x1, v2;
	s30 =	spop (v2sf);
	v22 =	vadd.s32 v21, v23;
	v21, _, _ =	vpop (xrf0)  }
0x51: {  	vm2 =	vmmov vm2;
	vm4 =	vmmov vm4;
	s0 =	sadd.s32 s0, s30;
	(xrf0) =	vadd.scan.msk.s32 $0xffff, v24;
	(v2sf) =	vpush v21, $0xF  }
0x52: {  	s25 =	simm.s32 $0x90;
	vm2 =	vmmov vm2;
	vm4 =	vmmov vm4;
	v12 =	vsub.s32 v12, v0;
	p0 =	slt.s32 s0, $0xC00  }
0x53: {  	vm6 =	vmmov vm2;
	vm2 =	vmmov vm7;
	s31 =	spop (v2sf);
	v23 =	vsub.s32 v17, v0;
	v17 =	vld [tilespmem:s25+$0xFFFFFFF0];
	s0 =	simm.s32 @!p0 $0xC00  }
0x54: {  	s28 =	simm.s32 $0x8;
	vm7 =	vge.s32 v15, v0;
	vm8 =	vlt.s32 v15, v1;
	v25 =	vmov s0;
	s26 =	sadd.s32 s0, s31  }
0x55: {  	s24 =	sadd.s32 $0x20, s22;
	vm5 =	vmmov vm5;
	vm7 =	vmand vm7, vm8;
	s0 =	smov.u32 s22;
	v24 =	vadd.s32 $0xFFFFFFFF, v25;
	p1 =	slt.s32 s26, $0xC00  }
.LBB2_5:
0x56: {  	s28 =	sadd.s32 $0x2, s28;
	v25 =	vsel vm7, $0x1, v2;
	v26 =	vsub.s32 v15, v0;
	[tilespmem:v19+s9+$0x0] =	vst.idx.msk vm0, v23;
	v23 =	vor.u32 s0, v3  }
0x57: {  	v27, _, _ =	vpop (xrf0);
	s26 =	simm.s32 @!p1 $0xC00;
	s1 =	sadd.s32 $0xFFFFFFF0, s0;
	vm8 =	vmmov vm3;
	vm3 =	vmmov vm1;
	vm1 =	vmmov vm7;
	s0 =	smov.u32 s24  }
0x58: {  	p0 =	slt.u32 s28, $0xF8;
	vm7 =	vge.s32 v17, v0;
	vm9 =	vlt.s32 v17, v1;
	(xrf0) =	vadd.scan.msk.s32 $0xffff, v25;
	v25 =	vor.u32 s1, v3;
	v28 =	vmovc v17  }
0x59: {  	v17 =	vmov s26;
	vm7 =	vmand vm7, vm9;
	(v2sf) =	vpush v27, $0xF;
	[tilespmem:v22+s9+$0x0] =	vst.idx.msk vm2, v14;
	v14 =	vmovc v11;
	v11 =	vmovc v12  }
0x5a: {  	v24 =	vbroadcast v24, $0x0;
	v17 =	vadd.s32 $0xFFFFFFFF, v17;
	v12 =	vmovc v26;
	v29 =	vsel vm7, $0x1, v2;
	v15 =	vld [tilespmem:s25+$0x0];
	[tilespmem:v22+s10+$0x0] =	vst.idx.msk vm2, v23  }
0x5b: {  	v22 =	vbroadcast v17, $0x0;
	(xrf0) =	vadd.scan.msk.s32 $0xffff, v29;
	s1 =	spop (v2sf);
	[tilespmem:v19+s10+$0x0] =	vst.idx.msk vm0, v25;
	vm0 =	vmmov vm6  }
.Ltmp3:
0x5c: {  	s25 =	sadd.s32 $0x20, s25;
	v19 =	vadd.s32 v16, v24;
	v16 =	vmovc v18;
	v18 =	vmovc v27;
	vm6 =	vmmov vm4;
	vm4 =	vmmov vm5;
	s1 =	sadd.s32 s26, s1;
	(pc) =	sbr.rel @p0 .LBB2_5-.Ltmp3, $4  }
0x5d: {  	vm2 =	vmmov vm8;
	vm5 =	vmmov vm7;
	v22 =	vadd.s32 v20, v22;
	v20 =	vmovc v21;
	v17 =	vld [tilespmem:s25+$0xFFFFFFF0];
	p1 =	slt.s32 s1, $0xC00  }
0x5e: {  	v23 =	vsub.s32 v13, v0;
	v13 =	vmov v10;
	v10 =	vmov v9;
	v21, _, _ =	vpop (xrf0);
	s13 =	spop (v2sf);
	s1 =	simm.s32 @!p1 $0xC00  }
0x5f: {  	v9 =	vmovc v28;
	vm7 =	vge.s32 v15, v0;
	vm8 =	vlt.s32 v15, v1;
	v24 =	vmov s1;
	s26 =	sadd.s32 s1, s13  }
0x60: {  	s24 =	sadd.s32 $0x20, s24;
	vm7 =	vmand vm7, vm8;
	(v2sf) =	vpush v21, $0xF;
	v24 =	vadd.s32 $0xFFFFFFFF, v24;
	p1 =	slt.s32 s26, $0xC00  }
0x61: {  	v25 =	vsel vm7, $0x1, v2  }
0x62: {  	vm8 =	vge.s32 v17, v0;
	vm9 =	vlt.s32 v17, v1;
	(xrf0) =	vadd.scan.msk.s32 $0xffff, v25  }
0x63: {  	vm9 =	vmand vm8, vm9  }
0x64: {  	v43 =	vsel vm9, $0x1, v2  }
0x65: {  	v26, _, _ =	vpop (xrf0);
	(xrf0) =	vadd.scan.msk.s32 $0xffff, v43  }
0x66: {  	(v2sf) =	vpush v26, $0xF;
	_ =	sdelay $0x1  }
0x67: {  	v27, _, _ =	vpop (xrf0)  }
0x68: {  	v44 =	vld [tilespmem:s25+$0x0];
	(v2sf) =	vpush v27, $0xF;
	_ =	sdelay $0x1  }
0x69: {  	v28, _, _ =	vpop (xrf0)  }
0x6a: {  	s26 =	simm.s32 @!p1 $0xC00;
	s1 =	spop (v2sf);
	(v2sf) =	vpush v28, $0xF  }
0x6b: {  	s1 =	sadd.s32 s26, s1  }
0x6c: {  	v29 =	vor.u32 s0, v3;
	p0 =	slt.s32 s1, $0xC00;
	vm15 =	vge.s32 v44, v0;
	vm10 =	vlt.s32 v44, v1  }
0x6d: {  	vm3 =	vmmov vm3;
	vm12 =	vmmov vm1;
	s1 =	simm.s32 @!p0 $0xC00;
	vm8 =	vmand vm15, vm10;
	s13 =	spop (v2sf)  }
0x6e: {  	v24 =	vbroadcast v24, $0x0;
	vm13 =	vmmov vm7;
	v31 =	vsel vm8, $0x1, v2;
	s13 =	sadd.s32 s1, s13  }
0x6f: {  	vm1 =	vmmov vm6;
	vm4 =	vmmov vm4;
	vm14 =	vmmov vm5;
	p0 =	slt.s32 s13, $0xC00;
	(xrf0) =	vadd.scan.msk.s32 $0xffff, v31  }
0x70: {  	s28 =	sadd.s32 $0xFFFFFFF0, s0;
	v13 =	vsub.s32 v13, v0;
	v46 =	vor.u32 s24, v3;
	v10 =	vsub.s32 v10, v0;
	s13 =	simm.s32 @!p0 $0xC00;
	s29 =	spop (v2sf)  }
0x71: {  	s31 =	sadd.s32 $0xFFFFFFF0, s24;
	v30 =	vmov s26;
	v32 =	vor.u32 s28, v3;
	vm3 =	vmmov vm3;
	s0 =	sadd.s32 s13, s29  }
0x72: {  	vm7 =	vmmov vm13;
	v48 =	vor.u32 s31, v3;
	v30 =	vadd.s32 $0xFFFFFFFF, v30;
	p0 =	slt.s32 s0, $0xC00  }
0x73: {  	vm11 =	vmmov vm4;
	vm6 =	vmmov vm14;
	s26 =	sadd.s32 $0x20, s24;
	v30 =	vbroadcast v30, $0x0;
	s30 =	spop (v2sf);
	s0 =	simm.s32 @!p0 $0xC00  }
0x74: {  	v16 =	vadd.s32 v16, v24;
	v52 =	vor.u32 s26, v3;
	v45 =	vmov s1;
	s1 =	sadd.s32 s0, s30  }
0x75: {  	[tilespmem:v22+s9+$0x0] =	vst.idx.msk vm2, v14;
	vm7 =	vmmov vm7;
	v20 =	vadd.s32 v20, v30;
	v24 =	vadd.s32 $0xFFFFFFFF, v45;
	v49, _, _ =	vpop (xrf0);
	p0 =	slt.s32 s1, $0xC00  }
0x76: {  	[tilespmem:v19+s9+$0x0] =	vst.idx.msk vm0, v23;
	v24 =	vbroadcast v24, $0x0;
	v47 =	vmov s13;
	(v2sf) =	vpush v49, $0xF;
	s1 =	simm.s32 @!p0 $0xC00;
	s25 =	spop (v2sf)  }
0x77: {  	[tilespmem:v22+s10+$0x0] =	vst.idx.msk vm2, v29;
	s24 =	sadd.s32 $0xFFFFFFF0, s26;
	vm9 =	vmmov vm9;
	v31 =	vadd.s32 $0xFFFFFFFF, v47;
	v50 =	vmov s0;
	s0 =	sadd.s32 s1, s25  }
0x78: {  	[tilespmem:v19+s10+$0x0] =	vst.idx.msk vm0, v32;
	v55 =	vor.u32 s24, v3;
	v18 =	vadd.s32 v18, v24;
	v31 =	vbroadcast v31, $0x0;
	p0 =	slt.s32 s0, $0xC00  }
0x79: {  	vm10 =	vmmov vm12;
	vm12 =	vmmov vm9;
	[tilespmem:v16+s9+$0x0] =	vst.idx.msk vm1, v13;
	v51 =	vadd.s32 $0xFFFFFFFF, v50;
	s28 =	spop (v2sf);
	s0 =	simm.s32 @!p0 $0xC00  }
0x7a: {  	[tilespmem:v20+s9+$0x0] =	vst.idx.msk vm3, v11;
	v21 =	vadd.s32 v21, v31;
	v11 =	vbroadcast v51, $0x0;
	v53 =	vmov s1;
	s1 =	sadd.s32 s0, s28  }
0x7b: {  	vm15 =	vmmov vm8;
	vm4 =	vmmov vm12;
	[tilespmem:v16+s10+$0x0] =	vst.idx.msk vm1, v48;
	v54 =	vadd.s32 $0xFFFFFFFF, v53;
	p0 =	slt.s32 s1, $0xC00  }
0x7c: {  	[tilespmem:v20+s10+$0x0] =	vst.idx.msk vm3, v46;
	v11 =	vadd.s32 v26, v11;
	v19 =	vbroadcast v54, $0x0;
	v56 =	vmov s0;
	s1 =	simm.s32 @!p0 $0xC00  }
0x7d: {  	vm5 =	vmmov vm15;
	[tilespmem:v18+s9+$0x0] =	vst.idx.msk vm11, v10;
	v14 =	vadd.s32 $0xFFFFFFFF, v56;
	v57 =	vmov s1  }
0x7e: {  	[tilespmem:v18+s10+$0x0] =	vst.idx.msk vm11, v55;
	v10 =	vadd.s32 v27, v19;
	v58 =	vbroadcast v14, $0x0;
	v59 =	vadd.s32 $0xFFFFFFFF, v57  }
0x7f: {  	vm4 =	vmmov vm4;
	vm0 =	vmmov vm5;
	s29 =	sadd.s32 $0x20, s26;
	[tilespmem:v21+s9+$0x0] =	vst.idx.msk vm10, v12;
	v60 =	vbroadcast v59, $0x0  }
0x80: {  	v9 =	vsub.s32 v9, v0;
	vm0 =	vmmov vm0;
	s13 =	sadd.s32 $0xFFFFFFF0, s29;
	[tilespmem:v21+s10+$0x0] =	vst.idx.msk vm10, v52;
	v12 =	vadd.s32 v28, v58  }
0x81: {  	v63 =	vor.u32 s13, v3;
	[tilespmem:v11+s9+$0x0] =	vst.idx.msk vm6, v9;
	v9 =	vadd.s32 v49, v60  }
0x82: {  	v61 =	vsub.s32 v15, v0;
	s23 =	sadd.s32 $0x1, s23;
	[tilespmem:v11+s10+$0x0] =	vst.idx.msk vm6, v63  }
0x83: {  	p1 =	sne.s32 s23, $0x14;
	v62 =	vor.u32 s29, v3;
	[tilespmem:v10+s9+$0x0] =	vst.idx.msk vm7, v61  }
.Ltmp4:
0x84: {  	[tilespmem:v10+s10+$0x0] =	vst.idx.msk vm7, v62;
	v10 =	vsub.s32 v17, v0;
	(pc) =	sbr.rel @p1 .LBB2_4-.Ltmp4, $4  }
0x85: {  	s0 =	sadd.s32 $0x20, s29;
	v11 =	vsub.s32 v44, v0;
	s30 =	spop (v2sf);
	[tilespmem:v12+s9+$0x0] =	vst.idx.msk vm4, v10  }
0x86: {  	s31 =	sadd.s32 $0xFFFFFFF0, s0;
	s1 =	sadd.s32 s1, s30;
	v10 =	vor.u32 s0, v3;
	[tilespmem:v9+s9+$0x0] =	vst.idx.msk vm0, v11  }
0x87: {  	p0 =	slt.s32 s1, $0xC00;
	s0 =	smov.u32 s1;
	v11 =	vor.u32 s31, v3;
	[tilespmem:v9+s10+$0x0] =	vst.idx.msk vm0, v10  }
0x88: {  	s22 =	sadd.s32 $0xFA0, s22;
	vm14 =	vmmov vm6;
	vm13 =	vmmov vm10;
	vm15 =	vmmov vm7;
	s0 =	simm.s32 @!p0 $0xC00;
	[tilespmem:v12+s10+$0x0] =	vst.idx.msk vm4, v11  }
0x89: {  	s13 =	sadd.s32 $0xF, s0  }
0x8a: {  	s21 =	sand.u32 $0xF, s13  }
0x8b: {  	p0 =	slt.s32 s1, $0xFFFFFFF2;
	s22 =	sshra.s32 s13, $0x1F;
	p1 =	sne.s32 s21, $0x0  }
0x8c: {  	s31 =	sshrl.u32 s22, $0x1C;
	p0 =	por !p0, !p1  }
0x8d: {  	s1 =	sadd.s32 s31, s13;
	s13 =	simm.s32 $0x1;
	p0 =	por !p0, !p0  }
0x8e: {  	s1 =	sshra.s32 s1, $0x4;
	s13 =	simm.s32 @!p0 $0x0  }
0x8f: {  	s21 =	ssub.s32 s1, s13  }
0x90: {  	p0 =	slt.s32 s21, $0x1  }
.Ltmp5:
0x91: {  	_ = 	snop;
	(pc) =	sbr.rel @p0 .LBB2_11-.Ltmp5, $2  }
0x92: {  	_ =	sdelay $0x2  }
0x93: {  	v9 =	vmov s0  }
0x94: {  	p1 =	sne.s32 s21, $0x1  }
.Ltmp6:
0x95: {  	_ = 	snop;
	(pc) =	sbr.rel @!p1 .LBB2_10-.Ltmp6, $3  }
0x96: {  	_ =	sdelay $0x1  }
0x97: {  	s0 =	simm.s32 $0x1C80  }
0x98: {  	s1 =	simm.s32 $0x0;
	s13 =	sadd.s32 $0xFFFFFFFF, s21;
	v10 =	vld [tilespmem:s0+$0x0]  }
.LBB2_9:
0x99: {  	p1 =	sne.s32 s13, $0x1;
	v11 =	vor.u32 s1, v3  }
0x9a: {  	vm0 =	vlt.s32 v11, v9;
	_ =	sdelay $0x2  }
.Ltmp7:
0x9b: {  	(pc) =	sbr.rel @p1 .LBB2_9-.Ltmp7, $3  }
0x9c: {  	_ =	sdelay $0x1  }
0x9d: {  	s0 =	sadd.s32 $0x10, s0;
	[tilespmem:v10+s12+$0x0] =	vst.idx.add.s32.msk vm0, v4  }
0x9e: {  	s13 =	sadd.s32 $0xFFFFFFFF, s13;
	s1 =	sadd.s32 $0x10, s1;
	v10 =	vld [tilespmem:s0+$0x0]  }
.LBB2_10:
0x9f: {  	_ = 	snop  }
0xa0: {  	v11 =	vor.u32 s1, v3  }
0xa1: {  	vm0 =	vlt.s32 v11, v9;
	_ =	sdelay $0x5  }
0xa2: {  	[tilespmem:v10+s12+$0x0] =	vst.idx.add.s32.msk vm0, v4  }
.LBB2_11:
0xa3: {  	s23 =	simm.s32 $0x0  }
0xa4: {  	v11 =	vld [tilespmem:s23+$0x3880];
	_ =	sdelay $0x4  }
0xa5: {  	(xrf0) =	vadd.scan.msk.s32 $0xffff, v11  }
0xa6: {  	s22 =	simm.s32 $0x10  }
0xa7: {  	v12 =	vld [tilespmem:s22+$0x3880]  }
0xa8: {  	s26 =	simm.s32 $0x20  }
0xa9: {  	v13 =	vld [tilespmem:s26+$0x3880];
	_ =	sdelay $0x1  }
0xaa: {  	v14, _, _ =	vpop (xrf0)  }
0xab: {  	(xrf0) =	vadd.scan.msk.s32 $0xffff, v12;
	v10 =	vxor.u32 $0x80000000, v14  }
0xac: {  	(xrf0) =	vmax.scan.msk.u32 $0xffff, v10  }
0xad: {  	(xrf0) =	vadd.scan.msk.s32 $0xffff, v13  }
0xae: {  	s0 =	simm.s32 $0x30  }
0xaf: {  	v16 =	vld [tilespmem:s0+$0x3880];
	_ =	sdelay $0x1  }
0xb0: {  	v15, _, _ =	vpop (xrf0)  }
0xb1: {  	v10 =	vxor.u32 $0x80000000, v15;
	v17, _, _ =	vpop (xrf0)  }
0xb2: {  	(xrf0) =	vmax.scan.msk.u32 $0xffff, v10;
	v18, _, _ =	vpop (xrf0)  }
0xb3: {  	(xrf0) =	vadd.scan.msk.s32 $0xffff, v16;
	v10 =	vxor.u32 $0x80000000, v18  }
0xb4: {  	(xrf0) =	vmax.scan.msk.u32 $0xffff, v10;
	_ =	sdelay $0x2  }
0xb5: {  	(v2sf) =	vpush v17, $0xF  }
0xb6: {  	v19 =	vsub.s32 v14, v11;
	v11, _, _ =	vpop (xrf0)  }
0xb7: {  	v14 =	vsub.s32 v15, v12;
	v12 =	vsub.s32 v18, v13;
	v13, _, _ =	vpop (xrf0)  }
0xb8: {  	s24 =	simm.s32 $0x40;
	(v2sf) =	vpush v11, $0xF;
	v63, _, _ =	vpop (xrf0)  }
0xb9: {  	v10 =	vld [tilespmem:s24+$0x3880];
	(v2sf) =	vpush v63, $0xF;
	_ =	sdelay $0x4  }
0xba: {  	s25 =	simm.s32 $0x50;
	(xrf0) =	vadd.scan.msk.s32 $0xffff, v10  }
0xbb: {  	s1 =	simm.s32 $0x0;
	v11 =	vld [tilespmem:s25+$0x3880];
	v17 =	vxor.u32 $0x80000000, v13  }
0xbc: {  	v15 =	vadd.s32 s1, v19;
	(xrf0) =	vmax.scan.msk.u32 $0xffff, v17  }
0xbd: {  	s13 =	simm.s32 $0x180;
	[tilespmem:s23+$0x3A00] =	vst v15;
	v13 =	vsub.s32 v13, v16  }
.LBB2_12:
0xbe: {  	s28 =	sshra.s32 s13, $0x2  }
0xbf: {  	[tilespmem:s23+$0x3B80] =	vst v15;
	s23 =	smov.u32 s22;
	s22 =	smov.u32 s26;
	p1 =	sne.s32 s13, $0x4C0  }
.Ltmp8:
0xc0: {  	s13 =	sadd.s32 $0x40, s13;
	(xrf0) =	vadd.scan.msk.s32 $0xffff, v11;
	v15, _, _ =	vpop (xrf0);
	s26 =	spop (v2sf);
	(pc) =	sbr.rel @p1 .LBB2_12-.Ltmp8, $4  }
0xc1: {  	v16 =	vsub.s32 v15, v10;
	v17 =	vxor.u32 $0x80000000, v15;
	s1 =	sadd.s32 s26, s1;
	v10 =	vmov v11;
	v11 =	vld [tilespmem:s28+$0x3880];
	s26 =	smov.u32 s0;
	s0 =	smov.u32 s24  }
0xc2: {  	s24 =	smov.u32 s25;
	s25 =	smov.u32 s28;
	(xrf0) =	vmax.scan.msk.u32 $0xffff, v17;
	v15, _, _ =	vpop (xrf0);
	s1 =	sadd.s32 $0x80000000, s1  }
0xc3: {  	(v2sf) =	vpush v15, $0xF;
	v15 =	vadd.s32 s1, v14;
	v14 =	vmovc v12;
	v12 =	vmovc v13;
	v13 =	vmov v16  }
0xc4: {  	[tilespmem:s23+$0x3A00] =	vst v15  }
0xc5: {  	_ = 	snop  }
0xc6: {  	(xrf0) =	vadd.scan.msk.s32 $0xffff, v11;
	v16, _, _ =	vpop (xrf0)  }
0xc7: {  	v17 =	vxor.u32 $0x80000000, v16  }
0xc8: {  	(xrf0) =	vmax.scan.msk.u32 $0xffff, v17;
	_ =	sdelay $0x2  }
0xc9: {  	v59, _, _ =	vpop (xrf0)  }
0xca: {  	v18, _, _ =	vpop (xrf0)  }
0xcb: {  	(v2sf) =	vpush v59, $0xF;
	v60 =	vxor.u32 $0x80000000, v18  }
0xcc: {  	(xrf0) =	vmax.scan.msk.u32 $0xffff, v60;
	v61, _, _ =	vpop (xrf0)  }
0xcd: {  	(v2sf) =	vpush v61, $0xF;
	_ =	sdelay $0x4  }
0xce: {  	v62, _, _ =	vpop (xrf0)  }
0xcf: {  	(v2sf) =	vpush v62, $0xF  }
0xd0: {  	s13 =	spop (v2sf)  }
0xd1: {  	s1 =	sadd.s32 s13, s1  }
0xd2: {  	s31 =	spop (v2sf);
	s1 =	sadd.s32 $0x80000000, s1  }
0xd3: {  	[tilespmem:s23+$0x3B80] =	vst v15;
	v14 =	vadd.s32 s1, v14;
	s1 =	sadd.s32 s31, s1  }
0xd4: {  	[tilespmem:s22+$0x3A00] =	vst v14;
	s1 =	sadd.s32 $0x80000000, s1;
	s23 =	spop (v2sf)  }
0xd5: {  	[tilespmem:s22+$0x3B80] =	vst v14;
	v12 =	vadd.s32 s1, v12;
	s1 =	sadd.s32 s23, s1  }
0xd6: {  	[tilespmem:s26+$0x3A00] =	vst v12;
	s1 =	sadd.s32 $0x80000000, s1;
	s28 =	spop (v2sf)  }
0xd7: {  	[tilespmem:s26+$0x3B80] =	vst v12;
	v63 =	vadd.s32 s1, v13;
	s1 =	sadd.s32 s28, s1  }
0xd8: {  	v10 =	vsub.s32 v16, v10;
	[tilespmem:s0+$0x3A00] =	vst v63;
	s1 =	sadd.s32 $0x80000000, s1;
	s29 =	spop (v2sf)  }
0xd9: {  	[tilespmem:s0+$0x3B80] =	vst v63;
	v10 =	vadd.s32 s1, v10;
	s30 =	sadd.s32 s29, s1  }
.Ltmp9:
0xda: {  	v11 =	vsub.s32 v18, v11;
	[tilespmem:s24+$0x3A00] =	vst v10;
	s0 =	sadd.s32 $0x80000000, s30;
	(pc) =	sbr.rel @p0 .LBB2_20-.Ltmp9, $4  }
0xdb: {  	[tilespmem:s24+$0x3B80] =	vst v10;
	v10 =	vadd.s32 s0, v11  }
0xdc: {  	[tilespmem:s25+$0x3A00] =	vst v10  }
0xdd: {  	s0 =	simm.s32 $0x3A00;
	[tilespmem:s25+$0x3B80] =	vst v10  }
0xde: {  	[tilespmem:v5+s0+$0x0] =	vst.idx.msk $0x1, v9;
	s31 =	spop (v2sf)  }
0xdf: {  	p1 =	sne.s32 s21, $0x1  }
.Ltmp10:
0xe0: {  	_ = 	snop;
	(pc) =	sbr.rel @!p1 .LBB2_15-.Ltmp10, $3  }
0xe1: {  	_ =	sdelay $0x1  }
0xe2: {  	s0 =	simm.s32 $0x1C80;
	s22 =	simm.s32 $0x1000  }
0xe3: {  	s23 =	simm.s32 $0x0;
	p0 =	por $0x0, $0x0;
	v10 =	vld [tilespmem:s0+$0x0];
	s0 =	sadd.s32 $0xFFFFFFFF, s21  }
0xe4: {  	_ =	sdelay $0x2  }
0xe5: {  	v11 =	vor.u32 s23, v3  }
0xe6: {  	vm0 =	vlt.s32 v11, v9;
	v10 =	vxor.u32 $0x80000000, v10  }
0xe7: {  	v10 =	vnsel vm0, $0x87FFFFFF, v10  }
0xe8: {  	(xrf1) =	vsort.ascd.msk.u32 $0xffff, v10, v3;
	_ =	sdelay $0xd  }
0xe9: {  	v10, v11, _ =	vpop (xrf1)  }
0xea: {  	v12 =	vxor.u32 $0x80000000, v10  }
0xeb: {  	v13 =	vperm.xlane v12, v6  }
0xec: {  	vm13 =	vlt.s32 v12, $0x13F  }
0xed: {  	v14 =	vnsel vm13, $0x13F, v12;
	vm14 =	veq.s32 v12, v13  }
0xee: {  	v12 =	vsel vm14, $0x80000000, v7  }
0xef: {  	(xrf0) =	vmax.scan.msk.u32 $0xffff, v12;
	_ =	sdelay $0x2  }
0xf0: {  	v62 =	vld.idx.msk [tilespmem:v14+s14+$0x0], $0xffff;
	_ =	sdelay $0x2  }
0xf1: {  	v63, _, _ =	vpop (xrf0)  }
0xf2: {  	v15 =	vld [tilespmem:s22+$0x0];
	v13 =	vxor.u32 $0x7FFFFFFF, v63  }
0xf3: {  	vm15 =	vne.s32 v10, $0x87FFFFFF;
	v12 =	vadd.s32 v13, v62  }
0xf4: {  	v10 =	vadd.s32 v8, v12;
	_ =	sdelay $0x2  }
0xf5: {  	p1 =	sne.s32 s0, $0x1;
	v11 =	vperm.xlane v15, v11  }
.Ltmp11:
0xf6: {  	_ = 	snop;
	(pc) =	sbr.rel @!p1 .LBB2_17-.Ltmp11, $4  }
0xf7: {  	[tilespmem:v10+s15+$0x0] =	vst.idx.msk vm15, v11  }
0xf8: {  	s24 =	simm.s32 $0x1C90;
	[tilespmem:v14+s14+$0x0] =	vst.idx.add.s32.msk vm15, v4  }
0xf9: {  	s25 =	sadd.s32 $0xFFFFFFFF, s0;
	v10 =	vld [tilespmem:s24+$0x0]  }
0xfa: {  	p0 =	por $0x1, $0x1;
	s21 =	simm.s32 $0x0;
	s0 =	simm.s32 $0x1000  }
.LBB2_18:
0xfb: {  	p1 =	sne.s32 s25, $0x1  }
0xfc: {  	s21 =	sadd.s32 $0x10, s21  }
0xfd: {  	v11 =	vor.u32 s21, v3  }
0xfe: {  	vm0 =	vlt.s32 v11, v9;
	v10 =	vxor.u32 $0x80000000, v10  }
0xff: {  	v10 =	vnsel vm0, $0x87FFFFFF, v10  }
0x100: {  	(xrf1) =	vsort.ascd.msk.u32 $0xffff, v10, v3;
	_ =	sdelay $0xd  }
0x101: {  	v10, v11, _ =	vpop (xrf1)  }
0x102: {  	v12 =	vxor.u32 $0x80000000, v10  }
0x103: {  	v13 =	vperm.xlane v12, v6;
	vm0 =	vlt.s32 v12, $0x13F  }
0x104: {  	v14 =	vnsel vm0, $0x13F, v12  }
0x105: {  	vm0 =	veq.s32 v12, v13  }
0x106: {  	v12 =	vsel vm0, $0x80000000, v7  }
0x107: {  	(xrf0) =	vmax.scan.msk.u32 $0xffff, v12;
	_ =	sdelay $0x1  }
0x108: {  	v12 =	vld.idx.msk [tilespmem:v14+s14+$0x0], $0xffff;
	_ =	sdelay $0x3  }
0x109: {  	s0 =	sadd.s32 $0x10, s0;
	v13, _, _ =	vpop (xrf0)  }
0x10a: {  	v15 =	vld [tilespmem:s0+$0x0];
	v13 =	vxor.u32 $0x7FFFFFFF, v13  }
0x10b: {  	vm0 =	vne.s32 v10, $0x87FFFFFF;
	v12 =	vadd.s32 v13, v12  }
0x10c: {  	v10 =	vadd.s32 v8, v12;
	_ =	sdelay $0x2  }
0x10d: {  	v11 =	vperm.xlane v15, v11  }
.Ltmp12:
0x10e: {  	(pc) =	sbr.rel @p1 .LBB2_18-.Ltmp12, $4  }
0x10f: {  	[tilespmem:v10+s15+$0x0] =	vst.idx.msk vm0, v11  }
0x110: {  	s24 =	sadd.s32 $0x10, s24;
	[tilespmem:v14+s14+$0x0] =	vst.idx.add.s32.msk vm0, v4  }
0x111: {  	v10 =	vld [tilespmem:s24+$0x0]  }
0x112: {  	s25 =	sadd.s32 $0xFFFFFFFF, s25  }
.LBB2_19:
0x113: {  	s1 =	sadd.s32 @p0 $0x10, s21  }
0x114: {  	s23 =	smov.u32 @p0 s1  }
0x115: {  	v11 =	vor.u32 s23, v3  }
0x116: {  	vm0 =	vlt.s32 v11, v9;
	v9 =	vxor.u32 $0x80000000, v10  }
0x117: {  	v9 =	vnsel vm0, $0x87FFFFFF, v9  }
0x118: {  	(xrf1) =	vsort.ascd.msk.u32 $0xffff, v9, v3;
	_ =	sdelay $0xd  }
0x119: {  	v9, v10, _ =	vpop (xrf1)  }
0x11a: {  	v11 =	vxor.u32 $0x80000000, v9  }
0x11b: {  	v12 =	vperm.xlane v11, v6  }
0x11c: {  	vm13 =	vlt.s32 v11, $0x13F  }
0x11d: {  	v13 =	vnsel vm13, $0x13F, v11;
	vm14 =	veq.s32 v11, v12  }
0x11e: {  	v11 =	vsel vm14, $0x80000000, v7  }
0x11f: {  	(xrf0) =	vmax.scan.msk.u32 $0xffff, v11;
	_ =	sdelay $0x2  }
0x120: {  	v11 =	vld.idx.msk [tilespmem:v13+s14+$0x0], $0xffff;
	_ =	sdelay $0x1  }
0x121: {  	s0 =	sadd.s32 @p0 $0x10, s0  }
0x122: {  	s22 =	smov.u32 @p0 s0;
	v63, _, _ =	vpop (xrf0)  }
0x123: {  	v14 =	vld [tilespmem:s22+$0x0];
	v12 =	vxor.u32 $0x7FFFFFFF, v63  }
0x124: {  	vm15 =	vne.s32 v9, $0x87FFFFFF;
	v11 =	vadd.s32 v12, v11  }
0x125: {  	v9 =	vadd.s32 v8, v11;
	_ =	sdelay $0x2  }
0x126: {  	v10 =	vperm.xlane v14, v10;
	_ =	sdelay $0x1  }
0x127: {  	[tilespmem:v9+s15+$0x0] =	vst.idx.msk vm15, v10  }
0x128: {  	[tilespmem:v13+s14+$0x0] =	vst.idx.add.s32.msk vm15, v4  }
.LBB2_20:
.Ltmp13:
0x129: {  	(pc) =	sbr.rel .LBB2_21-.Ltmp13, $2  }
0x12a: {  	_ =	sdelay $0x2  }
0x12b: {  	s21 =	simm.s32 $0x0  }
.LBB2_58:
0x12c: {  	s0 =	sshll.u32 s21, $0xA  }
0x12d: {  	s21 =	sadd.s32 $0x1, s21;
	s0 =	sadd.s32 s6, s0  }
0x12e: {  	p0 =	sne.s32 s21, $0x4;
	s0 =	sshrl.u32 s0, $0x3  }
.Ltmp14:
0x12f: {  	s0 =	sadd.s32 s5, s0;
	(pc) =	sbr.rel @!p0 .LBB2_59-.Ltmp14, $4  }
0x130: {  	[hbm4b:s0+s18] =	stream.strided.scatter [tilespmem:s19], [sflag:$0x3], $0xA000, s10, s18, $0x38;
	[tilespmem:$0x17D00] =	vst v63  }
0x131: {  	_ =	swait.ge [sflag:s8], $0xA000  }
0x132: {  	[sflag:s8] =	ssyncset.done $0x0  }
0x133: {  	[sflag:s8] =	ssyncadd.s32 $0xFFFF6000  }
.LBB2_21:
0x134: {  	v9 =	vld [tilespmem:$0x3A00];
	_ =	sdelay $0x4  }
0x135: {  	(v2sf) =	vpush v9, $0x0;
	_ =	sdelay $0xe  }
0x136: {  	s1 =	spop (v2sf)  }
0x137: {  	v9 =	vld [tilespmem:s1+$0x2900];
	_ =	sdelay $0x2  }
0x138: {  	s0 =	smul.u32 $0x13880, s21;
	_ =	sdelay $0x1  }
0x139: {  	v9 =	vadd.s32 s0, v9  }
0x13a: {  	[tilespmem:$0x3680] =	vst v9  }
0x13b: {  	v9 =	vld [tilespmem:s1+$0x2910];
	_ =	sdelay $0x4  }
0x13c: {  	v9 =	vadd.s32 s0, v9  }
0x13d: {  	[tilespmem:$0x3690] =	vst v9  }
0x13e: {  	v9 =	vld [tilespmem:s1+$0x2920];
	_ =	sdelay $0x4  }
0x13f: {  	v9 =	vadd.s32 s0, v9  }
0x140: {  	[tilespmem:$0x36A0] =	vst v9  }
0x141: {  	v9 =	vld [tilespmem:s1+$0x2930];
	_ =	sdelay $0x4  }
0x142: {  	v9 =	vadd.s32 s0, v9  }
0x143: {  	v10 =	vld [tilespmem:$0x3A0A];
	[tilespmem:$0x36B0] =	vst v9  }
0x144: {  	v9 =	vld [tilespmem:s1+$0x2940];
	_ =	sdelay $0x4  }
0x145: {  	(v2sf) =	vpush v10, $0x0;
	v9 =	vadd.s32 s0, v9  }
0x146: {  	[tilespmem:$0x36C0] =	vst v9  }
0x147: {  	v9 =	vld [tilespmem:s1+$0x2950];
	_ =	sdelay $0x4  }
0x148: {  	v9 =	vadd.s32 s0, v9  }
0x149: {  	[tilespmem:$0x36D0] =	vst v9  }
0x14a: {  	v9 =	vld [tilespmem:s1+$0x2960];
	_ =	sdelay $0x4  }
0x14b: {  	v9 =	vadd.s32 s0, v9  }
0x14c: {  	s13 =	spop (v2sf);
	[tilespmem:$0x36E0] =	vst v9  }
0x14d: {  	s13 =	ssub.s32 s13, s1;
	v9 =	vld [tilespmem:s1+$0x2970]  }
0x14e: {  	p1 =	slt.s32 s13, $0xA0  }
0x14f: {  	p0 =	slt.s32 s13, $0xFFFFFFB2;
	s13 =	simm.s32 @!p1 $0xA0  }
0x150: {  	s22 =	sadd.s32 $0x4F, s13  }
0x151: {  	s23 =	smulhi.u32 $0x66666667, s22;
	s22 =	sshra.s32 s22, $0x1F  }
0x152: {  	s22 =	smul.u32 $0x66666667, s22;
	v9 =	vadd.s32 s0, v9  }
0x153: {  	[tilespmem:$0x36F0] =	vst v9  }
0x154: {  	s22 =	sadd.s32 s22, s23;
	v9 =	vld [tilespmem:s1+$0x2980]  }
0x155: {  	s23 =	sshrl.u32 s22, $0x1F;
	s22 =	sshra.s32 s22, $0x5  }
0x156: {  	s22 =	sadd.s32 s23, s22  }
0x157: {  	s23 =	smul.u32 $0xFFFFFFB0, s22  }
0x158: {  	s13 =	ssub.s32 $0xFFFFFFB1, s13  }
0x159: {  	p6 =	sne.s32 s23, s13;
	v9 =	vadd.s32 s0, v9  }
0x15a: {  	p0 =	por !p0, !p6;
	[tilespmem:$0x3700] =	vst v9  }
0x15b: {  	p0 =	por !p0, !p0;
	v9 =	vld [tilespmem:s1+$0x2990];
	s1 =	simm.s32 $0x1  }
0x15c: {  	s1 =	simm.s32 @!p0 $0x0  }
0x15d: {  	s22 =	ssub.s32 s22, s1  }
0x15e: {  	p0 =	slt.s32 s22, $0x1  }
.Ltmp15:
0x15f: {  	_ = 	snop;
	(pc) =	sbr.rel @p0 .LBB2_24-.Ltmp15, $3  }
0x160: {  	_ =	sdelay $0x1  }
0x161: {  	v9 =	vadd.s32 s0, v9  }
0x162: {  	[tilespmem:$0x3710] =	vst v9  }
0x163: {  	p0 =	sne.s32 s22, $0x1  }
.Ltmp16:
0x164: {  	_ = 	snop;
	(pc) =	sbr.rel @!p0 .LBB2_24-.Ltmp16, $3  }
0x165: {  	_ =	sdelay $0x1  }
0x166: {  	s1 =	simm.s32 $0x3680;
	s13 =	simm.s32 $0xDD00;
	s22 =	sadd.s32 $0xFFFFFFFF, s22  }
0x167: {  	[tilespmem:s13], [sflag:$0x1] =	stream.indirect.gather [hbm4b:s3+s16], $0x80, s1, s16, $0xb8;
	[tilespmem:$0x17D00] =	vst v63  }
.LBB2_23:
0x168: {  	p0 =	sne.s32 s22, $0x1  }
.Ltmp17:
0x169: {  	_ = 	snop;
	(pc) =	sbr.rel @p0 .LBB2_23-.Ltmp17, $4  }
0x16a: {  	_ = 	snop  }
0x16b: {  	s1 =	sadd.s32 $0x50, s1;
	s13 =	sadd.s32 $0x2800, s13  }
0x16c: {  	s22 =	sadd.s32 $0xFFFFFFFF, s22  }
0x16d: {  	[tilespmem:s13], [sflag:$0x1] =	stream.indirect.gather [hbm4b:s3+s16], $0x80, s1, s16, $0xb8;
	[tilespmem:$0x17D00] =	vst v63  }
.LBB2_24:
.Ltmp18:
0x16e: {  	(pc) =	sbr.rel .LBB2_25-.Ltmp18, $2  }
0x16f: {  	_ =	sdelay $0x2  }
0x170: {  	v9 =	vmov s0;
	s22 =	simm.s32 $0x0  }
.LBB2_57:
0x171: {  	s22 =	sadd.s32 $0x1, s22  }
0x172: {  	p0 =	sne.s32 s22, $0x10  }
.Ltmp19:
0x173: {  	_ = 	snop;
	(pc) =	sbr.rel @!p0 .LBB2_58-.Ltmp19, $1  }
0x174: {  	_ =	sdelay $0x3  }
.LBB2_25:
0x175: {  	s24 =	smul.u32 $0x14, s22;
	_ =	sdelay $0x1  }
0x176: {  	v10 =	vld [tilespmem:s24+$0x3A0A];
	_ =	sdelay $0x4  }
0x177: {  	(v2sf) =	vpush v10, $0x0;
	_ =	sdelay $0xe  }
0x178: {  	s0 =	spop (v2sf)  }
0x179: {  	v10 =	vld [tilespmem:s0+$0x2900];
	_ =	sdelay $0x4  }
0x17a: {  	v10 =	vadd.s32 v9, v10  }
0x17b: {  	v11 =	vld [tilespmem:s24+$0x3A14];
	[tilespmem:$0x3780] =	vst v10  }
0x17c: {  	v10 =	vld [tilespmem:s0+$0x2910];
	_ =	sdelay $0x4  }
0x17d: {  	v10 =	vadd.s32 v9, v10  }
0x17e: {  	[tilespmem:$0x3790] =	vst v10  }
0x17f: {  	v10 =	vld [tilespmem:s0+$0x2920];
	_ =	sdelay $0x4  }
0x180: {  	v10 =	vadd.s32 v9, v10  }
0x181: {  	[tilespmem:$0x37A0] =	vst v10  }
0x182: {  	v10 =	vld [tilespmem:s0+$0x2930];
	_ =	sdelay $0x4  }
0x183: {  	v10 =	vadd.s32 v9, v10  }
0x184: {  	[tilespmem:$0x37B0] =	vst v10  }
0x185: {  	v10 =	vld [tilespmem:s0+$0x2940];
	_ =	sdelay $0x4  }
0x186: {  	(v2sf) =	vpush v11, $0x0;
	v10 =	vadd.s32 v9, v10  }
0x187: {  	[tilespmem:$0x37C0] =	vst v10  }
0x188: {  	v10 =	vld [tilespmem:s0+$0x2950];
	_ =	sdelay $0x4  }
0x189: {  	v10 =	vadd.s32 v9, v10  }
0x18a: {  	[tilespmem:$0x37D0] =	vst v10  }
0x18b: {  	v10 =	vld [tilespmem:s0+$0x2960];
	_ =	sdelay $0x4  }
0x18c: {  	v10 =	vadd.s32 v9, v10  }
0x18d: {  	s1 =	spop (v2sf);
	[tilespmem:$0x37E0] =	vst v10  }
0x18e: {  	s1 =	ssub.s32 s1, s0;
	v10 =	vld [tilespmem:s0+$0x2970]  }
0x18f: {  	p1 =	slt.s32 s1, $0xA0  }
0x190: {  	p0 =	slt.s32 s1, $0xFFFFFFB2;
	s1 =	simm.s32 @!p1 $0xA0  }
0x191: {  	s13 =	sadd.s32 $0x4F, s1  }
0x192: {  	s23 =	smulhi.u32 $0x66666667, s13;
	s13 =	sshra.s32 s13, $0x1F  }
0x193: {  	s13 =	smul.u32 $0x66666667, s13;
	v10 =	vadd.s32 v9, v10  }
0x194: {  	[tilespmem:$0x37F0] =	vst v10  }
0x195: {  	s13 =	sadd.s32 s13, s23;
	v10 =	vld [tilespmem:s0+$0x2980]  }
0x196: {  	s23 =	sshrl.u32 s13, $0x1F;
	s13 =	sshra.s32 s13, $0x5  }
0x197: {  	s13 =	sadd.s32 s23, s13  }
0x198: {  	s23 =	smul.u32 $0xFFFFFFB0, s13  }
0x199: {  	s1 =	ssub.s32 $0xFFFFFFB1, s1  }
0x19a: {  	p6 =	sne.s32 s23, s1;
	v10 =	vadd.s32 v9, v10  }
0x19b: {  	p0 =	por !p0, !p6;
	[tilespmem:$0x3800] =	vst v10  }
0x19c: {  	p0 =	por !p0, !p0;
	v10 =	vld [tilespmem:s0+$0x2990];
	s0 =	simm.s32 $0x1  }
0x19d: {  	s0 =	simm.s32 @!p0 $0x0  }
0x19e: {  	s13 =	ssub.s32 s13, s0  }
0x19f: {  	p0 =	slt.s32 s13, $0x1  }
.Ltmp20:
0x1a0: {  	_ = 	snop;
	(pc) =	sbr.rel @p0 .LBB2_28-.Ltmp20, $3  }
0x1a1: {  	_ =	sdelay $0x1  }
0x1a2: {  	v10 =	vadd.s32 v9, v10  }
0x1a3: {  	[tilespmem:$0x3810] =	vst v10  }
0x1a4: {  	p0 =	sne.s32 s13, $0x1  }
.Ltmp21:
0x1a5: {  	_ = 	snop;
	(pc) =	sbr.rel @!p0 .LBB2_28-.Ltmp21, $3  }
0x1a6: {  	_ =	sdelay $0x1  }
0x1a7: {  	s0 =	simm.s32 $0x3780;
	s1 =	simm.s32 $0x12D00;
	s13 =	sadd.s32 $0xFFFFFFFF, s13  }
0x1a8: {  	[tilespmem:s1], [sflag:$0x2] =	stream.indirect.gather [hbm4b:s3+s16], $0x80, s0, s16, $0xb8;
	[tilespmem:$0x17D00] =	vst v63  }
.LBB2_27:
0x1a9: {  	p0 =	sne.s32 s13, $0x1  }
.Ltmp22:
0x1aa: {  	_ = 	snop;
	(pc) =	sbr.rel @p0 .LBB2_27-.Ltmp22, $4  }
0x1ab: {  	_ = 	snop  }
0x1ac: {  	s0 =	sadd.s32 $0x50, s0;
	s1 =	sadd.s32 $0x2800, s1  }
0x1ad: {  	s13 =	sadd.s32 $0xFFFFFFFF, s13  }
0x1ae: {  	[tilespmem:s1], [sflag:$0x2] =	stream.indirect.gather [hbm4b:s3+s16], $0x80, s0, s16, $0xb8;
	[tilespmem:$0x17D00] =	vst v63  }
.LBB2_28:
0x1af: {  	v10 =	vld [tilespmem:s24+$0x3A00]  }
0x1b0: {  	v11 =	vld [tilespmem:s24+$0x3A0A];
	_ =	sdelay $0x3  }
0x1b1: {  	(v2sf) =	vpush v10, $0x0  }
0x1b2: {  	(v2sf) =	vpush v11, $0x0;
	_ =	sdelay $0xd  }
0x1b3: {  	s25 =	spop (v2sf)  }
0x1b4: {  	s0 =	spop (v2sf)  }
0x1b5: {  	s0 =	ssub.s32 s0, s25  }
0x1b6: {  	p0 =	slt.s32 s0, $0xA0  }
0x1b7: {  	p1 =	slt.s32 s0, $0xFFFFFFB2;
	s0 =	simm.s32 @!p0 $0xA0  }
0x1b8: {  	s1 =	sadd.s32 $0x4F, s0  }
0x1b9: {  	s13 =	smulhi.u32 $0x66666667, s1;
	s1 =	sshra.s32 s1, $0x1F  }
0x1ba: {  	s1 =	smul.u32 $0x66666667, s1;
	_ =	sdelay $0x1  }
0x1bb: {  	s1 =	sadd.s32 s1, s13  }
0x1bc: {  	s13 =	sshrl.u32 s1, $0x1F;
	s1 =	sshra.s32 s1, $0x5  }
0x1bd: {  	s1 =	sadd.s32 s13, s1  }
0x1be: {  	s13 =	smul.u32 $0xFFFFFFB0, s1  }
0x1bf: {  	s0 =	ssub.s32 $0xFFFFFFB1, s0  }
0x1c0: {  	p6 =	sne.s32 s13, s0  }
0x1c1: {  	p0 =	por !p1, !p6  }
0x1c2: {  	s0 =	simm.s32 $0x1;
	p0 =	por !p0, !p0  }
0x1c3: {  	s0 =	simm.s32 @!p0 $0x0  }
0x1c4: {  	s0 =	ssub.s32 s1, s0  }
0x1c5: {  	p0 =	slt.s32 s0, $0x1  }
.Ltmp23:
0x1c6: {  	_ = 	snop;
	(pc) =	sbr.rel @p0 .LBB2_32-.Ltmp23, $1  }
0x1c7: {  	_ =	sdelay $0x3  }
0x1c8: {  	p0 =	sne.s32 s0, $0x1  }
.Ltmp24:
0x1c9: {  	_ = 	snop;
	(pc) =	sbr.rel @!p0 .LBB2_31-.Ltmp24, $3  }
0x1ca: {  	_ =	sdelay $0x1  }
0x1cb: {  	_ =	swait.ge [sflag:s11], $0x2800  }
0x1cc: {  	s0 =	sadd.s32 $0xFFFFFFFF, s0;
	[sflag:s11] =	ssyncset.done $0x0  }
.LBB2_30:
0x1cd: {  	p0 =	sne.s32 s0, $0x1;
	s0 =	sadd.s32 $0xFFFFFFFF, s0;
	[sflag:s11] =	ssyncadd.s32 $0xFFFFD800  }
.Ltmp25:
0x1ce: {  	(pc) =	sbr.rel @p0 .LBB2_30-.Ltmp25, $3  }
0x1cf: {  	_ =	sdelay $0x1  }
0x1d0: {  	_ =	swait.ge [sflag:s11], $0x2800  }
0x1d1: {  	[sflag:s11] =	ssyncset.done $0x0  }
.LBB2_31:
0x1d2: {  	[sflag:s11] =	ssyncadd.s32 $0xFFFFD800  }
.LBB2_32:
.Ltmp26:
0x1d3: {  	(pc) =	sbr.rel .LBB2_33-.Ltmp26, $2  }
0x1d4: {  	_ =	sdelay $0x2  }
0x1d5: {  	s23 =	sadd.s32 $0xA, s24;
	s26 =	simm.s32 $0x0;
	v10 =	vmov s24  }
.LBB2_40:
0x1d6: {  	s0 =	sshll.u32 s28, $0x7  }
0x1d7: {  	s0 =	sand.u32 $0x3FFFFF80, s0  }
0x1d8: {  	[tilespmem:s0+$0x3D00] =	vst v16  }
0x1d9: {  	s26 =	sadd.s32 $0x1, s26;
	[tilespmem:s0+$0x3D10] =	vst v17  }
0x1da: {  	p0 =	sne.s32 s26, $0xA;
	[tilespmem:s0+$0x3D20] =	vst v11  }
.Ltmp27:
0x1db: {  	[tilespmem:s0+$0x3D30] =	vst v13;
	(pc) =	sbr.rel @!p0 .LBB2_41-.Ltmp27, $4  }
0x1dc: {  	[tilespmem:s0+$0x3D40] =	vst v15  }
0x1dd: {  	[tilespmem:s0+$0x3D50] =	vst v12  }
0x1de: {  	[tilespmem:s0+$0x3D60] =	vst v14  }
0x1df: {  	[tilespmem:s0+$0x3D70] =	vst v18  }
.LBB2_33:
0x1e0: {  	_ =	sdelay $0x3  }
0x1e1: {  	v11 =	vld.idx.msk [tilespmem:v10+s26+$0x3880 ss:$0x1], $0xffff  }
0x1e2: {  	v12 =	vld.idx.msk [tilespmem:v10+s26+$0x3A00 ss:$0x1], $0xffff;
	_ =	sdelay $0x3  }
0x1e3: {  	(v2sf) =	vpush v11, $0x0  }
0x1e4: {  	(v2sf) =	vpush v12, $0x0;
	_ =	sdelay $0xd  }
0x1e5: {  	s0 =	spop (v2sf)  }
0x1e6: {  	s1 =	spop (v2sf)  }
0x1e7: {  	s1 =	ssub.s32 s1, s25  }
0x1e8: {  	s29 =	sadd.s32 s0, s1  }
0x1e9: {  	p0 =	slt.s32 s1, $0x9F;
	p1 =	slt.s32 s29, $0xA0  }
0x1ea: {  	s1 =	simm.s32 @!p0 $0x9F;
	s29 =	simm.s32 @!p1 $0xA0  }
0x1eb: {  	s30 =	ssub.s32 s29, s1  }
0x1ec: {  	s13 =	sshrl.u32 s30, $0x1F  }
0x1ed: {  	s0 =	sadd.s32 s13, s30  }
0x1ee: {  	s31 =	sand.u32 $0xFFFFFFFE, s0  }
0x1ef: {  	s0 =	sadd.s32 s1, s31  }
0x1f0: {  	p0 =	sge.s32 s1, s0  }
.Ltmp28:
0x1f1: {  	_ = 	snop;
	(pc) =	sbr.rel @p0 .LBB2_37-.Ltmp28, $4  }
0x1f2: {  	_ = 	snop  }
0x1f3: {  	v16 =	vimm.bf16 $-Inf;
	v17 =	vimm.bf16 $-Inf  }
0x1f4: {  	v13 =	vimm.bf16 $-Inf;
	v15 =	vimm.bf16 $-Inf;
	v14 =	vimm.bf16 $-Inf  }
0x1f5: {  	s28 =	sadd.s32 s24, s26;
	v18 =	vimm.bf16 $-Inf;
	v11 =	vimm.bf16 $-Inf;
	v12 =	vimm.bf16 $-Inf  }
0x1f6: {  	s13 =	sshll.u32 s1, $0x9  }
0x1f7: {  	s13 =	sshra.s32 s13, $0x2  }
0x1f8: {  	s13 =	sadd.s32 $0xDD80, s13  }
0x1f9: {  	v16 =	vld [tilespmem:s13+$0x0]  }
0x1fa: {  	v17 =	vld [tilespmem:s13+$0x10]  }
0x1fb: {  	v11 =	vld [tilespmem:s13+$0x20]  }
0x1fc: {  	v15 =	vld [tilespmem:s13+$0x30]  }
0x1fd: {  	v18 =	vld [tilespmem:s13+$0x40]  }
0x1fe: {  	v12 =	vld [tilespmem:s13+$0x50]  }
0x1ff: {  	v14 =	vld [tilespmem:s13+$0x60]  }
0x200: {  	v19 =	vld [tilespmem:s13+$0xFFFFFF80]  }
0x201: {  	v20 =	vld [tilespmem:s13+$0xFFFFFF90]  }
0x202: {  	s1 =	sadd.s32 $0x2, s1;
	v28 =	vld [tilespmem:s13+$0xFFFFFFA0]  }
0x203: {  	p0 =	slt.s32 s1, s0;
	v29 =	vld [tilespmem:s13+$0xFFFFFFB0]  }
.Ltmp29:
0x204: {  	v30 =	vld [tilespmem:s13+$0xFFFFFFC0];
	(pc) =	sbr.rel @!p0 .LBB2_36-.Ltmp29, $4  }
0x205: {  	v24 =	vld [tilespmem:s13+$0xFFFFFFD0]  }
0x206: {  	v13 =	vimm.bf16 $-Inf;
	v22 =	vimm.bf16 $-Inf;
	v25 =	vld [tilespmem:s13+$0xFFFFFFE0]  }
0x207: {  	v23 =	vimm.bf16 $-Inf;
	v21 =	vimm.bf16 $-Inf;
	v26 =	vld [tilespmem:s13+$0xFFFFFFF0];
	v31 =	vmax.bf16 v13, v19  }
0x208: {  	v27 =	vld [tilespmem:s13+$0x70];
	s13 =	sadd.s32 $0x100, s13;
	v32 =	vmax.bf16 v13, v20;
	v19 =	vimm.bf16 $-Inf;
	v20 =	vimm.bf16 $-Inf  }
.LBB2_35:
0x209: {  	v31 =	vmax.bf16 v31, v16;
	v16 =	vld [tilespmem:s13+$0x0];
	v32 =	vmax.bf16 v32, v17  }
0x20a: {  	v13 =	vmax.bf16 v13, v28;
	v22 =	vmax.bf16 v22, v29;
	v23 =	vmax.bf16 v23, v30;
	v17 =	vld [tilespmem:s13+$0x10]  }
0x20b: {  	v13 =	vmax.bf16 v13, v11;
	v22 =	vmax.bf16 v22, v15;
	v23 =	vmax.bf16 v23, v18;
	v11 =	vld [tilespmem:s13+$0x20]  }
0x20c: {  	v19 =	vmax.bf16 v19, v24;
	v20 =	vmax.bf16 v20, v25;
	v15 =	vld [tilespmem:s13+$0x30];
	v21 =	vmax.bf16 v21, v26  }
0x20d: {  	v19 =	vmax.bf16 v19, v12;
	v20 =	vmax.bf16 v20, v14;
	v18 =	vld [tilespmem:s13+$0x40];
	v21 =	vmax.bf16 v21, v27  }
0x20e: {  	v12 =	vld [tilespmem:s13+$0x50]  }
0x20f: {  	v14 =	vld [tilespmem:s13+$0x60]  }
0x210: {  	v27 =	vld [tilespmem:s13+$0xFFFFFF80]  }
0x211: {  	v33 =	vld [tilespmem:s13+$0xFFFFFF90]  }
0x212: {  	s1 =	sadd.s32 $0x2, s1;
	v28 =	vld [tilespmem:s13+$0xFFFFFFA0]  }
0x213: {  	p0 =	slt.s32 s1, s0;
	v29 =	vld [tilespmem:s13+$0xFFFFFFB0]  }
.Ltmp30:
0x214: {  	v30 =	vld [tilespmem:s13+$0xFFFFFFC0];
	(pc) =	sbr.rel @p0 .LBB2_35-.Ltmp30, $4  }
0x215: {  	v24 =	vld [tilespmem:s13+$0xFFFFFFD0]  }
0x216: {  	v25 =	vld [tilespmem:s13+$0xFFFFFFE0]  }
0x217: {  	v26 =	vld [tilespmem:s13+$0xFFFFFFF0]  }
0x218: {  	v31 =	vmax.bf16 v31, v27;
	v32 =	vmax.bf16 v32, v33;
	v27 =	vld [tilespmem:s13+$0x70];
	s13 =	sadd.s32 $0x100, s13  }
.LBB2_36:
0x219: {  	v16 =	vmax.bf16 v31, v16;
	v17 =	vmax.bf16 v32, v17  }
0x21a: {  	v13 =	vmax.bf16 v13, v28;
	v22 =	vmax.bf16 v22, v29;
	v23 =	vmax.bf16 v23, v30  }
0x21b: {  	v11 =	vmax.bf16 v13, v11;
	v13 =	vmax.bf16 v22, v15;
	v15 =	vmax.bf16 v23, v18  }
0x21c: {  	v18 =	vmax.bf16 v19, v24;
	v19 =	vmax.bf16 v20, v25;
	v20 =	vmax.bf16 v21, v26  }
0x21d: {  	v12 =	vmax.bf16 v18, v12;
	v14 =	vmax.bf16 v19, v14;
	v18 =	vmax.bf16 v20, v27  }
.LBB2_37:
0x21e: {  	p0 =	sge.s32 s0, s29  }
.Ltmp31:
0x21f: {  	_ = 	snop;
	(pc) =	sbr.rel @p0 .LBB2_40-.Ltmp31, $1  }
0x220: {  	_ =	sdelay $0x3  }
0x221: {  	s0 =	ssub.s32 s30, s31  }
0x222: {  	s1 =	sshll.u32 s29, $0x9;
	s13 =	sshll.u32 s0, $0x9  }
0x223: {  	s1 =	ssub.s32 s1, s13  }
0x224: {  	s1 =	sshra.s32 s1, $0x2  }
0x225: {  	s1 =	sadd.s32 $0xDD40, s1  }
.LBB2_39:
0x226: {  	v19 =	vld [tilespmem:s1+$0xFFFFFFC0]  }
0x227: {  	v20 =	vld [tilespmem:s1+$0xFFFFFFD0]  }
0x228: {  	v21 =	vld [tilespmem:s1+$0xFFFFFFE0]  }
0x229: {  	v22 =	vld [tilespmem:s1+$0xFFFFFFF0]  }
0x22a: {  	v23 =	vld [tilespmem:s1+$0x0]  }
0x22b: {  	v24 =	vld [tilespmem:s1+$0x10]  }
0x22c: {  	v25 =	vld [tilespmem:s1+$0x20]  }
0x22d: {  	v26 =	vld [tilespmem:s1+$0x30];
	p0 =	sne.s32 s0, $0x1  }
.Ltmp32:
0x22e: {  	_ = 	snop;
	(pc) =	sbr.rel @p0 .LBB2_39-.Ltmp32, $4  }
0x22f: {  	_ = 	snop  }
0x230: {  	v16 =	vmax.bf16 v16, v19;
	v17 =	vmax.bf16 v17, v20  }
0x231: {  	v11 =	vmax.bf16 v11, v21;
	v13 =	vmax.bf16 v13, v22;
	v15 =	vmax.bf16 v15, v23  }
0x232: {  	s1 =	sadd.s32 $0x80, s1;
	s0 =	sadd.s32 $0xFFFFFFFF, s0;
	v12 =	vmax.bf16 v12, v24;
	v14 =	vmax.bf16 v14, v25;
	v18 =	vmax.bf16 v18, v26  }
.Ltmp33:
0x233: {  	_ = 	snop;
	(pc) =	sbr.rel .LBB2_40-.Ltmp33, $1  }
0x234: {  	_ =	sdelay $0x3  }
.LBB2_41:
0x235: {  	p0 =	seq.s32 s22, $0xF  }
0x236: {  	v10 =	vld @!p0 [tilespmem:s24+$0x3A14];
	_ =	sdelay $0x4  }
0x237: {  	(v2sf) =	vpush @!p0 v10, $0x0;
	_ =	sdelay $0xe  }
0x238: {  	s0 =	spop @!p0 (v2sf)  }
0x239: {  	v10 =	vld @!p0 [tilespmem:s0+$0x2900];
	_ =	sdelay $0x4  }
0x23a: {  	v10 =	vadd.s32 @!p0 v9, v10  }
0x23b: {  	v11 =	vld @!p0 [tilespmem:s24+$0x3A1E];
	[tilespmem:$0x3680] =	vst @!p0 v10  }
0x23c: {  	v10 =	vld @!p0 [tilespmem:s0+$0x2910];
	_ =	sdelay $0x4  }
0x23d: {  	v10 =	vadd.s32 @!p0 v9, v10  }
0x23e: {  	[tilespmem:$0x3690] =	vst @!p0 v10  }
0x23f: {  	v10 =	vld @!p0 [tilespmem:s0+$0x2920];
	_ =	sdelay $0x4  }
0x240: {  	v10 =	vadd.s32 @!p0 v9, v10  }
0x241: {  	[tilespmem:$0x36A0] =	vst @!p0 v10  }
0x242: {  	v10 =	vld @!p0 [tilespmem:s0+$0x2930];
	_ =	sdelay $0x4  }
0x243: {  	v10 =	vadd.s32 @!p0 v9, v10  }
0x244: {  	[tilespmem:$0x36B0] =	vst @!p0 v10  }
0x245: {  	v10 =	vld @!p0 [tilespmem:s0+$0x2940];
	_ =	sdelay $0x2  }
0x246: {  	(v2sf) =	vpush @!p0 v11, $0x0;
	_ =	sdelay $0x1  }
0x247: {  	v10 =	vadd.s32 @!p0 v9, v10  }
0x248: {  	[tilespmem:$0x36C0] =	vst @!p0 v10  }
0x249: {  	v10 =	vld @!p0 [tilespmem:s0+$0x2950];
	_ =	sdelay $0x4  }
0x24a: {  	v10 =	vadd.s32 @!p0 v9, v10  }
0x24b: {  	[tilespmem:$0x36D0] =	vst @!p0 v10  }
0x24c: {  	v10 =	vld @!p0 [tilespmem:s0+$0x2960];
	_ =	sdelay $0x3  }
0x24d: {  	s1 =	spop @!p0 (v2sf)  }
0x24e: {  	s1 =	ssub.s32 @!p0 s1, s0;
	v10 =	vadd.s32 @!p0 v9, v10  }
0x24f: {  	p1 =	slt.s32 @!p0 s1, $0xA0;
	[tilespmem:$0x36E0] =	vst @!p0 v10  }
0x250: {  	p2 =	por !p1, p0;
	v10 =	vld @!p0 [tilespmem:s0+$0x2970]  }
0x251: {  	p1 =	slt.s32 @!p0 s1, $0xFFFFFFB2;
	s1 =	simm.s32 @p2 $0xA0  }
0x252: {  	s13 =	sadd.s32 @!p0 $0x4F, s1  }
0x253: {  	s25 =	smulhi.u32 @!p0 $0x66666667, s13;
	s13 =	sshra.s32 @!p0 s13, $0x1F  }
0x254: {  	s13 =	smul.u32 @!p0 $0x66666667, s13  }
0x255: {  	v10 =	vadd.s32 @!p0 v9, v10  }
0x256: {  	s13 =	sadd.s32 @!p0 s13, s25;
	[tilespmem:$0x36F0] =	vst @!p0 v10  }
0x257: {  	s25 =	sshrl.u32 @!p0 s13, $0x1F;
	s13 =	sshra.s32 @!p0 s13, $0x5;
	v10 =	vld @!p0 [tilespmem:s0+$0x2980]  }
0x258: {  	s13 =	sadd.s32 @!p0 s25, s13  }
0x259: {  	s25 =	smul.u32 @!p0 $0xFFFFFFB0, s13  }
0x25a: {  	s1 =	ssub.s32 @!p0 $0xFFFFFFB1, s1  }
0x25b: {  	p2 =	sne.s32 @!p0 s25, s1  }
0x25c: {  	p1 =	por @!p0 !p1, !p2;
	v10 =	vadd.s32 @!p0 v9, v10  }
0x25d: {  	p1 =	por @!p0 !p1, !p1;
	[tilespmem:$0x3700] =	vst @!p0 v10  }
0x25e: {  	p1 =	por !p1, p0;
	v10 =	vld @!p0 [tilespmem:s0+$0x2990];
	s0 =	simm.s32 @!p0 $0x1  }
0x25f: {  	s0 =	simm.s32 @p1 $0x0  }
0x260: {  	s13 =	ssub.s32 @!p0 s13, s0  }
0x261: {  	p1 =	slt.s32 @!p0 s13, $0x1  }
0x262: {  	p1 =	por p0, p1  }
.Ltmp34:
0x263: {  	_ = 	snop;
	(pc) =	sbr.rel @p1 .LBB2_44-.Ltmp34, $3  }
0x264: {  	_ =	sdelay $0x1  }
0x265: {  	v10 =	vadd.s32 @!p0 v9, v10  }
0x266: {  	[tilespmem:$0x3710] =	vst @!p0 v10  }
0x267: {  	s0 =	simm.s32 @!p0 $0x3680;
	s1 =	simm.s32 @!p0 $0xDD00;
	p0 =	sne.s32 s13, $0x1  }
.Ltmp35:
0x268: {  	_ = 	snop;
	(pc) =	sbr.rel @!p0 .LBB2_44-.Ltmp35, $3  }
0x269: {  	_ =	sdelay $0x1  }
0x26a: {  	s13 =	sadd.s32 $0xFFFFFFFF, s13  }
0x26b: {  	[tilespmem:s1], [sflag:$0x1] =	stream.indirect.gather [hbm4b:s3+s16], $0x80, s0, s16, $0xb8;
	[tilespmem:$0x17D00] =	vst v63  }
.LBB2_43:
0x26c: {  	p0 =	sne.s32 s13, $0x1  }
.Ltmp36:
0x26d: {  	_ = 	snop;
	(pc) =	sbr.rel @p0 .LBB2_43-.Ltmp36, $4  }
0x26e: {  	_ = 	snop  }
0x26f: {  	s0 =	sadd.s32 $0x50, s0;
	s1 =	sadd.s32 $0x2800, s1  }
0x270: {  	s13 =	sadd.s32 $0xFFFFFFFF, s13  }
0x271: {  	[tilespmem:s1], [sflag:$0x1] =	stream.indirect.gather [hbm4b:s3+s16], $0x80, s0, s16, $0xb8;
	[tilespmem:$0x17D00] =	vst v63  }
.LBB2_44:
0x272: {  	v10 =	vld [tilespmem:s23+$0x3A00]  }
0x273: {  	v11 =	vld [tilespmem:s24+$0x3A14];
	_ =	sdelay $0x3  }
0x274: {  	(v2sf) =	vpush v10, $0x0  }
0x275: {  	(v2sf) =	vpush v11, $0x0;
	_ =	sdelay $0xd  }
0x276: {  	s24 =	spop (v2sf)  }
0x277: {  	s0 =	spop (v2sf)  }
0x278: {  	s0 =	ssub.s32 s0, s24  }
0x279: {  	p0 =	slt.s32 s0, $0xA0  }
0x27a: {  	p1 =	slt.s32 s0, $0xFFFFFFB2;
	s0 =	simm.s32 @!p0 $0xA0  }
0x27b: {  	s1 =	sadd.s32 $0x4F, s0  }
0x27c: {  	s13 =	smulhi.u32 $0x66666667, s1;
	s1 =	sshra.s32 s1, $0x1F  }
0x27d: {  	s1 =	smul.u32 $0x66666667, s1;
	_ =	sdelay $0x1  }
0x27e: {  	s1 =	sadd.s32 s1, s13  }
0x27f: {  	s13 =	sshrl.u32 s1, $0x1F;
	s1 =	sshra.s32 s1, $0x5  }
0x280: {  	s1 =	sadd.s32 s13, s1  }
0x281: {  	s13 =	smul.u32 $0xFFFFFFB0, s1  }
0x282: {  	s0 =	ssub.s32 $0xFFFFFFB1, s0  }
0x283: {  	p6 =	sne.s32 s13, s0  }
0x284: {  	p0 =	por !p1, !p6  }
0x285: {  	s0 =	simm.s32 $0x1;
	p0 =	por !p0, !p0  }
0x286: {  	s0 =	simm.s32 @!p0 $0x0  }
0x287: {  	s0 =	ssub.s32 s1, s0  }
0x288: {  	p0 =	slt.s32 s0, $0x1  }
.Ltmp37:
0x289: {  	_ = 	snop;
	(pc) =	sbr.rel @p0 .LBB2_48-.Ltmp37, $1  }
0x28a: {  	_ =	sdelay $0x3  }
0x28b: {  	p0 =	sne.s32 s0, $0x1  }
.Ltmp38:
0x28c: {  	_ = 	snop;
	(pc) =	sbr.rel @!p0 .LBB2_47-.Ltmp38, $3  }
0x28d: {  	_ =	sdelay $0x1  }
0x28e: {  	_ =	swait.ge [sflag:s17], $0x2800  }
0x28f: {  	s0 =	sadd.s32 $0xFFFFFFFF, s0;
	[sflag:s17] =	ssyncset.done $0x0  }
.LBB2_46:
0x290: {  	p0 =	sne.s32 s0, $0x1;
	s0 =	sadd.s32 $0xFFFFFFFF, s0;
	[sflag:s17] =	ssyncadd.s32 $0xFFFFD800  }
.Ltmp39:
0x291: {  	(pc) =	sbr.rel @p0 .LBB2_46-.Ltmp39, $3  }
0x292: {  	_ =	sdelay $0x1  }
0x293: {  	_ =	swait.ge [sflag:s17], $0x2800  }
0x294: {  	[sflag:s17] =	ssyncset.done $0x0  }
.LBB2_47:
0x295: {  	[sflag:s17] =	ssyncadd.s32 $0xFFFFD800  }
.LBB2_48:
.Ltmp40:
0x296: {  	(pc) =	sbr.rel .LBB2_49-.Ltmp40, $2  }
0x297: {  	_ =	sdelay $0x2  }
0x298: {  	s25 =	simm.s32 $0x0;
	v10 =	vmov s23  }
.LBB2_56:
0x299: {  	s0 =	sshll.u32 s26, $0x7  }
0x29a: {  	s0 =	sand.u32 $0x3FFFFF80, s0  }
0x29b: {  	[tilespmem:s0+$0x3D00] =	vst v16  }
0x29c: {  	s25 =	sadd.s32 $0x1, s25;
	[tilespmem:s0+$0x3D10] =	vst v17  }
0x29d: {  	p0 =	sne.s32 s25, $0xA;
	[tilespmem:s0+$0x3D20] =	vst v11  }
.Ltmp41:
0x29e: {  	[tilespmem:s0+$0x3D30] =	vst v13;
	(pc) =	sbr.rel @!p0 .LBB2_57-.Ltmp41, $4  }
0x29f: {  	[tilespmem:s0+$0x3D40] =	vst v15  }
0x2a0: {  	[tilespmem:s0+$0x3D50] =	vst v12  }
0x2a1: {  	[tilespmem:s0+$0x3D60] =	vst v14  }
0x2a2: {  	[tilespmem:s0+$0x3D70] =	vst v18  }
.LBB2_49:
0x2a3: {  	_ =	sdelay $0x3  }
0x2a4: {  	v11 =	vld.idx.msk [tilespmem:v10+s25+$0x3880 ss:$0x1], $0xffff  }
0x2a5: {  	v12 =	vld.idx.msk [tilespmem:v10+s25+$0x3A00 ss:$0x1], $0xffff;
	_ =	sdelay $0x3  }
0x2a6: {  	(v2sf) =	vpush v11, $0x0  }
0x2a7: {  	(v2sf) =	vpush v12, $0x0;
	_ =	sdelay $0xd  }
0x2a8: {  	s0 =	spop (v2sf)  }
0x2a9: {  	s1 =	spop (v2sf)  }
0x2aa: {  	s1 =	ssub.s32 s1, s24  }
0x2ab: {  	s28 =	sadd.s32 s0, s1  }
0x2ac: {  	p0 =	slt.s32 s1, $0x9F;
	p1 =	slt.s32 s28, $0xA0  }
0x2ad: {  	s1 =	simm.s32 @!p0 $0x9F;
	s28 =	simm.s32 @!p1 $0xA0  }
0x2ae: {  	s29 =	ssub.s32 s28, s1  }
0x2af: {  	s31 =	sshrl.u32 s29, $0x1F  }
0x2b0: {  	s0 =	sadd.s32 s31, s29  }
0x2b1: {  	s30 =	sand.u32 $0xFFFFFFFE, s0  }
0x2b2: {  	s0 =	sadd.s32 s1, s30  }
0x2b3: {  	p0 =	sge.s32 s1, s0  }
.Ltmp42:
0x2b4: {  	_ = 	snop;
	(pc) =	sbr.rel @p0 .LBB2_53-.Ltmp42, $4  }
0x2b5: {  	_ = 	snop  }
0x2b6: {  	v16 =	vimm.bf16 $-Inf;
	v17 =	vimm.bf16 $-Inf  }
0x2b7: {  	v13 =	vimm.bf16 $-Inf;
	v15 =	vimm.bf16 $-Inf;
	v14 =	vimm.bf16 $-Inf  }
0x2b8: {  	s26 =	sadd.s32 s23, s25;
	v18 =	vimm.bf16 $-Inf;
	v11 =	vimm.bf16 $-Inf;
	v12 =	vimm.bf16 $-Inf  }
0x2b9: {  	s13 =	sshll.u32 s1, $0x9  }
0x2ba: {  	s13 =	sshra.s32 s13, $0x2  }
0x2bb: {  	s13 =	sadd.s32 $0x12D80, s13  }
0x2bc: {  	v16 =	vld [tilespmem:s13+$0x0]  }
0x2bd: {  	v17 =	vld [tilespmem:s13+$0x10]  }
0x2be: {  	v11 =	vld [tilespmem:s13+$0x20]  }
0x2bf: {  	v15 =	vld [tilespmem:s13+$0x30]  }
0x2c0: {  	v18 =	vld [tilespmem:s13+$0x40]  }
0x2c1: {  	v12 =	vld [tilespmem:s13+$0x50]  }
0x2c2: {  	v14 =	vld [tilespmem:s13+$0x60]  }
0x2c3: {  	v19 =	vld [tilespmem:s13+$0xFFFFFF80]  }
0x2c4: {  	v20 =	vld [tilespmem:s13+$0xFFFFFF90]  }
0x2c5: {  	s1 =	sadd.s32 $0x2, s1;
	v28 =	vld [tilespmem:s13+$0xFFFFFFA0]  }
0x2c6: {  	p0 =	slt.s32 s1, s0;
	v29 =	vld [tilespmem:s13+$0xFFFFFFB0]  }
.Ltmp43:
0x2c7: {  	v30 =	vld [tilespmem:s13+$0xFFFFFFC0];
	(pc) =	sbr.rel @!p0 .LBB2_52-.Ltmp43, $4  }
0x2c8: {  	v24 =	vld [tilespmem:s13+$0xFFFFFFD0]  }
0x2c9: {  	v13 =	vimm.bf16 $-Inf;
	v22 =	vimm.bf16 $-Inf;
	v25 =	vld [tilespmem:s13+$0xFFFFFFE0]  }
0x2ca: {  	v23 =	vimm.bf16 $-Inf;
	v21 =	vimm.bf16 $-Inf;
	v26 =	vld [tilespmem:s13+$0xFFFFFFF0];
	v31 =	vmax.bf16 v13, v19  }
0x2cb: {  	v27 =	vld [tilespmem:s13+$0x70];
	s13 =	sadd.s32 $0x100, s13;
	v32 =	vmax.bf16 v13, v20;
	v19 =	vimm.bf16 $-Inf;
	v20 =	vimm.bf16 $-Inf  }
.LBB2_51:
0x2cc: {  	v31 =	vmax.bf16 v31, v16;
	v16 =	vld [tilespmem:s13+$0x0];
	v32 =	vmax.bf16 v32, v17  }
0x2cd: {  	v13 =	vmax.bf16 v13, v28;
	v22 =	vmax.bf16 v22, v29;
	v23 =	vmax.bf16 v23, v30;
	v17 =	vld [tilespmem:s13+$0x10]  }
0x2ce: {  	v13 =	vmax.bf16 v13, v11;
	v22 =	vmax.bf16 v22, v15;
	v23 =	vmax.bf16 v23, v18;
	v11 =	vld [tilespmem:s13+$0x20]  }
0x2cf: {  	v19 =	vmax.bf16 v19, v24;
	v20 =	vmax.bf16 v20, v25;
	v15 =	vld [tilespmem:s13+$0x30];
	v21 =	vmax.bf16 v21, v26  }
0x2d0: {  	v19 =	vmax.bf16 v19, v12;
	v20 =	vmax.bf16 v20, v14;
	v18 =	vld [tilespmem:s13+$0x40];
	v21 =	vmax.bf16 v21, v27  }
0x2d1: {  	v12 =	vld [tilespmem:s13+$0x50]  }
0x2d2: {  	v14 =	vld [tilespmem:s13+$0x60]  }
0x2d3: {  	v27 =	vld [tilespmem:s13+$0xFFFFFF80]  }
0x2d4: {  	v33 =	vld [tilespmem:s13+$0xFFFFFF90]  }
0x2d5: {  	s1 =	sadd.s32 $0x2, s1;
	v28 =	vld [tilespmem:s13+$0xFFFFFFA0]  }
0x2d6: {  	p0 =	slt.s32 s1, s0;
	v29 =	vld [tilespmem:s13+$0xFFFFFFB0]  }
.Ltmp44:
0x2d7: {  	v30 =	vld [tilespmem:s13+$0xFFFFFFC0];
	(pc) =	sbr.rel @p0 .LBB2_51-.Ltmp44, $4  }
0x2d8: {  	v24 =	vld [tilespmem:s13+$0xFFFFFFD0]  }
0x2d9: {  	v25 =	vld [tilespmem:s13+$0xFFFFFFE0]  }
0x2da: {  	v26 =	vld [tilespmem:s13+$0xFFFFFFF0]  }
0x2db: {  	v31 =	vmax.bf16 v31, v27;
	v32 =	vmax.bf16 v32, v33;
	v27 =	vld [tilespmem:s13+$0x70];
	s13 =	sadd.s32 $0x100, s13  }
.LBB2_52:
0x2dc: {  	v16 =	vmax.bf16 v31, v16;
	v17 =	vmax.bf16 v32, v17  }
0x2dd: {  	v13 =	vmax.bf16 v13, v28;
	v22 =	vmax.bf16 v22, v29;
	v23 =	vmax.bf16 v23, v30  }
0x2de: {  	v11 =	vmax.bf16 v13, v11;
	v13 =	vmax.bf16 v22, v15;
	v15 =	vmax.bf16 v23, v18  }
0x2df: {  	v18 =	vmax.bf16 v19, v24;
	v19 =	vmax.bf16 v20, v25;
	v20 =	vmax.bf16 v21, v26  }
0x2e0: {  	v12 =	vmax.bf16 v18, v12;
	v14 =	vmax.bf16 v19, v14;
	v18 =	vmax.bf16 v20, v27  }
.LBB2_53:
0x2e1: {  	p0 =	sge.s32 s0, s28  }
.Ltmp45:
0x2e2: {  	_ = 	snop;
	(pc) =	sbr.rel @p0 .LBB2_56-.Ltmp45, $1  }
0x2e3: {  	_ =	sdelay $0x3  }
0x2e4: {  	s0 =	ssub.s32 s29, s30  }
0x2e5: {  	s1 =	sshll.u32 s28, $0x9;
	s13 =	sshll.u32 s0, $0x9  }
0x2e6: {  	s1 =	ssub.s32 s1, s13  }
0x2e7: {  	s1 =	sshra.s32 s1, $0x2  }
0x2e8: {  	s1 =	sadd.s32 $0x12D40, s1  }
.LBB2_55:
0x2e9: {  	v19 =	vld [tilespmem:s1+$0xFFFFFFC0]  }
0x2ea: {  	v20 =	vld [tilespmem:s1+$0xFFFFFFD0]  }
0x2eb: {  	v21 =	vld [tilespmem:s1+$0xFFFFFFE0]  }
0x2ec: {  	v22 =	vld [tilespmem:s1+$0xFFFFFFF0]  }
0x2ed: {  	v23 =	vld [tilespmem:s1+$0x0]  }
0x2ee: {  	v24 =	vld [tilespmem:s1+$0x10]  }
0x2ef: {  	v25 =	vld [tilespmem:s1+$0x20]  }
0x2f0: {  	v26 =	vld [tilespmem:s1+$0x30];
	p0 =	sne.s32 s0, $0x1  }
.Ltmp46:
0x2f1: {  	_ = 	snop;
	(pc) =	sbr.rel @p0 .LBB2_55-.Ltmp46, $4  }
0x2f2: {  	_ = 	snop  }
0x2f3: {  	v16 =	vmax.bf16 v16, v19;
	v17 =	vmax.bf16 v17, v20  }
0x2f4: {  	v11 =	vmax.bf16 v11, v21;
	v13 =	vmax.bf16 v13, v22;
	v15 =	vmax.bf16 v15, v23  }
0x2f5: {  	s1 =	sadd.s32 $0x80, s1;
	s0 =	sadd.s32 $0xFFFFFFFF, s0;
	v12 =	vmax.bf16 v12, v24;
	v14 =	vmax.bf16 v14, v25;
	v18 =	vmax.bf16 v18, v26  }
.Ltmp47:
0x2f6: {  	_ = 	snop;
	(pc) =	sbr.rel .LBB2_56-.Ltmp47, $1  }
0x2f7: {  	_ =	sdelay $0x3  }
.LBB2_15:
.Ltmp48:
0x2f8: {  	(pc) =	sbr.rel .LBB2_19-.Ltmp48, $2  }
0x2f9: {  	_ =	sdelay $0x2  }
0x2fa: {  	s21 =	simm.s32 $0x0;
	s0 =	simm.s32 $0x1000  }
.LBB2_17:
.Ltmp49:
0x2fb: {  	(pc) =	sbr.rel .LBB2_19-.Ltmp49, $2  }
0x2fc: {  	_ =	sdelay $0x2  }
0x2fd: {  	s21 =	simm.s32 $0x0;
	s0 =	simm.s32 $0x1000  }
.LBB2_60:
0x2fe: {  	_ =	sfence.sel $0x180000  }
0x2ff: {  	[bflag:$0x0] =	sbarrier.arrive $0xFFFF  }
0x300: {  	_ =	strace $0x9000004A  }
0x301: {  	s0 =	stileid.u32;
	[bflag:$0x2] =	sbarrier.arrive $0xFFFF  }
0x302: {  	p0 =	sne.s32 s0, $0x0;
	s0 =	rddreg [dreg:$0x1]  }
0x303: {  	s0 =	sadd.s32 @!p0 $0x100000, s0  }
0x304: {  	[sflag:s0] =	ssyncadd.tile.s32 @!p0 $0x1;
	_ =	shalt  }
.Lfunc_end2:
_tile_overlayer_lowered:
.L_overlay_start_2:
0x305: {  	(tag) =	ssettag $0x2  }
0x306: {  	s0 =	rddreg [dreg:$0x0];
	s2 =	stileid.u32  }
0x307: {  	s1 =	rddreg [dreg:$0x1];
	p0 =	sne.s32 s2, $0x0  }
0x308: {  	s3 =	rddreg [dreg:$0x2];
	[bflag:$0x3] =	sbarrier.arrive $0xFFFF;
	s2 =	simm.s32 @!p0 $0x1C03  }
0x309: {  	[timem:s3], [sflag:s2] =	dma.local @!p0 [hbm:s0], s1  }
0x30a: {  	s0 =	simm.s32 @!p0 $0x3  }
0x30b: {  	_ =	swait.ge @!p0 [sflag:s0], s1  }
0x30c: {  	s1 =	ssub.s32 @!p0 $0x0, s1;
	[sflag:s0] =	ssyncset.done @!p0 $0x0  }
0x30d: {  	[sflag:s0] =	ssyncadd.s32 @!p0 s1  }
0x30e: {  	[bflag:$0x3] =	sbarrier.arrive $0xFFFF  }
0x30f: {  	_ =	shalt  }

</sc_bundles>
